<compile_context>
chip_gen: v7x
topology: tpu7x:2x2x1
jax: 0.10.2.dev20260603
libtpu: 0.0.44.dev20260713+nightly
codegen_flags: <defaults>
</compile_context>

<pallas_src>
import jax
import jax.numpy as jnp
from jax import lax
from jax.experimental import pallas as pl
from jax.experimental.pallas import tpu as pltpu
from jax.experimental.pallas import tpu_sc as plsc

NC = 2
NS = 16
NW = NC * NS
CHUNK = 128
S = 4



def _node_pre(h_ref, wa_ref, wb_ref, b1_ref, ha_ref, hb_ref):
    h = h_ref[...]
    ha_ref[...] = jnp.dot(h, wa_ref[...], preferred_element_type=jnp.float32)
    hb_ref[...] = (jnp.dot(h, wb_ref[...], preferred_element_type=jnp.float32)
                   + b1_ref[...])


def _edge_mlp(ga_ref, gb_ref, d2_ref, w1c_ref, lng_ref, lnb_ref, w2_ref,
              b2_ref, m_ref):
    x = ga_ref[...] + gb_ref[...] + d2_ref[...] * w1c_ref[...]
    x = x * jax.nn.sigmoid(x)
    mu = jnp.mean(x, axis=-1, keepdims=True)
    var = jnp.mean((x - mu) ** 2, axis=-1, keepdims=True)
    x = (x - mu) * lax.rsqrt(var + 1e-5) * lng_ref[...] + lnb_ref[...]
    y = (jnp.dot(x.astype(jnp.bfloat16), w2_ref[...].astype(jnp.bfloat16),
                 preferred_element_type=jnp.float32) + b2_ref[...])
    m_ref[...] = y * jax.nn.sigmoid(y)


def _node_upd(h_ref, a0_ref, a1_ref, a2_ref, a3_ref, w3h_ref, w3a_ref, b3_ref,
              w4_ref, b4_ref, o_ref):
    h = h_ref[...]
    agg = (a0_ref[...] + a1_ref[...]) + (a2_ref[...] + a3_ref[...])
    y = (jnp.dot(h, w3h_ref[...], preferred_element_type=jnp.float32)
         + jnp.dot(agg, w3a_ref[...], preferred_element_type=jnp.float32)
         + b3_ref[...])
    y = y * jax.nn.sigmoid(y)
    o_ref[...] = h + jnp.dot(y, w4_ref[...], preferred_element_type=jnp.float32) + b4_ref[...]



def _sc_gather(ha, hb, ei3, ej3, ga, gb, idx, b0v, b1v, sg0, sg1, sw0, sw1,
               tab):
    ks = idx.shape[0]
    n2 = tab.shape[0]
    rpt = n2 // NS
    cid = lax.axis_index("c")
    sid = lax.axis_index("s")

    @pl.when(cid == 0)
    def _():
        pltpu.sync_copy(ha.at[pl.ds(sid * rpt, rpt)],
                        tab.at[pl.ds(sid * rpt, rpt)])
        pltpu.sync_copy(ei3.at[sid], idx)

    @pl.when(cid == 1)
    def _():
        pltpu.sync_copy(hb.at[pl.ds(sid * rpt, rpt)],
                        tab.at[pl.ds(sid * rpt, rpt)])
        pltpu.sync_copy(ej3.at[sid], idx)

    plsc.subcore_barrier()

    bufs, sgs, sws = (b0v, b1v), (sg0, sg1), (sw0, sw1)

    def wait(b, sems):
        pltpu.make_async_copy(ha.at[pl.ds(0, CHUNK)], bufs[b], sems[b]).wait()

    pltpu.async_copy(tab.at[idx.at[0]], bufs[0], sgs[0])

    def step(b, other):
        def body(j, carry):
            @pl.when(j + 1 < ks)
            def _():
                @pl.when(j >= 1)
                def _():
                    wait(other, sws)
                pltpu.async_copy(tab.at[idx.at[j + 1]], bufs[other],
                                 sgs[other])
            wait(b, sgs)
            row0 = (sid * ks + j) * CHUNK

            @pl.when(cid == 0)
            def _():
                pltpu.async_copy(bufs[b], ga.at[pl.ds(row0, CHUNK)], sws[b])

            @pl.when(cid == 1)
            def _():
                pltpu.async_copy(bufs[b], gb.at[pl.ds(row0, CHUNK)], sws[b])
            return carry
        return body

    def pairfn(p, carry):
        carry = step(0, 1)(2 * p, carry)
        carry = step(1, 0)(2 * p + 1, carry)
        return carry

    carry = lax.fori_loop(0, ks // 2, pairfn, 0)
    if ks % 2:
        step(0, 1)(ks - 1, carry)
    wait(0, sws)
    if ks > 1:
        wait(1, sws)


def _sc_scatter(m0, m1, eis, zrows, out, idx, b0, b1v,
                sr0, sr1, sa0, sa1, shared):
    ms = (m0, m1)
    ksl = idx.shape[0]
    np_rows = shared.shape[0]
    rpt = np_rows // NS
    cid = lax.axis_index("c")
    sid = lax.axis_index("s")
    w2 = cid * NS + sid
    bufs, srs, sas = (b0, b1v), (sr0, sr1), (sa0, sa1)

    pltpu.sync_copy(eis.at[0, w2], idx)
    pltpu.async_copy(ms[0].at[pl.ds(w2 * ksl * CHUNK, CHUNK)], b0, sr0)

    pltpu.sync_copy(zrows.at[pl.ds(sid * rpt, rpt)],
                    shared.at[pl.ds(sid * rpt, rpt)])
    plsc.subcore_barrier()

    def wait_read(b):
        pltpu.make_async_copy(ms[0].at[pl.ds(0, CHUNK)], bufs[b], srs[b]).wait()

    def wait_add(b):
        pltpu.make_async_copy(ms[0].at[pl.ds(0, CHUNK)], bufs[b], sas[b]).wait()

    for s in range(len(ms)):
        def step(b, other):
            def body(j, carry):
                @pl.when(j >= 1)
                def _():
                    wait_add(other)

                @pl.when(j + 1 < ksl)
                def _():
                    row1 = (w2 * ksl + j + 1) * CHUNK
                    pltpu.async_copy(ms[s].at[pl.ds(row1, CHUNK)],
                                     bufs[other], srs[other])
                if s + 1 < len(ms):
                    @pl.when(j + 1 == ksl)
                    def _():
                        row1 = w2 * ksl * CHUNK
                        pltpu.async_copy(ms[s + 1].at[pl.ds(row1, CHUNK)],
                                         bufs[other], srs[other])
                wait_read(b)
                pltpu.async_copy(bufs[b], shared.at[idx.at[j]], sas[b],
                                 add=True)
                return carry
            return body

        def pairfn(p, carry):
            carry = step(0, 1)(2 * p, carry)
            carry = step(1, 0)(2 * p + 1, carry)
            return carry

        assert ksl % 2 == 0
        lax.fori_loop(0, ksl // 2, pairfn, 0)
        wait_add(1)
        if s + 1 < len(ms):
            pltpu.sync_copy(eis.at[s + 1, w2], idx)

    plsc.subcore_barrier()

    pltpu.sync_copy(shared.at[pl.ds(sid * rpt, rpt)],
                    out.at[pl.ds(cid * np_rows + sid * rpt, rpt)])



def _ceil_to(x, m):
    return (x + m - 1) // m * m


def kernel(h, e, d2, W1, b1, ln_g, ln_b, W2, b2, W3, b3, W4, b4):
    n, d = h.shape
    num_e = e.shape[1]
    ei = e[0]
    ej = e[1]

    ks = -(-num_e // (S * NS * CHUNK))
    eps = NS * ks * CHUNK
    ep = S * eps
    pad = ep - num_e
    ksl = eps // (NW * CHUNK)

    f32 = jnp.float32
    i32 = jnp.int32

    np_rows = _ceil_to(n + 1, NS * 8)

    h_p = jnp.pad(h, ((0, np_rows - n), (0, 0)))
    bn0 = np_rows // 16
    hA, hB = pl.pallas_call(
        _node_pre,
        grid=(16,),
        in_specs=[
            pl.BlockSpec((bn0, d), lambda i: (i, 0)),
            pl.BlockSpec((d, d), lambda i: (0, 0)),
            pl.BlockSpec((d, d), lambda i: (0, 0)),
            pl.BlockSpec((1, d), lambda i: (0, 0)),
        ],
        out_specs=[pl.BlockSpec((bn0, d), lambda i: (i, 0)),
                   pl.BlockSpec((bn0, d), lambda i: (i, 0))],
        out_shape=[jax.ShapeDtypeStruct((np_rows, d), f32)] * 2,
        compiler_params=pltpu.CompilerParams(
            dimension_semantics=("parallel",)),
    )(h_p, W1[:d], W1[d:2 * d], b1.reshape(1, d))

    ei4 = jnp.concatenate([ei, jnp.zeros((pad,), i32)]).reshape(S, NS, ks,
                                                                CHUNK)
    ej4 = jnp.concatenate([ej, jnp.zeros((pad,), i32)]).reshape(S, NS, ks,
                                                                CHUNK)
    d2p = jnp.concatenate([d2, jnp.zeros((pad, 1), f32)]).reshape(S, eps, 1)
    mesh = plsc.VectorSubcoreMesh(core_axis_name="c", subcore_axis_name="s",
                                  num_cores=NC, num_subcores=NS)
    gather = pl.kernel(
        _sc_gather,
        out_type=[jax.ShapeDtypeStruct((eps, d), f32)] * 2,
        mesh=mesh,
        scratch_types=[
            pltpu.VMEM((ks, CHUNK), i32),
            pltpu.VMEM((CHUNK, d), f32),
            pltpu.VMEM((CHUNK, d), f32),
            pltpu.SemaphoreType.DMA,
            pltpu.SemaphoreType.DMA,
            pltpu.SemaphoreType.DMA,
            pltpu.SemaphoreType.DMA,
            pltpu.VMEM_SHARED((np_rows, d), f32),
        ],
    )

    be = 2048
    mlp = pl.pallas_call(
        _edge_mlp,
        grid=(eps // be,),
        in_specs=[
            pl.BlockSpec((be, d), lambda i: (i, 0)),
            pl.BlockSpec((be, d), lambda i: (i, 0)),
            pl.BlockSpec((be, 1), lambda i: (i, 0)),
            pl.BlockSpec((1, d), lambda i: (0, 0)),
            pl.BlockSpec((1, d), lambda i: (0, 0)),
            pl.BlockSpec((1, d), lambda i: (0, 0)),
            pl.BlockSpec((d, d), lambda i: (0, 0)),
            pl.BlockSpec((1, d), lambda i: (0, 0)),
        ],
        out_specs=pl.BlockSpec((be, d), lambda i: (i, 0)),
        out_shape=jax.ShapeDtypeStruct((eps, d), f32),
        compiler_params=pltpu.CompilerParams(
            dimension_semantics=("parallel",)),
    )

    w1c = W1[2 * d].reshape(1, d)
    lngr = ln_g.reshape(1, d)
    lnbr = ln_b.reshape(1, d)
    b2r = b2.reshape(1, d)
    m_slices = []
    for s in range(S):
        gA, gB = gather(hA, hB, ei4[s], ej4[s])
        m_slices.append(mlp(gA, gB, d2p[s], w1c, lngr, lnbr, W2, b2r))

    ei_s = jnp.concatenate([ei, jnp.full((pad,), n, i32)]).reshape(S, NW, ksl,
                                                                   CHUNK)
    zrows = jnp.zeros((np_rows, d), f32)
    scatter = pl.kernel(
        _sc_scatter,
        out_type=jax.ShapeDtypeStruct((NC * np_rows, d), f32),
        mesh=mesh,
        scratch_types=[
            pltpu.VMEM((ksl, CHUNK), i32),
            pltpu.VMEM((CHUNK, d), f32),
            pltpu.VMEM((CHUNK, d), f32),
            pltpu.SemaphoreType.DMA,
            pltpu.SemaphoreType.DMA,
            pltpu.SemaphoreType.DMA,
            pltpu.SemaphoreType.DMA,
            pltpu.VMEM_SHARED((np_rows, d), f32),
        ],
    )
    agg_g0 = scatter(m_slices[0], m_slices[1], ei_s[0:2], zrows)
    agg_g1 = scatter(m_slices[2], m_slices[3], ei_s[2:4], zrows)

    bn = 2000
    out = pl.pallas_call(
        _node_upd,
        grid=(n // bn,),
        in_specs=[
            pl.BlockSpec((bn, d), lambda i: (i, 0)),
            pl.BlockSpec((bn, d), lambda i: (i, 0)),
            pl.BlockSpec((bn, d), lambda i: (i, 0)),
            pl.BlockSpec((bn, d), lambda i: (i, 0)),
            pl.BlockSpec((bn, d), lambda i: (i, 0)),
            pl.BlockSpec((d, d), lambda i: (0, 0)),
            pl.BlockSpec((d, d), lambda i: (0, 0)),
            pl.BlockSpec((1, d), lambda i: (0, 0)),
            pl.BlockSpec((d, d), lambda i: (0, 0)),
            pl.BlockSpec((1, d), lambda i: (0, 0)),
        ],
        out_specs=pl.BlockSpec((bn, d), lambda i: (i, 0)),
        out_shape=jax.ShapeDtypeStruct((n, d), f32),
        compiler_params=pltpu.CompilerParams(
            dimension_semantics=("parallel",)),
    )(h, agg_g0[:n], agg_g0[np_rows:np_rows + n],
      agg_g1[:n], agg_g1[np_rows:np_rows + n], W3[:d], W3[d:],
      b3.reshape(1, d), W4, b4.reshape(1, d))
    return out

# --- scband reference (transcript-rebuilt; emitter-appended) ---
"""Pipeline reference for scband-invariant-update-layer-36893769072773 (READ-ONLY COPY).

The authoritative reference and input builder live on the scoring server;
editing this copy changes nothing except your own understanding.
"""

import jax, jax.numpy as jnp
import numpy as np

N = 10000
E = 320000
D = 128


def _linear_params(key, fan_in, fan_out):
    kw, kb = jax.random.split(key)
    lim = 1.0 / np.sqrt(fan_in)
    W = jax.random.uniform(kw, (fan_in, fan_out), minval=-lim, maxval=lim, dtype=jnp.float32)
    b = jax.random.uniform(kb, (fan_out,), minval=-lim, maxval=lim, dtype=jnp.float32)
    return W, b


def setup_inputs(seed: int = 0) -> dict:
    key = jax.random.key(seed)
    ks = jax.random.split(key, 8)
    h = jax.random.normal(ks[0], (N, D), dtype=jnp.float32)
    e = jax.random.randint(ks[1], (2, E), 0, N, dtype=jnp.int32)
    d2 = jax.random.uniform(ks[2], (E, 1), dtype=jnp.float32)
    W1, b1 = _linear_params(ks[3], 2 * D + 1, D)
    ln_g = jnp.ones((D,), dtype=jnp.float32)
    ln_b = jnp.zeros((D,), dtype=jnp.float32)
    W2, b2 = _linear_params(ks[4], D, D)
    W3, b3 = _linear_params(ks[5], 2 * D, D)
    W4, b4 = _linear_params(ks[6], D, D)
    return {"h": h, "e": e, "d2": d2, "W1": W1, "b1": b1, "ln_g": ln_g, "ln_b": ln_b,
            "W2": W2, "b2": b2, "W3": W3, "b3": b3, "W4": W4, "b4": b4}


def reference(h, e, d2, W1, b1, ln_g, ln_b, W2, b2, W3, b3, W4, b4):
    ei = e[0]
    ej = e[1]
    hi = jnp.take(h, ei, axis=0)
    hj = jnp.take(h, ej, axis=0)
    # MessageLayer.phi: Linear -> SiLU -> LayerNorm -> Linear -> SiLU
    msg = jnp.concatenate((hi, hj, d2), axis=-1)
    x = jax.nn.silu(msg @ W1 + b1)
    mu = jnp.mean(x, axis=-1, keepdims=True)
    var = jnp.mean((x - mu) ** 2, axis=-1, keepdims=True)
    x = (x - mu) / jnp.sqrt(var + 1e-5) * ln_g + ln_b
    msg_out = jax.nn.silu(x @ W2 + b2)
    # scatter_add aggregation over destination nodes ei
    agg = jnp.zeros_like(h).at[ei].add(msg_out)
    # update phi: Linear -> SiLU -> Linear, residual
    new_h = jnp.concatenate((h, agg), axis=-1)
    y = jax.nn.silu(new_h @ W3 + b3)
    y = y @ W4 + b4
    return h + y

if __name__ == "__main__":
    import jax
    _d = setup_inputs()
    print(jax.jit(kernel)(*tuple(_d.values())))

</pallas_src>

<mosaic_0001>
#map = affine_map<(d0, d1) -> (0, 0)>
#map1 = affine_map<(d0, d1) -> (0, 0, 0)>
module attributes {stable_mosaic.version = 14 : i64} {
  func.func @_sc_gather(%arg0: i32, %arg1: i32, %arg2: memref<10112x128xf32, #tpu.memory_space<hbm>>, %arg3: memref<10112x128xf32, #tpu.memory_space<hbm>>, %arg4: memref<16x40x128xi32, #tpu.memory_space<hbm>>, %arg5: memref<16x40x128xi32, #tpu.memory_space<hbm>>, %arg6: memref<81920x128xf32, #tpu.memory_space<hbm>>, %arg7: memref<81920x128xf32, #tpu.memory_space<hbm>>, %arg8: memref<40x128xi32, #tpu.memory_space<vmem>>, %arg9: memref<128x128xf32, #tpu.memory_space<vmem>>, %arg10: memref<128x128xf32, #tpu.memory_space<vmem>>, %arg11: memref<!tpu.dma_semaphore, #tpu.memory_space<semaphore_mem>>, %arg12: memref<!tpu.dma_semaphore, #tpu.memory_space<semaphore_mem>>, %arg13: memref<!tpu.dma_semaphore, #tpu.memory_space<semaphore_mem>>, %arg14: memref<!tpu.dma_semaphore, #tpu.memory_space<semaphore_mem>>, %arg15: memref<10112x128xf32, #tpu.memory_space<vmem_shared>>) attributes {dimension_semantics = [#tpu.dimension_semantics<core_parallel>, #tpu.dimension_semantics<subcore_parallel>], iteration_bounds = array<i64: 2, 16>, scalar_prefetch = 0 : i64, scratch_operands = 8 : i64, tpu.core_type = #tpu.core_type<sc_vector_subcore>, window_params = [{transform_indices = #map}, {transform_indices = #map}, {transform_indices = #map1}, {transform_indices = #map1}, {transform_indices = #map}, {transform_indices = #map}]} {
    %eq3A = arith.constant 0 : i32
    %eq3A_0 = arith.cmpi eq, %arg0, %eq3A : i32
    %convert_element_type3A = arith.extui %eq3A_0 : i1 to i32
    %cond3A = arith.constant 0 : i32
    %cond3A_1 = arith.cmpi ne, %convert_element_type3A, %cond3A : i32
    scf.if %cond3A_1 {
      %mul3A = arith.constant 632 : i32
      %mul3A_29 = arith.muli %arg1, %mul3A : i32
      %mul3A_30 = arith.constant 632 : i32
      %mul3A_31 = arith.muli %arg1, %mul3A_30 : i32
      "tpu.region"() ({
        %run_scoped3A = tpu.sem_alloc : memref<!tpu.dma_semaphore, #tpu.memory_space<semaphore_mem>>
        %dma_start3A_32 = arith.constant 0 : i32
        %dma_start3A_33 = tpu.memref_slice %arg15[%mul3A_31, %dma_start3A_32] : memref<10112x128xf32, #tpu.memory_space<vmem_shared>> -> memref<632x128xf32, #tpu.memory_space<vmem_shared>>
        %dma_start3A_34 = arith.constant 0 : i32
        %dma_start3A_35 = tpu.memref_slice %arg2[%mul3A_29, %dma_start3A_34] : memref<10112x128xf32, #tpu.memory_space<hbm>> -> memref<632x128xf32, #tpu.memory_space<hbm>>
        tpu.enqueue_dma source(%dma_start3A_35 : memref<632x128xf32, #tpu.memory_space<hbm>>) target(%dma_start3A_33 : memref<632x128xf32, #tpu.memory_space<vmem_shared>>) target_semaphore(%run_scoped3A : memref<!tpu.dma_semaphore, #tpu.memory_space<semaphore_mem>>)
        %dma_wait3A_36 = arith.constant 0 : i32
        %dma_wait3A_37 = tpu.memref_slice %arg15[%mul3A_31, %dma_wait3A_36] : memref<10112x128xf32, #tpu.memory_space<vmem_shared>> -> memref<632x128xf32, #tpu.memory_space<vmem_shared>>
        %dma_wait3A_38 = arith.constant 0 : i32
        %dma_wait3A_39 = tpu.memref_slice %arg2[%mul3A_29, %dma_wait3A_38] : memref<10112x128xf32, #tpu.memory_space<hbm>> -> memref<632x128xf32, #tpu.memory_space<hbm>>
        tpu.wait_dma2 semaphore(%run_scoped3A : memref<!tpu.dma_semaphore, #tpu.memory_space<semaphore_mem>>) src(%dma_wait3A_39 : memref<632x128xf32, #tpu.memory_space<hbm>>) dst(%dma_wait3A_37 : memref<632x128xf32, #tpu.memory_space<vmem_shared>>)
        tpu.yield
      }) : () -> ()
      "tpu.region"() ({
        %run_scoped3A = tpu.sem_alloc : memref<!tpu.dma_semaphore, #tpu.memory_space<semaphore_mem>>
        %dma_start3A_32 = arith.constant 0 : i32
        %dma_start3A_33 = arith.constant 0 : i32
        %dma_start3A_34 = tpu.memref_slice %arg4[%arg1, %dma_start3A_32, %dma_start3A_33] : memref<16x40x128xi32, #tpu.memory_space<hbm>> -> memref<1x40x128xi32, #tpu.memory_space<hbm>>
        %dma_start3A_35 = tpu.memref_squeeze %dma_start3A_34 : memref<1x40x128xi32, #tpu.memory_space<hbm>> -> memref<40x128xi32, #tpu.memory_space<hbm>>
        %dma_start3A_36 = arith.constant 0 : i32
        %dma_start3A_37 = arith.constant 0 : i32
        %dma_start3A_38 = tpu.memref_slice %arg4[%arg1, %dma_start3A_36, %dma_start3A_37] : memref<16x40x128xi32, #tpu.memory_space<hbm>> -> memref<1x40x128xi32, #tpu.memory_space<hbm>>
        %dma_start3A_39 = tpu.memref_squeeze %dma_start3A_38 : memref<1x40x128xi32, #tpu.memory_space<hbm>> -> memref<40x128xi32, #tpu.memory_space<hbm>>
        tpu.enqueue_dma source(%dma_start3A_39 : memref<40x128xi32, #tpu.memory_space<hbm>>) target(%arg8 : memref<40x128xi32, #tpu.memory_space<vmem>>) target_semaphore(%run_scoped3A : memref<!tpu.dma_semaphore, #tpu.memory_space<semaphore_mem>>)
        %dma_wait3A_40 = arith.constant 0 : i32
        %dma_wait3A_41 = arith.constant 0 : i32
        %dma_wait3A_42 = tpu.memref_slice %arg4[%arg1, %dma_wait3A_40, %dma_wait3A_41] : memref<16x40x128xi32, #tpu.memory_space<hbm>> -> memref<1x40x128xi32, #tpu.memory_space<hbm>>
        %dma_wait3A_43 = tpu.memref_squeeze %dma_wait3A_42 : memref<1x40x128xi32, #tpu.memory_space<hbm>> -> memref<40x128xi32, #tpu.memory_space<hbm>>
        %dma_wait3A_44 = arith.constant 0 : i32
        %dma_wait3A_45 = arith.constant 0 : i32
        %dma_wait3A_46 = tpu.memref_slice %arg4[%arg1, %dma_wait3A_44, %dma_wait3A_45] : memref<16x40x128xi32, #tpu.memory_space<hbm>> -> memref<1x40x128xi32, #tpu.memory_space<hbm>>
        %dma_wait3A_47 = tpu.memref_squeeze %dma_wait3A_46 : memref<1x40x128xi32, #tpu.memory_space<hbm>> -> memref<40x128xi32, #tpu.memory_space<hbm>>
        tpu.wait_dma2 semaphore(%run_scoped3A : memref<!tpu.dma_semaphore, #tpu.memory_space<semaphore_mem>>) src(%dma_wait3A_47 : memref<40x128xi32, #tpu.memory_space<hbm>>) dst(%arg8 : memref<40x128xi32, #tpu.memory_space<vmem>>)
        tpu.yield
      }) : () -> ()
    } else {
    }
    %eq3A_2 = arith.constant 1 : i32
    %eq3A_3 = arith.cmpi eq, %arg0, %eq3A_2 : i32
    %convert_element_type3A_4 = arith.extui %eq3A_3 : i1 to i32
    %cond3A_5 = arith.constant 0 : i32
    %cond3A_6 = arith.cmpi ne, %convert_element_type3A_4, %cond3A_5 : i32
    scf.if %cond3A_6 {
      %mul3A = arith.constant 632 : i32
      %mul3A_29 = arith.muli %arg1, %mul3A : i32
      %mul3A_30 = arith.constant 632 : i32
      %mul3A_31 = arith.muli %arg1, %mul3A_30 : i32
      "tpu.region"() ({
        %run_scoped3A = tpu.sem_alloc : memref<!tpu.dma_semaphore, #tpu.memory_space<semaphore_mem>>
        %dma_start3A_32 = arith.constant 0 : i32
        %dma_start3A_33 = tpu.memref_slice %arg15[%mul3A_31, %dma_start3A_32] : memref<10112x128xf32, #tpu.memory_space<vmem_shared>> -> memref<632x128xf32, #tpu.memory_space<vmem_shared>>
        %dma_start3A_34 = arith.constant 0 : i32
        %dma_start3A_35 = tpu.memref_slice %arg3[%mul3A_29, %dma_start3A_34] : memref<10112x128xf32, #tpu.memory_space<hbm>> -> memref<632x128xf32, #tpu.memory_space<hbm>>
        tpu.enqueue_dma source(%dma_start3A_35 : memref<632x128xf32, #tpu.memory_space<hbm>>) target(%dma_start3A_33 : memref<632x128xf32, #tpu.memory_space<vmem_shared>>) target_semaphore(%run_scoped3A : memref<!tpu.dma_semaphore, #tpu.memory_space<semaphore_mem>>)
        %dma_wait3A_36 = arith.constant 0 : i32
        %dma_wait3A_37 = tpu.memref_slice %arg15[%mul3A_31, %dma_wait3A_36] : memref<10112x128xf32, #tpu.memory_space<vmem_shared>> -> memref<632x128xf32, #tpu.memory_space<vmem_shared>>
        %dma_wait3A_38 = arith.constant 0 : i32
        %dma_wait3A_39 = tpu.memref_slice %arg3[%mul3A_29, %dma_wait3A_38] : memref<10112x128xf32, #tpu.memory_space<hbm>> -> memref<632x128xf32, #tpu.memory_space<hbm>>
        tpu.wait_dma2 semaphore(%run_scoped3A : memref<!tpu.dma_semaphore, #tpu.memory_space<semaphore_mem>>) src(%dma_wait3A_39 : memref<632x128xf32, #tpu.memory_space<hbm>>) dst(%dma_wait3A_37 : memref<632x128xf32, #tpu.memory_space<vmem_shared>>)
        tpu.yield
      }) : () -> ()
      "tpu.region"() ({
        %run_scoped3A = tpu.sem_alloc : memref<!tpu.dma_semaphore, #tpu.memory_space<semaphore_mem>>
        %dma_start3A_32 = arith.constant 0 : i32
        %dma_start3A_33 = arith.constant 0 : i32
        %dma_start3A_34 = tpu.memref_slice %arg5[%arg1, %dma_start3A_32, %dma_start3A_33] : memref<16x40x128xi32, #tpu.memory_space<hbm>> -> memref<1x40x128xi32, #tpu.memory_space<hbm>>
        %dma_start3A_35 = tpu.memref_squeeze %dma_start3A_34 : memref<1x40x128xi32, #tpu.memory_space<hbm>> -> memref<40x128xi32, #tpu.memory_space<hbm>>
        %dma_start3A_36 = arith.constant 0 : i32
        %dma_start3A_37 = arith.constant 0 : i32
        %dma_start3A_38 = tpu.memref_slice %arg5[%arg1, %dma_start3A_36, %dma_start3A_37] : memref<16x40x128xi32, #tpu.memory_space<hbm>> -> memref<1x40x128xi32, #tpu.memory_space<hbm>>
        %dma_start3A_39 = tpu.memref_squeeze %dma_start3A_38 : memref<1x40x128xi32, #tpu.memory_space<hbm>> -> memref<40x128xi32, #tpu.memory_space<hbm>>
        tpu.enqueue_dma source(%dma_start3A_39 : memref<40x128xi32, #tpu.memory_space<hbm>>) target(%arg8 : memref<40x128xi32, #tpu.memory_space<vmem>>) target_semaphore(%run_scoped3A : memref<!tpu.dma_semaphore, #tpu.memory_space<semaphore_mem>>)
        %dma_wait3A_40 = arith.constant 0 : i32
        %dma_wait3A_41 = arith.constant 0 : i32
        %dma_wait3A_42 = tpu.memref_slice %arg5[%arg1, %dma_wait3A_40, %dma_wait3A_41] : memref<16x40x128xi32, #tpu.memory_space<hbm>> -> memref<1x40x128xi32, #tpu.memory_space<hbm>>
        %dma_wait3A_43 = tpu.memref_squeeze %dma_wait3A_42 : memref<1x40x128xi32, #tpu.memory_space<hbm>> -> memref<40x128xi32, #tpu.memory_space<hbm>>
        %dma_wait3A_44 = arith.constant 0 : i32
        %dma_wait3A_45 = arith.constant 0 : i32
        %dma_wait3A_46 = tpu.memref_slice %arg5[%arg1, %dma_wait3A_44, %dma_wait3A_45] : memref<16x40x128xi32, #tpu.memory_space<hbm>> -> memref<1x40x128xi32, #tpu.memory_space<hbm>>
        %dma_wait3A_47 = tpu.memref_squeeze %dma_wait3A_46 : memref<1x40x128xi32, #tpu.memory_space<hbm>> -> memref<40x128xi32, #tpu.memory_space<hbm>>
        tpu.wait_dma2 semaphore(%run_scoped3A : memref<!tpu.dma_semaphore, #tpu.memory_space<semaphore_mem>>) src(%dma_wait3A_47 : memref<40x128xi32, #tpu.memory_space<hbm>>) dst(%arg8 : memref<40x128xi32, #tpu.memory_space<vmem>>)
        tpu.yield
      }) : () -> ()
    } else {
    }
    %barrier3A = arith.constant 0 : index
    tpu.barrier barrier_id(%barrier3A)
    %dma_start3A = arith.constant 0 : i32
    %dma_start3A_7 = arith.constant 0 : i32
    %dma_start3A_8 = tpu.memref_slice %arg8[%dma_start3A, %dma_start3A_7] : memref<40x128xi32, #tpu.memory_space<vmem>> -> memref<1x128xi32, #tpu.memory_space<vmem>>
    %dma_start3A_9 = tpu.memref_squeeze %dma_start3A_8 : memref<1x128xi32, #tpu.memory_space<vmem>> -> memref<128xi32, #tpu.memory_space<vmem>>
    %dma_start3A_10 = arith.constant 0 : i32
    %dma_start3A_11 = arith.constant 0 : i32
    %dma_start3A_12 = tpu.memref_slice %arg15[%dma_start3A_10, %dma_start3A_11] : memref<10112x128xf32, #tpu.memory_space<vmem_shared>> -> memref<10112x128xf32, #tpu.memory_space<vmem_shared>>
    tpu.enqueue_indirect_dma source(%dma_start3A_12 : memref<10112x128xf32, #tpu.memory_space<vmem_shared>>) target(%arg9 : memref<128x128xf32, #tpu.memory_space<vmem>>) offsets(%dma_start3A_9 : memref<128xi32, #tpu.memory_space<vmem>>) semaphore(%arg11 : memref<!tpu.dma_semaphore, #tpu.memory_space<semaphore_mem>>)
    %scan3A = arith.constant 0 : i32
    %scan3A_13 = arith.constant 0 : i32
    %scan3A_14 = arith.constant 20 : i32
    %scan3A_15 = arith.addi %scan3A_13, %scan3A_14 : i32
    %scan3A_16 = arith.constant 1 : i32
    scf.for %scan3A_29 = %scan3A_13 to %scan3A_15 step %scan3A_16  : i32 {
      %mul3A = arith.constant 2 : i32
      %mul3A_30 = arith.muli %mul3A, %scan3A_29 : i32
      %add3A = arith.constant 1 : i32
      %add3A_31 = arith.addi %mul3A_30, %add3A : i32
      %lt3A = arith.constant 40 : i32
      %lt3A_32 = arith.cmpi slt, %add3A_31, %lt3A : i32
      %convert_element_type3A_33 = arith.extui %lt3A_32 : i1 to i32
      %cond3A_34 = arith.constant 0 : i32
      %cond3A_35 = arith.cmpi ne, %convert_element_type3A_33, %cond3A_34 : i32
      scf.if %cond3A_35 {
        %ge3A = arith.constant 1 : i32
        %ge3A_89 = arith.cmpi sge, %mul3A_30, %ge3A : i32
        %convert_element_type3A_90 = arith.extui %ge3A_89 : i1 to i32
        %cond3A_91 = arith.constant 0 : i32
        %cond3A_92 = arith.cmpi ne, %convert_element_type3A_90, %cond3A_91 : i32
        scf.if %cond3A_92 {
          %dma_wait3A_101 = arith.constant 0 : i32
          %dma_wait3A_102 = arith.constant 0 : i32
          %dma_wait3A_103 = tpu.memref_slice %arg2[%dma_wait3A_101, %dma_wait3A_102] : memref<10112x128xf32, #tpu.memory_space<hbm>> -> memref<128x128xf32, #tpu.memory_space<hbm>>
          %dma_wait3A_104 = arith.constant 0 : i32
          %dma_wait3A_105 = arith.constant 0 : i32
          %dma_wait3A_106 = tpu.memref_slice %arg2[%dma_wait3A_104, %dma_wait3A_105] : memref<10112x128xf32, #tpu.memory_space<hbm>> -> memref<128x128xf32, #tpu.memory_space<hbm>>
          tpu.wait_dma2 semaphore(%arg14 : memref<!tpu.dma_semaphore, #tpu.memory_space<semaphore_mem>>) src(%dma_wait3A_106 : memref<128x128xf32, #tpu.memory_space<hbm>>) dst(%arg10 : memref<128x128xf32, #tpu.memory_space<vmem>>)
        } else {
        }
        %add3A_93 = arith.constant 1 : i32
        %add3A_94 = arith.addi %mul3A_30, %add3A_93 : i32
        %dma_start3A_95 = arith.constant 0 : i32
        %dma_start3A_96 = tpu.memref_slice %arg8[%add3A_94, %dma_start3A_95] : memref<40x128xi32, #tpu.memory_space<vmem>> -> memref<1x128xi32, #tpu.memory_space<vmem>>
        %dma_start3A_97 = tpu.memref_squeeze %dma_start3A_96 : memref<1x128xi32, #tpu.memory_space<vmem>> -> memref<128xi32, #tpu.memory_space<vmem>>
        %dma_start3A_98 = arith.constant 0 : i32
        %dma_start3A_99 = arith.constant 0 : i32
        %dma_start3A_100 = tpu.memref_slice %arg15[%dma_start3A_98, %dma_start3A_99] : memref<10112x128xf32, #tpu.memory_space<vmem_shared>> -> memref<10112x128xf32, #tpu.memory_space<vmem_shared>>
        tpu.enqueue_indirect_dma source(%dma_start3A_100 : memref<10112x128xf32, #tpu.memory_space<vmem_shared>>) target(%arg10 : memref<128x128xf32, #tpu.memory_space<vmem>>) offsets(%dma_start3A_97 : memref<128xi32, #tpu.memory_space<vmem>>) semaphore(%arg12 : memref<!tpu.dma_semaphore, #tpu.memory_space<semaphore_mem>>)
      } else {
      }
      %dma_wait3A_36 = arith.constant 0 : i32
      %dma_wait3A_37 = arith.constant 0 : i32
      %dma_wait3A_38 = tpu.memref_slice %arg2[%dma_wait3A_36, %dma_wait3A_37] : memref<10112x128xf32, #tpu.memory_space<hbm>> -> memref<128x128xf32, #tpu.memory_space<hbm>>
      %dma_wait3A_39 = arith.constant 0 : i32
      %dma_wait3A_40 = arith.constant 0 : i32
      %dma_wait3A_41 = tpu.memref_slice %arg2[%dma_wait3A_39, %dma_wait3A_40] : memref<10112x128xf32, #tpu.memory_space<hbm>> -> memref<128x128xf32, #tpu.memory_space<hbm>>
      tpu.wait_dma2 semaphore(%arg11 : memref<!tpu.dma_semaphore, #tpu.memory_space<semaphore_mem>>) src(%dma_wait3A_41 : memref<128x128xf32, #tpu.memory_space<hbm>>) dst(%arg9 : memref<128x128xf32, #tpu.memory_space<vmem>>)
      %mul3A_42 = arith.constant 40 : i32
      %mul3A_43 = arith.muli %arg1, %mul3A_42 : i32
      %add3A_44 = arith.addi %mul3A_43, %mul3A_30 : i32
      %mul3A_45 = arith.constant 128 : i32
      %mul3A_46 = arith.muli %add3A_44, %mul3A_45 : i32
      %eq3A_47 = arith.constant 0 : i32
      %eq3A_48 = arith.cmpi eq, %arg0, %eq3A_47 : i32
      %convert_element_type3A_49 = arith.extui %eq3A_48 : i1 to i32
      %cond3A_50 = arith.constant 0 : i32
      %cond3A_51 = arith.cmpi ne, %convert_element_type3A_49, %cond3A_50 : i32
      scf.if %cond3A_51 {
        %dma_start3A_89 = arith.constant 0 : i32
        %dma_start3A_90 = tpu.memref_slice %arg6[%mul3A_46, %dma_start3A_89] : memref<81920x128xf32, #tpu.memory_space<hbm>> -> memref<128x128xf32, #tpu.memory_space<hbm>>
        %dma_start3A_91 = arith.constant 0 : i32
        %dma_start3A_92 = tpu.memref_slice %arg6[%mul3A_46, %dma_start3A_91] : memref<81920x128xf32, #tpu.memory_space<hbm>> -> memref<128x128xf32, #tpu.memory_space<hbm>>
        tpu.enqueue_dma source(%arg9 : memref<128x128xf32, #tpu.memory_space<vmem>>) target(%dma_start3A_92 : memref<128x128xf32, #tpu.memory_space<hbm>>) target_semaphore(%arg13 : memref<!tpu.dma_semaphore, #tpu.memory_space<semaphore_mem>>)
      } else {
      }
      %eq3A_52 = arith.constant 1 : i32
      %eq3A_53 = arith.cmpi eq, %arg0, %eq3A_52 : i32
      %convert_element_type3A_54 = arith.extui %eq3A_53 : i1 to i32
      %cond3A_55 = arith.constant 0 : i32
      %cond3A_56 = arith.cmpi ne, %convert_element_type3A_54, %cond3A_55 : i32
      scf.if %cond3A_56 {
        %dma_start3A_89 = arith.constant 0 : i32
        %dma_start3A_90 = tpu.memref_slice %arg7[%mul3A_46, %dma_start3A_89] : memref<81920x128xf32, #tpu.memory_space<hbm>> -> memref<128x128xf32, #tpu.memory_space<hbm>>
        %dma_start3A_91 = arith.constant 0 : i32
        %dma_start3A_92 = tpu.memref_slice %arg7[%mul3A_46, %dma_start3A_91] : memref<81920x128xf32, #tpu.memory_space<hbm>> -> memref<128x128xf32, #tpu.memory_space<hbm>>
        tpu.enqueue_dma source(%arg9 : memref<128x128xf32, #tpu.memory_space<vmem>>) target(%dma_start3A_92 : memref<128x128xf32, #tpu.memory_space<hbm>>) target_semaphore(%arg13 : memref<!tpu.dma_semaphore, #tpu.memory_space<semaphore_mem>>)
      } else {
      }
      %mul3A_57 = arith.constant 2 : i32
      %mul3A_58 = arith.muli %mul3A_57, %scan3A_29 : i32
      %add3A_59 = arith.constant 1 : i32
      %add3A_60 = arith.addi %mul3A_58, %add3A_59 : i32
      %add3A_61 = arith.constant 1 : i32
      %add3A_62 = arith.addi %add3A_60, %add3A_61 : i32
      %lt3A_63 = arith.constant 40 : i32
      %lt3A_64 = arith.cmpi slt, %add3A_62, %lt3A_63 : i32
      %convert_element_type3A_65 = arith.extui %lt3A_64 : i1 to i32
      %cond3A_66 = arith.constant 0 : i32
      %cond3A_67 = arith.cmpi ne, %convert_element_type3A_65, %cond3A_66 : i32
      scf.if %cond3A_67 {
        %ge3A = arith.constant 1 : i32
        %ge3A_89 = arith.cmpi sge, %add3A_60, %ge3A : i32
        %convert_element_type3A_90 = arith.extui %ge3A_89 : i1 to i32
        %cond3A_91 = arith.constant 0 : i32
        %cond3A_92 = arith.cmpi ne, %convert_element_type3A_90, %cond3A_91 : i32
        scf.if %cond3A_92 {
          %dma_wait3A_101 = arith.constant 0 : i32
          %dma_wait3A_102 = arith.constant 0 : i32
          %dma_wait3A_103 = tpu.memref_slice %arg2[%dma_wait3A_101, %dma_wait3A_102] : memref<10112x128xf32, #tpu.memory_space<hbm>> -> memref<128x128xf32, #tpu.memory_space<hbm>>
          %dma_wait3A_104 = arith.constant 0 : i32
          %dma_wait3A_105 = arith.constant 0 : i32
          %dma_wait3A_106 = tpu.memref_slice %arg2[%dma_wait3A_104, %dma_wait3A_105] : memref<10112x128xf32, #tpu.memory_space<hbm>> -> memref<128x128xf32, #tpu.memory_space<hbm>>
          tpu.wait_dma2 semaphore(%arg13 : memref<!tpu.dma_semaphore, #tpu.memory_space<semaphore_mem>>) src(%dma_wait3A_106 : memref<128x128xf32, #tpu.memory_space<hbm>>) dst(%arg9 : memref<128x128xf32, #tpu.memory_space<vmem>>)
        } else {
        }
        %add3A_93 = arith.constant 1 : i32
        %add3A_94 = arith.addi %add3A_60, %add3A_93 : i32
        %dma_start3A_95 = arith.constant 0 : i32
        %dma_start3A_96 = tpu.memref_slice %arg8[%add3A_94, %dma_start3A_95] : memref<40x128xi32, #tpu.memory_space<vmem>> -> memref<1x128xi32, #tpu.memory_space<vmem>>
        %dma_start3A_97 = tpu.memref_squeeze %dma_start3A_96 : memref<1x128xi32, #tpu.memory_space<vmem>> -> memref<128xi32, #tpu.memory_space<vmem>>
        %dma_start3A_98 = arith.constant 0 : i32
        %dma_start3A_99 = arith.constant 0 : i32
        %dma_start3A_100 = tpu.memref_slice %arg15[%dma_start3A_98, %dma_start3A_99] : memref<10112x128xf32, #tpu.memory_space<vmem_shared>> -> memref<10112x128xf32, #tpu.memory_space<vmem_shared>>
        tpu.enqueue_indirect_dma source(%dma_start3A_100 : memref<10112x128xf32, #tpu.memory_space<vmem_shared>>) target(%arg9 : memref<128x128xf32, #tpu.memory_space<vmem>>) offsets(%dma_start3A_97 : memref<128xi32, #tpu.memory_space<vmem>>) semaphore(%arg11 : memref<!tpu.dma_semaphore, #tpu.memory_space<semaphore_mem>>)
      } else {
      }
      %dma_wait3A_68 = arith.constant 0 : i32
      %dma_wait3A_69 = arith.constant 0 : i32
      %dma_wait3A_70 = tpu.memref_slice %arg2[%dma_wait3A_68, %dma_wait3A_69] : memref<10112x128xf32, #tpu.memory_space<hbm>> -> memref<128x128xf32, #tpu.memory_space<hbm>>
      %dma_wait3A_71 = arith.constant 0 : i32
      %dma_wait3A_72 = arith.constant 0 : i32
      %dma_wait3A_73 = tpu.memref_slice %arg2[%dma_wait3A_71, %dma_wait3A_72] : memref<10112x128xf32, #tpu.memory_space<hbm>> -> memref<128x128xf32, #tpu.memory_space<hbm>>
      tpu.wait_dma2 semaphore(%arg12 : memref<!tpu.dma_semaphore, #tpu.memory_space<semaphore_mem>>) src(%dma_wait3A_73 : memref<128x128xf32, #tpu.memory_space<hbm>>) dst(%arg10 : memref<128x128xf32, #tpu.memory_space<vmem>>)
      %mul3A_74 = arith.constant 40 : i32
      %mul3A_75 = arith.muli %arg1, %mul3A_74 : i32
      %add3A_76 = arith.addi %mul3A_75, %add3A_60 : i32
      %mul3A_77 = arith.constant 128 : i32
      %mul3A_78 = arith.muli %add3A_76, %mul3A_77 : i32
      %eq3A_79 = arith.constant 0 : i32
      %eq3A_80 = arith.cmpi eq, %arg0, %eq3A_79 : i32
      %convert_element_type3A_81 = arith.extui %eq3A_80 : i1 to i32
      %cond3A_82 = arith.constant 0 : i32
      %cond3A_83 = arith.cmpi ne, %convert_element_type3A_81, %cond3A_82 : i32
      scf.if %cond3A_83 {
        %dma_start3A_89 = arith.constant 0 : i32
        %dma_start3A_90 = tpu.memref_slice %arg6[%mul3A_78, %dma_start3A_89] : memref<81920x128xf32, #tpu.memory_space<hbm>> -> memref<128x128xf32, #tpu.memory_space<hbm>>
        %dma_start3A_91 = arith.constant 0 : i32
        %dma_start3A_92 = tpu.memref_slice %arg6[%mul3A_78, %dma_start3A_91] : memref<81920x128xf32, #tpu.memory_space<hbm>> -> memref<128x128xf32, #tpu.memory_space<hbm>>
        tpu.enqueue_dma source(%arg10 : memref<128x128xf32, #tpu.memory_space<vmem>>) target(%dma_start3A_92 : memref<128x128xf32, #tpu.memory_space<hbm>>) target_semaphore(%arg14 : memref<!tpu.dma_semaphore, #tpu.memory_space<semaphore_mem>>)
      } else {
      }
      %eq3A_84 = arith.constant 1 : i32
      %eq3A_85 = arith.cmpi eq, %arg0, %eq3A_84 : i32
      %convert_element_type3A_86 = arith.extui %eq3A_85 : i1 to i32
      %cond3A_87 = arith.constant 0 : i32
      %cond3A_88 = arith.cmpi ne, %convert_element_type3A_86, %cond3A_87 : i32
      scf.if %cond3A_88 {
        %dma_start3A_89 = arith.constant 0 : i32
        %dma_start3A_90 = tpu.memref_slice %arg7[%mul3A_78, %dma_start3A_89] : memref<81920x128xf32, #tpu.memory_space<hbm>> -> memref<128x128xf32, #tpu.memory_space<hbm>>
        %dma_start3A_91 = arith.constant 0 : i32
        %dma_start3A_92 = tpu.memref_slice %arg7[%mul3A_78, %dma_start3A_91] : memref<81920x128xf32, #tpu.memory_space<hbm>> -> memref<128x128xf32, #tpu.memory_space<hbm>>
        tpu.enqueue_dma source(%arg10 : memref<128x128xf32, #tpu.memory_space<vmem>>) target(%dma_start3A_92 : memref<128x128xf32, #tpu.memory_space<hbm>>) target_semaphore(%arg14 : memref<!tpu.dma_semaphore, #tpu.memory_space<semaphore_mem>>)
      } else {
      }
    }
    %scan3A_17 = arith.constant 20 : i32
    %dma_wait3A = arith.constant 0 : i32
    %dma_wait3A_18 = arith.constant 0 : i32
    %dma_wait3A_19 = tpu.memref_slice %arg2[%dma_wait3A, %dma_wait3A_18] : memref<10112x128xf32, #tpu.memory_space<hbm>> -> memref<128x128xf32, #tpu.memory_space<hbm>>
    %dma_wait3A_20 = arith.constant 0 : i32
    %dma_wait3A_21 = arith.constant 0 : i32
    %dma_wait3A_22 = tpu.memref_slice %arg2[%dma_wait3A_20, %dma_wait3A_21] : memref<10112x128xf32, #tpu.memory_space<hbm>> -> memref<128x128xf32, #tpu.memory_space<hbm>>
    tpu.wait_dma2 semaphore(%arg13 : memref<!tpu.dma_semaphore, #tpu.memory_space<semaphore_mem>>) src(%dma_wait3A_22 : memref<128x128xf32, #tpu.memory_space<hbm>>) dst(%arg9 : memref<128x128xf32, #tpu.memory_space<vmem>>)
    %dma_wait3A_23 = arith.constant 0 : i32
    %dma_wait3A_24 = arith.constant 0 : i32
    %dma_wait3A_25 = tpu.memref_slice %arg2[%dma_wait3A_23, %dma_wait3A_24] : memref<10112x128xf32, #tpu.memory_space<hbm>> -> memref<128x128xf32, #tpu.memory_space<hbm>>
    %dma_wait3A_26 = arith.constant 0 : i32
    %dma_wait3A_27 = arith.constant 0 : i32
    %dma_wait3A_28 = tpu.memref_slice %arg2[%dma_wait3A_26, %dma_wait3A_27] : memref<10112x128xf32, #tpu.memory_space<hbm>> -> memref<128x128xf32, #tpu.memory_space<hbm>>
    tpu.wait_dma2 semaphore(%arg14 : memref<!tpu.dma_semaphore, #tpu.memory_space<semaphore_mem>>) src(%dma_wait3A_28 : memref<128x128xf32, #tpu.memory_space<hbm>>) dst(%arg10 : memref<128x128xf32, #tpu.memory_space<vmem>>)
    return
  }
}

#map = affine_map<(d0, d1) -> (0, 0)>
#map1 = affine_map<(d0, d1) -> (0, 0, 0)>
module attributes {stable_mosaic.version = 14 : i64} {
  func.func @_sc_gather(%arg0: i32, %arg1: i32, %arg2: memref<10112x128xf32, #tpu.memory_space<hbm>>, %arg3: memref<10112x128xf32, #tpu.memory_space<hbm>>, %arg4: memref<16x40x128xi32, #tpu.memory_space<hbm>>, %arg5: memref<16x40x128xi32, #tpu.memory_space<hbm>>, %arg6: memref<81920x128xf32, #tpu.memory_space<hbm>>, %arg7: memref<81920x128xf32, #tpu.memory_space<hbm>>, %arg8: memref<40x128xi32, #tpu.memory_space<vmem>>, %arg9: memref<128x128xf32, #tpu.memory_space<vmem>>, %arg10: memref<128x128xf32, #tpu.memory_space<vmem>>, %arg11: memref<!tpu.dma_semaphore, #tpu.memory_space<semaphore_mem>>, %arg12: memref<!tpu.dma_semaphore, #tpu.memory_space<semaphore_mem>>, %arg13: memref<!tpu.dma_semaphore, #tpu.memory_space<semaphore_mem>>, %arg14: memref<!tpu.dma_semaphore, #tpu.memory_space<semaphore_mem>>, %arg15: memref<10112x128xf32, #tpu.memory_space<vmem_shared>>) attributes {dimension_semantics = [#tpu.dimension_semantics<core_parallel>, #tpu.dimension_semantics<subcore_parallel>], iteration_bounds = array<i64: 2, 16>, scalar_prefetch = 0 : i64, scratch_operands = 8 : i64, tpu.core_type = #tpu.core_type<sc_vector_subcore>, window_params = [{transform_indices = #map}, {transform_indices = #map}, {transform_indices = #map1}, {transform_indices = #map1}, {transform_indices = #map}, {transform_indices = #map}]} {
    %eq3A = arith.constant 0 : i32
    %eq3A_0 = arith.cmpi eq, %arg0, %eq3A : i32
    %convert_element_type3A = arith.extui %eq3A_0 : i1 to i32
    %cond3A = arith.constant 0 : i32
    %cond3A_1 = arith.cmpi ne, %convert_element_type3A, %cond3A : i32
    scf.if %cond3A_1 {
      %mul3A = arith.constant 632 : i32
      %mul3A_29 = arith.muli %arg1, %mul3A : i32
      %mul3A_30 = arith.constant 632 : i32
      %mul3A_31 = arith.muli %arg1, %mul3A_30 : i32
      "tpu.region"() ({
        %run_scoped3A = tpu.sem_alloc : memref<!tpu.dma_semaphore, #tpu.memory_space<semaphore_mem>>
        %dma_start3A_32 = arith.constant 0 : i32
        %dma_start3A_33 = tpu.memref_slice %arg15[%mul3A_31, %dma_start3A_32] : memref<10112x128xf32, #tpu.memory_space<vmem_shared>> -> memref<632x128xf32, #tpu.memory_space<vmem_shared>>
        %dma_start3A_34 = arith.constant 0 : i32
        %dma_start3A_35 = tpu.memref_slice %arg2[%mul3A_29, %dma_start3A_34] : memref<10112x128xf32, #tpu.memory_space<hbm>> -> memref<632x128xf32, #tpu.memory_space<hbm>>
        tpu.enqueue_dma source(%dma_start3A_35 : memref<632x128xf32, #tpu.memory_space<hbm>>) target(%dma_start3A_33 : memref<632x128xf32, #tpu.memory_space<vmem_shared>>) target_semaphore(%run_scoped3A : memref<!tpu.dma_semaphore, #tpu.memory_space<semaphore_mem>>)
        %dma_wait3A_36 = arith.constant 0 : i32
        %dma_wait3A_37 = tpu.memref_slice %arg15[%mul3A_31, %dma_wait3A_36] : memref<10112x128xf32, #tpu.memory_space<vmem_shared>> -> memref<632x128xf32, #tpu.memory_space<vmem_shared>>
        %dma_wait3A_38 = arith.constant 0 : i32
        %dma_wait3A_39 = tpu.memref_slice %arg2[%mul3A_29, %dma_wait3A_38] : memref<10112x128xf32, #tpu.memory_space<hbm>> -> memref<632x128xf32, #tpu.memory_space<hbm>>
        tpu.wait_dma2 semaphore(%run_scoped3A : memref<!tpu.dma_semaphore, #tpu.memory_space<semaphore_mem>>) src(%dma_wait3A_39 : memref<632x128xf32, #tpu.memory_space<hbm>>) dst(%dma_wait3A_37 : memref<632x128xf32, #tpu.memory_space<vmem_shared>>)
        tpu.yield
      }) : () -> ()
      "tpu.region"() ({
        %run_scoped3A = tpu.sem_alloc : memref<!tpu.dma_semaphore, #tpu.memory_space<semaphore_mem>>
        %dma_start3A_32 = arith.constant 0 : i32
        %dma_start3A_33 = arith.constant 0 : i32
        %dma_start3A_34 = tpu.memref_slice %arg4[%arg1, %dma_start3A_32, %dma_start3A_33] : memref<16x40x128xi32, #tpu.memory_space<hbm>> -> memref<1x40x128xi32, #tpu.memory_space<hbm>>
        %dma_start3A_35 = tpu.memref_squeeze %dma_start3A_34 : memref<1x40x128xi32, #tpu.memory_space<hbm>> -> memref<40x128xi32, #tpu.memory_space<hbm>>
        %dma_start3A_36 = arith.constant 0 : i32
        %dma_start3A_37 = arith.constant 0 : i32
        %dma_start3A_38 = tpu.memref_slice %arg4[%arg1, %dma_start3A_36, %dma_start3A_37] : memref<16x40x128xi32, #tpu.memory_space<hbm>> -> memref<1x40x128xi32, #tpu.memory_space<hbm>>
        %dma_start3A_39 = tpu.memref_squeeze %dma_start3A_38 : memref<1x40x128xi32, #tpu.memory_space<hbm>> -> memref<40x128xi32, #tpu.memory_space<hbm>>
        tpu.enqueue_dma source(%dma_start3A_39 : memref<40x128xi32, #tpu.memory_space<hbm>>) target(%arg8 : memref<40x128xi32, #tpu.memory_space<vmem>>) target_semaphore(%run_scoped3A : memref<!tpu.dma_semaphore, #tpu.memory_space<semaphore_mem>>)
        %dma_wait3A_40 = arith.constant 0 : i32
        %dma_wait3A_41 = arith.constant 0 : i32
        %dma_wait3A_42 = tpu.memref_slice %arg4[%arg1, %dma_wait3A_40, %dma_wait3A_41] : memref<16x40x128xi32, #tpu.memory_space<hbm>> -> memref<1x40x128xi32, #tpu.memory_space<hbm>>
        %dma_wait3A_43 = tpu.memref_squeeze %dma_wait3A_42 : memref<1x40x128xi32, #tpu.memory_space<hbm>> -> memref<40x128xi32, #tpu.memory_space<hbm>>
        %dma_wait3A_44 = arith.constant 0 : i32
        %dma_wait3A_45 = arith.constant 0 : i32
        %dma_wait3A_46 = tpu.memref_slice %arg4[%arg1, %dma_wait3A_44, %dma_wait3A_45] : memref<16x40x128xi32, #tpu.memory_space<hbm>> -> memref<1x40x128xi32, #tpu.memory_space<hbm>>
        %dma_wait3A_47 = tpu.memref_squeeze %dma_wait3A_46 : memref<1x40x128xi32, #tpu.memory_space<hbm>> -> memref<40x128xi32, #tpu.memory_space<hbm>>
        tpu.wait_dma2 semaphore(%run_scoped3A : memref<!tpu.dma_semaphore, #tpu.memory_space<semaphore_mem>>) src(%dma_wait3A_47 : memref<40x128xi32, #tpu.memory_space<hbm>>) dst(%arg8 : memref<40x128xi32, #tpu.memory_space<vmem>>)
        tpu.yield
      }) : () -> ()
    } else {
    }
    %eq3A_2 = arith.constant 1 : i32
    %eq3A_3 = arith.cmpi eq, %arg0, %eq3A_2 : i32
    %convert_element_type3A_4 = arith.extui %eq3A_3 : i1 to i32
    %cond3A_5 = arith.constant 0 : i32
    %cond3A_6 = arith.cmpi ne, %convert_element_type3A_4, %cond3A_5 : i32
    scf.if %cond3A_6 {
      %mul3A = arith.constant 632 : i32
      %mul3A_29 = arith.muli %arg1, %mul3A : i32
      %mul3A_30 = arith.constant 632 : i32
      %mul3A_31 = arith.muli %arg1, %mul3A_30 : i32
      "tpu.region"() ({
        %run_scoped3A = tpu.sem_alloc : memref<!tpu.dma_semaphore, #tpu.memory_space<semaphore_mem>>
        %dma_start3A_32 = arith.constant 0 : i32
        %dma_start3A_33 = tpu.memref_slice %arg15[%mul3A_31, %dma_start3A_32] : memref<10112x128xf32, #tpu.memory_space<vmem_shared>> -> memref<632x128xf32, #tpu.memory_space<vmem_shared>>
        %dma_start3A_34 = arith.constant 0 : i32
        %dma_start3A_35 = tpu.memref_slice %arg3[%mul3A_29, %dma_start3A_34] : memref<10112x128xf32, #tpu.memory_space<hbm>> -> memref<632x128xf32, #tpu.memory_space<hbm>>
        tpu.enqueue_dma source(%dma_start3A_35 : memref<632x128xf32, #tpu.memory_space<hbm>>) target(%dma_start3A_33 : memref<632x128xf32, #tpu.memory_space<vmem_shared>>) target_semaphore(%run_scoped3A : memref<!tpu.dma_semaphore, #tpu.memory_space<semaphore_mem>>)
        %dma_wait3A_36 = arith.constant 0 : i32
        %dma_wait3A_37 = tpu.memref_slice %arg15[%mul3A_31, %dma_wait3A_36] : memref<10112x128xf32, #tpu.memory_space<vmem_shared>> -> memref<632x128xf32, #tpu.memory_space<vmem_shared>>
        %dma_wait3A_38 = arith.constant 0 : i32
        %dma_wait3A_39 = tpu.memref_slice %arg3[%mul3A_29, %dma_wait3A_38] : memref<10112x128xf32, #tpu.memory_space<hbm>> -> memref<632x128xf32, #tpu.memory_space<hbm>>
        tpu.wait_dma2 semaphore(%run_scoped3A : memref<!tpu.dma_semaphore, #tpu.memory_space<semaphore_mem>>) src(%dma_wait3A_39 : memref<632x128xf32, #tpu.memory_space<hbm>>) dst(%dma_wait3A_37 : memref<632x128xf32, #tpu.memory_space<vmem_shared>>)
        tpu.yield
      }) : () -> ()
      "tpu.region"() ({
        %run_scoped3A = tpu.sem_alloc : memref<!tpu.dma_semaphore, #tpu.memory_space<semaphore_mem>>
        %dma_start3A_32 = arith.constant 0 : i32
        %dma_start3A_33 = arith.constant 0 : i32
        %dma_start3A_34 = tpu.memref_slice %arg5[%arg1, %dma_start3A_32, %dma_start3A_33] : memref<16x40x128xi32, #tpu.memory_space<hbm>> -> memref<1x40x128xi32, #tpu.memory_space<hbm>>
        %dma_start3A_35 = tpu.memref_squeeze %dma_start3A_34 : memref<1x40x128xi32, #tpu.memory_space<hbm>> -> memref<40x128xi32, #tpu.memory_space<hbm>>
        %dma_start3A_36 = arith.constant 0 : i32
        %dma_start3A_37 = arith.constant 0 : i32
        %dma_start3A_38 = tpu.memref_slice %arg5[%arg1, %dma_start3A_36, %dma_start3A_37] : memref<16x40x128xi32, #tpu.memory_space<hbm>> -> memref<1x40x128xi32, #tpu.memory_space<hbm>>
        %dma_start3A_39 = tpu.memref_squeeze %dma_start3A_38 : memref<1x40x128xi32, #tpu.memory_space<hbm>> -> memref<40x128xi32, #tpu.memory_space<hbm>>
        tpu.enqueue_dma source(%dma_start3A_39 : memref<40x128xi32, #tpu.memory_space<hbm>>) target(%arg8 : memref<40x128xi32, #tpu.memory_space<vmem>>) target_semaphore(%run_scoped3A : memref<!tpu.dma_semaphore, #tpu.memory_space<semaphore_mem>>)
        %dma_wait3A_40 = arith.constant 0 : i32
        %dma_wait3A_41 = arith.constant 0 : i32
        %dma_wait3A_42 = tpu.memref_slice %arg5[%arg1, %dma_wait3A_40, %dma_wait3A_41] : memref<16x40x128xi32, #tpu.memory_space<hbm>> -> memref<1x40x128xi32, #tpu.memory_space<hbm>>
        %dma_wait3A_43 = tpu.memref_squeeze %dma_wait3A_42 : memref<1x40x128xi32, #tpu.memory_space<hbm>> -> memref<40x128xi32, #tpu.memory_space<hbm>>
        %dma_wait3A_44 = arith.constant 0 : i32
        %dma_wait3A_45 = arith.constant 0 : i32
        %dma_wait3A_46 = tpu.memref_slice %arg5[%arg1, %dma_wait3A_44, %dma_wait3A_45] : memref<16x40x128xi32, #tpu.memory_space<hbm>> -> memref<1x40x128xi32, #tpu.memory_space<hbm>>
        %dma_wait3A_47 = tpu.memref_squeeze %dma_wait3A_46 : memref<1x40x128xi32, #tpu.memory_space<hbm>> -> memref<40x128xi32, #tpu.memory_space<hbm>>
        tpu.wait_dma2 semaphore(%run_scoped3A : memref<!tpu.dma_semaphore, #tpu.memory_space<semaphore_mem>>) src(%dma_wait3A_47 : memref<40x128xi32, #tpu.memory_space<hbm>>) dst(%arg8 : memref<40x128xi32, #tpu.memory_space<vmem>>)
        tpu.yield
      }) : () -> ()
    } else {
    }
    %barrier3A = arith.constant 0 : index
    tpu.barrier barrier_id(%barrier3A)
    %dma_start3A = arith.constant 0 : i32
    %dma_start3A_7 = arith.constant 0 : i32
    %dma_start3A_8 = tpu.memref_slice %arg8[%dma_start3A, %dma_start3A_7] : memref<40x128xi32, #tpu.memory_space<vmem>> -> memref<1x128xi32, #tpu.memory_space<vmem>>
    %dma_start3A_9 = tpu.memref_squeeze %dma_start3A_8 : memref<1x128xi32, #tpu.memory_space<vmem>> -> memref<128xi32, #tpu.memory_space<vmem>>
    %dma_start3A_10 = arith.constant 0 : i32
    %dma_start3A_11 = arith.constant 0 : i32
    %dma_start3A_12 = tpu.memref_slice %arg15[%dma_start3A_10, %dma_start3A_11] : memref<10112x128xf32, #tpu.memory_space<vmem_shared>> -> memref<10112x128xf32, #tpu.memory_space<vmem_shared>>
    tpu.enqueue_indirect_dma source(%dma_start3A_12 : memref<10112x128xf32, #tpu.memory_space<vmem_shared>>) target(%arg9 : memref<128x128xf32, #tpu.memory_space<vmem>>) offsets(%dma_start3A_9 : memref<128xi32, #tpu.memory_space<vmem>>) semaphore(%arg11 : memref<!tpu.dma_semaphore, #tpu.memory_space<semaphore_mem>>)
    %scan3A = arith.constant 0 : i32
    %scan3A_13 = arith.constant 0 : i32
    %scan3A_14 = arith.constant 20 : i32
    %scan3A_15 = arith.addi %scan3A_13, %scan3A_14 : i32
    %scan3A_16 = arith.constant 1 : i32
    scf.for %scan3A_29 = %scan3A_13 to %scan3A_15 step %scan3A_16  : i32 {
      %mul3A = arith.constant 2 : i32
      %mul3A_30 = arith.muli %mul3A, %scan3A_29 : i32
      %add3A = arith.constant 1 : i32
      %add3A_31 = arith.addi %mul3A_30, %add3A : i32
      %lt3A = arith.constant 40 : i32
      %lt3A_32 = arith.cmpi slt, %add3A_31, %lt3A : i32
      %convert_element_type3A_33 = arith.extui %lt3A_32 : i1 to i32
      %cond3A_34 = arith.constant 0 : i32
      %cond3A_35 = arith.cmpi ne, %convert_element_type3A_33, %cond3A_34 : i32
      scf.if %cond3A_35 {
        %ge3A = arith.constant 1 : i32
        %ge3A_89 = arith.cmpi sge, %mul3A_30, %ge3A : i32
        %convert_element_type3A_90 = arith.extui %ge3A_89 : i1 to i32
        %cond3A_91 = arith.constant 0 : i32
        %cond3A_92 = arith.cmpi ne, %convert_element_type3A_90, %cond3A_91 : i32
        scf.if %cond3A_92 {
          %dma_wait3A_101 = arith.constant 0 : i32
          %dma_wait3A_102 = arith.constant 0 : i32
          %dma_wait3A_103 = tpu.memref_slice %arg2[%dma_wait3A_101, %dma_wait3A_102] : memref<10112x128xf32, #tpu.memory_space<hbm>> -> memref<128x128xf32, #tpu.memory_space<hbm>>
          %dma_wait3A_104 = arith.constant 0 : i32
          %dma_wait3A_105 = arith.constant 0 : i32
          %dma_wait3A_106 = tpu.memref_slice %arg2[%dma_wait3A_104, %dma_wait3A_105] : memref<10112x128xf32, #tpu.memory_space<hbm>> -> memref<128x128xf32, #tpu.memory_space<hbm>>
          tpu.wait_dma2 semaphore(%arg14 : memref<!tpu.dma_semaphore, #tpu.memory_space<semaphore_mem>>) src(%dma_wait3A_106 : memref<128x128xf32, #tpu.memory_space<hbm>>) dst(%arg10 : memref<128x128xf32, #tpu.memory_space<vmem>>)
        } else {
        }
        %add3A_93 = arith.constant 1 : i32
        %add3A_94 = arith.addi %mul3A_30, %add3A_93 : i32
        %dma_start3A_95 = arith.constant 0 : i32
        %dma_start3A_96 = tpu.memref_slice %arg8[%add3A_94, %dma_start3A_95] : memref<40x128xi32, #tpu.memory_space<vmem>> -> memref<1x128xi32, #tpu.memory_space<vmem>>
        %dma_start3A_97 = tpu.memref_squeeze %dma_start3A_96 : memref<1x128xi32, #tpu.memory_space<vmem>> -> memref<128xi32, #tpu.memory_space<vmem>>
        %dma_start3A_98 = arith.constant 0 : i32
        %dma_start3A_99 = arith.constant 0 : i32
        %dma_start3A_100 = tpu.memref_slice %arg15[%dma_start3A_98, %dma_start3A_99] : memref<10112x128xf32, #tpu.memory_space<vmem_shared>> -> memref<10112x128xf32, #tpu.memory_space<vmem_shared>>
        tpu.enqueue_indirect_dma source(%dma_start3A_100 : memref<10112x128xf32, #tpu.memory_space<vmem_shared>>) target(%arg10 : memref<128x128xf32, #tpu.memory_space<vmem>>) offsets(%dma_start3A_97 : memref<128xi32, #tpu.memory_space<vmem>>) semaphore(%arg12 : memref<!tpu.dma_semaphore, #tpu.memory_space<semaphore_mem>>)
      } else {
      }
      %dma_wait3A_36 = arith.constant 0 : i32
      %dma_wait3A_37 = arith.constant 0 : i32
      %dma_wait3A_38 = tpu.memref_slice %arg2[%dma_wait3A_36, %dma_wait3A_37] : memref<10112x128xf32, #tpu.memory_space<hbm>> -> memref<128x128xf32, #tpu.memory_space<hbm>>
      %dma_wait3A_39 = arith.constant 0 : i32
      %dma_wait3A_40 = arith.constant 0 : i32
      %dma_wait3A_41 = tpu.memref_slice %arg2[%dma_wait3A_39, %dma_wait3A_40] : memref<10112x128xf32, #tpu.memory_space<hbm>> -> memref<128x128xf32, #tpu.memory_space<hbm>>
      tpu.wait_dma2 semaphore(%arg11 : memref<!tpu.dma_semaphore, #tpu.memory_space<semaphore_mem>>) src(%dma_wait3A_41 : memref<128x128xf32, #tpu.memory_space<hbm>>) dst(%arg9 : memref<128x128xf32, #tpu.memory_space<vmem>>)
      %mul3A_42 = arith.constant 40 : i32
      %mul3A_43 = arith.muli %arg1, %mul3A_42 : i32
      %add3A_44 = arith.addi %mul3A_43, %mul3A_30 : i32
      %mul3A_45 = arith.constant 128 : i32
      %mul3A_46 = arith.muli %add3A_44, %mul3A_45 : i32
      %eq3A_47 = arith.constant 0 : i32
      %eq3A_48 = arith.cmpi eq, %arg0, %eq3A_47 : i32
      %convert_element_type3A_49 = arith.extui %eq3A_48 : i1 to i32
      %cond3A_50 = arith.constant 0 : i32
      %cond3A_51 = arith.cmpi ne, %convert_element_type3A_49, %cond3A_50 : i32
      scf.if %cond3A_51 {
        %dma_start3A_89 = arith.constant 0 : i32
        %dma_start3A_90 = tpu.memref_slice %arg6[%mul3A_46, %dma_start3A_89] : memref<81920x128xf32, #tpu.memory_space<hbm>> -> memref<128x128xf32, #tpu.memory_space<hbm>>
        %dma_start3A_91 = arith.constant 0 : i32
        %dma_start3A_92 = tpu.memref_slice %arg6[%mul3A_46, %dma_start3A_91] : memref<81920x128xf32, #tpu.memory_space<hbm>> -> memref<128x128xf32, #tpu.memory_space<hbm>>
        tpu.enqueue_dma source(%arg9 : memref<128x128xf32, #tpu.memory_space<vmem>>) target(%dma_start3A_92 : memref<128x128xf32, #tpu.memory_space<hbm>>) target_semaphore(%arg13 : memref<!tpu.dma_semaphore, #tpu.memory_space<semaphore_mem>>)
      } else {
      }
      %eq3A_52 = arith.constant 1 : i32
      %eq3A_53 = arith.cmpi eq, %arg0, %eq3A_52 : i32
      %convert_element_type3A_54 = arith.extui %eq3A_53 : i1 to i32
      %cond3A_55 = arith.constant 0 : i32
      %cond3A_56 = arith.cmpi ne, %convert_element_type3A_54, %cond3A_55 : i32
      scf.if %cond3A_56 {
        %dma_start3A_89 = arith.constant 0 : i32
        %dma_start3A_90 = tpu.memref_slice %arg7[%mul3A_46, %dma_start3A_89] : memref<81920x128xf32, #tpu.memory_space<hbm>> -> memref<128x128xf32, #tpu.memory_space<hbm>>
        %dma_start3A_91 = arith.constant 0 : i32
        %dma_start3A_92 = tpu.memref_slice %arg7[%mul3A_46, %dma_start3A_91] : memref<81920x128xf32, #tpu.memory_space<hbm>> -> memref<128x128xf32, #tpu.memory_space<hbm>>
        tpu.enqueue_dma source(%arg9 : memref<128x128xf32, #tpu.memory_space<vmem>>) target(%dma_start3A_92 : memref<128x128xf32, #tpu.memory_space<hbm>>) target_semaphore(%arg13 : memref<!tpu.dma_semaphore, #tpu.memory_space<semaphore_mem>>)
      } else {
      }
      %mul3A_57 = arith.constant 2 : i32
      %mul3A_58 = arith.muli %mul3A_57, %scan3A_29 : i32
      %add3A_59 = arith.constant 1 : i32
      %add3A_60 = arith.addi %mul3A_58, %add3A_59 : i32
      %add3A_61 = arith.constant 1 : i32
      %add3A_62 = arith.addi %add3A_60, %add3A_61 : i32
      %lt3A_63 = arith.constant 40 : i32
      %lt3A_64 = arith.cmpi slt, %add3A_62, %lt3A_63 : i32
      %convert_element_type3A_65 = arith.extui %lt3A_64 : i1 to i32
      %cond3A_66 = arith.constant 0 : i32
      %cond3A_67 = arith.cmpi ne, %convert_element_type3A_65, %cond3A_66 : i32
      scf.if %cond3A_67 {
        %ge3A = arith.constant 1 : i32
        %ge3A_89 = arith.cmpi sge, %add3A_60, %ge3A : i32
        %convert_element_type3A_90 = arith.extui %ge3A_89 : i1 to i32
        %cond3A_91 = arith.constant 0 : i32
        %cond3A_92 = arith.cmpi ne, %convert_element_type3A_90, %cond3A_91 : i32
        scf.if %cond3A_92 {
          %dma_wait3A_101 = arith.constant 0 : i32
          %dma_wait3A_102 = arith.constant 0 : i32
          %dma_wait3A_103 = tpu.memref_slice %arg2[%dma_wait3A_101, %dma_wait3A_102] : memref<10112x128xf32, #tpu.memory_space<hbm>> -> memref<128x128xf32, #tpu.memory_space<hbm>>
          %dma_wait3A_104 = arith.constant 0 : i32
          %dma_wait3A_105 = arith.constant 0 : i32
          %dma_wait3A_106 = tpu.memref_slice %arg2[%dma_wait3A_104, %dma_wait3A_105] : memref<10112x128xf32, #tpu.memory_space<hbm>> -> memref<128x128xf32, #tpu.memory_space<hbm>>
          tpu.wait_dma2 semaphore(%arg13 : memref<!tpu.dma_semaphore, #tpu.memory_space<semaphore_mem>>) src(%dma_wait3A_106 : memref<128x128xf32, #tpu.memory_space<hbm>>) dst(%arg9 : memref<128x128xf32, #tpu.memory_space<vmem>>)
        } else {
        }
        %add3A_93 = arith.constant 1 : i32
        %add3A_94 = arith.addi %add3A_60, %add3A_93 : i32
        %dma_start3A_95 = arith.constant 0 : i32
        %dma_start3A_96 = tpu.memref_slice %arg8[%add3A_94, %dma_start3A_95] : memref<40x128xi32, #tpu.memory_space<vmem>> -> memref<1x128xi32, #tpu.memory_space<vmem>>
        %dma_start3A_97 = tpu.memref_squeeze %dma_start3A_96 : memref<1x128xi32, #tpu.memory_space<vmem>> -> memref<128xi32, #tpu.memory_space<vmem>>
        %dma_start3A_98 = arith.constant 0 : i32
        %dma_start3A_99 = arith.constant 0 : i32
        %dma_start3A_100 = tpu.memref_slice %arg15[%dma_start3A_98, %dma_start3A_99] : memref<10112x128xf32, #tpu.memory_space<vmem_shared>> -> memref<10112x128xf32, #tpu.memory_space<vmem_shared>>
        tpu.enqueue_indirect_dma source(%dma_start3A_100 : memref<10112x128xf32, #tpu.memory_space<vmem_shared>>) target(%arg9 : memref<128x128xf32, #tpu.memory_space<vmem>>) offsets(%dma_start3A_97 : memref<128xi32, #tpu.memory_space<vmem>>) semaphore(%arg11 : memref<!tpu.dma_semaphore, #tpu.memory_space<semaphore_mem>>)
      } else {
      }
      %dma_wait3A_68 = arith.constant 0 : i32
      %dma_wait3A_69 = arith.constant 0 : i32
      %dma_wait3A_70 = tpu.memref_slice %arg2[%dma_wait3A_68, %dma_wait3A_69] : memref<10112x128xf32, #tpu.memory_space<hbm>> -> memref<128x128xf32, #tpu.memory_space<hbm>>
      %dma_wait3A_71 = arith.constant 0 : i32
      %dma_wait3A_72 = arith.constant 0 : i32
      %dma_wait3A_73 = tpu.memref_slice %arg2[%dma_wait3A_71, %dma_wait3A_72] : memref<10112x128xf32, #tpu.memory_space<hbm>> -> memref<128x128xf32, #tpu.memory_space<hbm>>
      tpu.wait_dma2 semaphore(%arg12 : memref<!tpu.dma_semaphore, #tpu.memory_space<semaphore_mem>>) src(%dma_wait3A_73 : memref<128x128xf32, #tpu.memory_space<hbm>>) dst(%arg10 : memref<128x128xf32, #tpu.memory_space<vmem>>)
      %mul3A_74 = arith.constant 40 : i32
      %mul3A_75 = arith.muli %arg1, %mul3A_74 : i32
      %add3A_76 = arith.addi %mul3A_75, %add3A_60 : i32
      %mul3A_77 = arith.constant 128 : i32
      %mul3A_78 = arith.muli %add3A_76, %mul3A_77 : i32
      %eq3A_79 = arith.constant 0 : i32
      %eq3A_80 = arith.cmpi eq, %arg0, %eq3A_79 : i32
      %convert_element_type3A_81 = arith.extui %eq3A_80 : i1 to i32
      %cond3A_82 = arith.constant 0 : i32
      %cond3A_83 = arith.cmpi ne, %convert_element_type3A_81, %cond3A_82 : i32
      scf.if %cond3A_83 {
        %dma_start3A_89 = arith.constant 0 : i32
        %dma_start3A_90 = tpu.memref_slice %arg6[%mul3A_78, %dma_start3A_89] : memref<81920x128xf32, #tpu.memory_space<hbm>> -> memref<128x128xf32, #tpu.memory_space<hbm>>
        %dma_start3A_91 = arith.constant 0 : i32
        %dma_start3A_92 = tpu.memref_slice %arg6[%mul3A_78, %dma_start3A_91] : memref<81920x128xf32, #tpu.memory_space<hbm>> -> memref<128x128xf32, #tpu.memory_space<hbm>>
        tpu.enqueue_dma source(%arg10 : memref<128x128xf32, #tpu.memory_space<vmem>>) target(%dma_start3A_92 : memref<128x128xf32, #tpu.memory_space<hbm>>) target_semaphore(%arg14 : memref<!tpu.dma_semaphore, #tpu.memory_space<semaphore_mem>>)
      } else {
      }
      %eq3A_84 = arith.constant 1 : i32
      %eq3A_85 = arith.cmpi eq, %arg0, %eq3A_84 : i32
      %convert_element_type3A_86 = arith.extui %eq3A_85 : i1 to i32
      %cond3A_87 = arith.constant 0 : i32
      %cond3A_88 = arith.cmpi ne, %convert_element_type3A_86, %cond3A_87 : i32
      scf.if %cond3A_88 {
        %dma_start3A_89 = arith.constant 0 : i32
        %dma_start3A_90 = tpu.memref_slice %arg7[%mul3A_78, %dma_start3A_89] : memref<81920x128xf32, #tpu.memory_space<hbm>> -> memref<128x128xf32, #tpu.memory_space<hbm>>
        %dma_start3A_91 = arith.constant 0 : i32
        %dma_start3A_92 = tpu.memref_slice %arg7[%mul3A_78, %dma_start3A_91] : memref<81920x128xf32, #tpu.memory_space<hbm>> -> memref<128x128xf32, #tpu.memory_space<hbm>>
        tpu.enqueue_dma source(%arg10 : memref<128x128xf32, #tpu.memory_space<vmem>>) target(%dma_start3A_92 : memref<128x128xf32, #tpu.memory_space<hbm>>) target_semaphore(%arg14 : memref<!tpu.dma_semaphore, #tpu.memory_space<semaphore_mem>>)
      } else {
      }
    }
    %scan3A_17 = arith.constant 20 : i32
    %dma_wait3A = arith.constant 0 : i32
    %dma_wait3A_18 = arith.constant 0 : i32
    %dma_wait3A_19 = tpu.memref_slice %arg2[%dma_wait3A, %dma_wait3A_18] : memref<10112x128xf32, #tpu.memory_space<hbm>> -> memref<128x128xf32, #tpu.memory_space<hbm>>
    %dma_wait3A_20 = arith.constant 0 : i32
    %dma_wait3A_21 = arith.constant 0 : i32
    %dma_wait3A_22 = tpu.memref_slice %arg2[%dma_wait3A_20, %dma_wait3A_21] : memref<10112x128xf32, #tpu.memory_space<hbm>> -> memref<128x128xf32, #tpu.memory_space<hbm>>
    tpu.wait_dma2 semaphore(%arg13 : memref<!tpu.dma_semaphore, #tpu.memory_space<semaphore_mem>>) src(%dma_wait3A_22 : memref<128x128xf32, #tpu.memory_space<hbm>>) dst(%arg9 : memref<128x128xf32, #tpu.memory_space<vmem>>)
    %dma_wait3A_23 = arith.constant 0 : i32
    %dma_wait3A_24 = arith.constant 0 : i32
    %dma_wait3A_25 = tpu.memref_slice %arg2[%dma_wait3A_23, %dma_wait3A_24] : memref<10112x128xf32, #tpu.memory_space<hbm>> -> memref<128x128xf32, #tpu.memory_space<hbm>>
    %dma_wait3A_26 = arith.constant 0 : i32
    %dma_wait3A_27 = arith.constant 0 : i32
    %dma_wait3A_28 = tpu.memref_slice %arg2[%dma_wait3A_26, %dma_wait3A_27] : memref<10112x128xf32, #tpu.memory_space<hbm>> -> memref<128x128xf32, #tpu.memory_space<hbm>>
    tpu.wait_dma2 semaphore(%arg14 : memref<!tpu.dma_semaphore, #tpu.memory_space<semaphore_mem>>) src(%dma_wait3A_28 : memref<128x128xf32, #tpu.memory_space<hbm>>) dst(%arg10 : memref<128x128xf32, #tpu.memory_space<vmem>>)
    return
  }
}

#map = affine_map<(d0, d1) -> (0, 0)>
#map1 = affine_map<(d0, d1) -> (0, 0, 0)>
module attributes {stable_mosaic.version = 14 : i64} {
  func.func @_sc_gather(%arg0: i32, %arg1: i32, %arg2: memref<10112x128xf32, #tpu.memory_space<hbm>>, %arg3: memref<10112x128xf32, #tpu.memory_space<hbm>>, %arg4: memref<16x40x128xi32, #tpu.memory_space<hbm>>, %arg5: memref<16x40x128xi32, #tpu.memory_space<hbm>>, %arg6: memref<81920x128xf32, #tpu.memory_space<hbm>>, %arg7: memref<81920x128xf32, #tpu.memory_space<hbm>>, %arg8: memref<40x128xi32, #tpu.memory_space<vmem>>, %arg9: memref<128x128xf32, #tpu.memory_space<vmem>>, %arg10: memref<128x128xf32, #tpu.memory_space<vmem>>, %arg11: memref<!tpu.dma_semaphore, #tpu.memory_space<semaphore_mem>>, %arg12: memref<!tpu.dma_semaphore, #tpu.memory_space<semaphore_mem>>, %arg13: memref<!tpu.dma_semaphore, #tpu.memory_space<semaphore_mem>>, %arg14: memref<!tpu.dma_semaphore, #tpu.memory_space<semaphore_mem>>, %arg15: memref<10112x128xf32, #tpu.memory_space<vmem_shared>>) attributes {dimension_semantics = [#tpu.dimension_semantics<core_parallel>, #tpu.dimension_semantics<subcore_parallel>], iteration_bounds = array<i64: 2, 16>, scalar_prefetch = 0 : i64, scratch_operands = 8 : i64, tpu.core_type = #tpu.core_type<sc_vector_subcore>, window_params = [{transform_indices = #map}, {transform_indices = #map}, {transform_indices = #map1}, {transform_indices = #map1}, {transform_indices = #map}, {transform_indices = #map}]} {
    %eq3A = arith.constant 0 : i32
    %eq3A_0 = arith.cmpi eq, %arg0, %eq3A : i32
    %convert_element_type3A = arith.extui %eq3A_0 : i1 to i32
    %cond3A = arith.constant 0 : i32
    %cond3A_1 = arith.cmpi ne, %convert_element_type3A, %cond3A : i32
    scf.if %cond3A_1 {
      %mul3A = arith.constant 632 : i32
      %mul3A_29 = arith.muli %arg1, %mul3A : i32
      %mul3A_30 = arith.constant 632 : i32
      %mul3A_31 = arith.muli %arg1, %mul3A_30 : i32
      "tpu.region"() ({
        %run_scoped3A = tpu.sem_alloc : memref<!tpu.dma_semaphore, #tpu.memory_space<semaphore_mem>>
        %dma_start3A_32 = arith.constant 0 : i32
        %dma_start3A_33 = tpu.memref_slice %arg15[%mul3A_31, %dma_start3A_32] : memref<10112x128xf32, #tpu.memory_space<vmem_shared>> -> memref<632x128xf32, #tpu.memory_space<vmem_shared>>
        %dma_start3A_34 = arith.constant 0 : i32
        %dma_start3A_35 = tpu.memref_slice %arg2[%mul3A_29, %dma_start3A_34] : memref<10112x128xf32, #tpu.memory_space<hbm>> -> memref<632x128xf32, #tpu.memory_space<hbm>>
        tpu.enqueue_dma source(%dma_start3A_35 : memref<632x128xf32, #tpu.memory_space<hbm>>) target(%dma_start3A_33 : memref<632x128xf32, #tpu.memory_space<vmem_shared>>) target_semaphore(%run_scoped3A : memref<!tpu.dma_semaphore, #tpu.memory_space<semaphore_mem>>)
        %dma_wait3A_36 = arith.constant 0 : i32
        %dma_wait3A_37 = tpu.memref_slice %arg15[%mul3A_31, %dma_wait3A_36] : memref<10112x128xf32, #tpu.memory_space<vmem_shared>> -> memref<632x128xf32, #tpu.memory_space<vmem_shared>>
        %dma_wait3A_38 = arith.constant 0 : i32
        %dma_wait3A_39 = tpu.memref_slice %arg2[%mul3A_29, %dma_wait3A_38] : memref<10112x128xf32, #tpu.memory_space<hbm>> -> memref<632x128xf32, #tpu.memory_space<hbm>>
        tpu.wait_dma2 semaphore(%run_scoped3A : memref<!tpu.dma_semaphore, #tpu.memory_space<semaphore_mem>>) src(%dma_wait3A_39 : memref<632x128xf32, #tpu.memory_space<hbm>>) dst(%dma_wait3A_37 : memref<632x128xf32, #tpu.memory_space<vmem_shared>>)
        tpu.yield
      }) : () -> ()
      "tpu.region"() ({
        %run_scoped3A = tpu.sem_alloc : memref<!tpu.dma_semaphore, #tpu.memory_space<semaphore_mem>>
        %dma_start3A_32 = arith.constant 0 : i32
        %dma_start3A_33 = arith.constant 0 : i32
        %dma_start3A_34 = tpu.memref_slice %arg4[%arg1, %dma_start3A_32, %dma_start3A_33] : memref<16x40x128xi32, #tpu.memory_space<hbm>> -> memref<1x40x128xi32, #tpu.memory_space<hbm>>
        %dma_start3A_35 = tpu.memref_squeeze %dma_start3A_34 : memref<1x40x128xi32, #tpu.memory_space<hbm>> -> memref<40x128xi32, #tpu.memory_space<hbm>>
        %dma_start3A_36 = arith.constant 0 : i32
        %dma_start3A_37 = arith.constant 0 : i32
        %dma_start3A_38 = tpu.memref_slice %arg4[%arg1, %dma_start3A_36, %dma_start3A_37] : memref<16x40x128xi32, #tpu.memory_space<hbm>> -> memref<1x40x128xi32, #tpu.memory_space<hbm>>
        %dma_start3A_39 = tpu.memref_squeeze %dma_start3A_38 : memref<1x40x128xi32, #tpu.memory_space<hbm>> -> memref<40x128xi32, #tpu.memory_space<hbm>>
        tpu.enqueue_dma source(%dma_start3A_39 : memref<40x128xi32, #tpu.memory_space<hbm>>) target(%arg8 : memref<40x128xi32, #tpu.memory_space<vmem>>) target_semaphore(%run_scoped3A : memref<!tpu.dma_semaphore, #tpu.memory_space<semaphore_mem>>)
        %dma_wait3A_40 = arith.constant 0 : i32
        %dma_wait3A_41 = arith.constant 0 : i32
        %dma_wait3A_42 = tpu.memref_slice %arg4[%arg1, %dma_wait3A_40, %dma_wait3A_41] : memref<16x40x128xi32, #tpu.memory_space<hbm>> -> memref<1x40x128xi32, #tpu.memory_space<hbm>>
        %dma_wait3A_43 = tpu.memref_squeeze %dma_wait3A_42 : memref<1x40x128xi32, #tpu.memory_space<hbm>> -> memref<40x128xi32, #tpu.memory_space<hbm>>
        %dma_wait3A_44 = arith.constant 0 : i32
        %dma_wait3A_45 = arith.constant 0 : i32
        %dma_wait3A_46 = tpu.memref_slice %arg4[%arg1, %dma_wait3A_44, %dma_wait3A_45] : memref<16x40x128xi32, #tpu.memory_space<hbm>> -> memref<1x40x128xi32, #tpu.memory_space<hbm>>
        %dma_wait3A_47 = tpu.memref_squeeze %dma_wait3A_46 : memref<1x40x128xi32, #tpu.memory_space<hbm>> -> memref<40x128xi32, #tpu.memory_space<hbm>>
        tpu.wait_dma2 semaphore(%run_scoped3A : memref<!tpu.dma_semaphore, #tpu.memory_space<semaphore_mem>>) src(%dma_wait3A_47 : memref<40x128xi32, #tpu.memory_space<hbm>>) dst(%arg8 : memref<40x128xi32, #tpu.memory_space<vmem>>)
        tpu.yield
      }) : () -> ()
    } else {
    }
    %eq3A_2 = arith.constant 1 : i32
    %eq3A_3 = arith.cmpi eq, %arg0, %eq3A_2 : i32
    %convert_element_type3A_4 = arith.extui %eq3A_3 : i1 to i32
    %cond3A_5 = arith.constant 0 : i32
    %cond3A_6 = arith.cmpi ne, %convert_element_type3A_4, %cond3A_5 : i32
    scf.if %cond3A_6 {
      %mul3A = arith.constant 632 : i32
      %mul3A_29 = arith.muli %arg1, %mul3A : i32
      %mul3A_30 = arith.constant 632 : i32
      %mul3A_31 = arith.muli %arg1, %mul3A_30 : i32
      "tpu.region"() ({
        %run_scoped3A = tpu.sem_alloc : memref<!tpu.dma_semaphore, #tpu.memory_space<semaphore_mem>>
        %dma_start3A_32 = arith.constant 0 : i32
        %dma_start3A_33 = tpu.memref_slice %arg15[%mul3A_31, %dma_start3A_32] : memref<10112x128xf32, #tpu.memory_space<vmem_shared>> -> memref<632x128xf32, #tpu.memory_space<vmem_shared>>
        %dma_start3A_34 = arith.constant 0 : i32
        %dma_start3A_35 = tpu.memref_slice %arg3[%mul3A_29, %dma_start3A_34] : memref<10112x128xf32, #tpu.memory_space<hbm>> -> memref<632x128xf32, #tpu.memory_space<hbm>>
        tpu.enqueue_dma source(%dma_start3A_35 : memref<632x128xf32, #tpu.memory_space<hbm>>) target(%dma_start3A_33 : memref<632x128xf32, #tpu.memory_space<vmem_shared>>) target_semaphore(%run_scoped3A : memref<!tpu.dma_semaphore, #tpu.memory_space<semaphore_mem>>)
        %dma_wait3A_36 = arith.constant 0 : i32
        %dma_wait3A_37 = tpu.memref_slice %arg15[%mul3A_31, %dma_wait3A_36] : memref<10112x128xf32, #tpu.memory_space<vmem_shared>> -> memref<632x128xf32, #tpu.memory_space<vmem_shared>>
        %dma_wait3A_38 = arith.constant 0 : i32
        %dma_wait3A_39 = tpu.memref_slice %arg3[%mul3A_29, %dma_wait3A_38] : memref<10112x128xf32, #tpu.memory_space<hbm>> -> memref<632x128xf32, #tpu.memory_space<hbm>>
        tpu.wait_dma2 semaphore(%run_scoped3A : memref<!tpu.dma_semaphore, #tpu.memory_space<semaphore_mem>>) src(%dma_wait3A_39 : memref<632x128xf32, #tpu.memory_space<hbm>>) dst(%dma_wait3A_37 : memref<632x128xf32, #tpu.memory_space<vmem_shared>>)
        tpu.yield
      }) : () -> ()
      "tpu.region"() ({
        %run_scoped3A = tpu.sem_alloc : memref<!tpu.dma_semaphore, #tpu.memory_space<semaphore_mem>>
        %dma_start3A_32 = arith.constant 0 : i32
        %dma_start3A_33 = arith.constant 0 : i32
        %dma_start3A_34 = tpu.memref_slice %arg5[%arg1, %dma_start3A_32, %dma_start3A_33] : memref<16x40x128xi32, #tpu.memory_space<hbm>> -> memref<1x40x128xi32, #tpu.memory_space<hbm>>
        %dma_start3A_35 = tpu.memref_squeeze %dma_start3A_34 : memref<1x40x128xi32, #tpu.memory_space<hbm>> -> memref<40x128xi32, #tpu.memory_space<hbm>>
        %dma_start3A_36 = arith.constant 0 : i32
        %dma_start3A_37 = arith.constant 0 : i32
        %dma_start3A_38 = tpu.memref_slice %arg5[%arg1, %dma_start3A_36, %dma_start3A_37] : memref<16x40x128xi32, #tpu.memory_space<hbm>> -> memref<1x40x128xi32, #tpu.memory_space<hbm>>
        %dma_start3A_39 = tpu.memref_squeeze %dma_start3A_38 : memref<1x40x128xi32, #tpu.memory_space<hbm>> -> memref<40x128xi32, #tpu.memory_space<hbm>>
        tpu.enqueue_dma source(%dma_start3A_39 : memref<40x128xi32, #tpu.memory_space<hbm>>) target(%arg8 : memref<40x128xi32, #tpu.memory_space<vmem>>) target_semaphore(%run_scoped3A : memref<!tpu.dma_semaphore, #tpu.memory_space<semaphore_mem>>)
        %dma_wait3A_40 = arith.constant 0 : i32
        %dma_wait3A_41 = arith.constant 0 : i32
        %dma_wait3A_42 = tpu.memref_slice %arg5[%arg1, %dma_wait3A_40, %dma_wait3A_41] : memref<16x40x128xi32, #tpu.memory_space<hbm>> -> memref<1x40x128xi32, #tpu.memory_space<hbm>>
        %dma_wait3A_43 = tpu.memref_squeeze %dma_wait3A_42 : memref<1x40x128xi32, #tpu.memory_space<hbm>> -> memref<40x128xi32, #tpu.memory_space<hbm>>
        %dma_wait3A_44 = arith.constant 0 : i32
        %dma_wait3A_45 = arith.constant 0 : i32
        %dma_wait3A_46 = tpu.memref_slice %arg5[%arg1, %dma_wait3A_44, %dma_wait3A_45] : memref<16x40x128xi32, #tpu.memory_space<hbm>> -> memref<1x40x128xi32, #tpu.memory_space<hbm>>
        %dma_wait3A_47 = tpu.memref_squeeze %dma_wait3A_46 : memref<1x40x128xi32, #tpu.memory_space<hbm>> -> memref<40x128xi32, #tpu.memory_space<hbm>>
        tpu.wait_dma2 semaphore(%run_scoped3A : memref<!tpu.dma_semaphore, #tpu.memory_space<semaphore_mem>>) src(%dma_wait3A_47 : memref<40x128xi32, #tpu.memory_space<hbm>>) dst(%arg8 : memref<40x128xi32, #tpu.memory_space<vmem>>)
        tpu.yield
      }) : () -> ()
    } else {
    }
    %barrier3A = arith.constant 0 : index
    tpu.barrier barrier_id(%barrier3A)
    %dma_start3A = arith.constant 0 : i32
    %dma_start3A_7 = arith.constant 0 : i32
    %dma_start3A_8 = tpu.memref_slice %arg8[%dma_start3A, %dma_start3A_7] : memref<40x128xi32, #tpu.memory_space<vmem>> -> memref<1x128xi32, #tpu.memory_space<vmem>>
    %dma_start3A_9 = tpu.memref_squeeze %dma_start3A_8 : memref<1x128xi32, #tpu.memory_space<vmem>> -> memref<128xi32, #tpu.memory_space<vmem>>
    %dma_start3A_10 = arith.constant 0 : i32
    %dma_start3A_11 = arith.constant 0 : i32
    %dma_start3A_12 = tpu.memref_slice %arg15[%dma_start3A_10, %dma_start3A_11] : memref<10112x128xf32, #tpu.memory_space<vmem_shared>> -> memref<10112x128xf32, #tpu.memory_space<vmem_shared>>
    tpu.enqueue_indirect_dma source(%dma_start3A_12 : memref<10112x128xf32, #tpu.memory_space<vmem_shared>>) target(%arg9 : memref<128x128xf32, #tpu.memory_space<vmem>>) offsets(%dma_start3A_9 : memref<128xi32, #tpu.memory_space<vmem>>) semaphore(%arg11 : memref<!tpu.dma_semaphore, #tpu.memory_space<semaphore_mem>>)
    %scan3A = arith.constant 0 : i32
    %scan3A_13 = arith.constant 0 : i32
    %scan3A_14 = arith.constant 20 : i32
    %scan3A_15 = arith.addi %scan3A_13, %scan3A_14 : i32
    %scan3A_16 = arith.constant 1 : i32
    scf.for %scan3A_29 = %scan3A_13 to %scan3A_15 step %scan3A_16  : i32 {
      %mul3A = arith.constant 2 : i32
      %mul3A_30 = arith.muli %mul3A, %scan3A_29 : i32
      %add3A = arith.constant 1 : i32
      %add3A_31 = arith.addi %mul3A_30, %add3A : i32
      %lt3A = arith.constant 40 : i32
      %lt3A_32 = arith.cmpi slt, %add3A_31, %lt3A : i32
      %convert_element_type3A_33 = arith.extui %lt3A_32 : i1 to i32
      %cond3A_34 = arith.constant 0 : i32
      %cond3A_35 = arith.cmpi ne, %convert_element_type3A_33, %cond3A_34 : i32
      scf.if %cond3A_35 {
        %ge3A = arith.constant 1 : i32
        %ge3A_89 = arith.cmpi sge, %mul3A_30, %ge3A : i32
        %convert_element_type3A_90 = arith.extui %ge3A_89 : i1 to i32
        %cond3A_91 = arith.constant 0 : i32
        %cond3A_92 = arith.cmpi ne, %convert_element_type3A_90, %cond3A_91 : i32
        scf.if %cond3A_92 {
          %dma_wait3A_101 = arith.constant 0 : i32
          %dma_wait3A_102 = arith.constant 0 : i32
          %dma_wait3A_103 = tpu.memref_slice %arg2[%dma_wait3A_101, %dma_wait3A_102] : memref<10112x128xf32, #tpu.memory_space<hbm>> -> memref<128x128xf32, #tpu.memory_space<hbm>>
          %dma_wait3A_104 = arith.constant 0 : i32
          %dma_wait3A_105 = arith.constant 0 : i32
          %dma_wait3A_106 = tpu.memref_slice %arg2[%dma_wait3A_104, %dma_wait3A_105] : memref<10112x128xf32, #tpu.memory_space<hbm>> -> memref<128x128xf32, #tpu.memory_space<hbm>>
          tpu.wait_dma2 semaphore(%arg14 : memref<!tpu.dma_semaphore, #tpu.memory_space<semaphore_mem>>) src(%dma_wait3A_106 : memref<128x128xf32, #tpu.memory_space<hbm>>) dst(%arg10 : memref<128x128xf32, #tpu.memory_space<vmem>>)
        } else {
        }
        %add3A_93 = arith.constant 1 : i32
        %add3A_94 = arith.addi %mul3A_30, %add3A_93 : i32
        %dma_start3A_95 = arith.constant 0 : i32
        %dma_start3A_96 = tpu.memref_slice %arg8[%add3A_94, %dma_start3A_95] : memref<40x128xi32, #tpu.memory_space<vmem>> -> memref<1x128xi32, #tpu.memory_space<vmem>>
        %dma_start3A_97 = tpu.memref_squeeze %dma_start3A_96 : memref<1x128xi32, #tpu.memory_space<vmem>> -> memref<128xi32, #tpu.memory_space<vmem>>
        %dma_start3A_98 = arith.constant 0 : i32
        %dma_start3A_99 = arith.constant 0 : i32
        %dma_start3A_100 = tpu.memref_slice %arg15[%dma_start3A_98, %dma_start3A_99] : memref<10112x128xf32, #tpu.memory_space<vmem_shared>> -> memref<10112x128xf32, #tpu.memory_space<vmem_shared>>
        tpu.enqueue_indirect_dma source(%dma_start3A_100 : memref<10112x128xf32, #tpu.memory_space<vmem_shared>>) target(%arg10 : memref<128x128xf32, #tpu.memory_space<vmem>>) offsets(%dma_start3A_97 : memref<128xi32, #tpu.memory_space<vmem>>) semaphore(%arg12 : memref<!tpu.dma_semaphore, #tpu.memory_space<semaphore_mem>>)
      } else {
      }
      %dma_wait3A_36 = arith.constant 0 : i32
      %dma_wait3A_37 = arith.constant 0 : i32
      %dma_wait3A_38 = tpu.memref_slice %arg2[%dma_wait3A_36, %dma_wait3A_37] : memref<10112x128xf32, #tpu.memory_space<hbm>> -> memref<128x128xf32, #tpu.memory_space<hbm>>
      %dma_wait3A_39 = arith.constant 0 : i32
      %dma_wait3A_40 = arith.constant 0 : i32
      %dma_wait3A_41 = tpu.memref_slice %arg2[%dma_wait3A_39, %dma_wait3A_40] : memref<10112x128xf32, #tpu.memory_space<hbm>> -> memref<128x128xf32, #tpu.memory_space<hbm>>
      tpu.wait_dma2 semaphore(%arg11 : memref<!tpu.dma_semaphore, #tpu.memory_space<semaphore_mem>>) src(%dma_wait3A_41 : memref<128x128xf32, #tpu.memory_space<hbm>>) dst(%arg9 : memref<128x128xf32, #tpu.memory_space<vmem>>)
      %mul3A_42 = arith.constant 40 : i32
      %mul3A_43 = arith.muli %arg1, %mul3A_42 : i32
      %add3A_44 = arith.addi %mul3A_43, %mul3A_30 : i32
      %mul3A_45 = arith.constant 128 : i32
      %mul3A_46 = arith.muli %add3A_44, %mul3A_45 : i32
      %eq3A_47 = arith.constant 0 : i32
      %eq3A_48 = arith.cmpi eq, %arg0, %eq3A_47 : i32
      %convert_element_type3A_49 = arith.extui %eq3A_48 : i1 to i32
      %cond3A_50 = arith.constant 0 : i32
      %cond3A_51 = arith.cmpi ne, %convert_element_type3A_49, %cond3A_50 : i32
      scf.if %cond3A_51 {
        %dma_start3A_89 = arith.constant 0 : i32
        %dma_start3A_90 = tpu.memref_slice %arg6[%mul3A_46, %dma_start3A_89] : memref<81920x128xf32, #tpu.memory_space<hbm>> -> memref<128x128xf32, #tpu.memory_space<hbm>>
        %dma_start3A_91 = arith.constant 0 : i32
        %dma_start3A_92 = tpu.memref_slice %arg6[%mul3A_46, %dma_start3A_91] : memref<81920x128xf32, #tpu.memory_space<hbm>> -> memref<128x128xf32, #tpu.memory_space<hbm>>
        tpu.enqueue_dma source(%arg9 : memref<128x128xf32, #tpu.memory_space<vmem>>) target(%dma_start3A_92 : memref<128x128xf32, #tpu.memory_space<hbm>>) target_semaphore(%arg13 : memref<!tpu.dma_semaphore, #tpu.memory_space<semaphore_mem>>)
      } else {
      }
      %eq3A_52 = arith.constant 1 : i32
      %eq3A_53 = arith.cmpi eq, %arg0, %eq3A_52 : i32
      %convert_element_type3A_54 = arith.extui %eq3A_53 : i1 to i32
      %cond3A_55 = arith.constant 0 : i32
      %cond3A_56 = arith.cmpi ne, %convert_element_type3A_54, %cond3A_55 : i32
      scf.if %cond3A_56 {
        %dma_start3A_89 = arith.constant 0 : i32
        %dma_start3A_90 = tpu.memref_slice %arg7[%mul3A_46, %dma_start3A_89] : memref<81920x128xf32, #tpu.memory_space<hbm>> -> memref<128x128xf32, #tpu.memory_space<hbm>>
        %dma_start3A_91 = arith.constant 0 : i32
        %dma_start3A_92 = tpu.memref_slice %arg7[%mul3A_46, %dma_start3A_91] : memref<81920x128xf32, #tpu.memory_space<hbm>> -> memref<128x128xf32, #tpu.memory_space<hbm>>
        tpu.enqueue_dma source(%arg9 : memref<128x128xf32, #tpu.memory_space<vmem>>) target(%dma_start3A_92 : memref<128x128xf32, #tpu.memory_space<hbm>>) target_semaphore(%arg13 : memref<!tpu.dma_semaphore, #tpu.memory_space<semaphore_mem>>)
      } else {
      }
      %mul3A_57 = arith.constant 2 : i32
      %mul3A_58 = arith.muli %mul3A_57, %scan3A_29 : i32
      %add3A_59 = arith.constant 1 : i32
      %add3A_60 = arith.addi %mul3A_58, %add3A_59 : i32
      %add3A_61 = arith.constant 1 : i32
      %add3A_62 = arith.addi %add3A_60, %add3A_61 : i32
      %lt3A_63 = arith.constant 40 : i32
      %lt3A_64 = arith.cmpi slt, %add3A_62, %lt3A_63 : i32
      %convert_element_type3A_65 = arith.extui %lt3A_64 : i1 to i32
      %cond3A_66 = arith.constant 0 : i32
      %cond3A_67 = arith.cmpi ne, %convert_element_type3A_65, %cond3A_66 : i32
      scf.if %cond3A_67 {
        %ge3A = arith.constant 1 : i32
        %ge3A_89 = arith.cmpi sge, %add3A_60, %ge3A : i32
        %convert_element_type3A_90 = arith.extui %ge3A_89 : i1 to i32
        %cond3A_91 = arith.constant 0 : i32
        %cond3A_92 = arith.cmpi ne, %convert_element_type3A_90, %cond3A_91 : i32
        scf.if %cond3A_92 {
          %dma_wait3A_101 = arith.constant 0 : i32
          %dma_wait3A_102 = arith.constant 0 : i32
          %dma_wait3A_103 = tpu.memref_slice %arg2[%dma_wait3A_101, %dma_wait3A_102] : memref<10112x128xf32, #tpu.memory_space<hbm>> -> memref<128x128xf32, #tpu.memory_space<hbm>>
          %dma_wait3A_104 = arith.constant 0 : i32
          %dma_wait3A_105 = arith.constant 0 : i32
          %dma_wait3A_106 = tpu.memref_slice %arg2[%dma_wait3A_104, %dma_wait3A_105] : memref<10112x128xf32, #tpu.memory_space<hbm>> -> memref<128x128xf32, #tpu.memory_space<hbm>>
          tpu.wait_dma2 semaphore(%arg13 : memref<!tpu.dma_semaphore, #tpu.memory_space<semaphore_mem>>) src(%dma_wait3A_106 : memref<128x128xf32, #tpu.memory_space<hbm>>) dst(%arg9 : memref<128x128xf32, #tpu.memory_space<vmem>>)
        } else {
        }
        %add3A_93 = arith.constant 1 : i32
        %add3A_94 = arith.addi %add3A_60, %add3A_93 : i32
        %dma_start3A_95 = arith.constant 0 : i32
        %dma_start3A_96 = tpu.memref_slice %arg8[%add3A_94, %dma_start3A_95] : memref<40x128xi32, #tpu.memory_space<vmem>> -> memref<1x128xi32, #tpu.memory_space<vmem>>
        %dma_start3A_97 = tpu.memref_squeeze %dma_start3A_96 : memref<1x128xi32, #tpu.memory_space<vmem>> -> memref<128xi32, #tpu.memory_space<vmem>>
        %dma_start3A_98 = arith.constant 0 : i32
        %dma_start3A_99 = arith.constant 0 : i32
        %dma_start3A_100 = tpu.memref_slice %arg15[%dma_start3A_98, %dma_start3A_99] : memref<10112x128xf32, #tpu.memory_space<vmem_shared>> -> memref<10112x128xf32, #tpu.memory_space<vmem_shared>>
        tpu.enqueue_indirect_dma source(%dma_start3A_100 : memref<10112x128xf32, #tpu.memory_space<vmem_shared>>) target(%arg9 : memref<128x128xf32, #tpu.memory_space<vmem>>) offsets(%dma_start3A_97 : memref<128xi32, #tpu.memory_space<vmem>>) semaphore(%arg11 : memref<!tpu.dma_semaphore, #tpu.memory_space<semaphore_mem>>)
      } else {
      }
      %dma_wait3A_68 = arith.constant 0 : i32
      %dma_wait3A_69 = arith.constant 0 : i32
      %dma_wait3A_70 = tpu.memref_slice %arg2[%dma_wait3A_68, %dma_wait3A_69] : memref<10112x128xf32, #tpu.memory_space<hbm>> -> memref<128x128xf32, #tpu.memory_space<hbm>>
      %dma_wait3A_71 = arith.constant 0 : i32
      %dma_wait3A_72 = arith.constant 0 : i32
      %dma_wait3A_73 = tpu.memref_slice %arg2[%dma_wait3A_71, %dma_wait3A_72] : memref<10112x128xf32, #tpu.memory_space<hbm>> -> memref<128x128xf32, #tpu.memory_space<hbm>>
      tpu.wait_dma2 semaphore(%arg12 : memref<!tpu.dma_semaphore, #tpu.memory_space<semaphore_mem>>) src(%dma_wait3A_73 : memref<128x128xf32, #tpu.memory_space<hbm>>) dst(%arg10 : memref<128x128xf32, #tpu.memory_space<vmem>>)
      %mul3A_74 = arith.constant 40 : i32
      %mul3A_75 = arith.muli %arg1, %mul3A_74 : i32
      %add3A_76 = arith.addi %mul3A_75, %add3A_60 : i32
      %mul3A_77 = arith.constant 128 : i32
      %mul3A_78 = arith.muli %add3A_76, %mul3A_77 : i32
      %eq3A_79 = arith.constant 0 : i32
      %eq3A_80 = arith.cmpi eq, %arg0, %eq3A_79 : i32
      %convert_element_type3A_81 = arith.extui %eq3A_80 : i1 to i32
      %cond3A_82 = arith.constant 0 : i32
      %cond3A_83 = arith.cmpi ne, %convert_element_type3A_81, %cond3A_82 : i32
      scf.if %cond3A_83 {
        %dma_start3A_89 = arith.constant 0 : i32
        %dma_start3A_90 = tpu.memref_slice %arg6[%mul3A_78, %dma_start3A_89] : memref<81920x128xf32, #tpu.memory_space<hbm>> -> memref<128x128xf32, #tpu.memory_space<hbm>>
        %dma_start3A_91 = arith.constant 0 : i32
        %dma_start3A_92 = tpu.memref_slice %arg6[%mul3A_78, %dma_start3A_91] : memref<81920x128xf32, #tpu.memory_space<hbm>> -> memref<128x128xf32, #tpu.memory_space<hbm>>
        tpu.enqueue_dma source(%arg10 : memref<128x128xf32, #tpu.memory_space<vmem>>) target(%dma_start3A_92 : memref<128x128xf32, #tpu.memory_space<hbm>>) target_semaphore(%arg14 : memref<!tpu.dma_semaphore, #tpu.memory_space<semaphore_mem>>)
      } else {
      }
      %eq3A_84 = arith.constant 1 : i32
      %eq3A_85 = arith.cmpi eq, %arg0, %eq3A_84 : i32
      %convert_element_type3A_86 = arith.extui %eq3A_85 : i1 to i32
      %cond3A_87 = arith.constant 0 : i32
      %cond3A_88 = arith.cmpi ne, %convert_element_type3A_86, %cond3A_87 : i32
      scf.if %cond3A_88 {
        %dma_start3A_89 = arith.constant 0 : i32
        %dma_start3A_90 = tpu.memref_slice %arg7[%mul3A_78, %dma_start3A_89] : memref<81920x128xf32, #tpu.memory_space<hbm>> -> memref<128x128xf32, #tpu.memory_space<hbm>>
        %dma_start3A_91 = arith.constant 0 : i32
        %dma_start3A_92 = tpu.memref_slice %arg7[%mul3A_78, %dma_start3A_91] : memref<81920x128xf32, #tpu.memory_space<hbm>> -> memref<128x128xf32, #tpu.memory_space<hbm>>
        tpu.enqueue_dma source(%arg10 : memref<128x128xf32, #tpu.memory_space<vmem>>) target(%dma_start3A_92 : memref<128x128xf32, #tpu.memory_space<hbm>>) target_semaphore(%arg14 : memref<!tpu.dma_semaphore, #tpu.memory_space<semaphore_mem>>)
      } else {
      }
    }
    %scan3A_17 = arith.constant 20 : i32
    %dma_wait3A = arith.constant 0 : i32
    %dma_wait3A_18 = arith.constant 0 : i32
    %dma_wait3A_19 = tpu.memref_slice %arg2[%dma_wait3A, %dma_wait3A_18] : memref<10112x128xf32, #tpu.memory_space<hbm>> -> memref<128x128xf32, #tpu.memory_space<hbm>>
    %dma_wait3A_20 = arith.constant 0 : i32
    %dma_wait3A_21 = arith.constant 0 : i32
    %dma_wait3A_22 = tpu.memref_slice %arg2[%dma_wait3A_20, %dma_wait3A_21] : memref<10112x128xf32, #tpu.memory_space<hbm>> -> memref<128x128xf32, #tpu.memory_space<hbm>>
    tpu.wait_dma2 semaphore(%arg13 : memref<!tpu.dma_semaphore, #tpu.memory_space<semaphore_mem>>) src(%dma_wait3A_22 : memref<128x128xf32, #tpu.memory_space<hbm>>) dst(%arg9 : memref<128x128xf32, #tpu.memory_space<vmem>>)
    %dma_wait3A_23 = arith.constant 0 : i32
    %dma_wait3A_24 = arith.constant 0 : i32
    %dma_wait3A_25 = tpu.memref_slice %arg2[%dma_wait3A_23, %dma_wait3A_24] : memref<10112x128xf32, #tpu.memory_space<hbm>> -> memref<128x128xf32, #tpu.memory_space<hbm>>
    %dma_wait3A_26 = arith.constant 0 : i32
    %dma_wait3A_27 = arith.constant 0 : i32
    %dma_wait3A_28 = tpu.memref_slice %arg2[%dma_wait3A_26, %dma_wait3A_27] : memref<10112x128xf32, #tpu.memory_space<hbm>> -> memref<128x128xf32, #tpu.memory_space<hbm>>
    tpu.wait_dma2 semaphore(%arg14 : memref<!tpu.dma_semaphore, #tpu.memory_space<semaphore_mem>>) src(%dma_wait3A_28 : memref<128x128xf32, #tpu.memory_space<hbm>>) dst(%arg10 : memref<128x128xf32, #tpu.memory_space<vmem>>)
    return
  }
}

#map = affine_map<(d0, d1) -> (0, 0)>
#map1 = affine_map<(d0, d1) -> (0, 0, 0)>
module attributes {stable_mosaic.version = 14 : i64} {
  func.func @_sc_gather(%arg0: i32, %arg1: i32, %arg2: memref<10112x128xf32, #tpu.memory_space<hbm>>, %arg3: memref<10112x128xf32, #tpu.memory_space<hbm>>, %arg4: memref<16x40x128xi32, #tpu.memory_space<hbm>>, %arg5: memref<16x40x128xi32, #tpu.memory_space<hbm>>, %arg6: memref<81920x128xf32, #tpu.memory_space<hbm>>, %arg7: memref<81920x128xf32, #tpu.memory_space<hbm>>, %arg8: memref<40x128xi32, #tpu.memory_space<vmem>>, %arg9: memref<128x128xf32, #tpu.memory_space<vmem>>, %arg10: memref<128x128xf32, #tpu.memory_space<vmem>>, %arg11: memref<!tpu.dma_semaphore, #tpu.memory_space<semaphore_mem>>, %arg12: memref<!tpu.dma_semaphore, #tpu.memory_space<semaphore_mem>>, %arg13: memref<!tpu.dma_semaphore, #tpu.memory_space<semaphore_mem>>, %arg14: memref<!tpu.dma_semaphore, #tpu.memory_space<semaphore_mem>>, %arg15: memref<10112x128xf32, #tpu.memory_space<vmem_shared>>) attributes {dimension_semantics = [#tpu.dimension_semantics<core_parallel>, #tpu.dimension_semantics<subcore_parallel>], iteration_bounds = array<i64: 2, 16>, scalar_prefetch = 0 : i64, scratch_operands = 8 : i64, tpu.core_type = #tpu.core_type<sc_vector_subcore>, window_params = [{transform_indices = #map}, {transform_indices = #map}, {transform_indices = #map1}, {transform_indices = #map1}, {transform_indices = #map}, {transform_indices = #map}]} {
    %eq3A = arith.constant 0 : i32
    %eq3A_0 = arith.cmpi eq, %arg0, %eq3A : i32
    %convert_element_type3A = arith.extui %eq3A_0 : i1 to i32
    %cond3A = arith.constant 0 : i32
    %cond3A_1 = arith.cmpi ne, %convert_element_type3A, %cond3A : i32
    scf.if %cond3A_1 {
      %mul3A = arith.constant 632 : i32
      %mul3A_29 = arith.muli %arg1, %mul3A : i32
      %mul3A_30 = arith.constant 632 : i32
      %mul3A_31 = arith.muli %arg1, %mul3A_30 : i32
      "tpu.region"() ({
        %run_scoped3A = tpu.sem_alloc : memref<!tpu.dma_semaphore, #tpu.memory_space<semaphore_mem>>
        %dma_start3A_32 = arith.constant 0 : i32
        %dma_start3A_33 = tpu.memref_slice %arg15[%mul3A_31, %dma_start3A_32] : memref<10112x128xf32, #tpu.memory_space<vmem_shared>> -> memref<632x128xf32, #tpu.memory_space<vmem_shared>>
        %dma_start3A_34 = arith.constant 0 : i32
        %dma_start3A_35 = tpu.memref_slice %arg2[%mul3A_29, %dma_start3A_34] : memref<10112x128xf32, #tpu.memory_space<hbm>> -> memref<632x128xf32, #tpu.memory_space<hbm>>
        tpu.enqueue_dma source(%dma_start3A_35 : memref<632x128xf32, #tpu.memory_space<hbm>>) target(%dma_start3A_33 : memref<632x128xf32, #tpu.memory_space<vmem_shared>>) target_semaphore(%run_scoped3A : memref<!tpu.dma_semaphore, #tpu.memory_space<semaphore_mem>>)
        %dma_wait3A_36 = arith.constant 0 : i32
        %dma_wait3A_37 = tpu.memref_slice %arg15[%mul3A_31, %dma_wait3A_36] : memref<10112x128xf32, #tpu.memory_space<vmem_shared>> -> memref<632x128xf32, #tpu.memory_space<vmem_shared>>
        %dma_wait3A_38 = arith.constant 0 : i32
        %dma_wait3A_39 = tpu.memref_slice %arg2[%mul3A_29, %dma_wait3A_38] : memref<10112x128xf32, #tpu.memory_space<hbm>> -> memref<632x128xf32, #tpu.memory_space<hbm>>
        tpu.wait_dma2 semaphore(%run_scoped3A : memref<!tpu.dma_semaphore, #tpu.memory_space<semaphore_mem>>) src(%dma_wait3A_39 : memref<632x128xf32, #tpu.memory_space<hbm>>) dst(%dma_wait3A_37 : memref<632x128xf32, #tpu.memory_space<vmem_shared>>)
        tpu.yield
      }) : () -> ()
      "tpu.region"() ({
        %run_scoped3A = tpu.sem_alloc : memref<!tpu.dma_semaphore, #tpu.memory_space<semaphore_mem>>
        %dma_start3A_32 = arith.constant 0 : i32
        %dma_start3A_33 = arith.constant 0 : i32
        %dma_start3A_34 = tpu.memref_slice %arg4[%arg1, %dma_start3A_32, %dma_start3A_33] : memref<16x40x128xi32, #tpu.memory_space<hbm>> -> memref<1x40x128xi32, #tpu.memory_space<hbm>>
        %dma_start3A_35 = tpu.memref_squeeze %dma_start3A_34 : memref<1x40x128xi32, #tpu.memory_space<hbm>> -> memref<40x128xi32, #tpu.memory_space<hbm>>
        %dma_start3A_36 = arith.constant 0 : i32
        %dma_start3A_37 = arith.constant 0 : i32
        %dma_start3A_38 = tpu.memref_slice %arg4[%arg1, %dma_start3A_36, %dma_start3A_37] : memref<16x40x128xi32, #tpu.memory_space<hbm>> -> memref<1x40x128xi32, #tpu.memory_space<hbm>>
        %dma_start3A_39 = tpu.memref_squeeze %dma_start3A_38 : memref<1x40x128xi32, #tpu.memory_space<hbm>> -> memref<40x128xi32, #tpu.memory_space<hbm>>
        tpu.enqueue_dma source(%dma_start3A_39 : memref<40x128xi32, #tpu.memory_space<hbm>>) target(%arg8 : memref<40x128xi32, #tpu.memory_space<vmem>>) target_semaphore(%run_scoped3A : memref<!tpu.dma_semaphore, #tpu.memory_space<semaphore_mem>>)
        %dma_wait3A_40 = arith.constant 0 : i32
        %dma_wait3A_41 = arith.constant 0 : i32
        %dma_wait3A_42 = tpu.memref_slice %arg4[%arg1, %dma_wait3A_40, %dma_wait3A_41] : memref<16x40x128xi32, #tpu.memory_space<hbm>> -> memref<1x40x128xi32, #tpu.memory_space<hbm>>
        %dma_wait3A_43 = tpu.memref_squeeze %dma_wait3A_42 : memref<1x40x128xi32, #tpu.memory_space<hbm>> -> memref<40x128xi32, #tpu.memory_space<hbm>>
        %dma_wait3A_44 = arith.constant 0 : i32
        %dma_wait3A_45 = arith.constant 0 : i32
        %dma_wait3A_46 = tpu.memref_slice %arg4[%arg1, %dma_wait3A_44, %dma_wait3A_45] : memref<16x40x128xi32, #tpu.memory_space<hbm>> -> memref<1x40x128xi32, #tpu.memory_space<hbm>>
        %dma_wait3A_47 = tpu.memref_squeeze %dma_wait3A_46 : memref<1x40x128xi32, #tpu.memory_space<hbm>> -> memref<40x128xi32, #tpu.memory_space<hbm>>
        tpu.wait_dma2 semaphore(%run_scoped3A : memref<!tpu.dma_semaphore, #tpu.memory_space<semaphore_mem>>) src(%dma_wait3A_47 : memref<40x128xi32, #tpu.memory_space<hbm>>) dst(%arg8 : memref<40x128xi32, #tpu.memory_space<vmem>>)
        tpu.yield
      }) : () -> ()
    } else {
    }
    %eq3A_2 = arith.constant 1 : i32
    %eq3A_3 = arith.cmpi eq, %arg0, %eq3A_2 : i32
    %convert_element_type3A_4 = arith.extui %eq3A_3 : i1 to i32
    %cond3A_5 = arith.constant 0 : i32
    %cond3A_6 = arith.cmpi ne, %convert_element_type3A_4, %cond3A_5 : i32
    scf.if %cond3A_6 {
      %mul3A = arith.constant 632 : i32
      %mul3A_29 = arith.muli %arg1, %mul3A : i32
      %mul3A_30 = arith.constant 632 : i32
      %mul3A_31 = arith.muli %arg1, %mul3A_30 : i32
      "tpu.region"() ({
        %run_scoped3A = tpu.sem_alloc : memref<!tpu.dma_semaphore, #tpu.memory_space<semaphore_mem>>
        %dma_start3A_32 = arith.constant 0 : i32
        %dma_start3A_33 = tpu.memref_slice %arg15[%mul3A_31, %dma_start3A_32] : memref<10112x128xf32, #tpu.memory_space<vmem_shared>> -> memref<632x128xf32, #tpu.memory_space<vmem_shared>>
        %dma_start3A_34 = arith.constant 0 : i32
        %dma_start3A_35 = tpu.memref_slice %arg3[%mul3A_29, %dma_start3A_34] : memref<10112x128xf32, #tpu.memory_space<hbm>> -> memref<632x128xf32, #tpu.memory_space<hbm>>
        tpu.enqueue_dma source(%dma_start3A_35 : memref<632x128xf32, #tpu.memory_space<hbm>>) target(%dma_start3A_33 : memref<632x128xf32, #tpu.memory_space<vmem_shared>>) target_semaphore(%run_scoped3A : memref<!tpu.dma_semaphore, #tpu.memory_space<semaphore_mem>>)
        %dma_wait3A_36 = arith.constant 0 : i32
        %dma_wait3A_37 = tpu.memref_slice %arg15[%mul3A_31, %dma_wait3A_36] : memref<10112x128xf32, #tpu.memory_space<vmem_shared>> -> memref<632x128xf32, #tpu.memory_space<vmem_shared>>
        %dma_wait3A_38 = arith.constant 0 : i32
        %dma_wait3A_39 = tpu.memref_slice %arg3[%mul3A_29, %dma_wait3A_38] : memref<10112x128xf32, #tpu.memory_space<hbm>> -> memref<632x128xf32, #tpu.memory_space<hbm>>
        tpu.wait_dma2 semaphore(%run_scoped3A : memref<!tpu.dma_semaphore, #tpu.memory_space<semaphore_mem>>) src(%dma_wait3A_39 : memref<632x128xf32, #tpu.memory_space<hbm>>) dst(%dma_wait3A_37 : memref<632x128xf32, #tpu.memory_space<vmem_shared>>)
        tpu.yield
      }) : () -> ()
      "tpu.region"() ({
        %run_scoped3A = tpu.sem_alloc : memref<!tpu.dma_semaphore, #tpu.memory_space<semaphore_mem>>
        %dma_start3A_32 = arith.constant 0 : i32
        %dma_start3A_33 = arith.constant 0 : i32
        %dma_start3A_34 = tpu.memref_slice %arg5[%arg1, %dma_start3A_32, %dma_start3A_33] : memref<16x40x128xi32, #tpu.memory_space<hbm>> -> memref<1x40x128xi32, #tpu.memory_space<hbm>>
        %dma_start3A_35 = tpu.memref_squeeze %dma_start3A_34 : memref<1x40x128xi32, #tpu.memory_space<hbm>> -> memref<40x128xi32, #tpu.memory_space<hbm>>
        %dma_start3A_36 = arith.constant 0 : i32
        %dma_start3A_37 = arith.constant 0 : i32
        %dma_start3A_38 = tpu.memref_slice %arg5[%arg1, %dma_start3A_36, %dma_start3A_37] : memref<16x40x128xi32, #tpu.memory_space<hbm>> -> memref<1x40x128xi32, #tpu.memory_space<hbm>>
        %dma_start3A_39 = tpu.memref_squeeze %dma_start3A_38 : memref<1x40x128xi32, #tpu.memory_space<hbm>> -> memref<40x128xi32, #tpu.memory_space<hbm>>
        tpu.enqueue_dma source(%dma_start3A_39 : memref<40x128xi32, #tpu.memory_space<hbm>>) target(%arg8 : memref<40x128xi32, #tpu.memory_space<vmem>>) target_semaphore(%run_scoped3A : memref<!tpu.dma_semaphore, #tpu.memory_space<semaphore_mem>>)
        %dma_wait3A_40 = arith.constant 0 : i32
        %dma_wait3A_41 = arith.constant 0 : i32
        %dma_wait3A_42 = tpu.memref_slice %arg5[%arg1, %dma_wait3A_40, %dma_wait3A_41] : memref<16x40x128xi32, #tpu.memory_space<hbm>> -> memref<1x40x128xi32, #tpu.memory_space<hbm>>
        %dma_wait3A_43 = tpu.memref_squeeze %dma_wait3A_42 : memref<1x40x128xi32, #tpu.memory_space<hbm>> -> memref<40x128xi32, #tpu.memory_space<hbm>>
        %dma_wait3A_44 = arith.constant 0 : i32
        %dma_wait3A_45 = arith.constant 0 : i32
        %dma_wait3A_46 = tpu.memref_slice %arg5[%arg1, %dma_wait3A_44, %dma_wait3A_45] : memref<16x40x128xi32, #tpu.memory_space<hbm>> -> memref<1x40x128xi32, #tpu.memory_space<hbm>>
        %dma_wait3A_47 = tpu.memref_squeeze %dma_wait3A_46 : memref<1x40x128xi32, #tpu.memory_space<hbm>> -> memref<40x128xi32, #tpu.memory_space<hbm>>
        tpu.wait_dma2 semaphore(%run_scoped3A : memref<!tpu.dma_semaphore, #tpu.memory_space<semaphore_mem>>) src(%dma_wait3A_47 : memref<40x128xi32, #tpu.memory_space<hbm>>) dst(%arg8 : memref<40x128xi32, #tpu.memory_space<vmem>>)
        tpu.yield
      }) : () -> ()
    } else {
    }
    %barrier3A = arith.constant 0 : index
    tpu.barrier barrier_id(%barrier3A)
    %dma_start3A = arith.constant 0 : i32
    %dma_start3A_7 = arith.constant 0 : i32
    %dma_start3A_8 = tpu.memref_slice %arg8[%dma_start3A, %dma_start3A_7] : memref<40x128xi32, #tpu.memory_space<vmem>> -> memref<1x128xi32, #tpu.memory_space<vmem>>
    %dma_start3A_9 = tpu.memref_squeeze %dma_start3A_8 : memref<1x128xi32, #tpu.memory_space<vmem>> -> memref<128xi32, #tpu.memory_space<vmem>>
    %dma_start3A_10 = arith.constant 0 : i32
    %dma_start3A_11 = arith.constant 0 : i32
    %dma_start3A_12 = tpu.memref_slice %arg15[%dma_start3A_10, %dma_start3A_11] : memref<10112x128xf32, #tpu.memory_space<vmem_shared>> -> memref<10112x128xf32, #tpu.memory_space<vmem_shared>>
    tpu.enqueue_indirect_dma source(%dma_start3A_12 : memref<10112x128xf32, #tpu.memory_space<vmem_shared>>) target(%arg9 : memref<128x128xf32, #tpu.memory_space<vmem>>) offsets(%dma_start3A_9 : memref<128xi32, #tpu.memory_space<vmem>>) semaphore(%arg11 : memref<!tpu.dma_semaphore, #tpu.memory_space<semaphore_mem>>)
    %scan3A = arith.constant 0 : i32
    %scan3A_13 = arith.constant 0 : i32
    %scan3A_14 = arith.constant 20 : i32
    %scan3A_15 = arith.addi %scan3A_13, %scan3A_14 : i32
    %scan3A_16 = arith.constant 1 : i32
    scf.for %scan3A_29 = %scan3A_13 to %scan3A_15 step %scan3A_16  : i32 {
      %mul3A = arith.constant 2 : i32
      %mul3A_30 = arith.muli %mul3A, %scan3A_29 : i32
      %add3A = arith.constant 1 : i32
      %add3A_31 = arith.addi %mul3A_30, %add3A : i32
      %lt3A = arith.constant 40 : i32
      %lt3A_32 = arith.cmpi slt, %add3A_31, %lt3A : i32
      %convert_element_type3A_33 = arith.extui %lt3A_32 : i1 to i32
      %cond3A_34 = arith.constant 0 : i32
      %cond3A_35 = arith.cmpi ne, %convert_element_type3A_33, %cond3A_34 : i32
      scf.if %cond3A_35 {
        %ge3A = arith.constant 1 : i32
        %ge3A_89 = arith.cmpi sge, %mul3A_30, %ge3A : i32
        %convert_element_type3A_90 = arith.extui %ge3A_89 : i1 to i32
        %cond3A_91 = arith.constant 0 : i32
        %cond3A_92 = arith.cmpi ne, %convert_element_type3A_90, %cond3A_91 : i32
        scf.if %cond3A_92 {
          %dma_wait3A_101 = arith.constant 0 : i32
          %dma_wait3A_102 = arith.constant 0 : i32
          %dma_wait3A_103 = tpu.memref_slice %arg2[%dma_wait3A_101, %dma_wait3A_102] : memref<10112x128xf32, #tpu.memory_space<hbm>> -> memref<128x128xf32, #tpu.memory_space<hbm>>
          %dma_wait3A_104 = arith.constant 0 : i32
          %dma_wait3A_105 = arith.constant 0 : i32
          %dma_wait3A_106 = tpu.memref_slice %arg2[%dma_wait3A_104, %dma_wait3A_105] : memref<10112x128xf32, #tpu.memory_space<hbm>> -> memref<128x128xf32, #tpu.memory_space<hbm>>
          tpu.wait_dma2 semaphore(%arg14 : memref<!tpu.dma_semaphore, #tpu.memory_space<semaphore_mem>>) src(%dma_wait3A_106 : memref<128x128xf32, #tpu.memory_space<hbm>>) dst(%arg10 : memref<128x128xf32, #tpu.memory_space<vmem>>)
        } else {
        }
        %add3A_93 = arith.constant 1 : i32
        %add3A_94 = arith.addi %mul3A_30, %add3A_93 : i32
        %dma_start3A_95 = arith.constant 0 : i32
        %dma_start3A_96 = tpu.memref_slice %arg8[%add3A_94, %dma_start3A_95] : memref<40x128xi32, #tpu.memory_space<vmem>> -> memref<1x128xi32, #tpu.memory_space<vmem>>
        %dma_start3A_97 = tpu.memref_squeeze %dma_start3A_96 : memref<1x128xi32, #tpu.memory_space<vmem>> -> memref<128xi32, #tpu.memory_space<vmem>>
        %dma_start3A_98 = arith.constant 0 : i32
        %dma_start3A_99 = arith.constant 0 : i32
        %dma_start3A_100 = tpu.memref_slice %arg15[%dma_start3A_98, %dma_start3A_99] : memref<10112x128xf32, #tpu.memory_space<vmem_shared>> -> memref<10112x128xf32, #tpu.memory_space<vmem_shared>>
        tpu.enqueue_indirect_dma source(%dma_start3A_100 : memref<10112x128xf32, #tpu.memory_space<vmem_shared>>) target(%arg10 : memref<128x128xf32, #tpu.memory_space<vmem>>) offsets(%dma_start3A_97 : memref<128xi32, #tpu.memory_space<vmem>>) semaphore(%arg12 : memref<!tpu.dma_semaphore, #tpu.memory_space<semaphore_mem>>)
      } else {
      }
      %dma_wait3A_36 = arith.constant 0 : i32
      %dma_wait3A_37 = arith.constant 0 : i32
      %dma_wait3A_38 = tpu.memref_slice %arg2[%dma_wait3A_36, %dma_wait3A_37] : memref<10112x128xf32, #tpu.memory_space<hbm>> -> memref<128x128xf32, #tpu.memory_space<hbm>>
      %dma_wait3A_39 = arith.constant 0 : i32
      %dma_wait3A_40 = arith.constant 0 : i32
      %dma_wait3A_41 = tpu.memref_slice %arg2[%dma_wait3A_39, %dma_wait3A_40] : memref<10112x128xf32, #tpu.memory_space<hbm>> -> memref<128x128xf32, #tpu.memory_space<hbm>>
      tpu.wait_dma2 semaphore(%arg11 : memref<!tpu.dma_semaphore, #tpu.memory_space<semaphore_mem>>) src(%dma_wait3A_41 : memref<128x128xf32, #tpu.memory_space<hbm>>) dst(%arg9 : memref<128x128xf32, #tpu.memory_space<vmem>>)
      %mul3A_42 = arith.constant 40 : i32
      %mul3A_43 = arith.muli %arg1, %mul3A_42 : i32
      %add3A_44 = arith.addi %mul3A_43, %mul3A_30 : i32
      %mul3A_45 = arith.constant 128 : i32
      %mul3A_46 = arith.muli %add3A_44, %mul3A_45 : i32
      %eq3A_47 = arith.constant 0 : i32
      %eq3A_48 = arith.cmpi eq, %arg0, %eq3A_47 : i32
      %convert_element_type3A_49 = arith.extui %eq3A_48 : i1 to i32
      %cond3A_50 = arith.constant 0 : i32
      %cond3A_51 = arith.cmpi ne, %convert_element_type3A_49, %cond3A_50 : i32
      scf.if %cond3A_51 {
        %dma_start3A_89 = arith.constant 0 : i32
        %dma_start3A_90 = tpu.memref_slice %arg6[%mul3A_46, %dma_start3A_89] : memref<81920x128xf32, #tpu.memory_space<hbm>> -> memref<128x128xf32, #tpu.memory_space<hbm>>
        %dma_start3A_91 = arith.constant 0 : i32
        %dma_start3A_92 = tpu.memref_slice %arg6[%mul3A_46, %dma_start3A_91] : memref<81920x128xf32, #tpu.memory_space<hbm>> -> memref<128x128xf32, #tpu.memory_space<hbm>>
        tpu.enqueue_dma source(%arg9 : memref<128x128xf32, #tpu.memory_space<vmem>>) target(%dma_start3A_92 : memref<128x128xf32, #tpu.memory_space<hbm>>) target_semaphore(%arg13 : memref<!tpu.dma_semaphore, #tpu.memory_space<semaphore_mem>>)
      } else {
      }
      %eq3A_52 = arith.constant 1 : i32
      %eq3A_53 = arith.cmpi eq, %arg0, %eq3A_52 : i32
      %convert_element_type3A_54 = arith.extui %eq3A_53 : i1 to i32
      %cond3A_55 = arith.constant 0 : i32
      %cond3A_56 = arith.cmpi ne, %convert_element_type3A_54, %cond3A_55 : i32
      scf.if %cond3A_56 {
        %dma_start3A_89 = arith.constant 0 : i32
        %dma_start3A_90 = tpu.memref_slice %arg7[%mul3A_46, %dma_start3A_89] : memref<81920x128xf32, #tpu.memory_space<hbm>> -> memref<128x128xf32, #tpu.memory_space<hbm>>
        %dma_start3A_91 = arith.constant 0 : i32
        %dma_start3A_92 = tpu.memref_slice %arg7[%mul3A_46, %dma_start3A_91] : memref<81920x128xf32, #tpu.memory_space<hbm>> -> memref<128x128xf32, #tpu.memory_space<hbm>>
        tpu.enqueue_dma source(%arg9 : memref<128x128xf32, #tpu.memory_space<vmem>>) target(%dma_start3A_92 : memref<128x128xf32, #tpu.memory_space<hbm>>) target_semaphore(%arg13 : memref<!tpu.dma_semaphore, #tpu.memory_space<semaphore_mem>>)
      } else {
      }
      %mul3A_57 = arith.constant 2 : i32
      %mul3A_58 = arith.muli %mul3A_57, %scan3A_29 : i32
      %add3A_59 = arith.constant 1 : i32
      %add3A_60 = arith.addi %mul3A_58, %add3A_59 : i32
      %add3A_61 = arith.constant 1 : i32
      %add3A_62 = arith.addi %add3A_60, %add3A_61 : i32
      %lt3A_63 = arith.constant 40 : i32
      %lt3A_64 = arith.cmpi slt, %add3A_62, %lt3A_63 : i32
      %convert_element_type3A_65 = arith.extui %lt3A_64 : i1 to i32
      %cond3A_66 = arith.constant 0 : i32
      %cond3A_67 = arith.cmpi ne, %convert_element_type3A_65, %cond3A_66 : i32
      scf.if %cond3A_67 {
        %ge3A = arith.constant 1 : i32
        %ge3A_89 = arith.cmpi sge, %add3A_60, %ge3A : i32
        %convert_element_type3A_90 = arith.extui %ge3A_89 : i1 to i32
        %cond3A_91 = arith.constant 0 : i32
        %cond3A_92 = arith.cmpi ne, %convert_element_type3A_90, %cond3A_91 : i32
        scf.if %cond3A_92 {
          %dma_wait3A_101 = arith.constant 0 : i32
          %dma_wait3A_102 = arith.constant 0 : i32
          %dma_wait3A_103 = tpu.memref_slice %arg2[%dma_wait3A_101, %dma_wait3A_102] : memref<10112x128xf32, #tpu.memory_space<hbm>> -> memref<128x128xf32, #tpu.memory_space<hbm>>
          %dma_wait3A_104 = arith.constant 0 : i32
          %dma_wait3A_105 = arith.constant 0 : i32
          %dma_wait3A_106 = tpu.memref_slice %arg2[%dma_wait3A_104, %dma_wait3A_105] : memref<10112x128xf32, #tpu.memory_space<hbm>> -> memref<128x128xf32, #tpu.memory_space<hbm>>
          tpu.wait_dma2 semaphore(%arg13 : memref<!tpu.dma_semaphore, #tpu.memory_space<semaphore_mem>>) src(%dma_wait3A_106 : memref<128x128xf32, #tpu.memory_space<hbm>>) dst(%arg9 : memref<128x128xf32, #tpu.memory_space<vmem>>)
        } else {
        }
        %add3A_93 = arith.constant 1 : i32
        %add3A_94 = arith.addi %add3A_60, %add3A_93 : i32
        %dma_start3A_95 = arith.constant 0 : i32
        %dma_start3A_96 = tpu.memref_slice %arg8[%add3A_94, %dma_start3A_95] : memref<40x128xi32, #tpu.memory_space<vmem>> -> memref<1x128xi32, #tpu.memory_space<vmem>>
        %dma_start3A_97 = tpu.memref_squeeze %dma_start3A_96 : memref<1x128xi32, #tpu.memory_space<vmem>> -> memref<128xi32, #tpu.memory_space<vmem>>
        %dma_start3A_98 = arith.constant 0 : i32
        %dma_start3A_99 = arith.constant 0 : i32
        %dma_start3A_100 = tpu.memref_slice %arg15[%dma_start3A_98, %dma_start3A_99] : memref<10112x128xf32, #tpu.memory_space<vmem_shared>> -> memref<10112x128xf32, #tpu.memory_space<vmem_shared>>
        tpu.enqueue_indirect_dma source(%dma_start3A_100 : memref<10112x128xf32, #tpu.memory_space<vmem_shared>>) target(%arg9 : memref<128x128xf32, #tpu.memory_space<vmem>>) offsets(%dma_start3A_97 : memref<128xi32, #tpu.memory_space<vmem>>) semaphore(%arg11 : memref<!tpu.dma_semaphore, #tpu.memory_space<semaphore_mem>>)
      } else {
      }
      %dma_wait3A_68 = arith.constant 0 : i32
      %dma_wait3A_69 = arith.constant 0 : i32
      %dma_wait3A_70 = tpu.memref_slice %arg2[%dma_wait3A_68, %dma_wait3A_69] : memref<10112x128xf32, #tpu.memory_space<hbm>> -> memref<128x128xf32, #tpu.memory_space<hbm>>
      %dma_wait3A_71 = arith.constant 0 : i32
      %dma_wait3A_72 = arith.constant 0 : i32
      %dma_wait3A_73 = tpu.memref_slice %arg2[%dma_wait3A_71, %dma_wait3A_72] : memref<10112x128xf32, #tpu.memory_space<hbm>> -> memref<128x128xf32, #tpu.memory_space<hbm>>
      tpu.wait_dma2 semaphore(%arg12 : memref<!tpu.dma_semaphore, #tpu.memory_space<semaphore_mem>>) src(%dma_wait3A_73 : memref<128x128xf32, #tpu.memory_space<hbm>>) dst(%arg10 : memref<128x128xf32, #tpu.memory_space<vmem>>)
      %mul3A_74 = arith.constant 40 : i32
      %mul3A_75 = arith.muli %arg1, %mul3A_74 : i32
      %add3A_76 = arith.addi %mul3A_75, %add3A_60 : i32
      %mul3A_77 = arith.constant 128 : i32
      %mul3A_78 = arith.muli %add3A_76, %mul3A_77 : i32
      %eq3A_79 = arith.constant 0 : i32
      %eq3A_80 = arith.cmpi eq, %arg0, %eq3A_79 : i32
      %convert_element_type3A_81 = arith.extui %eq3A_80 : i1 to i32
      %cond3A_82 = arith.constant 0 : i32
      %cond3A_83 = arith.cmpi ne, %convert_element_type3A_81, %cond3A_82 : i32
      scf.if %cond3A_83 {
        %dma_start3A_89 = arith.constant 0 : i32
        %dma_start3A_90 = tpu.memref_slice %arg6[%mul3A_78, %dma_start3A_89] : memref<81920x128xf32, #tpu.memory_space<hbm>> -> memref<128x128xf32, #tpu.memory_space<hbm>>
        %dma_start3A_91 = arith.constant 0 : i32
        %dma_start3A_92 = tpu.memref_slice %arg6[%mul3A_78, %dma_start3A_91] : memref<81920x128xf32, #tpu.memory_space<hbm>> -> memref<128x128xf32, #tpu.memory_space<hbm>>
        tpu.enqueue_dma source(%arg10 : memref<128x128xf32, #tpu.memory_space<vmem>>) target(%dma_start3A_92 : memref<128x128xf32, #tpu.memory_space<hbm>>) target_semaphore(%arg14 : memref<!tpu.dma_semaphore, #tpu.memory_space<semaphore_mem>>)
      } else {
      }
      %eq3A_84 = arith.constant 1 : i32
      %eq3A_85 = arith.cmpi eq, %arg0, %eq3A_84 : i32
      %convert_element_type3A_86 = arith.extui %eq3A_85 : i1 to i32
      %cond3A_87 = arith.constant 0 : i32
      %cond3A_88 = arith.cmpi ne, %convert_element_type3A_86, %cond3A_87 : i32
      scf.if %cond3A_88 {
        %dma_start3A_89 = arith.constant 0 : i32
        %dma_start3A_90 = tpu.memref_slice %arg7[%mul3A_78, %dma_start3A_89] : memref<81920x128xf32, #tpu.memory_space<hbm>> -> memref<128x128xf32, #tpu.memory_space<hbm>>
        %dma_start3A_91 = arith.constant 0 : i32
        %dma_start3A_92 = tpu.memref_slice %arg7[%mul3A_78, %dma_start3A_91] : memref<81920x128xf32, #tpu.memory_space<hbm>> -> memref<128x128xf32, #tpu.memory_space<hbm>>
        tpu.enqueue_dma source(%arg10 : memref<128x128xf32, #tpu.memory_space<vmem>>) target(%dma_start3A_92 : memref<128x128xf32, #tpu.memory_space<hbm>>) target_semaphore(%arg14 : memref<!tpu.dma_semaphore, #tpu.memory_space<semaphore_mem>>)
      } else {
      }
    }
    %scan3A_17 = arith.constant 20 : i32
    %dma_wait3A = arith.constant 0 : i32
    %dma_wait3A_18 = arith.constant 0 : i32
    %dma_wait3A_19 = tpu.memref_slice %arg2[%dma_wait3A, %dma_wait3A_18] : memref<10112x128xf32, #tpu.memory_space<hbm>> -> memref<128x128xf32, #tpu.memory_space<hbm>>
    %dma_wait3A_20 = arith.constant 0 : i32
    %dma_wait3A_21 = arith.constant 0 : i32
    %dma_wait3A_22 = tpu.memref_slice %arg2[%dma_wait3A_20, %dma_wait3A_21] : memref<10112x128xf32, #tpu.memory_space<hbm>> -> memref<128x128xf32, #tpu.memory_space<hbm>>
    tpu.wait_dma2 semaphore(%arg13 : memref<!tpu.dma_semaphore, #tpu.memory_space<semaphore_mem>>) src(%dma_wait3A_22 : memref<128x128xf32, #tpu.memory_space<hbm>>) dst(%arg9 : memref<128x128xf32, #tpu.memory_space<vmem>>)
    %dma_wait3A_23 = arith.constant 0 : i32
    %dma_wait3A_24 = arith.constant 0 : i32
    %dma_wait3A_25 = tpu.memref_slice %arg2[%dma_wait3A_23, %dma_wait3A_24] : memref<10112x128xf32, #tpu.memory_space<hbm>> -> memref<128x128xf32, #tpu.memory_space<hbm>>
    %dma_wait3A_26 = arith.constant 0 : i32
    %dma_wait3A_27 = arith.constant 0 : i32
    %dma_wait3A_28 = tpu.memref_slice %arg2[%dma_wait3A_26, %dma_wait3A_27] : memref<10112x128xf32, #tpu.memory_space<hbm>> -> memref<128x128xf32, #tpu.memory_space<hbm>>
    tpu.wait_dma2 semaphore(%arg14 : memref<!tpu.dma_semaphore, #tpu.memory_space<semaphore_mem>>) src(%dma_wait3A_28 : memref<128x128xf32, #tpu.memory_space<hbm>>) dst(%arg10 : memref<128x128xf32, #tpu.memory_space<vmem>>)
    return
  }
}

#map = affine_map<(d0, d1) -> (0, 0)>
#map1 = affine_map<(d0, d1) -> (0, 0, 0, 0)>
module attributes {stable_mosaic.version = 14 : i64} {
  func.func @_sc_scatter(%arg0: i32, %arg1: i32, %arg2: memref<81920x128xf32, #tpu.memory_space<hbm>>, %arg3: memref<81920x128xf32, #tpu.memory_space<hbm>>, %arg4: memref<2x32x20x128xi32, #tpu.memory_space<hbm>>, %arg5: memref<10112x128xf32, #tpu.memory_space<hbm>>, %arg6: memref<20224x128xf32, #tpu.memory_space<hbm>>, %arg7: memref<20x128xi32, #tpu.memory_space<vmem>>, %arg8: memref<128x128xf32, #tpu.memory_space<vmem>>, %arg9: memref<128x128xf32, #tpu.memory_space<vmem>>, %arg10: memref<!tpu.dma_semaphore, #tpu.memory_space<semaphore_mem>>, %arg11: memref<!tpu.dma_semaphore, #tpu.memory_space<semaphore_mem>>, %arg12: memref<!tpu.dma_semaphore, #tpu.memory_space<semaphore_mem>>, %arg13: memref<!tpu.dma_semaphore, #tpu.memory_space<semaphore_mem>>, %arg14: memref<10112x128xf32, #tpu.memory_space<vmem_shared>>) attributes {dimension_semantics = [#tpu.dimension_semantics<core_parallel>, #tpu.dimension_semantics<subcore_parallel>], iteration_bounds = array<i64: 2, 16>, scalar_prefetch = 0 : i64, scratch_operands = 8 : i64, tpu.core_type = #tpu.core_type<sc_vector_subcore>, window_params = [{transform_indices = #map}, {transform_indices = #map}, {transform_indices = #map1}, {transform_indices = #map}, {transform_indices = #map}]} {
    %mul3A = arith.constant 16 : i32
    %mul3A_0 = arith.muli %arg0, %mul3A : i32
    %add3A = arith.addi %mul3A_0, %arg1 : i32
    %run_scoped3A = arith.constant 0 : i32
    "tpu.region"() ({
      %run_scoped3A_43 = tpu.sem_alloc : memref<!tpu.dma_semaphore, #tpu.memory_space<semaphore_mem>>
      %dma_start3A_44 = arith.constant 0 : i32
      %dma_start3A_45 = arith.constant 0 : i32
      %dma_start3A_46 = tpu.memref_slice %arg4[%run_scoped3A, %add3A, %dma_start3A_44, %dma_start3A_45] : memref<2x32x20x128xi32, #tpu.memory_space<hbm>> -> memref<1x1x20x128xi32, #tpu.memory_space<hbm>>
      %dma_start3A_47 = tpu.memref_squeeze %dma_start3A_46 : memref<1x1x20x128xi32, #tpu.memory_space<hbm>> -> memref<20x128xi32, #tpu.memory_space<hbm>>
      %dma_start3A_48 = arith.constant 0 : i32
      %dma_start3A_49 = arith.constant 0 : i32
      %dma_start3A_50 = tpu.memref_slice %arg4[%run_scoped3A, %add3A, %dma_start3A_48, %dma_start3A_49] : memref<2x32x20x128xi32, #tpu.memory_space<hbm>> -> memref<1x1x20x128xi32, #tpu.memory_space<hbm>>
      %dma_start3A_51 = tpu.memref_squeeze %dma_start3A_50 : memref<1x1x20x128xi32, #tpu.memory_space<hbm>> -> memref<20x128xi32, #tpu.memory_space<hbm>>
      tpu.enqueue_dma source(%dma_start3A_51 : memref<20x128xi32, #tpu.memory_space<hbm>>) target(%arg7 : memref<20x128xi32, #tpu.memory_space<vmem>>) target_semaphore(%run_scoped3A_43 : memref<!tpu.dma_semaphore, #tpu.memory_space<semaphore_mem>>)
      %dma_wait3A_52 = arith.constant 0 : i32
      %dma_wait3A_53 = arith.constant 0 : i32
      %dma_wait3A_54 = tpu.memref_slice %arg4[%run_scoped3A, %add3A, %dma_wait3A_52, %dma_wait3A_53] : memref<2x32x20x128xi32, #tpu.memory_space<hbm>> -> memref<1x1x20x128xi32, #tpu.memory_space<hbm>>
      %dma_wait3A_55 = tpu.memref_squeeze %dma_wait3A_54 : memref<1x1x20x128xi32, #tpu.memory_space<hbm>> -> memref<20x128xi32, #tpu.memory_space<hbm>>
      %dma_wait3A_56 = arith.constant 0 : i32
      %dma_wait3A_57 = arith.constant 0 : i32
      %dma_wait3A_58 = tpu.memref_slice %arg4[%run_scoped3A, %add3A, %dma_wait3A_56, %dma_wait3A_57] : memref<2x32x20x128xi32, #tpu.memory_space<hbm>> -> memref<1x1x20x128xi32, #tpu.memory_space<hbm>>
      %dma_wait3A_59 = tpu.memref_squeeze %dma_wait3A_58 : memref<1x1x20x128xi32, #tpu.memory_space<hbm>> -> memref<20x128xi32, #tpu.memory_space<hbm>>
      tpu.wait_dma2 semaphore(%run_scoped3A_43 : memref<!tpu.dma_semaphore, #tpu.memory_space<semaphore_mem>>) src(%dma_wait3A_59 : memref<20x128xi32, #tpu.memory_space<hbm>>) dst(%arg7 : memref<20x128xi32, #tpu.memory_space<vmem>>)
      tpu.yield
    }) : () -> ()
    %mul3A_1 = arith.constant 20 : i32
    %mul3A_2 = arith.muli %add3A, %mul3A_1 : i32
    %mul3A_3 = arith.constant 128 : i32
    %mul3A_4 = arith.muli %mul3A_2, %mul3A_3 : i32
    %dma_start3A = arith.constant 0 : i32
    %dma_start3A_5 = tpu.memref_slice %arg2[%mul3A_4, %dma_start3A] : memref<81920x128xf32, #tpu.memory_space<hbm>> -> memref<128x128xf32, #tpu.memory_space<hbm>>
    %dma_start3A_6 = arith.constant 0 : i32
    %dma_start3A_7 = tpu.memref_slice %arg2[%mul3A_4, %dma_start3A_6] : memref<81920x128xf32, #tpu.memory_space<hbm>> -> memref<128x128xf32, #tpu.memory_space<hbm>>
    tpu.enqueue_dma source(%dma_start3A_7 : memref<128x128xf32, #tpu.memory_space<hbm>>) target(%arg8 : memref<128x128xf32, #tpu.memory_space<vmem>>) target_semaphore(%arg10 : memref<!tpu.dma_semaphore, #tpu.memory_space<semaphore_mem>>)
    %mul3A_8 = arith.constant 632 : i32
    %mul3A_9 = arith.muli %arg1, %mul3A_8 : i32
    %mul3A_10 = arith.constant 632 : i32
    %mul3A_11 = arith.muli %arg1, %mul3A_10 : i32
    "tpu.region"() ({
      %run_scoped3A_43 = tpu.sem_alloc : memref<!tpu.dma_semaphore, #tpu.memory_space<semaphore_mem>>
      %dma_start3A_44 = arith.constant 0 : i32
      %dma_start3A_45 = tpu.memref_slice %arg14[%mul3A_11, %dma_start3A_44] : memref<10112x128xf32, #tpu.memory_space<vmem_shared>> -> memref<632x128xf32, #tpu.memory_space<vmem_shared>>
      %dma_start3A_46 = arith.constant 0 : i32
      %dma_start3A_47 = tpu.memref_slice %arg5[%mul3A_9, %dma_start3A_46] : memref<10112x128xf32, #tpu.memory_space<hbm>> -> memref<632x128xf32, #tpu.memory_space<hbm>>
      tpu.enqueue_dma source(%dma_start3A_47 : memref<632x128xf32, #tpu.memory_space<hbm>>) target(%dma_start3A_45 : memref<632x128xf32, #tpu.memory_space<vmem_shared>>) target_semaphore(%run_scoped3A_43 : memref<!tpu.dma_semaphore, #tpu.memory_space<semaphore_mem>>)
      %dma_wait3A_48 = arith.constant 0 : i32
      %dma_wait3A_49 = tpu.memref_slice %arg14[%mul3A_11, %dma_wait3A_48] : memref<10112x128xf32, #tpu.memory_space<vmem_shared>> -> memref<632x128xf32, #tpu.memory_space<vmem_shared>>
      %dma_wait3A_50 = arith.constant 0 : i32
      %dma_wait3A_51 = tpu.memref_slice %arg5[%mul3A_9, %dma_wait3A_50] : memref<10112x128xf32, #tpu.memory_space<hbm>> -> memref<632x128xf32, #tpu.memory_space<hbm>>
      tpu.wait_dma2 semaphore(%run_scoped3A_43 : memref<!tpu.dma_semaphore, #tpu.memory_space<semaphore_mem>>) src(%dma_wait3A_51 : memref<632x128xf32, #tpu.memory_space<hbm>>) dst(%dma_wait3A_49 : memref<632x128xf32, #tpu.memory_space<vmem_shared>>)
      tpu.yield
    }) : () -> ()
    %barrier3A = arith.constant 0 : index
    tpu.barrier barrier_id(%barrier3A)
    %scan3A = arith.constant 0 : i32
    %scan3A_12 = arith.constant 0 : i32
    %scan3A_13 = arith.constant 10 : i32
    %scan3A_14 = arith.addi %scan3A_12, %scan3A_13 : i32
    %scan3A_15 = arith.constant 1 : i32
    scf.for %scan3A_43 = %scan3A_12 to %scan3A_14 step %scan3A_15  : i32 {
      %mul3A_44 = arith.constant 2 : i32
      %mul3A_45 = arith.muli %mul3A_44, %scan3A_43 : i32
      %ge3A = arith.constant 1 : i32
      %ge3A_46 = arith.cmpi sge, %mul3A_45, %ge3A : i32
      %convert_element_type3A = arith.extui %ge3A_46 : i1 to i32
      %cond3A = arith.constant 0 : i32
      %cond3A_47 = arith.cmpi ne, %convert_element_type3A, %cond3A : i32
      scf.if %cond3A_47 {
        %dma_wait3A_107 = arith.constant 0 : i32
        %dma_wait3A_108 = arith.constant 0 : i32
        %dma_wait3A_109 = tpu.memref_slice %arg2[%dma_wait3A_107, %dma_wait3A_108] : memref<81920x128xf32, #tpu.memory_space<hbm>> -> memref<128x128xf32, #tpu.memory_space<hbm>>
        %dma_wait3A_110 = arith.constant 0 : i32
        %dma_wait3A_111 = arith.constant 0 : i32
        %dma_wait3A_112 = tpu.memref_slice %arg2[%dma_wait3A_110, %dma_wait3A_111] : memref<81920x128xf32, #tpu.memory_space<hbm>> -> memref<128x128xf32, #tpu.memory_space<hbm>>
        tpu.wait_dma2 semaphore(%arg13 : memref<!tpu.dma_semaphore, #tpu.memory_space<semaphore_mem>>) src(%dma_wait3A_112 : memref<128x128xf32, #tpu.memory_space<hbm>>) dst(%arg9 : memref<128x128xf32, #tpu.memory_space<vmem>>)
      } else {
      }
      %add3A_48 = arith.constant 1 : i32
      %add3A_49 = arith.addi %mul3A_45, %add3A_48 : i32
      %lt3A = arith.constant 20 : i32
      %lt3A_50 = arith.cmpi slt, %add3A_49, %lt3A : i32
      %convert_element_type3A_51 = arith.extui %lt3A_50 : i1 to i32
      %cond3A_52 = arith.constant 0 : i32
      %cond3A_53 = arith.cmpi ne, %convert_element_type3A_51, %cond3A_52 : i32
      scf.if %cond3A_53 {
        %mul3A_107 = arith.constant 20 : i32
        %mul3A_108 = arith.muli %add3A, %mul3A_107 : i32
        %add3A_109 = arith.addi %mul3A_108, %mul3A_45 : i32
        %add3A_110 = arith.constant 1 : i32
        %add3A_111 = arith.addi %add3A_109, %add3A_110 : i32
        %mul3A_112 = arith.constant 128 : i32
        %mul3A_113 = arith.muli %add3A_111, %mul3A_112 : i32
        %dma_start3A_114 = arith.constant 0 : i32
        %dma_start3A_115 = tpu.memref_slice %arg2[%mul3A_113, %dma_start3A_114] : memref<81920x128xf32, #tpu.memory_space<hbm>> -> memref<128x128xf32, #tpu.memory_space<hbm>>
        %dma_start3A_116 = arith.constant 0 : i32
        %dma_start3A_117 = tpu.memref_slice %arg2[%mul3A_113, %dma_start3A_116] : memref<81920x128xf32, #tpu.memory_space<hbm>> -> memref<128x128xf32, #tpu.memory_space<hbm>>
        tpu.enqueue_dma source(%dma_start3A_117 : memref<128x128xf32, #tpu.memory_space<hbm>>) target(%arg9 : memref<128x128xf32, #tpu.memory_space<vmem>>) target_semaphore(%arg11 : memref<!tpu.dma_semaphore, #tpu.memory_space<semaphore_mem>>)
      } else {
      }
      %add3A_54 = arith.constant 1 : i32
      %add3A_55 = arith.addi %mul3A_45, %add3A_54 : i32
      %eq3A = arith.constant 20 : i32
      %eq3A_56 = arith.cmpi eq, %add3A_55, %eq3A : i32
      %convert_element_type3A_57 = arith.extui %eq3A_56 : i1 to i32
      %cond3A_58 = arith.constant 0 : i32
      %cond3A_59 = arith.cmpi ne, %convert_element_type3A_57, %cond3A_58 : i32
      scf.if %cond3A_59 {
        %mul3A_107 = arith.constant 20 : i32
        %mul3A_108 = arith.muli %add3A, %mul3A_107 : i32
        %mul3A_109 = arith.constant 128 : i32
        %mul3A_110 = arith.muli %mul3A_108, %mul3A_109 : i32
        %dma_start3A_111 = arith.constant 0 : i32
        %dma_start3A_112 = tpu.memref_slice %arg3[%mul3A_110, %dma_start3A_111] : memref<81920x128xf32, #tpu.memory_space<hbm>> -> memref<128x128xf32, #tpu.memory_space<hbm>>
        %dma_start3A_113 = arith.constant 0 : i32
        %dma_start3A_114 = tpu.memref_slice %arg3[%mul3A_110, %dma_start3A_113] : memref<81920x128xf32, #tpu.memory_space<hbm>> -> memref<128x128xf32, #tpu.memory_space<hbm>>
        tpu.enqueue_dma source(%dma_start3A_114 : memref<128x128xf32, #tpu.memory_space<hbm>>) target(%arg9 : memref<128x128xf32, #tpu.memory_space<vmem>>) target_semaphore(%arg11 : memref<!tpu.dma_semaphore, #tpu.memory_space<semaphore_mem>>)
      } else {
      }
      %dma_wait3A_60 = arith.constant 0 : i32
      %dma_wait3A_61 = arith.constant 0 : i32
      %dma_wait3A_62 = tpu.memref_slice %arg2[%dma_wait3A_60, %dma_wait3A_61] : memref<81920x128xf32, #tpu.memory_space<hbm>> -> memref<128x128xf32, #tpu.memory_space<hbm>>
      %dma_wait3A_63 = arith.constant 0 : i32
      %dma_wait3A_64 = arith.constant 0 : i32
      %dma_wait3A_65 = tpu.memref_slice %arg2[%dma_wait3A_63, %dma_wait3A_64] : memref<81920x128xf32, #tpu.memory_space<hbm>> -> memref<128x128xf32, #tpu.memory_space<hbm>>
      tpu.wait_dma2 semaphore(%arg10 : memref<!tpu.dma_semaphore, #tpu.memory_space<semaphore_mem>>) src(%dma_wait3A_65 : memref<128x128xf32, #tpu.memory_space<hbm>>) dst(%arg8 : memref<128x128xf32, #tpu.memory_space<vmem>>)
      %dma_start3A_66 = arith.constant 0 : i32
      %dma_start3A_67 = tpu.memref_slice %arg7[%mul3A_45, %dma_start3A_66] : memref<20x128xi32, #tpu.memory_space<vmem>> -> memref<1x128xi32, #tpu.memory_space<vmem>>
      %dma_start3A_68 = tpu.memref_squeeze %dma_start3A_67 : memref<1x128xi32, #tpu.memory_space<vmem>> -> memref<128xi32, #tpu.memory_space<vmem>>
      %dma_start3A_69 = arith.constant 0 : i32
      %dma_start3A_70 = arith.constant 0 : i32
      %dma_start3A_71 = tpu.memref_slice %arg14[%dma_start3A_69, %dma_start3A_70] : memref<10112x128xf32, #tpu.memory_space<vmem_shared>> -> memref<10112x128xf32, #tpu.memory_space<vmem_shared>>
      tpu.enqueue_indirect_dma source(%arg8 : memref<128x128xf32, #tpu.memory_space<vmem>>) target(%dma_start3A_71 : memref<10112x128xf32, #tpu.memory_space<vmem_shared>>) offsets(%dma_start3A_68 : memref<128xi32, #tpu.memory_space<vmem>>) semaphore(%arg12 : memref<!tpu.dma_semaphore, #tpu.memory_space<semaphore_mem>>) {add = true}
      %mul3A_72 = arith.constant 2 : i32
      %mul3A_73 = arith.muli %mul3A_72, %scan3A_43 : i32
      %add3A_74 = arith.constant 1 : i32
      %add3A_75 = arith.addi %mul3A_73, %add3A_74 : i32
      %ge3A_76 = arith.constant 1 : i32
      %ge3A_77 = arith.cmpi sge, %add3A_75, %ge3A_76 : i32
      %convert_element_type3A_78 = arith.extui %ge3A_77 : i1 to i32
      %cond3A_79 = arith.constant 0 : i32
      %cond3A_80 = arith.cmpi ne, %convert_element_type3A_78, %cond3A_79 : i32
      scf.if %cond3A_80 {
        %dma_wait3A_107 = arith.constant 0 : i32
        %dma_wait3A_108 = arith.constant 0 : i32
        %dma_wait3A_109 = tpu.memref_slice %arg2[%dma_wait3A_107, %dma_wait3A_108] : memref<81920x128xf32, #tpu.memory_space<hbm>> -> memref<128x128xf32, #tpu.memory_space<hbm>>
        %dma_wait3A_110 = arith.constant 0 : i32
        %dma_wait3A_111 = arith.constant 0 : i32
        %dma_wait3A_112 = tpu.memref_slice %arg2[%dma_wait3A_110, %dma_wait3A_111] : memref<81920x128xf32, #tpu.memory_space<hbm>> -> memref<128x128xf32, #tpu.memory_space<hbm>>
        tpu.wait_dma2 semaphore(%arg12 : memref<!tpu.dma_semaphore, #tpu.memory_space<semaphore_mem>>) src(%dma_wait3A_112 : memref<128x128xf32, #tpu.memory_space<hbm>>) dst(%arg8 : memref<128x128xf32, #tpu.memory_space<vmem>>)
      } else {
      }
      %add3A_81 = arith.constant 1 : i32
      %add3A_82 = arith.addi %add3A_75, %add3A_81 : i32
      %lt3A_83 = arith.constant 20 : i32
      %lt3A_84 = arith.cmpi slt, %add3A_82, %lt3A_83 : i32
      %convert_element_type3A_85 = arith.extui %lt3A_84 : i1 to i32
      %cond3A_86 = arith.constant 0 : i32
      %cond3A_87 = arith.cmpi ne, %convert_element_type3A_85, %cond3A_86 : i32
      scf.if %cond3A_87 {
        %mul3A_107 = arith.constant 20 : i32
        %mul3A_108 = arith.muli %add3A, %mul3A_107 : i32
        %add3A_109 = arith.addi %mul3A_108, %add3A_75 : i32
        %add3A_110 = arith.constant 1 : i32
        %add3A_111 = arith.addi %add3A_109, %add3A_110 : i32
        %mul3A_112 = arith.constant 128 : i32
        %mul3A_113 = arith.muli %add3A_111, %mul3A_112 : i32
        %dma_start3A_114 = arith.constant 0 : i32
        %dma_start3A_115 = tpu.memref_slice %arg2[%mul3A_113, %dma_start3A_114] : memref<81920x128xf32, #tpu.memory_space<hbm>> -> memref<128x128xf32, #tpu.memory_space<hbm>>
        %dma_start3A_116 = arith.constant 0 : i32
        %dma_start3A_117 = tpu.memref_slice %arg2[%mul3A_113, %dma_start3A_116] : memref<81920x128xf32, #tpu.memory_space<hbm>> -> memref<128x128xf32, #tpu.memory_space<hbm>>
        tpu.enqueue_dma source(%dma_start3A_117 : memref<128x128xf32, #tpu.memory_space<hbm>>) target(%arg8 : memref<128x128xf32, #tpu.memory_space<vmem>>) target_semaphore(%arg10 : memref<!tpu.dma_semaphore, #tpu.memory_space<semaphore_mem>>)
      } else {
      }
      %add3A_88 = arith.constant 1 : i32
      %add3A_89 = arith.addi %add3A_75, %add3A_88 : i32
      %eq3A_90 = arith.constant 20 : i32
      %eq3A_91 = arith.cmpi eq, %add3A_89, %eq3A_90 : i32
      %convert_element_type3A_92 = arith.extui %eq3A_91 : i1 to i32
      %cond3A_93 = arith.constant 0 : i32
      %cond3A_94 = arith.cmpi ne, %convert_element_type3A_92, %cond3A_93 : i32
      scf.if %cond3A_94 {
        %mul3A_107 = arith.constant 20 : i32
        %mul3A_108 = arith.muli %add3A, %mul3A_107 : i32
        %mul3A_109 = arith.constant 128 : i32
        %mul3A_110 = arith.muli %mul3A_108, %mul3A_109 : i32
        %dma_start3A_111 = arith.constant 0 : i32
        %dma_start3A_112 = tpu.memref_slice %arg3[%mul3A_110, %dma_start3A_111] : memref<81920x128xf32, #tpu.memory_space<hbm>> -> memref<128x128xf32, #tpu.memory_space<hbm>>
        %dma_start3A_113 = arith.constant 0 : i32
        %dma_start3A_114 = tpu.memref_slice %arg3[%mul3A_110, %dma_start3A_113] : memref<81920x128xf32, #tpu.memory_space<hbm>> -> memref<128x128xf32, #tpu.memory_space<hbm>>
        tpu.enqueue_dma source(%dma_start3A_114 : memref<128x128xf32, #tpu.memory_space<hbm>>) target(%arg8 : memref<128x128xf32, #tpu.memory_space<vmem>>) target_semaphore(%arg10 : memref<!tpu.dma_semaphore, #tpu.memory_space<semaphore_mem>>)
      } else {
      }
      %dma_wait3A_95 = arith.constant 0 : i32
      %dma_wait3A_96 = arith.constant 0 : i32
      %dma_wait3A_97 = tpu.memref_slice %arg2[%dma_wait3A_95, %dma_wait3A_96] : memref<81920x128xf32, #tpu.memory_space<hbm>> -> memref<128x128xf32, #tpu.memory_space<hbm>>
      %dma_wait3A_98 = arith.constant 0 : i32
      %dma_wait3A_99 = arith.constant 0 : i32
      %dma_wait3A_100 = tpu.memref_slice %arg2[%dma_wait3A_98, %dma_wait3A_99] : memref<81920x128xf32, #tpu.memory_space<hbm>> -> memref<128x128xf32, #tpu.memory_space<hbm>>
      tpu.wait_dma2 semaphore(%arg11 : memref<!tpu.dma_semaphore, #tpu.memory_space<semaphore_mem>>) src(%dma_wait3A_100 : memref<128x128xf32, #tpu.memory_space<hbm>>) dst(%arg9 : memref<128x128xf32, #tpu.memory_space<vmem>>)
      %dma_start3A_101 = arith.constant 0 : i32
      %dma_start3A_102 = tpu.memref_slice %arg7[%add3A_75, %dma_start3A_101] : memref<20x128xi32, #tpu.memory_space<vmem>> -> memref<1x128xi32, #tpu.memory_space<vmem>>
      %dma_start3A_103 = tpu.memref_squeeze %dma_start3A_102 : memref<1x128xi32, #tpu.memory_space<vmem>> -> memref<128xi32, #tpu.memory_space<vmem>>
      %dma_start3A_104 = arith.constant 0 : i32
      %dma_start3A_105 = arith.constant 0 : i32
      %dma_start3A_106 = tpu.memref_slice %arg14[%dma_start3A_104, %dma_start3A_105] : memref<10112x128xf32, #tpu.memory_space<vmem_shared>> -> memref<10112x128xf32, #tpu.memory_space<vmem_shared>>
      tpu.enqueue_indirect_dma source(%arg9 : memref<128x128xf32, #tpu.memory_space<vmem>>) target(%dma_start3A_106 : memref<10112x128xf32, #tpu.memory_space<vmem_shared>>) offsets(%dma_start3A_103 : memref<128xi32, #tpu.memory_space<vmem>>) semaphore(%arg13 : memref<!tpu.dma_semaphore, #tpu.memory_space<semaphore_mem>>) {add = true}
    }
    %scan3A_16 = arith.constant 10 : i32
    %dma_wait3A = arith.constant 0 : i32
    %dma_wait3A_17 = arith.constant 0 : i32
    %dma_wait3A_18 = tpu.memref_slice %arg2[%dma_wait3A, %dma_wait3A_17] : memref<81920x128xf32, #tpu.memory_space<hbm>> -> memref<128x128xf32, #tpu.memory_space<hbm>>
    %dma_wait3A_19 = arith.constant 0 : i32
    %dma_wait3A_20 = arith.constant 0 : i32
    %dma_wait3A_21 = tpu.memref_slice %arg2[%dma_wait3A_19, %dma_wait3A_20] : memref<81920x128xf32, #tpu.memory_space<hbm>> -> memref<128x128xf32, #tpu.memory_space<hbm>>
    tpu.wait_dma2 semaphore(%arg13 : memref<!tpu.dma_semaphore, #tpu.memory_space<semaphore_mem>>) src(%dma_wait3A_21 : memref<128x128xf32, #tpu.memory_space<hbm>>) dst(%arg9 : memref<128x128xf32, #tpu.memory_space<vmem>>)
    %run_scoped3A_22 = arith.constant 1 : i32
    "tpu.region"() ({
      %run_scoped3A_43 = tpu.sem_alloc : memref<!tpu.dma_semaphore, #tpu.memory_space<semaphore_mem>>
      %dma_start3A_44 = arith.constant 0 : i32
      %dma_start3A_45 = arith.constant 0 : i32
      %dma_start3A_46 = tpu.memref_slice %arg4[%run_scoped3A_22, %add3A, %dma_start3A_44, %dma_start3A_45] : memref<2x32x20x128xi32, #tpu.memory_space<hbm>> -> memref<1x1x20x128xi32, #tpu.memory_space<hbm>>
      %dma_start3A_47 = tpu.memref_squeeze %dma_start3A_46 : memref<1x1x20x128xi32, #tpu.memory_space<hbm>> -> memref<20x128xi32, #tpu.memory_space<hbm>>
      %dma_start3A_48 = arith.constant 0 : i32
      %dma_start3A_49 = arith.constant 0 : i32
      %dma_start3A_50 = tpu.memref_slice %arg4[%run_scoped3A_22, %add3A, %dma_start3A_48, %dma_start3A_49] : memref<2x32x20x128xi32, #tpu.memory_space<hbm>> -> memref<1x1x20x128xi32, #tpu.memory_space<hbm>>
      %dma_start3A_51 = tpu.memref_squeeze %dma_start3A_50 : memref<1x1x20x128xi32, #tpu.memory_space<hbm>> -> memref<20x128xi32, #tpu.memory_space<hbm>>
      tpu.enqueue_dma source(%dma_start3A_51 : memref<20x128xi32, #tpu.memory_space<hbm>>) target(%arg7 : memref<20x128xi32, #tpu.memory_space<vmem>>) target_semaphore(%run_scoped3A_43 : memref<!tpu.dma_semaphore, #tpu.memory_space<semaphore_mem>>)
      %dma_wait3A_52 = arith.constant 0 : i32
      %dma_wait3A_53 = arith.constant 0 : i32
      %dma_wait3A_54 = tpu.memref_slice %arg4[%run_scoped3A_22, %add3A, %dma_wait3A_52, %dma_wait3A_53] : memref<2x32x20x128xi32, #tpu.memory_space<hbm>> -> memref<1x1x20x128xi32, #tpu.memory_space<hbm>>
      %dma_wait3A_55 = tpu.memref_squeeze %dma_wait3A_54 : memref<1x1x20x128xi32, #tpu.memory_space<hbm>> -> memref<20x128xi32, #tpu.memory_space<hbm>>
      %dma_wait3A_56 = arith.constant 0 : i32
      %dma_wait3A_57 = arith.constant 0 : i32
      %dma_wait3A_58 = tpu.memref_slice %arg4[%run_scoped3A_22, %add3A, %dma_wait3A_56, %dma_wait3A_57] : memref<2x32x20x128xi32, #tpu.memory_space<hbm>> -> memref<1x1x20x128xi32, #tpu.memory_space<hbm>>
      %dma_wait3A_59 = tpu.memref_squeeze %dma_wait3A_58 : memref<1x1x20x128xi32, #tpu.memory_space<hbm>> -> memref<20x128xi32, #tpu.memory_space<hbm>>
      tpu.wait_dma2 semaphore(%run_scoped3A_43 : memref<!tpu.dma_semaphore, #tpu.memory_space<semaphore_mem>>) src(%dma_wait3A_59 : memref<20x128xi32, #tpu.memory_space<hbm>>) dst(%arg7 : memref<20x128xi32, #tpu.memory_space<vmem>>)
      tpu.yield
    }) : () -> ()
    %scan3A_23 = arith.constant 0 : i32
    %scan3A_24 = arith.constant 0 : i32
    %scan3A_25 = arith.constant 10 : i32
    %scan3A_26 = arith.addi %scan3A_24, %scan3A_25 : i32
    %scan3A_27 = arith.constant 1 : i32
    scf.for %scan3A_43 = %scan3A_24 to %scan3A_26 step %scan3A_27  : i32 {
      %mul3A_44 = arith.constant 2 : i32
      %mul3A_45 = arith.muli %mul3A_44, %scan3A_43 : i32
      %ge3A = arith.constant 1 : i32
      %ge3A_46 = arith.cmpi sge, %mul3A_45, %ge3A : i32
      %convert_element_type3A = arith.extui %ge3A_46 : i1 to i32
      %cond3A = arith.constant 0 : i32
      %cond3A_47 = arith.cmpi ne, %convert_element_type3A, %cond3A : i32
      scf.if %cond3A_47 {
        %dma_wait3A_94 = arith.constant 0 : i32
        %dma_wait3A_95 = arith.constant 0 : i32
        %dma_wait3A_96 = tpu.memref_slice %arg2[%dma_wait3A_94, %dma_wait3A_95] : memref<81920x128xf32, #tpu.memory_space<hbm>> -> memref<128x128xf32, #tpu.memory_space<hbm>>
        %dma_wait3A_97 = arith.constant 0 : i32
        %dma_wait3A_98 = arith.constant 0 : i32
        %dma_wait3A_99 = tpu.memref_slice %arg2[%dma_wait3A_97, %dma_wait3A_98] : memref<81920x128xf32, #tpu.memory_space<hbm>> -> memref<128x128xf32, #tpu.memory_space<hbm>>
        tpu.wait_dma2 semaphore(%arg13 : memref<!tpu.dma_semaphore, #tpu.memory_space<semaphore_mem>>) src(%dma_wait3A_99 : memref<128x128xf32, #tpu.memory_space<hbm>>) dst(%arg9 : memref<128x128xf32, #tpu.memory_space<vmem>>)
      } else {
      }
      %add3A_48 = arith.constant 1 : i32
      %add3A_49 = arith.addi %mul3A_45, %add3A_48 : i32
      %lt3A = arith.constant 20 : i32
      %lt3A_50 = arith.cmpi slt, %add3A_49, %lt3A : i32
      %convert_element_type3A_51 = arith.extui %lt3A_50 : i1 to i32
      %cond3A_52 = arith.constant 0 : i32
      %cond3A_53 = arith.cmpi ne, %convert_element_type3A_51, %cond3A_52 : i32
      scf.if %cond3A_53 {
        %mul3A_94 = arith.constant 20 : i32
        %mul3A_95 = arith.muli %add3A, %mul3A_94 : i32
        %add3A_96 = arith.addi %mul3A_95, %mul3A_45 : i32
        %add3A_97 = arith.constant 1 : i32
        %add3A_98 = arith.addi %add3A_96, %add3A_97 : i32
        %mul3A_99 = arith.constant 128 : i32
        %mul3A_100 = arith.muli %add3A_98, %mul3A_99 : i32
        %dma_start3A_101 = arith.constant 0 : i32
        %dma_start3A_102 = tpu.memref_slice %arg3[%mul3A_100, %dma_start3A_101] : memref<81920x128xf32, #tpu.memory_space<hbm>> -> memref<128x128xf32, #tpu.memory_space<hbm>>
        %dma_start3A_103 = arith.constant 0 : i32
        %dma_start3A_104 = tpu.memref_slice %arg3[%mul3A_100, %dma_start3A_103] : memref<81920x128xf32, #tpu.memory_space<hbm>> -> memref<128x128xf32, #tpu.memory_space<hbm>>
        tpu.enqueue_dma source(%dma_start3A_104 : memref<128x128xf32, #tpu.memory_space<hbm>>) target(%arg9 : memref<128x128xf32, #tpu.memory_space<vmem>>) target_semaphore(%arg11 : memref<!tpu.dma_semaphore, #tpu.memory_space<semaphore_mem>>)
      } else {
      }
      %dma_wait3A_54 = arith.constant 0 : i32
      %dma_wait3A_55 = arith.constant 0 : i32
      %dma_wait3A_56 = tpu.memref_slice %arg2[%dma_wait3A_54, %dma_wait3A_55] : memref<81920x128xf32, #tpu.memory_space<hbm>> -> memref<128x128xf32, #tpu.memory_space<hbm>>
      %dma_wait3A_57 = arith.constant 0 : i32
      %dma_wait3A_58 = arith.constant 0 : i32
      %dma_wait3A_59 = tpu.memref_slice %arg2[%dma_wait3A_57, %dma_wait3A_58] : memref<81920x128xf32, #tpu.memory_space<hbm>> -> memref<128x128xf32, #tpu.memory_space<hbm>>
      tpu.wait_dma2 semaphore(%arg10 : memref<!tpu.dma_semaphore, #tpu.memory_space<semaphore_mem>>) src(%dma_wait3A_59 : memref<128x128xf32, #tpu.memory_space<hbm>>) dst(%arg8 : memref<128x128xf32, #tpu.memory_space<vmem>>)
      %dma_start3A_60 = arith.constant 0 : i32
      %dma_start3A_61 = tpu.memref_slice %arg7[%mul3A_45, %dma_start3A_60] : memref<20x128xi32, #tpu.memory_space<vmem>> -> memref<1x128xi32, #tpu.memory_space<vmem>>
      %dma_start3A_62 = tpu.memref_squeeze %dma_start3A_61 : memref<1x128xi32, #tpu.memory_space<vmem>> -> memref<128xi32, #tpu.memory_space<vmem>>
      %dma_start3A_63 = arith.constant 0 : i32
      %dma_start3A_64 = arith.constant 0 : i32
      %dma_start3A_65 = tpu.memref_slice %arg14[%dma_start3A_63, %dma_start3A_64] : memref<10112x128xf32, #tpu.memory_space<vmem_shared>> -> memref<10112x128xf32, #tpu.memory_space<vmem_shared>>
      tpu.enqueue_indirect_dma source(%arg8 : memref<128x128xf32, #tpu.memory_space<vmem>>) target(%dma_start3A_65 : memref<10112x128xf32, #tpu.memory_space<vmem_shared>>) offsets(%dma_start3A_62 : memref<128xi32, #tpu.memory_space<vmem>>) semaphore(%arg12 : memref<!tpu.dma_semaphore, #tpu.memory_space<semaphore_mem>>) {add = true}
      %mul3A_66 = arith.constant 2 : i32
      %mul3A_67 = arith.muli %mul3A_66, %scan3A_43 : i32
      %add3A_68 = arith.constant 1 : i32
      %add3A_69 = arith.addi %mul3A_67, %add3A_68 : i32
      %ge3A_70 = arith.constant 1 : i32
      %ge3A_71 = arith.cmpi sge, %add3A_69, %ge3A_70 : i32
      %convert_element_type3A_72 = arith.extui %ge3A_71 : i1 to i32
      %cond3A_73 = arith.constant 0 : i32
      %cond3A_74 = arith.cmpi ne, %convert_element_type3A_72, %cond3A_73 : i32
      scf.if %cond3A_74 {
        %dma_wait3A_94 = arith.constant 0 : i32
        %dma_wait3A_95 = arith.constant 0 : i32
        %dma_wait3A_96 = tpu.memref_slice %arg2[%dma_wait3A_94, %dma_wait3A_95] : memref<81920x128xf32, #tpu.memory_space<hbm>> -> memref<128x128xf32, #tpu.memory_space<hbm>>
        %dma_wait3A_97 = arith.constant 0 : i32
        %dma_wait3A_98 = arith.constant 0 : i32
        %dma_wait3A_99 = tpu.memref_slice %arg2[%dma_wait3A_97, %dma_wait3A_98] : memref<81920x128xf32, #tpu.memory_space<hbm>> -> memref<128x128xf32, #tpu.memory_space<hbm>>
        tpu.wait_dma2 semaphore(%arg12 : memref<!tpu.dma_semaphore, #tpu.memory_space<semaphore_mem>>) src(%dma_wait3A_99 : memref<128x128xf32, #tpu.memory_space<hbm>>) dst(%arg8 : memref<128x128xf32, #tpu.memory_space<vmem>>)
      } else {
      }
      %add3A_75 = arith.constant 1 : i32
      %add3A_76 = arith.addi %add3A_69, %add3A_75 : i32
      %lt3A_77 = arith.constant 20 : i32
      %lt3A_78 = arith.cmpi slt, %add3A_76, %lt3A_77 : i32
      %convert_element_type3A_79 = arith.extui %lt3A_78 : i1 to i32
      %cond3A_80 = arith.constant 0 : i32
      %cond3A_81 = arith.cmpi ne, %convert_element_type3A_79, %cond3A_80 : i32
      scf.if %cond3A_81 {
        %mul3A_94 = arith.constant 20 : i32
        %mul3A_95 = arith.muli %add3A, %mul3A_94 : i32
        %add3A_96 = arith.addi %mul3A_95, %add3A_69 : i32
        %add3A_97 = arith.constant 1 : i32
        %add3A_98 = arith.addi %add3A_96, %add3A_97 : i32
        %mul3A_99 = arith.constant 128 : i32
        %mul3A_100 = arith.muli %add3A_98, %mul3A_99 : i32
        %dma_start3A_101 = arith.constant 0 : i32
        %dma_start3A_102 = tpu.memref_slice %arg3[%mul3A_100, %dma_start3A_101] : memref<81920x128xf32, #tpu.memory_space<hbm>> -> memref<128x128xf32, #tpu.memory_space<hbm>>
        %dma_start3A_103 = arith.constant 0 : i32
        %dma_start3A_104 = tpu.memref_slice %arg3[%mul3A_100, %dma_start3A_103] : memref<81920x128xf32, #tpu.memory_space<hbm>> -> memref<128x128xf32, #tpu.memory_space<hbm>>
        tpu.enqueue_dma source(%dma_start3A_104 : memref<128x128xf32, #tpu.memory_space<hbm>>) target(%arg8 : memref<128x128xf32, #tpu.memory_space<vmem>>) target_semaphore(%arg10 : memref<!tpu.dma_semaphore, #tpu.memory_space<semaphore_mem>>)
      } else {
      }
      %dma_wait3A_82 = arith.constant 0 : i32
      %dma_wait3A_83 = arith.constant 0 : i32
      %dma_wait3A_84 = tpu.memref_slice %arg2[%dma_wait3A_82, %dma_wait3A_83] : memref<81920x128xf32, #tpu.memory_space<hbm>> -> memref<128x128xf32, #tpu.memory_space<hbm>>
      %dma_wait3A_85 = arith.constant 0 : i32
      %dma_wait3A_86 = arith.constant 0 : i32
      %dma_wait3A_87 = tpu.memref_slice %arg2[%dma_wait3A_85, %dma_wait3A_86] : memref<81920x128xf32, #tpu.memory_space<hbm>> -> memref<128x128xf32, #tpu.memory_space<hbm>>
      tpu.wait_dma2 semaphore(%arg11 : memref<!tpu.dma_semaphore, #tpu.memory_space<semaphore_mem>>) src(%dma_wait3A_87 : memref<128x128xf32, #tpu.memory_space<hbm>>) dst(%arg9 : memref<128x128xf32, #tpu.memory_space<vmem>>)
      %dma_start3A_88 = arith.constant 0 : i32
      %dma_start3A_89 = tpu.memref_slice %arg7[%add3A_69, %dma_start3A_88] : memref<20x128xi32, #tpu.memory_space<vmem>> -> memref<1x128xi32, #tpu.memory_space<vmem>>
      %dma_start3A_90 = tpu.memref_squeeze %dma_start3A_89 : memref<1x128xi32, #tpu.memory_space<vmem>> -> memref<128xi32, #tpu.memory_space<vmem>>
      %dma_start3A_91 = arith.constant 0 : i32
      %dma_start3A_92 = arith.constant 0 : i32
      %dma_start3A_93 = tpu.memref_slice %arg14[%dma_start3A_91, %dma_start3A_92] : memref<10112x128xf32, #tpu.memory_space<vmem_shared>> -> memref<10112x128xf32, #tpu.memory_space<vmem_shared>>
      tpu.enqueue_indirect_dma source(%arg9 : memref<128x128xf32, #tpu.memory_space<vmem>>) target(%dma_start3A_93 : memref<10112x128xf32, #tpu.memory_space<vmem_shared>>) offsets(%dma_start3A_90 : memref<128xi32, #tpu.memory_space<vmem>>) semaphore(%arg13 : memref<!tpu.dma_semaphore, #tpu.memory_space<semaphore_mem>>) {add = true}
    }
    %scan3A_28 = arith.constant 10 : i32
    %dma_wait3A_29 = arith.constant 0 : i32
    %dma_wait3A_30 = arith.constant 0 : i32
    %dma_wait3A_31 = tpu.memref_slice %arg2[%dma_wait3A_29, %dma_wait3A_30] : memref<81920x128xf32, #tpu.memory_space<hbm>> -> memref<128x128xf32, #tpu.memory_space<hbm>>
    %dma_wait3A_32 = arith.constant 0 : i32
    %dma_wait3A_33 = arith.constant 0 : i32
    %dma_wait3A_34 = tpu.memref_slice %arg2[%dma_wait3A_32, %dma_wait3A_33] : memref<81920x128xf32, #tpu.memory_space<hbm>> -> memref<128x128xf32, #tpu.memory_space<hbm>>
    tpu.wait_dma2 semaphore(%arg13 : memref<!tpu.dma_semaphore, #tpu.memory_space<semaphore_mem>>) src(%dma_wait3A_34 : memref<128x128xf32, #tpu.memory_space<hbm>>) dst(%arg9 : memref<128x128xf32, #tpu.memory_space<vmem>>)
    %barrier3A_35 = arith.constant 0 : index
    tpu.barrier barrier_id(%barrier3A_35)
    %mul3A_36 = arith.constant 632 : i32
    %mul3A_37 = arith.muli %arg1, %mul3A_36 : i32
    %mul3A_38 = arith.constant 10112 : i32
    %mul3A_39 = arith.muli %arg0, %mul3A_38 : i32
    %mul3A_40 = arith.constant 632 : i32
    %mul3A_41 = arith.muli %arg1, %mul3A_40 : i32
    %add3A_42 = arith.addi %mul3A_39, %mul3A_41 : i32
    "tpu.region"() ({
      %run_scoped3A_43 = tpu.sem_alloc : memref<!tpu.dma_semaphore, #tpu.memory_space<semaphore_mem>>
      %dma_start3A_44 = arith.constant 0 : i32
      %dma_start3A_45 = tpu.memref_slice %arg6[%add3A_42, %dma_start3A_44] : memref<20224x128xf32, #tpu.memory_space<hbm>> -> memref<632x128xf32, #tpu.memory_space<hbm>>
      %dma_start3A_46 = arith.constant 0 : i32
      %dma_start3A_47 = tpu.memref_slice %arg14[%mul3A_37, %dma_start3A_46] : memref<10112x128xf32, #tpu.memory_space<vmem_shared>> -> memref<632x128xf32, #tpu.memory_space<vmem_shared>>
      tpu.enqueue_dma source(%dma_start3A_47 : memref<632x128xf32, #tpu.memory_space<vmem_shared>>) target(%dma_start3A_45 : memref<632x128xf32, #tpu.memory_space<hbm>>) target_semaphore(%run_scoped3A_43 : memref<!tpu.dma_semaphore, #tpu.memory_space<semaphore_mem>>)
      %dma_wait3A_48 = arith.constant 0 : i32
      %dma_wait3A_49 = tpu.memref_slice %arg6[%add3A_42, %dma_wait3A_48] : memref<20224x128xf32, #tpu.memory_space<hbm>> -> memref<632x128xf32, #tpu.memory_space<hbm>>
      %dma_wait3A_50 = arith.constant 0 : i32
      %dma_wait3A_51 = tpu.memref_slice %arg14[%mul3A_37, %dma_wait3A_50] : memref<10112x128xf32, #tpu.memory_space<vmem_shared>> -> memref<632x128xf32, #tpu.memory_space<vmem_shared>>
      tpu.wait_dma2 semaphore(%run_scoped3A_43 : memref<!tpu.dma_semaphore, #tpu.memory_space<semaphore_mem>>) src(%dma_wait3A_51 : memref<632x128xf32, #tpu.memory_space<vmem_shared>>) dst(%dma_wait3A_49 : memref<632x128xf32, #tpu.memory_space<hbm>>)
      tpu.yield
    }) : () -> ()
    return
  }
}

#map = affine_map<(d0, d1) -> (0, 0)>
#map1 = affine_map<(d0, d1) -> (0, 0, 0, 0)>
module attributes {stable_mosaic.version = 14 : i64} {
  func.func @_sc_scatter(%arg0: i32, %arg1: i32, %arg2: memref<81920x128xf32, #tpu.memory_space<hbm>>, %arg3: memref<81920x128xf32, #tpu.memory_space<hbm>>, %arg4: memref<2x32x20x128xi32, #tpu.memory_space<hbm>>, %arg5: memref<10112x128xf32, #tpu.memory_space<hbm>>, %arg6: memref<20224x128xf32, #tpu.memory_space<hbm>>, %arg7: memref<20x128xi32, #tpu.memory_space<vmem>>, %arg8: memref<128x128xf32, #tpu.memory_space<vmem>>, %arg9: memref<128x128xf32, #tpu.memory_space<vmem>>, %arg10: memref<!tpu.dma_semaphore, #tpu.memory_space<semaphore_mem>>, %arg11: memref<!tpu.dma_semaphore, #tpu.memory_space<semaphore_mem>>, %arg12: memref<!tpu.dma_semaphore, #tpu.memory_space<semaphore_mem>>, %arg13: memref<!tpu.dma_semaphore, #tpu.memory_space<semaphore_mem>>, %arg14: memref<10112x128xf32, #tpu.memory_space<vmem_shared>>) attributes {dimension_semantics = [#tpu.dimension_semantics<core_parallel>, #tpu.dimension_semantics<subcore_parallel>], iteration_bounds = array<i64: 2, 16>, scalar_prefetch = 0 : i64, scratch_operands = 8 : i64, tpu.core_type = #tpu.core_type<sc_vector_subcore>, window_params = [{transform_indices = #map}, {transform_indices = #map}, {transform_indices = #map1}, {transform_indices = #map}, {transform_indices = #map}]} {
    %mul3A = arith.constant 16 : i32
    %mul3A_0 = arith.muli %arg0, %mul3A : i32
    %add3A = arith.addi %mul3A_0, %arg1 : i32
    %run_scoped3A = arith.constant 0 : i32
    "tpu.region"() ({
      %run_scoped3A_43 = tpu.sem_alloc : memref<!tpu.dma_semaphore, #tpu.memory_space<semaphore_mem>>
      %dma_start3A_44 = arith.constant 0 : i32
      %dma_start3A_45 = arith.constant 0 : i32
      %dma_start3A_46 = tpu.memref_slice %arg4[%run_scoped3A, %add3A, %dma_start3A_44, %dma_start3A_45] : memref<2x32x20x128xi32, #tpu.memory_space<hbm>> -> memref<1x1x20x128xi32, #tpu.memory_space<hbm>>
      %dma_start3A_47 = tpu.memref_squeeze %dma_start3A_46 : memref<1x1x20x128xi32, #tpu.memory_space<hbm>> -> memref<20x128xi32, #tpu.memory_space<hbm>>
      %dma_start3A_48 = arith.constant 0 : i32
      %dma_start3A_49 = arith.constant 0 : i32
      %dma_start3A_50 = tpu.memref_slice %arg4[%run_scoped3A, %add3A, %dma_start3A_48, %dma_start3A_49] : memref<2x32x20x128xi32, #tpu.memory_space<hbm>> -> memref<1x1x20x128xi32, #tpu.memory_space<hbm>>
      %dma_start3A_51 = tpu.memref_squeeze %dma_start3A_50 : memref<1x1x20x128xi32, #tpu.memory_space<hbm>> -> memref<20x128xi32, #tpu.memory_space<hbm>>
      tpu.enqueue_dma source(%dma_start3A_51 : memref<20x128xi32, #tpu.memory_space<hbm>>) target(%arg7 : memref<20x128xi32, #tpu.memory_space<vmem>>) target_semaphore(%run_scoped3A_43 : memref<!tpu.dma_semaphore, #tpu.memory_space<semaphore_mem>>)
      %dma_wait3A_52 = arith.constant 0 : i32
      %dma_wait3A_53 = arith.constant 0 : i32
      %dma_wait3A_54 = tpu.memref_slice %arg4[%run_scoped3A, %add3A, %dma_wait3A_52, %dma_wait3A_53] : memref<2x32x20x128xi32, #tpu.memory_space<hbm>> -> memref<1x1x20x128xi32, #tpu.memory_space<hbm>>
      %dma_wait3A_55 = tpu.memref_squeeze %dma_wait3A_54 : memref<1x1x20x128xi32, #tpu.memory_space<hbm>> -> memref<20x128xi32, #tpu.memory_space<hbm>>
      %dma_wait3A_56 = arith.constant 0 : i32
      %dma_wait3A_57 = arith.constant 0 : i32
      %dma_wait3A_58 = tpu.memref_slice %arg4[%run_scoped3A, %add3A, %dma_wait3A_56, %dma_wait3A_57] : memref<2x32x20x128xi32, #tpu.memory_space<hbm>> -> memref<1x1x20x128xi32, #tpu.memory_space<hbm>>
      %dma_wait3A_59 = tpu.memref_squeeze %dma_wait3A_58 : memref<1x1x20x128xi32, #tpu.memory_space<hbm>> -> memref<20x128xi32, #tpu.memory_space<hbm>>
      tpu.wait_dma2 semaphore(%run_scoped3A_43 : memref<!tpu.dma_semaphore, #tpu.memory_space<semaphore_mem>>) src(%dma_wait3A_59 : memref<20x128xi32, #tpu.memory_space<hbm>>) dst(%arg7 : memref<20x128xi32, #tpu.memory_space<vmem>>)
      tpu.yield
    }) : () -> ()
    %mul3A_1 = arith.constant 20 : i32
    %mul3A_2 = arith.muli %add3A, %mul3A_1 : i32
    %mul3A_3 = arith.constant 128 : i32
    %mul3A_4 = arith.muli %mul3A_2, %mul3A_3 : i32
    %dma_start3A = arith.constant 0 : i32
    %dma_start3A_5 = tpu.memref_slice %arg2[%mul3A_4, %dma_start3A] : memref<81920x128xf32, #tpu.memory_space<hbm>> -> memref<128x128xf32, #tpu.memory_space<hbm>>
    %dma_start3A_6 = arith.constant 0 : i32
    %dma_start3A_7 = tpu.memref_slice %arg2[%mul3A_4, %dma_start3A_6] : memref<81920x128xf32, #tpu.memory_space<hbm>> -> memref<128x128xf32, #tpu.memory_space<hbm>>
    tpu.enqueue_dma source(%dma_start3A_7 : memref<128x128xf32, #tpu.memory_space<hbm>>) target(%arg8 : memref<128x128xf32, #tpu.memory_space<vmem>>) target_semaphore(%arg10 : memref<!tpu.dma_semaphore, #tpu.memory_space<semaphore_mem>>)
    %mul3A_8 = arith.constant 632 : i32
    %mul3A_9 = arith.muli %arg1, %mul3A_8 : i32
    %mul3A_10 = arith.constant 632 : i32
    %mul3A_11 = arith.muli %arg1, %mul3A_10 : i32
    "tpu.region"() ({
      %run_scoped3A_43 = tpu.sem_alloc : memref<!tpu.dma_semaphore, #tpu.memory_space<semaphore_mem>>
      %dma_start3A_44 = arith.constant 0 : i32
      %dma_start3A_45 = tpu.memref_slice %arg14[%mul3A_11, %dma_start3A_44] : memref<10112x128xf32, #tpu.memory_space<vmem_shared>> -> memref<632x128xf32, #tpu.memory_space<vmem_shared>>
      %dma_start3A_46 = arith.constant 0 : i32
      %dma_start3A_47 = tpu.memref_slice %arg5[%mul3A_9, %dma_start3A_46] : memref<10112x128xf32, #tpu.memory_space<hbm>> -> memref<632x128xf32, #tpu.memory_space<hbm>>
      tpu.enqueue_dma source(%dma_start3A_47 : memref<632x128xf32, #tpu.memory_space<hbm>>) target(%dma_start3A_45 : memref<632x128xf32, #tpu.memory_space<vmem_shared>>) target_semaphore(%run_scoped3A_43 : memref<!tpu.dma_semaphore, #tpu.memory_space<semaphore_mem>>)
      %dma_wait3A_48 = arith.constant 0 : i32
      %dma_wait3A_49 = tpu.memref_slice %arg14[%mul3A_11, %dma_wait3A_48] : memref<10112x128xf32, #tpu.memory_space<vmem_shared>> -> memref<632x128xf32, #tpu.memory_space<vmem_shared>>
      %dma_wait3A_50 = arith.constant 0 : i32
      %dma_wait3A_51 = tpu.memref_slice %arg5[%mul3A_9, %dma_wait3A_50] : memref<10112x128xf32, #tpu.memory_space<hbm>> -> memref<632x128xf32, #tpu.memory_space<hbm>>
      tpu.wait_dma2 semaphore(%run_scoped3A_43 : memref<!tpu.dma_semaphore, #tpu.memory_space<semaphore_mem>>) src(%dma_wait3A_51 : memref<632x128xf32, #tpu.memory_space<hbm>>) dst(%dma_wait3A_49 : memref<632x128xf32, #tpu.memory_space<vmem_shared>>)
      tpu.yield
    }) : () -> ()
    %barrier3A = arith.constant 0 : index
    tpu.barrier barrier_id(%barrier3A)
    %scan3A = arith.constant 0 : i32
    %scan3A_12 = arith.constant 0 : i32
    %scan3A_13 = arith.constant 10 : i32
    %scan3A_14 = arith.addi %scan3A_12, %scan3A_13 : i32
    %scan3A_15 = arith.constant 1 : i32
    scf.for %scan3A_43 = %scan3A_12 to %scan3A_14 step %scan3A_15  : i32 {
      %mul3A_44 = arith.constant 2 : i32
      %mul3A_45 = arith.muli %mul3A_44, %scan3A_43 : i32
      %ge3A = arith.constant 1 : i32
      %ge3A_46 = arith.cmpi sge, %mul3A_45, %ge3A : i32
      %convert_element_type3A = arith.extui %ge3A_46 : i1 to i32
      %cond3A = arith.constant 0 : i32
      %cond3A_47 = arith.cmpi ne, %convert_element_type3A, %cond3A : i32
      scf.if %cond3A_47 {
        %dma_wait3A_107 = arith.constant 0 : i32
        %dma_wait3A_108 = arith.constant 0 : i32
        %dma_wait3A_109 = tpu.memref_slice %arg2[%dma_wait3A_107, %dma_wait3A_108] : memref<81920x128xf32, #tpu.memory_space<hbm>> -> memref<128x128xf32, #tpu.memory_space<hbm>>
        %dma_wait3A_110 = arith.constant 0 : i32
        %dma_wait3A_111 = arith.constant 0 : i32
        %dma_wait3A_112 = tpu.memref_slice %arg2[%dma_wait3A_110, %dma_wait3A_111] : memref<81920x128xf32, #tpu.memory_space<hbm>> -> memref<128x128xf32, #tpu.memory_space<hbm>>
        tpu.wait_dma2 semaphore(%arg13 : memref<!tpu.dma_semaphore, #tpu.memory_space<semaphore_mem>>) src(%dma_wait3A_112 : memref<128x128xf32, #tpu.memory_space<hbm>>) dst(%arg9 : memref<128x128xf32, #tpu.memory_space<vmem>>)
      } else {
      }
      %add3A_48 = arith.constant 1 : i32
      %add3A_49 = arith.addi %mul3A_45, %add3A_48 : i32
      %lt3A = arith.constant 20 : i32
      %lt3A_50 = arith.cmpi slt, %add3A_49, %lt3A : i32
      %convert_element_type3A_51 = arith.extui %lt3A_50 : i1 to i32
      %cond3A_52 = arith.constant 0 : i32
      %cond3A_53 = arith.cmpi ne, %convert_element_type3A_51, %cond3A_52 : i32
      scf.if %cond3A_53 {
        %mul3A_107 = arith.constant 20 : i32
        %mul3A_108 = arith.muli %add3A, %mul3A_107 : i32
        %add3A_109 = arith.addi %mul3A_108, %mul3A_45 : i32
        %add3A_110 = arith.constant 1 : i32
        %add3A_111 = arith.addi %add3A_109, %add3A_110 : i32
        %mul3A_112 = arith.constant 128 : i32
        %mul3A_113 = arith.muli %add3A_111, %mul3A_112 : i32
        %dma_start3A_114 = arith.constant 0 : i32
        %dma_start3A_115 = tpu.memref_slice %arg2[%mul3A_113, %dma_start3A_114] : memref<81920x128xf32, #tpu.memory_space<hbm>> -> memref<128x128xf32, #tpu.memory_space<hbm>>
        %dma_start3A_116 = arith.constant 0 : i32
        %dma_start3A_117 = tpu.memref_slice %arg2[%mul3A_113, %dma_start3A_116] : memref<81920x128xf32, #tpu.memory_space<hbm>> -> memref<128x128xf32, #tpu.memory_space<hbm>>
        tpu.enqueue_dma source(%dma_start3A_117 : memref<128x128xf32, #tpu.memory_space<hbm>>) target(%arg9 : memref<128x128xf32, #tpu.memory_space<vmem>>) target_semaphore(%arg11 : memref<!tpu.dma_semaphore, #tpu.memory_space<semaphore_mem>>)
      } else {
      }
      %add3A_54 = arith.constant 1 : i32
      %add3A_55 = arith.addi %mul3A_45, %add3A_54 : i32
      %eq3A = arith.constant 20 : i32
      %eq3A_56 = arith.cmpi eq, %add3A_55, %eq3A : i32
      %convert_element_type3A_57 = arith.extui %eq3A_56 : i1 to i32
      %cond3A_58 = arith.constant 0 : i32
      %cond3A_59 = arith.cmpi ne, %convert_element_type3A_57, %cond3A_58 : i32
      scf.if %cond3A_59 {
        %mul3A_107 = arith.constant 20 : i32
        %mul3A_108 = arith.muli %add3A, %mul3A_107 : i32
        %mul3A_109 = arith.constant 128 : i32
        %mul3A_110 = arith.muli %mul3A_108, %mul3A_109 : i32
        %dma_start3A_111 = arith.constant 0 : i32
        %dma_start3A_112 = tpu.memref_slice %arg3[%mul3A_110, %dma_start3A_111] : memref<81920x128xf32, #tpu.memory_space<hbm>> -> memref<128x128xf32, #tpu.memory_space<hbm>>
        %dma_start3A_113 = arith.constant 0 : i32
        %dma_start3A_114 = tpu.memref_slice %arg3[%mul3A_110, %dma_start3A_113] : memref<81920x128xf32, #tpu.memory_space<hbm>> -> memref<128x128xf32, #tpu.memory_space<hbm>>
        tpu.enqueue_dma source(%dma_start3A_114 : memref<128x128xf32, #tpu.memory_space<hbm>>) target(%arg9 : memref<128x128xf32, #tpu.memory_space<vmem>>) target_semaphore(%arg11 : memref<!tpu.dma_semaphore, #tpu.memory_space<semaphore_mem>>)
      } else {
      }
      %dma_wait3A_60 = arith.constant 0 : i32
      %dma_wait3A_61 = arith.constant 0 : i32
      %dma_wait3A_62 = tpu.memref_slice %arg2[%dma_wait3A_60, %dma_wait3A_61] : memref<81920x128xf32, #tpu.memory_space<hbm>> -> memref<128x128xf32, #tpu.memory_space<hbm>>
      %dma_wait3A_63 = arith.constant 0 : i32
      %dma_wait3A_64 = arith.constant 0 : i32
      %dma_wait3A_65 = tpu.memref_slice %arg2[%dma_wait3A_63, %dma_wait3A_64] : memref<81920x128xf32, #tpu.memory_space<hbm>> -> memref<128x128xf32, #tpu.memory_space<hbm>>
      tpu.wait_dma2 semaphore(%arg10 : memref<!tpu.dma_semaphore, #tpu.memory_space<semaphore_mem>>) src(%dma_wait3A_65 : memref<128x128xf32, #tpu.memory_space<hbm>>) dst(%arg8 : memref<128x128xf32, #tpu.memory_space<vmem>>)
      %dma_start3A_66 = arith.constant 0 : i32
      %dma_start3A_67 = tpu.memref_slice %arg7[%mul3A_45, %dma_start3A_66] : memref<20x128xi32, #tpu.memory_space<vmem>> -> memref<1x128xi32, #tpu.memory_space<vmem>>
      %dma_start3A_68 = tpu.memref_squeeze %dma_start3A_67 : memref<1x128xi32, #tpu.memory_space<vmem>> -> memref<128xi32, #tpu.memory_space<vmem>>
      %dma_start3A_69 = arith.constant 0 : i32
      %dma_start3A_70 = arith.constant 0 : i32
      %dma_start3A_71 = tpu.memref_slice %arg14[%dma_start3A_69, %dma_start3A_70] : memref<10112x128xf32, #tpu.memory_space<vmem_shared>> -> memref<10112x128xf32, #tpu.memory_space<vmem_shared>>
      tpu.enqueue_indirect_dma source(%arg8 : memref<128x128xf32, #tpu.memory_space<vmem>>) target(%dma_start3A_71 : memref<10112x128xf32, #tpu.memory_space<vmem_shared>>) offsets(%dma_start3A_68 : memref<128xi32, #tpu.memory_space<vmem>>) semaphore(%arg12 : memref<!tpu.dma_semaphore, #tpu.memory_space<semaphore_mem>>) {add = true}
      %mul3A_72 = arith.constant 2 : i32
      %mul3A_73 = arith.muli %mul3A_72, %scan3A_43 : i32
      %add3A_74 = arith.constant 1 : i32
      %add3A_75 = arith.addi %mul3A_73, %add3A_74 : i32
      %ge3A_76 = arith.constant 1 : i32
      %ge3A_77 = arith.cmpi sge, %add3A_75, %ge3A_76 : i32
      %convert_element_type3A_78 = arith.extui %ge3A_77 : i1 to i32
      %cond3A_79 = arith.constant 0 : i32
      %cond3A_80 = arith.cmpi ne, %convert_element_type3A_78, %cond3A_79 : i32
      scf.if %cond3A_80 {
        %dma_wait3A_107 = arith.constant 0 : i32
        %dma_wait3A_108 = arith.constant 0 : i32
        %dma_wait3A_109 = tpu.memref_slice %arg2[%dma_wait3A_107, %dma_wait3A_108] : memref<81920x128xf32, #tpu.memory_space<hbm>> -> memref<128x128xf32, #tpu.memory_space<hbm>>
        %dma_wait3A_110 = arith.constant 0 : i32
        %dma_wait3A_111 = arith.constant 0 : i32
        %dma_wait3A_112 = tpu.memref_slice %arg2[%dma_wait3A_110, %dma_wait3A_111] : memref<81920x128xf32, #tpu.memory_space<hbm>> -> memref<128x128xf32, #tpu.memory_space<hbm>>
        tpu.wait_dma2 semaphore(%arg12 : memref<!tpu.dma_semaphore, #tpu.memory_space<semaphore_mem>>) src(%dma_wait3A_112 : memref<128x128xf32, #tpu.memory_space<hbm>>) dst(%arg8 : memref<128x128xf32, #tpu.memory_space<vmem>>)
      } else {
      }
      %add3A_81 = arith.constant 1 : i32
      %add3A_82 = arith.addi %add3A_75, %add3A_81 : i32
      %lt3A_83 = arith.constant 20 : i32
      %lt3A_84 = arith.cmpi slt, %add3A_82, %lt3A_83 : i32
      %convert_element_type3A_85 = arith.extui %lt3A_84 : i1 to i32
      %cond3A_86 = arith.constant 0 : i32
      %cond3A_87 = arith.cmpi ne, %convert_element_type3A_85, %cond3A_86 : i32
      scf.if %cond3A_87 {
        %mul3A_107 = arith.constant 20 : i32
        %mul3A_108 = arith.muli %add3A, %mul3A_107 : i32
        %add3A_109 = arith.addi %mul3A_108, %add3A_75 : i32
        %add3A_110 = arith.constant 1 : i32
        %add3A_111 = arith.addi %add3A_109, %add3A_110 : i32
        %mul3A_112 = arith.constant 128 : i32
        %mul3A_113 = arith.muli %add3A_111, %mul3A_112 : i32
        %dma_start3A_114 = arith.constant 0 : i32
        %dma_start3A_115 = tpu.memref_slice %arg2[%mul3A_113, %dma_start3A_114] : memref<81920x128xf32, #tpu.memory_space<hbm>> -> memref<128x128xf32, #tpu.memory_space<hbm>>
        %dma_start3A_116 = arith.constant 0 : i32
        %dma_start3A_117 = tpu.memref_slice %arg2[%mul3A_113, %dma_start3A_116] : memref<81920x128xf32, #tpu.memory_space<hbm>> -> memref<128x128xf32, #tpu.memory_space<hbm>>
        tpu.enqueue_dma source(%dma_start3A_117 : memref<128x128xf32, #tpu.memory_space<hbm>>) target(%arg8 : memref<128x128xf32, #tpu.memory_space<vmem>>) target_semaphore(%arg10 : memref<!tpu.dma_semaphore, #tpu.memory_space<semaphore_mem>>)
      } else {
      }
      %add3A_88 = arith.constant 1 : i32
      %add3A_89 = arith.addi %add3A_75, %add3A_88 : i32
      %eq3A_90 = arith.constant 20 : i32
      %eq3A_91 = arith.cmpi eq, %add3A_89, %eq3A_90 : i32
      %convert_element_type3A_92 = arith.extui %eq3A_91 : i1 to i32
      %cond3A_93 = arith.constant 0 : i32
      %cond3A_94 = arith.cmpi ne, %convert_element_type3A_92, %cond3A_93 : i32
      scf.if %cond3A_94 {
        %mul3A_107 = arith.constant 20 : i32
        %mul3A_108 = arith.muli %add3A, %mul3A_107 : i32
        %mul3A_109 = arith.constant 128 : i32
        %mul3A_110 = arith.muli %mul3A_108, %mul3A_109 : i32
        %dma_start3A_111 = arith.constant 0 : i32
        %dma_start3A_112 = tpu.memref_slice %arg3[%mul3A_110, %dma_start3A_111] : memref<81920x128xf32, #tpu.memory_space<hbm>> -> memref<128x128xf32, #tpu.memory_space<hbm>>
        %dma_start3A_113 = arith.constant 0 : i32
        %dma_start3A_114 = tpu.memref_slice %arg3[%mul3A_110, %dma_start3A_113] : memref<81920x128xf32, #tpu.memory_space<hbm>> -> memref<128x128xf32, #tpu.memory_space<hbm>>
        tpu.enqueue_dma source(%dma_start3A_114 : memref<128x128xf32, #tpu.memory_space<hbm>>) target(%arg8 : memref<128x128xf32, #tpu.memory_space<vmem>>) target_semaphore(%arg10 : memref<!tpu.dma_semaphore, #tpu.memory_space<semaphore_mem>>)
      } else {
      }
      %dma_wait3A_95 = arith.constant 0 : i32
      %dma_wait3A_96 = arith.constant 0 : i32
      %dma_wait3A_97 = tpu.memref_slice %arg2[%dma_wait3A_95, %dma_wait3A_96] : memref<81920x128xf32, #tpu.memory_space<hbm>> -> memref<128x128xf32, #tpu.memory_space<hbm>>
      %dma_wait3A_98 = arith.constant 0 : i32
      %dma_wait3A_99 = arith.constant 0 : i32
      %dma_wait3A_100 = tpu.memref_slice %arg2[%dma_wait3A_98, %dma_wait3A_99] : memref<81920x128xf32, #tpu.memory_space<hbm>> -> memref<128x128xf32, #tpu.memory_space<hbm>>
      tpu.wait_dma2 semaphore(%arg11 : memref<!tpu.dma_semaphore, #tpu.memory_space<semaphore_mem>>) src(%dma_wait3A_100 : memref<128x128xf32, #tpu.memory_space<hbm>>) dst(%arg9 : memref<128x128xf32, #tpu.memory_space<vmem>>)
      %dma_start3A_101 = arith.constant 0 : i32
      %dma_start3A_102 = tpu.memref_slice %arg7[%add3A_75, %dma_start3A_101] : memref<20x128xi32, #tpu.memory_space<vmem>> -> memref<1x128xi32, #tpu.memory_space<vmem>>
      %dma_start3A_103 = tpu.memref_squeeze %dma_start3A_102 : memref<1x128xi32, #tpu.memory_space<vmem>> -> memref<128xi32, #tpu.memory_space<vmem>>
      %dma_start3A_104 = arith.constant 0 : i32
      %dma_start3A_105 = arith.constant 0 : i32
      %dma_start3A_106 = tpu.memref_slice %arg14[%dma_start3A_104, %dma_start3A_105] : memref<10112x128xf32, #tpu.memory_space<vmem_shared>> -> memref<10112x128xf32, #tpu.memory_space<vmem_shared>>
      tpu.enqueue_indirect_dma source(%arg9 : memref<128x128xf32, #tpu.memory_space<vmem>>) target(%dma_start3A_106 : memref<10112x128xf32, #tpu.memory_space<vmem_shared>>) offsets(%dma_start3A_103 : memref<128xi32, #tpu.memory_space<vmem>>) semaphore(%arg13 : memref<!tpu.dma_semaphore, #tpu.memory_space<semaphore_mem>>) {add = true}
    }
    %scan3A_16 = arith.constant 10 : i32
    %dma_wait3A = arith.constant 0 : i32
    %dma_wait3A_17 = arith.constant 0 : i32
    %dma_wait3A_18 = tpu.memref_slice %arg2[%dma_wait3A, %dma_wait3A_17] : memref<81920x128xf32, #tpu.memory_space<hbm>> -> memref<128x128xf32, #tpu.memory_space<hbm>>
    %dma_wait3A_19 = arith.constant 0 : i32
    %dma_wait3A_20 = arith.constant 0 : i32
    %dma_wait3A_21 = tpu.memref_slice %arg2[%dma_wait3A_19, %dma_wait3A_20] : memref<81920x128xf32, #tpu.memory_space<hbm>> -> memref<128x128xf32, #tpu.memory_space<hbm>>
    tpu.wait_dma2 semaphore(%arg13 : memref<!tpu.dma_semaphore, #tpu.memory_space<semaphore_mem>>) src(%dma_wait3A_21 : memref<128x128xf32, #tpu.memory_space<hbm>>) dst(%arg9 : memref<128x128xf32, #tpu.memory_space<vmem>>)
    %run_scoped3A_22 = arith.constant 1 : i32
    "tpu.region"() ({
      %run_scoped3A_43 = tpu.sem_alloc : memref<!tpu.dma_semaphore, #tpu.memory_space<semaphore_mem>>
      %dma_start3A_44 = arith.constant 0 : i32
      %dma_start3A_45 = arith.constant 0 : i32
      %dma_start3A_46 = tpu.memref_slice %arg4[%run_scoped3A_22, %add3A, %dma_start3A_44, %dma_start3A_45] : memref<2x32x20x128xi32, #tpu.memory_space<hbm>> -> memref<1x1x20x128xi32, #tpu.memory_space<hbm>>
      %dma_start3A_47 = tpu.memref_squeeze %dma_start3A_46 : memref<1x1x20x128xi32, #tpu.memory_space<hbm>> -> memref<20x128xi32, #tpu.memory_space<hbm>>
      %dma_start3A_48 = arith.constant 0 : i32
      %dma_start3A_49 = arith.constant 0 : i32
      %dma_start3A_50 = tpu.memref_slice %arg4[%run_scoped3A_22, %add3A, %dma_start3A_48, %dma_start3A_49] : memref<2x32x20x128xi32, #tpu.memory_space<hbm>> -> memref<1x1x20x128xi32, #tpu.memory_space<hbm>>
      %dma_start3A_51 = tpu.memref_squeeze %dma_start3A_50 : memref<1x1x20x128xi32, #tpu.memory_space<hbm>> -> memref<20x128xi32, #tpu.memory_space<hbm>>
      tpu.enqueue_dma source(%dma_start3A_51 : memref<20x128xi32, #tpu.memory_space<hbm>>) target(%arg7 : memref<20x128xi32, #tpu.memory_space<vmem>>) target_semaphore(%run_scoped3A_43 : memref<!tpu.dma_semaphore, #tpu.memory_space<semaphore_mem>>)
      %dma_wait3A_52 = arith.constant 0 : i32
      %dma_wait3A_53 = arith.constant 0 : i32
      %dma_wait3A_54 = tpu.memref_slice %arg4[%run_scoped3A_22, %add3A, %dma_wait3A_52, %dma_wait3A_53] : memref<2x32x20x128xi32, #tpu.memory_space<hbm>> -> memref<1x1x20x128xi32, #tpu.memory_space<hbm>>
      %dma_wait3A_55 = tpu.memref_squeeze %dma_wait3A_54 : memref<1x1x20x128xi32, #tpu.memory_space<hbm>> -> memref<20x128xi32, #tpu.memory_space<hbm>>
      %dma_wait3A_56 = arith.constant 0 : i32
      %dma_wait3A_57 = arith.constant 0 : i32
      %dma_wait3A_58 = tpu.memref_slice %arg4[%run_scoped3A_22, %add3A, %dma_wait3A_56, %dma_wait3A_57] : memref<2x32x20x128xi32, #tpu.memory_space<hbm>> -> memref<1x1x20x128xi32, #tpu.memory_space<hbm>>
      %dma_wait3A_59 = tpu.memref_squeeze %dma_wait3A_58 : memref<1x1x20x128xi32, #tpu.memory_space<hbm>> -> memref<20x128xi32, #tpu.memory_space<hbm>>
      tpu.wait_dma2 semaphore(%run_scoped3A_43 : memref<!tpu.dma_semaphore, #tpu.memory_space<semaphore_mem>>) src(%dma_wait3A_59 : memref<20x128xi32, #tpu.memory_space<hbm>>) dst(%arg7 : memref<20x128xi32, #tpu.memory_space<vmem>>)
      tpu.yield
    }) : () -> ()
    %scan3A_23 = arith.constant 0 : i32
    %scan3A_24 = arith.constant 0 : i32
    %scan3A_25 = arith.constant 10 : i32
    %scan3A_26 = arith.addi %scan3A_24, %scan3A_25 : i32
    %scan3A_27 = arith.constant 1 : i32
    scf.for %scan3A_43 = %scan3A_24 to %scan3A_26 step %scan3A_27  : i32 {
      %mul3A_44 = arith.constant 2 : i32
      %mul3A_45 = arith.muli %mul3A_44, %scan3A_43 : i32
      %ge3A = arith.constant 1 : i32
      %ge3A_46 = arith.cmpi sge, %mul3A_45, %ge3A : i32
      %convert_element_type3A = arith.extui %ge3A_46 : i1 to i32
      %cond3A = arith.constant 0 : i32
      %cond3A_47 = arith.cmpi ne, %convert_element_type3A, %cond3A : i32
      scf.if %cond3A_47 {
        %dma_wait3A_94 = arith.constant 0 : i32
        %dma_wait3A_95 = arith.constant 0 : i32
        %dma_wait3A_96 = tpu.memref_slice %arg2[%dma_wait3A_94, %dma_wait3A_95] : memref<81920x128xf32, #tpu.memory_space<hbm>> -> memref<128x128xf32, #tpu.memory_space<hbm>>
        %dma_wait3A_97 = arith.constant 0 : i32
        %dma_wait3A_98 = arith.constant 0 : i32
        %dma_wait3A_99 = tpu.memref_slice %arg2[%dma_wait3A_97, %dma_wait3A_98] : memref<81920x128xf32, #tpu.memory_space<hbm>> -> memref<128x128xf32, #tpu.memory_space<hbm>>
        tpu.wait_dma2 semaphore(%arg13 : memref<!tpu.dma_semaphore, #tpu.memory_space<semaphore_mem>>) src(%dma_wait3A_99 : memref<128x128xf32, #tpu.memory_space<hbm>>) dst(%arg9 : memref<128x128xf32, #tpu.memory_space<vmem>>)
      } else {
      }
      %add3A_48 = arith.constant 1 : i32
      %add3A_49 = arith.addi %mul3A_45, %add3A_48 : i32
      %lt3A = arith.constant 20 : i32
      %lt3A_50 = arith.cmpi slt, %add3A_49, %lt3A : i32
      %convert_element_type3A_51 = arith.extui %lt3A_50 : i1 to i32
      %cond3A_52 = arith.constant 0 : i32
      %cond3A_53 = arith.cmpi ne, %convert_element_type3A_51, %cond3A_52 : i32
      scf.if %cond3A_53 {
        %mul3A_94 = arith.constant 20 : i32
        %mul3A_95 = arith.muli %add3A, %mul3A_94 : i32
        %add3A_96 = arith.addi %mul3A_95, %mul3A_45 : i32
        %add3A_97 = arith.constant 1 : i32
        %add3A_98 = arith.addi %add3A_96, %add3A_97 : i32
        %mul3A_99 = arith.constant 128 : i32
        %mul3A_100 = arith.muli %add3A_98, %mul3A_99 : i32
        %dma_start3A_101 = arith.constant 0 : i32
        %dma_start3A_102 = tpu.memref_slice %arg3[%mul3A_100, %dma_start3A_101] : memref<81920x128xf32, #tpu.memory_space<hbm>> -> memref<128x128xf32, #tpu.memory_space<hbm>>
        %dma_start3A_103 = arith.constant 0 : i32
        %dma_start3A_104 = tpu.memref_slice %arg3[%mul3A_100, %dma_start3A_103] : memref<81920x128xf32, #tpu.memory_space<hbm>> -> memref<128x128xf32, #tpu.memory_space<hbm>>
        tpu.enqueue_dma source(%dma_start3A_104 : memref<128x128xf32, #tpu.memory_space<hbm>>) target(%arg9 : memref<128x128xf32, #tpu.memory_space<vmem>>) target_semaphore(%arg11 : memref<!tpu.dma_semaphore, #tpu.memory_space<semaphore_mem>>)
      } else {
      }
      %dma_wait3A_54 = arith.constant 0 : i32
      %dma_wait3A_55 = arith.constant 0 : i32
      %dma_wait3A_56 = tpu.memref_slice %arg2[%dma_wait3A_54, %dma_wait3A_55] : memref<81920x128xf32, #tpu.memory_space<hbm>> -> memref<128x128xf32, #tpu.memory_space<hbm>>
      %dma_wait3A_57 = arith.constant 0 : i32
      %dma_wait3A_58 = arith.constant 0 : i32
      %dma_wait3A_59 = tpu.memref_slice %arg2[%dma_wait3A_57, %dma_wait3A_58] : memref<81920x128xf32, #tpu.memory_space<hbm>> -> memref<128x128xf32, #tpu.memory_space<hbm>>
      tpu.wait_dma2 semaphore(%arg10 : memref<!tpu.dma_semaphore, #tpu.memory_space<semaphore_mem>>) src(%dma_wait3A_59 : memref<128x128xf32, #tpu.memory_space<hbm>>) dst(%arg8 : memref<128x128xf32, #tpu.memory_space<vmem>>)
      %dma_start3A_60 = arith.constant 0 : i32
      %dma_start3A_61 = tpu.memref_slice %arg7[%mul3A_45, %dma_start3A_60] : memref<20x128xi32, #tpu.memory_space<vmem>> -> memref<1x128xi32, #tpu.memory_space<vmem>>
      %dma_start3A_62 = tpu.memref_squeeze %dma_start3A_61 : memref<1x128xi32, #tpu.memory_space<vmem>> -> memref<128xi32, #tpu.memory_space<vmem>>
      %dma_start3A_63 = arith.constant 0 : i32
      %dma_start3A_64 = arith.constant 0 : i32
      %dma_start3A_65 = tpu.memref_slice %arg14[%dma_start3A_63, %dma_start3A_64] : memref<10112x128xf32, #tpu.memory_space<vmem_shared>> -> memref<10112x128xf32, #tpu.memory_space<vmem_shared>>
      tpu.enqueue_indirect_dma source(%arg8 : memref<128x128xf32, #tpu.memory_space<vmem>>) target(%dma_start3A_65 : memref<10112x128xf32, #tpu.memory_space<vmem_shared>>) offsets(%dma_start3A_62 : memref<128xi32, #tpu.memory_space<vmem>>) semaphore(%arg12 : memref<!tpu.dma_semaphore, #tpu.memory_space<semaphore_mem>>) {add = true}
      %mul3A_66 = arith.constant 2 : i32
      %mul3A_67 = arith.muli %mul3A_66, %scan3A_43 : i32
      %add3A_68 = arith.constant 1 : i32
      %add3A_69 = arith.addi %mul3A_67, %add3A_68 : i32
      %ge3A_70 = arith.constant 1 : i32
      %ge3A_71 = arith.cmpi sge, %add3A_69, %ge3A_70 : i32
      %convert_element_type3A_72 = arith.extui %ge3A_71 : i1 to i32
      %cond3A_73 = arith.constant 0 : i32
      %cond3A_74 = arith.cmpi ne, %convert_element_type3A_72, %cond3A_73 : i32
      scf.if %cond3A_74 {
        %dma_wait3A_94 = arith.constant 0 : i32
        %dma_wait3A_95 = arith.constant 0 : i32
        %dma_wait3A_96 = tpu.memref_slice %arg2[%dma_wait3A_94, %dma_wait3A_95] : memref<81920x128xf32, #tpu.memory_space<hbm>> -> memref<128x128xf32, #tpu.memory_space<hbm>>
        %dma_wait3A_97 = arith.constant 0 : i32
        %dma_wait3A_98 = arith.constant 0 : i32
        %dma_wait3A_99 = tpu.memref_slice %arg2[%dma_wait3A_97, %dma_wait3A_98] : memref<81920x128xf32, #tpu.memory_space<hbm>> -> memref<128x128xf32, #tpu.memory_space<hbm>>
        tpu.wait_dma2 semaphore(%arg12 : memref<!tpu.dma_semaphore, #tpu.memory_space<semaphore_mem>>) src(%dma_wait3A_99 : memref<128x128xf32, #tpu.memory_space<hbm>>) dst(%arg8 : memref<128x128xf32, #tpu.memory_space<vmem>>)
      } else {
      }
      %add3A_75 = arith.constant 1 : i32
      %add3A_76 = arith.addi %add3A_69, %add3A_75 : i32
      %lt3A_77 = arith.constant 20 : i32
      %lt3A_78 = arith.cmpi slt, %add3A_76, %lt3A_77 : i32
      %convert_element_type3A_79 = arith.extui %lt3A_78 : i1 to i32
      %cond3A_80 = arith.constant 0 : i32
      %cond3A_81 = arith.cmpi ne, %convert_element_type3A_79, %cond3A_80 : i32
      scf.if %cond3A_81 {
        %mul3A_94 = arith.constant 20 : i32
        %mul3A_95 = arith.muli %add3A, %mul3A_94 : i32
        %add3A_96 = arith.addi %mul3A_95, %add3A_69 : i32
        %add3A_97 = arith.constant 1 : i32
        %add3A_98 = arith.addi %add3A_96, %add3A_97 : i32
        %mul3A_99 = arith.constant 128 : i32
        %mul3A_100 = arith.muli %add3A_98, %mul3A_99 : i32
        %dma_start3A_101 = arith.constant 0 : i32
        %dma_start3A_102 = tpu.memref_slice %arg3[%mul3A_100, %dma_start3A_101] : memref<81920x128xf32, #tpu.memory_space<hbm>> -> memref<128x128xf32, #tpu.memory_space<hbm>>
        %dma_start3A_103 = arith.constant 0 : i32
        %dma_start3A_104 = tpu.memref_slice %arg3[%mul3A_100, %dma_start3A_103] : memref<81920x128xf32, #tpu.memory_space<hbm>> -> memref<128x128xf32, #tpu.memory_space<hbm>>
        tpu.enqueue_dma source(%dma_start3A_104 : memref<128x128xf32, #tpu.memory_space<hbm>>) target(%arg8 : memref<128x128xf32, #tpu.memory_space<vmem>>) target_semaphore(%arg10 : memref<!tpu.dma_semaphore, #tpu.memory_space<semaphore_mem>>)
      } else {
      }
      %dma_wait3A_82 = arith.constant 0 : i32
      %dma_wait3A_83 = arith.constant 0 : i32
      %dma_wait3A_84 = tpu.memref_slice %arg2[%dma_wait3A_82, %dma_wait3A_83] : memref<81920x128xf32, #tpu.memory_space<hbm>> -> memref<128x128xf32, #tpu.memory_space<hbm>>
      %dma_wait3A_85 = arith.constant 0 : i32
      %dma_wait3A_86 = arith.constant 0 : i32
      %dma_wait3A_87 = tpu.memref_slice %arg2[%dma_wait3A_85, %dma_wait3A_86] : memref<81920x128xf32, #tpu.memory_space<hbm>> -> memref<128x128xf32, #tpu.memory_space<hbm>>
      tpu.wait_dma2 semaphore(%arg11 : memref<!tpu.dma_semaphore, #tpu.memory_space<semaphore_mem>>) src(%dma_wait3A_87 : memref<128x128xf32, #tpu.memory_space<hbm>>) dst(%arg9 : memref<128x128xf32, #tpu.memory_space<vmem>>)
      %dma_start3A_88 = arith.constant 0 : i32
      %dma_start3A_89 = tpu.memref_slice %arg7[%add3A_69, %dma_start3A_88] : memref<20x128xi32, #tpu.memory_space<vmem>> -> memref<1x128xi32, #tpu.memory_space<vmem>>
      %dma_start3A_90 = tpu.memref_squeeze %dma_start3A_89 : memref<1x128xi32, #tpu.memory_space<vmem>> -> memref<128xi32, #tpu.memory_space<vmem>>
      %dma_start3A_91 = arith.constant 0 : i32
      %dma_start3A_92 = arith.constant 0 : i32
      %dma_start3A_93 = tpu.memref_slice %arg14[%dma_start3A_91, %dma_start3A_92] : memref<10112x128xf32, #tpu.memory_space<vmem_shared>> -> memref<10112x128xf32, #tpu.memory_space<vmem_shared>>
      tpu.enqueue_indirect_dma source(%arg9 : memref<128x128xf32, #tpu.memory_space<vmem>>) target(%dma_start3A_93 : memref<10112x128xf32, #tpu.memory_space<vmem_shared>>) offsets(%dma_start3A_90 : memref<128xi32, #tpu.memory_space<vmem>>) semaphore(%arg13 : memref<!tpu.dma_semaphore, #tpu.memory_space<semaphore_mem>>) {add = true}
    }
    %scan3A_28 = arith.constant 10 : i32
    %dma_wait3A_29 = arith.constant 0 : i32
    %dma_wait3A_30 = arith.constant 0 : i32
    %dma_wait3A_31 = tpu.memref_slice %arg2[%dma_wait3A_29, %dma_wait3A_30] : memref<81920x128xf32, #tpu.memory_space<hbm>> -> memref<128x128xf32, #tpu.memory_space<hbm>>
    %dma_wait3A_32 = arith.constant 0 : i32
    %dma_wait3A_33 = arith.constant 0 : i32
    %dma_wait3A_34 = tpu.memref_slice %arg2[%dma_wait3A_32, %dma_wait3A_33] : memref<81920x128xf32, #tpu.memory_space<hbm>> -> memref<128x128xf32, #tpu.memory_space<hbm>>
    tpu.wait_dma2 semaphore(%arg13 : memref<!tpu.dma_semaphore, #tpu.memory_space<semaphore_mem>>) src(%dma_wait3A_34 : memref<128x128xf32, #tpu.memory_space<hbm>>) dst(%arg9 : memref<128x128xf32, #tpu.memory_space<vmem>>)
    %barrier3A_35 = arith.constant 0 : index
    tpu.barrier barrier_id(%barrier3A_35)
    %mul3A_36 = arith.constant 632 : i32
    %mul3A_37 = arith.muli %arg1, %mul3A_36 : i32
    %mul3A_38 = arith.constant 10112 : i32
    %mul3A_39 = arith.muli %arg0, %mul3A_38 : i32
    %mul3A_40 = arith.constant 632 : i32
    %mul3A_41 = arith.muli %arg1, %mul3A_40 : i32
    %add3A_42 = arith.addi %mul3A_39, %mul3A_41 : i32
    "tpu.region"() ({
      %run_scoped3A_43 = tpu.sem_alloc : memref<!tpu.dma_semaphore, #tpu.memory_space<semaphore_mem>>
      %dma_start3A_44 = arith.constant 0 : i32
      %dma_start3A_45 = tpu.memref_slice %arg6[%add3A_42, %dma_start3A_44] : memref<20224x128xf32, #tpu.memory_space<hbm>> -> memref<632x128xf32, #tpu.memory_space<hbm>>
      %dma_start3A_46 = arith.constant 0 : i32
      %dma_start3A_47 = tpu.memref_slice %arg14[%mul3A_37, %dma_start3A_46] : memref<10112x128xf32, #tpu.memory_space<vmem_shared>> -> memref<632x128xf32, #tpu.memory_space<vmem_shared>>
      tpu.enqueue_dma source(%dma_start3A_47 : memref<632x128xf32, #tpu.memory_space<vmem_shared>>) target(%dma_start3A_45 : memref<632x128xf32, #tpu.memory_space<hbm>>) target_semaphore(%run_scoped3A_43 : memref<!tpu.dma_semaphore, #tpu.memory_space<semaphore_mem>>)
      %dma_wait3A_48 = arith.constant 0 : i32
      %dma_wait3A_49 = tpu.memref_slice %arg6[%add3A_42, %dma_wait3A_48] : memref<20224x128xf32, #tpu.memory_space<hbm>> -> memref<632x128xf32, #tpu.memory_space<hbm>>
      %dma_wait3A_50 = arith.constant 0 : i32
      %dma_wait3A_51 = tpu.memref_slice %arg14[%mul3A_37, %dma_wait3A_50] : memref<10112x128xf32, #tpu.memory_space<vmem_shared>> -> memref<632x128xf32, #tpu.memory_space<vmem_shared>>
      tpu.wait_dma2 semaphore(%run_scoped3A_43 : memref<!tpu.dma_semaphore, #tpu.memory_space<semaphore_mem>>) src(%dma_wait3A_51 : memref<632x128xf32, #tpu.memory_space<vmem_shared>>) dst(%dma_wait3A_49 : memref<632x128xf32, #tpu.memory_space<hbm>>)
      tpu.yield
    }) : () -> ()
    return
  }
}

module attributes {stable_mosaic.version = 14 : i64} {
  func.func @_node_pre(%arg0: i32, %arg1: memref<632x128xf32, #tpu.memory_space<vmem>>, %arg2: memref<128x128xf32, #tpu.memory_space<vmem>>, %arg3: memref<128x128xf32, #tpu.memory_space<vmem>>, %arg4: memref<1x128xf32, #tpu.memory_space<vmem>>, %arg5: memref<632x128xf32, #tpu.memory_space<vmem>>, %arg6: memref<632x128xf32, #tpu.memory_space<vmem>>) attributes {dimension_semantics = [#tpu.dimension_semantics<parallel>], iteration_bounds = array<i64: 16>, scalar_prefetch = 0 : i64, scratch_operands = 0 : i64, tpu.core_type = #tpu.core_type<tc>, window_params = [{transform_indices = @transform_0, window_bounds = array<i64: 632, 128>}, {pipeline_mode = #tpu.pipeline_mode<synchronous>, transform_indices = @transform_1, window_bounds = array<i64: 128, 128>}, {pipeline_mode = #tpu.pipeline_mode<synchronous>, transform_indices = @transform_2, window_bounds = array<i64: 128, 128>}, {pipeline_mode = #tpu.pipeline_mode<synchronous>, transform_indices = @transform_3, window_bounds = array<i64: 1, 128>}, {transform_indices = @transform_4, window_bounds = array<i64: 632, 128>}, {transform_indices = @transform_5, window_bounds = array<i64: 632, 128>}]} {
    %get3A = arith.constant 0 : index
    %get3A_0 = arith.constant 0 : index
    %get3A_1 = vector.load %arg1[%get3A, %get3A_0] : memref<632x128xf32, #tpu.memory_space<vmem>>, vector<632x128xf32>
    %get3A_2 = arith.constant 0 : index
    %get3A_3 = arith.constant 0 : index
    %get3A_4 = vector.load %arg2[%get3A_2, %get3A_3] : memref<128x128xf32, #tpu.memory_space<vmem>>, vector<128x128xf32>
    %dot_general3A = arith.constant dense<0.000000e+00> : vector<632x128xf32>
    %dot_general3A_5 = tpu.matmul %get3A_1, %get3A_4, %dot_general3A {dimension_numbers = #tpu.dot_dimension_numbers<[1], [0], [0], [1], [0, 0, 1, 1], [], []>, transpose_lhs_hint = false} : vector<632x128xf32>, vector<128x128xf32>, vector<632x128xf32> -> vector<632x128xf32>
    %swap3A = arith.constant 0 : index
    %swap3A_6 = arith.constant 0 : index
    %swap3A_7 = vector.load %arg5[%swap3A, %swap3A_6] : memref<632x128xf32, #tpu.memory_space<vmem>>, vector<632x128xf32>
    tpu.vector_store %arg5[%swap3A, %swap3A_6], %dot_general3A_5 {strides = array<i32>} : memref<632x128xf32, #tpu.memory_space<vmem>>, vector<632x128xf32>,
    %get3A_8 = arith.constant 0 : index
    %get3A_9 = arith.constant 0 : index
    %get3A_10 = vector.load %arg3[%get3A_8, %get3A_9] : memref<128x128xf32, #tpu.memory_space<vmem>>, vector<128x128xf32>
    %dot_general3A_11 = arith.constant dense<0.000000e+00> : vector<632x128xf32>
    %dot_general3A_12 = tpu.matmul %get3A_1, %get3A_10, %dot_general3A_11 {dimension_numbers = #tpu.dot_dimension_numbers<[1], [0], [0], [1], [0, 0, 1, 1], [], []>, transpose_lhs_hint = false} : vector<632x128xf32>, vector<128x128xf32>, vector<632x128xf32> -> vector<632x128xf32>
    %get3A_13 = arith.constant 0 : index
    %get3A_14 = arith.constant 0 : index
    %get3A_15 = vector.load %arg4[%get3A_13, %get3A_14] : memref<1x128xf32, #tpu.memory_space<vmem>>, vector<1x128xf32>
    %add3A = vector.broadcast %get3A_15 : vector<1x128xf32> to vector<632x128xf32>
    %add3A_16 = arith.addf %dot_general3A_12, %add3A : vector<632x128xf32>
    %swap3A_17 = arith.constant 0 : index
    %swap3A_18 = arith.constant 0 : index
    %swap3A_19 = vector.load %arg6[%swap3A_17, %swap3A_18] : memref<632x128xf32, #tpu.memory_space<vmem>>, vector<632x128xf32>
    tpu.vector_store %arg6[%swap3A_17, %swap3A_18], %add3A_16 {strides = array<i32>} : memref<632x128xf32, #tpu.memory_space<vmem>>, vector<632x128xf32>,
    return
  }
  func.func @transform_0(%arg0: i32) -> (i32, i32) {
    %c0_i32 = arith.constant 0 : i32
    %c0_i32_0 = arith.constant 0 : i32
    return %arg0, %c0_i32 : i32, i32
  }
  func.func @transform_1(%arg0: i32) -> (i32, i32) {
    %c0_i32 = arith.constant 0 : i32
    %c0_i32_0 = arith.constant 0 : i32
    %c0_i32_1 = arith.constant 0 : i32
    return %c0_i32, %c0_i32_0 : i32, i32
  }
  func.func @transform_2(%arg0: i32) -> (i32, i32) {
    %c0_i32 = arith.constant 0 : i32
    %c0_i32_0 = arith.constant 0 : i32
    %c0_i32_1 = arith.constant 0 : i32
    return %c0_i32, %c0_i32_0 : i32, i32
  }
  func.func @transform_3(%arg0: i32) -> (i32, i32) {
    %c0_i32 = arith.constant 0 : i32
    %c0_i32_0 = arith.constant 0 : i32
    %c0_i32_1 = arith.constant 0 : i32
    return %c0_i32, %c0_i32_0 : i32, i32
  }
  func.func @transform_4(%arg0: i32) -> (i32, i32) {
    %c0_i32 = arith.constant 0 : i32
    %c0_i32_0 = arith.constant 0 : i32
    return %arg0, %c0_i32 : i32, i32
  }
  func.func @transform_5(%arg0: i32) -> (i32, i32) {
    %c0_i32 = arith.constant 0 : i32
    %c0_i32_0 = arith.constant 0 : i32
    return %arg0, %c0_i32 : i32, i32
  }
}

module attributes {stable_mosaic.version = 14 : i64} {
  func.func @_edge_mlp(%arg0: i32, %arg1: memref<2048x128xf32, #tpu.memory_space<vmem>>, %arg2: memref<2048x128xf32, #tpu.memory_space<vmem>>, %arg3: memref<2048x1xf32, #tpu.memory_space<vmem>>, %arg4: memref<1x128xf32, #tpu.memory_space<vmem>>, %arg5: memref<1x128xf32, #tpu.memory_space<vmem>>, %arg6: memref<1x128xf32, #tpu.memory_space<vmem>>, %arg7: memref<128x128xf32, #tpu.memory_space<vmem>>, %arg8: memref<1x128xf32, #tpu.memory_space<vmem>>, %arg9: memref<2048x128xf32, #tpu.memory_space<vmem>>) attributes {dimension_semantics = [#tpu.dimension_semantics<parallel>], iteration_bounds = array<i64: 40>, scalar_prefetch = 0 : i64, scratch_operands = 0 : i64, tpu.core_type = #tpu.core_type<tc>, window_params = [{transform_indices = @transform_0, window_bounds = array<i64: 2048, 128>}, {transform_indices = @transform_1, window_bounds = array<i64: 2048, 128>}, {transform_indices = @transform_2, window_bounds = array<i64: 2048, 1>}, {pipeline_mode = #tpu.pipeline_mode<synchronous>, transform_indices = @transform_3, window_bounds = array<i64: 1, 128>}, {pipeline_mode = #tpu.pipeline_mode<synchronous>, transform_indices = @transform_4, window_bounds = array<i64: 1, 128>}, {pipeline_mode = #tpu.pipeline_mode<synchronous>, transform_indices = @transform_5, window_bounds = array<i64: 1, 128>}, {pipeline_mode = #tpu.pipeline_mode<synchronous>, transform_indices = @transform_6, window_bounds = array<i64: 128, 128>}, {pipeline_mode = #tpu.pipeline_mode<synchronous>, transform_indices = @transform_7, window_bounds = array<i64: 1, 128>}, {transform_indices = @transform_8, window_bounds = array<i64: 2048, 128>}]} {
    %get3A = arith.constant 0 : index
    %get3A_0 = arith.constant 0 : index
    %get3A_1 = vector.load %arg1[%get3A, %get3A_0] : memref<2048x128xf32, #tpu.memory_space<vmem>>, vector<2048x128xf32>
    %get3A_2 = arith.constant 0 : index
    %get3A_3 = arith.constant 0 : index
    %get3A_4 = vector.load %arg2[%get3A_2, %get3A_3] : memref<2048x128xf32, #tpu.memory_space<vmem>>, vector<2048x128xf32>
    %add3A = arith.addf %get3A_1, %get3A_4 : vector<2048x128xf32>
    %get3A_5 = arith.constant 0 : index
    %get3A_6 = arith.constant 0 : index
    %get3A_7 = vector.load %arg3[%get3A_5, %get3A_6] : memref<2048x1xf32, #tpu.memory_space<vmem>>, vector<2048x1xf32>
    %get3A_8 = arith.constant 0 : index
    %get3A_9 = arith.constant 0 : index
    %get3A_10 = vector.load %arg4[%get3A_8, %get3A_9] : memref<1x128xf32, #tpu.memory_space<vmem>>, vector<1x128xf32>
    %mul3A = vector.broadcast %get3A_7 : vector<2048x1xf32> to vector<2048x128xf32>
    %mul3A_11 = vector.broadcast %get3A_10 : vector<1x128xf32> to vector<2048x128xf32>
    %mul3A_12 = arith.mulf %mul3A, %mul3A_11 : vector<2048x128xf32>
    %add3A_13 = arith.addf %add3A, %mul3A_12 : vector<2048x128xf32>
    %logistic3A = arith.negf %add3A_13 : vector<2048x128xf32>
    %logistic3A_14 = math.exp %logistic3A : vector<2048x128xf32>
    %logistic3A_15 = arith.constant 1.000000e+00 : f32
    %logistic3A_16 = vector.broadcast %logistic3A_15 : f32 to vector<2048x128xf32>
    %logistic3A_17 = arith.addf %logistic3A_16, %logistic3A_14 : vector<2048x128xf32>
    %logistic3A_18 = arith.divf %logistic3A_16, %logistic3A_17 : vector<2048x128xf32>
    %mul3A_19 = arith.mulf %add3A_13, %logistic3A_18 : vector<2048x128xf32>
    %reduce_sum3A = arith.constant dense<0.000000e+00> : vector<2048xf32>
    %reduce_sum3A_20 = vector.multi_reduction <add>, %mul3A_19, %reduce_sum3A [1] : vector<2048x128xf32> to vector<2048xf32>
    %broadcast_in_dim3A = vector.shape_cast %reduce_sum3A_20 : vector<2048xf32> to vector<2048x1xf32>
    %div3A = arith.constant 1.280000e+02 : f32
    %div3A_21 = vector.broadcast %div3A : f32 to vector<2048x1xf32>
    %div3A_22 = arith.divf %broadcast_in_dim3A, %div3A_21 : vector<2048x1xf32>
    %sub3A = vector.broadcast %div3A_22 : vector<2048x1xf32> to vector<2048x128xf32>
    %sub3A_23 = arith.subf %mul3A_19, %sub3A : vector<2048x128xf32>
    %integer_pow3A = arith.mulf %sub3A_23, %sub3A_23 : vector<2048x128xf32>
    %reduce_sum3A_24 = arith.constant dense<0.000000e+00> : vector<2048xf32>
    %reduce_sum3A_25 = vector.multi_reduction <add>, %integer_pow3A, %reduce_sum3A_24 [1] : vector<2048x128xf32> to vector<2048xf32>
    %broadcast_in_dim3A_26 = vector.shape_cast %reduce_sum3A_25 : vector<2048xf32> to vector<2048x1xf32>
    %div3A_27 = arith.constant 1.280000e+02 : f32
    %div3A_28 = vector.broadcast %div3A_27 : f32 to vector<2048x1xf32>
    %div3A_29 = arith.divf %broadcast_in_dim3A_26, %div3A_28 : vector<2048x1xf32>
    %sub3A_30 = vector.broadcast %div3A_22 : vector<2048x1xf32> to vector<2048x128xf32>
    %sub3A_31 = arith.subf %mul3A_19, %sub3A_30 : vector<2048x128xf32>
    %add3A_32 = arith.constant 9.99999974E-6 : f32
    %add3A_33 = vector.broadcast %add3A_32 : f32 to vector<2048x1xf32>
    %add3A_34 = arith.addf %div3A_29, %add3A_33 : vector<2048x1xf32>
    %rsqrt3A = math.rsqrt %add3A_34 : vector<2048x1xf32>
    %mul3A_35 = vector.broadcast %rsqrt3A : vector<2048x1xf32> to vector<2048x128xf32>
    %mul3A_36 = arith.mulf %sub3A_31, %mul3A_35 : vector<2048x128xf32>
    %get3A_37 = arith.constant 0 : index
    %get3A_38 = arith.constant 0 : index
    %get3A_39 = vector.load %arg5[%get3A_37, %get3A_38] : memref<1x128xf32, #tpu.memory_space<vmem>>, vector<1x128xf32>
    %mul3A_40 = vector.broadcast %get3A_39 : vector<1x128xf32> to vector<2048x128xf32>
    %mul3A_41 = arith.mulf %mul3A_36, %mul3A_40 : vector<2048x128xf32>
    %get3A_42 = arith.constant 0 : index
    %get3A_43 = arith.constant 0 : index
    %get3A_44 = vector.load %arg6[%get3A_42, %get3A_43] : memref<1x128xf32, #tpu.memory_space<vmem>>, vector<1x128xf32>
    %add3A_45 = vector.broadcast %get3A_44 : vector<1x128xf32> to vector<2048x128xf32>
    %add3A_46 = arith.addf %mul3A_41, %add3A_45 : vector<2048x128xf32>
    %convert_element_type3A = arith.truncf %add3A_46 : vector<2048x128xf32> to vector<2048x128xbf16>
    %get3A_47 = arith.constant 0 : index
    %get3A_48 = arith.constant 0 : index
    %get3A_49 = vector.load %arg7[%get3A_47, %get3A_48] : memref<128x128xf32, #tpu.memory_space<vmem>>, vector<128x128xf32>
    %convert_element_type3A_50 = arith.truncf %get3A_49 : vector<128x128xf32> to vector<128x128xbf16>
    %dot_general3A = arith.constant dense<0.000000e+00> : vector<2048x128xf32>
    %dot_general3A_51 = tpu.matmul %convert_element_type3A, %convert_element_type3A_50, %dot_general3A {dimension_numbers = #tpu.dot_dimension_numbers<[1], [0], [0], [1], [0, 0, 1, 1], [], []>, transpose_lhs_hint = false} : vector<2048x128xbf16>, vector<128x128xbf16>, vector<2048x128xf32> -> vector<2048x128xf32>
    %get3A_52 = arith.constant 0 : index
    %get3A_53 = arith.constant 0 : index
    %get3A_54 = vector.load %arg8[%get3A_52, %get3A_53] : memref<1x128xf32, #tpu.memory_space<vmem>>, vector<1x128xf32>
    %add3A_55 = vector.broadcast %get3A_54 : vector<1x128xf32> to vector<2048x128xf32>
    %add3A_56 = arith.addf %dot_general3A_51, %add3A_55 : vector<2048x128xf32>
    %logistic3A_57 = arith.negf %add3A_56 : vector<2048x128xf32>
    %logistic3A_58 = math.exp %logistic3A_57 : vector<2048x128xf32>
    %logistic3A_59 = arith.constant 1.000000e+00 : f32
    %logistic3A_60 = vector.broadcast %logistic3A_59 : f32 to vector<2048x128xf32>
    %logistic3A_61 = arith.addf %logistic3A_60, %logistic3A_58 : vector<2048x128xf32>
    %logistic3A_62 = arith.divf %logistic3A_60, %logistic3A_61 : vector<2048x128xf32>
    %mul3A_63 = arith.mulf %add3A_56, %logistic3A_62 : vector<2048x128xf32>
    %swap3A = arith.constant 0 : index
    %swap3A_64 = arith.constant 0 : index
    %swap3A_65 = vector.load %arg9[%swap3A, %swap3A_64] : memref<2048x128xf32, #tpu.memory_space<vmem>>, vector<2048x128xf32>
    tpu.vector_store %arg9[%swap3A, %swap3A_64], %mul3A_63 {strides = array<i32>} : memref<2048x128xf32, #tpu.memory_space<vmem>>, vector<2048x128xf32>,
    return
  }
  func.func @transform_0(%arg0: i32) -> (i32, i32) {
    %c0_i32 = arith.constant 0 : i32
    %c0_i32_0 = arith.constant 0 : i32
    return %arg0, %c0_i32 : i32, i32
  }
  func.func @transform_1(%arg0: i32) -> (i32, i32) {
    %c0_i32 = arith.constant 0 : i32
    %c0_i32_0 = arith.constant 0 : i32
    return %arg0, %c0_i32 : i32, i32
  }
  func.func @transform_2(%arg0: i32) -> (i32, i32) {
    %c0_i32 = arith.constant 0 : i32
    %c0_i32_0 = arith.constant 0 : i32
    return %arg0, %c0_i32 : i32, i32
  }
  func.func @transform_3(%arg0: i32) -> (i32, i32) {
    %c0_i32 = arith.constant 0 : i32
    %c0_i32_0 = arith.constant 0 : i32
    %c0_i32_1 = arith.constant 0 : i32
    return %c0_i32, %c0_i32_0 : i32, i32
  }
  func.func @transform_4(%arg0: i32) -> (i32, i32) {
    %c0_i32 = arith.constant 0 : i32
    %c0_i32_0 = arith.constant 0 : i32
    %c0_i32_1 = arith.constant 0 : i32
    return %c0_i32, %c0_i32_0 : i32, i32
  }
  func.func @transform_5(%arg0: i32) -> (i32, i32) {
    %c0_i32 = arith.constant 0 : i32
    %c0_i32_0 = arith.constant 0 : i32
    %c0_i32_1 = arith.constant 0 : i32
    return %c0_i32, %c0_i32_0 : i32, i32
  }
  func.func @transform_6(%arg0: i32) -> (i32, i32) {
    %c0_i32 = arith.constant 0 : i32
    %c0_i32_0 = arith.constant 0 : i32
    %c0_i32_1 = arith.constant 0 : i32
    return %c0_i32, %c0_i32_0 : i32, i32
  }
  func.func @transform_7(%arg0: i32) -> (i32, i32) {
    %c0_i32 = arith.constant 0 : i32
    %c0_i32_0 = arith.constant 0 : i32
    %c0_i32_1 = arith.constant 0 : i32
    return %c0_i32, %c0_i32_0 : i32, i32
  }
  func.func @transform_8(%arg0: i32) -> (i32, i32) {
    %c0_i32 = arith.constant 0 : i32
    %c0_i32_0 = arith.constant 0 : i32
    return %arg0, %c0_i32 : i32, i32
  }
}

module attributes {stable_mosaic.version = 14 : i64} {
  func.func @_node_upd(%arg0: i32, %arg1: memref<2000x128xf32, #tpu.memory_space<vmem>>, %arg2: memref<2000x128xf32, #tpu.memory_space<vmem>>, %arg3: memref<2000x128xf32, #tpu.memory_space<vmem>>, %arg4: memref<2000x128xf32, #tpu.memory_space<vmem>>, %arg5: memref<2000x128xf32, #tpu.memory_space<vmem>>, %arg6: memref<128x128xf32, #tpu.memory_space<vmem>>, %arg7: memref<128x128xf32, #tpu.memory_space<vmem>>, %arg8: memref<1x128xf32, #tpu.memory_space<vmem>>, %arg9: memref<128x128xf32, #tpu.memory_space<vmem>>, %arg10: memref<1x128xf32, #tpu.memory_space<vmem>>, %arg11: memref<2000x128xf32, #tpu.memory_space<vmem>>) attributes {dimension_semantics = [#tpu.dimension_semantics<parallel>], iteration_bounds = array<i64: 5>, scalar_prefetch = 0 : i64, scratch_operands = 0 : i64, tpu.core_type = #tpu.core_type<tc>, window_params = [{transform_indices = @transform_0, window_bounds = array<i64: 2000, 128>}, {transform_indices = @transform_1, window_bounds = array<i64: 2000, 128>}, {transform_indices = @transform_2, window_bounds = array<i64: 2000, 128>}, {transform_indices = @transform_3, window_bounds = array<i64: 2000, 128>}, {transform_indices = @transform_4, window_bounds = array<i64: 2000, 128>}, {pipeline_mode = #tpu.pipeline_mode<synchronous>, transform_indices = @transform_5, window_bounds = array<i64: 128, 128>}, {pipeline_mode = #tpu.pipeline_mode<synchronous>, transform_indices = @transform_6, window_bounds = array<i64: 128, 128>}, {pipeline_mode = #tpu.pipeline_mode<synchronous>, transform_indices = @transform_7, window_bounds = array<i64: 1, 128>}, {pipeline_mode = #tpu.pipeline_mode<synchronous>, transform_indices = @transform_8, window_bounds = array<i64: 128, 128>}, {pipeline_mode = #tpu.pipeline_mode<synchronous>, transform_indices = @transform_9, window_bounds = array<i64: 1, 128>}, {transform_indices = @transform_10, window_bounds = array<i64: 2000, 128>}]} {
    %get3A = arith.constant 0 : index
    %get3A_0 = arith.constant 0 : index
    %get3A_1 = vector.load %arg1[%get3A, %get3A_0] : memref<2000x128xf32, #tpu.memory_space<vmem>>, vector<2000x128xf32>
    %get3A_2 = arith.constant 0 : index
    %get3A_3 = arith.constant 0 : index
    %get3A_4 = vector.load %arg2[%get3A_2, %get3A_3] : memref<2000x128xf32, #tpu.memory_space<vmem>>, vector<2000x128xf32>
    %get3A_5 = arith.constant 0 : index
    %get3A_6 = arith.constant 0 : index
    %get3A_7 = vector.load %arg3[%get3A_5, %get3A_6] : memref<2000x128xf32, #tpu.memory_space<vmem>>, vector<2000x128xf32>
    %add3A = arith.addf %get3A_4, %get3A_7 : vector<2000x128xf32>
    %get3A_8 = arith.constant 0 : index
    %get3A_9 = arith.constant 0 : index
    %get3A_10 = vector.load %arg4[%get3A_8, %get3A_9] : memref<2000x128xf32, #tpu.memory_space<vmem>>, vector<2000x128xf32>
    %get3A_11 = arith.constant 0 : index
    %get3A_12 = arith.constant 0 : index
    %get3A_13 = vector.load %arg5[%get3A_11, %get3A_12] : memref<2000x128xf32, #tpu.memory_space<vmem>>, vector<2000x128xf32>
    %add3A_14 = arith.addf %get3A_10, %get3A_13 : vector<2000x128xf32>
    %add3A_15 = arith.addf %add3A, %add3A_14 : vector<2000x128xf32>
    %get3A_16 = arith.constant 0 : index
    %get3A_17 = arith.constant 0 : index
    %get3A_18 = vector.load %arg6[%get3A_16, %get3A_17] : memref<128x128xf32, #tpu.memory_space<vmem>>, vector<128x128xf32>
    %dot_general3A = arith.constant dense<0.000000e+00> : vector<2000x128xf32>
    %dot_general3A_19 = tpu.matmul %get3A_1, %get3A_18, %dot_general3A {dimension_numbers = #tpu.dot_dimension_numbers<[1], [0], [0], [1], [0, 0, 1, 1], [], []>, transpose_lhs_hint = false} : vector<2000x128xf32>, vector<128x128xf32>, vector<2000x128xf32> -> vector<2000x128xf32>
    %get3A_20 = arith.constant 0 : index
    %get3A_21 = arith.constant 0 : index
    %get3A_22 = vector.load %arg7[%get3A_20, %get3A_21] : memref<128x128xf32, #tpu.memory_space<vmem>>, vector<128x128xf32>
    %dot_general3A_23 = arith.constant dense<0.000000e+00> : vector<2000x128xf32>
    %dot_general3A_24 = tpu.matmul %add3A_15, %get3A_22, %dot_general3A_23 {dimension_numbers = #tpu.dot_dimension_numbers<[1], [0], [0], [1], [0, 0, 1, 1], [], []>, transpose_lhs_hint = false} : vector<2000x128xf32>, vector<128x128xf32>, vector<2000x128xf32> -> vector<2000x128xf32>
    %add3A_25 = arith.addf %dot_general3A_19, %dot_general3A_24 : vector<2000x128xf32>
    %get3A_26 = arith.constant 0 : index
    %get3A_27 = arith.constant 0 : index
    %get3A_28 = vector.load %arg8[%get3A_26, %get3A_27] : memref<1x128xf32, #tpu.memory_space<vmem>>, vector<1x128xf32>
    %add3A_29 = vector.broadcast %get3A_28 : vector<1x128xf32> to vector<2000x128xf32>
    %add3A_30 = arith.addf %add3A_25, %add3A_29 : vector<2000x128xf32>
    %logistic3A = arith.negf %add3A_30 : vector<2000x128xf32>
    %logistic3A_31 = math.exp %logistic3A : vector<2000x128xf32>
    %logistic3A_32 = arith.constant 1.000000e+00 : f32
    %logistic3A_33 = vector.broadcast %logistic3A_32 : f32 to vector<2000x128xf32>
    %logistic3A_34 = arith.addf %logistic3A_33, %logistic3A_31 : vector<2000x128xf32>
    %logistic3A_35 = arith.divf %logistic3A_33, %logistic3A_34 : vector<2000x128xf32>
    %mul3A = arith.mulf %add3A_30, %logistic3A_35 : vector<2000x128xf32>
    %get3A_36 = arith.constant 0 : index
    %get3A_37 = arith.constant 0 : index
    %get3A_38 = vector.load %arg9[%get3A_36, %get3A_37] : memref<128x128xf32, #tpu.memory_space<vmem>>, vector<128x128xf32>
    %dot_general3A_39 = arith.constant dense<0.000000e+00> : vector<2000x128xf32>
    %dot_general3A_40 = tpu.matmul %mul3A, %get3A_38, %dot_general3A_39 {dimension_numbers = #tpu.dot_dimension_numbers<[1], [0], [0], [1], [0, 0, 1, 1], [], []>, transpose_lhs_hint = false} : vector<2000x128xf32>, vector<128x128xf32>, vector<2000x128xf32> -> vector<2000x128xf32>
    %add3A_41 = arith.addf %get3A_1, %dot_general3A_40 : vector<2000x128xf32>
    %get3A_42 = arith.constant 0 : index
    %get3A_43 = arith.constant 0 : index
    %get3A_44 = vector.load %arg10[%get3A_42, %get3A_43] : memref<1x128xf32, #tpu.memory_space<vmem>>, vector<1x128xf32>
    %add3A_45 = vector.broadcast %get3A_44 : vector<1x128xf32> to vector<2000x128xf32>
    %add3A_46 = arith.addf %add3A_41, %add3A_45 : vector<2000x128xf32>
    %swap3A = arith.constant 0 : index
    %swap3A_47 = arith.constant 0 : index
    %swap3A_48 = vector.load %arg11[%swap3A, %swap3A_47] : memref<2000x128xf32, #tpu.memory_space<vmem>>, vector<2000x128xf32>
    tpu.vector_store %arg11[%swap3A, %swap3A_47], %add3A_46 {strides = array<i32>} : memref<2000x128xf32, #tpu.memory_space<vmem>>, vector<2000x128xf32>,
    return
  }
  func.func @transform_0(%arg0: i32) -> (i32, i32) {
    %c0_i32 = arith.constant 0 : i32
    %c0_i32_0 = arith.constant 0 : i32
    return %arg0, %c0_i32 : i32, i32
  }
  func.func @transform_1(%arg0: i32) -> (i32, i32) {
    %c0_i32 = arith.constant 0 : i32
    %c0_i32_0 = arith.constant 0 : i32
    return %arg0, %c0_i32 : i32, i32
  }
  func.func @transform_2(%arg0: i32) -> (i32, i32) {
    %c0_i32 = arith.constant 0 : i32
    %c0_i32_0 = arith.constant 0 : i32
    return %arg0, %c0_i32 : i32, i32
  }
  func.func @transform_3(%arg0: i32) -> (i32, i32) {
    %c0_i32 = arith.constant 0 : i32
    %c0_i32_0 = arith.constant 0 : i32
    return %arg0, %c0_i32 : i32, i32
  }
  func.func @transform_4(%arg0: i32) -> (i32, i32) {
    %c0_i32 = arith.constant 0 : i32
    %c0_i32_0 = arith.constant 0 : i32
    return %arg0, %c0_i32 : i32, i32
  }
  func.func @transform_5(%arg0: i32) -> (i32, i32) {
    %c0_i32 = arith.constant 0 : i32
    %c0_i32_0 = arith.constant 0 : i32
    %c0_i32_1 = arith.constant 0 : i32
    return %c0_i32, %c0_i32_0 : i32, i32
  }
  func.func @transform_6(%arg0: i32) -> (i32, i32) {
    %c0_i32 = arith.constant 0 : i32
    %c0_i32_0 = arith.constant 0 : i32
    %c0_i32_1 = arith.constant 0 : i32
    return %c0_i32, %c0_i32_0 : i32, i32
  }
  func.func @transform_7(%arg0: i32) -> (i32, i32) {
    %c0_i32 = arith.constant 0 : i32
    %c0_i32_0 = arith.constant 0 : i32
    %c0_i32_1 = arith.constant 0 : i32
    return %c0_i32, %c0_i32_0 : i32, i32
  }
  func.func @transform_8(%arg0: i32) -> (i32, i32) {
    %c0_i32 = arith.constant 0 : i32
    %c0_i32_0 = arith.constant 0 : i32
    %c0_i32_1 = arith.constant 0 : i32
    return %c0_i32, %c0_i32_0 : i32, i32
  }
  func.func @transform_9(%arg0: i32) -> (i32, i32) {
    %c0_i32 = arith.constant 0 : i32
    %c0_i32_0 = arith.constant 0 : i32
    %c0_i32_1 = arith.constant 0 : i32
    return %c0_i32, %c0_i32_0 : i32, i32
  }
  func.func @transform_10(%arg0: i32) -> (i32, i32) {
    %c0_i32 = arith.constant 0 : i32
    %c0_i32_0 = arith.constant 0 : i32
    return %arg0, %c0_i32 : i32, i32
  }
}

</mosaic_0001>

<sc_bundles>
// kernel: kernel.14.cloned.1.call-start
scs
__scs_entry_jumppad:
0x0: {  	(pc) =	sbr.rel $0x88, $3  }
0x1: {  	(tag) =	ssettag $0x0;
	lr =	simm.s32 $0x1  }
0x2: {  	[smem:$0x3F94] =	sst lr;
	_ =	strace $0xD0000000  }
0x3: {  	_ = 	snop  }
0x4: {  	_ = 	snop  }
0x5: {  	_ = 	snop  }
0x6: {  	_ = 	snop  }
0x7: {  	_ = 	snop  }
__scs_overlays_trampoline_lowered:
0x8: {  	[smem:$0x3FA3] =	sst s0  }
0x9: {  	[smem:$0x3FA4] =	sst s1  }
0xa: {  	[smem:$0x3FA5] =	sst s2  }
0xb: {  	[smem:$0x3FA6] =	sst s3  }
0xc: {  	[smem:$0x3FA7] =	sst s4  }
0xd: {  	[smem:$0x3FA8] =	sst s5  }
0xe: {  	[smem:$0x3FA9] =	sst s6  }
0xf: {  	[smem:$0x3FAA] =	sst s7  }
0x10: {  	[smem:$0x3FAB] =	sst s8  }
0x11: {  	[smem:$0x3FAC] =	sst s9;
	s0 =	simm.s32 @!p0 $0x0  }
0x12: {  	s1 =	sld [smem:$0x3F92];
	s0 =	simm.s32 @p0 $0x1  }
0x13: {  	[smem:$0x3FAD] =	sst s0;
	s0 =	simm.s32 @!p1 $0x0  }
0x14: {  	s2 =	sld [smem:$0x3F91];
	s0 =	simm.s32 @p1 $0x1  }
0x15: {  	[smem:$0x3FAE] =	sst s0;
	s0 =	simm.s32 @!p2 $0x0  }
0x16: {  	s3 =	sld [smem:$0x3FDB];
	s0 =	simm.s32 @p2 $0x1  }
0x17: {  	s4 =	simm.s32 $0x1BF5;
	[smem:$0x3FB0] =	sst s0  }
0x18: {  	s0 =	sld [smem:$0x3F93];
	_ =	swait.ge [sflag:s4], $0x0  }
0x19: {  	s7 =	sld [smem:$0x3F94]  }
0x1a: {  	s8 =	sadd.s32 $0xFFFFE003, lr  }
0x1b: {  	s9 =	sadd.s32 $0xFFFFFEF7, lr;
	s5 =	simm.s32 $0xFFFFFFFF;
	p2 =	slt.u32 s8, $0xFFFFF086  }
0x1c: {  	p1 =	slt.u32 s9, $0xF7A;
	s5 =	simm.s32 @!p2 $0x0  }
0x1d: {  	s5 =	simm.s32 @p1 $0x1;
	p0 =	seq.s32 s7, s2  }
0x1e: {  	s7 =	smul.u32 @!p0 $0xF7A, s2;
	p2 =	seq.s32 @!p0 s5, $0x0  }
0x1f: {  	s9 =	smul.u32 $0xF7A, s1;
	s8 =	simm.s32 @!p0 $0x1BF5;
	p2 =	por !p2, p0  }
0x20: {  	[sflag:s8] =	ssyncset.s32 @!p0 $0xFFFFF086;
	s6 =	sadd.s32 @!p0 s3, s7;
	s7 =	simm.s32 @!p0 $0x108  }
0x21: {  	s3 =	sadd.s32 s3, s9;
	s6 =	sadd.s32 @!p0 $0x88, s6;
	s7 =	simm.s32 @p2 $0x1082  }
0x22: {  	[simem:s7], [sflag:s8] =	dma.local @!p0 [hbm:s6], $0xF7A  }
0x23: {  	s9 =	sor.u32 $0xD0000000, s2;
	s6 =	simm.s32 $0x108;
	_ =	swait.ge @!p0 [sflag:s8], $0x0  }
0x24: {  	s3 =	sadd.s32 $0x88, s3;
	s6 =	simm.s32 @!p1 $0x1082;
	[sflag:s4] =	ssyncset.s32 $0xFFFFF086  }
0x25: {  	[simem:s6], [sflag:s4] =	dma.local [hbm:s3], $0xF7A  }
0x26: {  	[smem:$0x3F94] =	sst s1;
	(tag) =	ssettag s2;
	_ =	strace s9  }
0x27: {  	s1 =	sld [smem:$0x3FA4]  }
0x28: {  	s2 =	sld [smem:$0x3FA5]  }
0x29: {  	s4 =	sld [smem:$0x3FA7]  }
0x2a: {  	p0 =	seq.s32 s5, $0x0;
	s5 =	sld [smem:$0x3FA8]  }
0x2b: {  	s6 =	sld [smem:$0x3FA9]  }
0x2c: {  	s7 =	sld [smem:$0x3FAA]  }
0x2d: {  	s3 =	simm.s32 $0x108;
	s8 =	sld [smem:$0x3FAB]  }
0x2e: {  	s3 =	simm.s32 @!p0 $0x1082;
	s9 =	sld [smem:$0x3FAC]  }
0x2f: {  	lr =	sadd.s32 s0, s3;
	s0 =	sld [smem:$0x3FA3]  }
0x30: {  	s3 =	sld [smem:$0x3FA6]  }
0x31: {  	[smem:$0x3FAF] =	sst s10  }
0x32: {  	s10 =	sld [smem:$0x3FAD];
	_ =	sdelay $0x3  }
0x33: {  	p0 =	seq.s32 s10, $0x1;
	s10 =	sld [smem:$0x3FAF];
	_ =	sdelay $0x3  }
0x34: {  	[smem:$0x3FAF] =	sst s10  }
0x35: {  	s10 =	sld [smem:$0x3FAE];
	_ =	sdelay $0x3  }
0x36: {  	p1 =	seq.s32 s10, $0x1;
	s10 =	sld [smem:$0x3FAF];
	_ =	sdelay $0x3  }
0x37: {  	[smem:$0x3FAF] =	sst s10  }
0x38: {  	s10 =	sld [smem:$0x3FB0]  }
0x39: {  	_ = 	snop;
	(pc) =	sbr.ind lr, $3  }
0x3a: {  	_ = 	snop  }
0x3b: {  	_ = 	snop  }
0x3c: {  	p2 =	seq.s32 s10, $0x1;
	s10 =	sld [smem:$0x3FAF]  }
0x3d: {  	_ =	shalt  }
0x3e: {  	_ =	shalt  }
0x3f: {  	_ =	shalt  }
0x40: {  	_ =	shalt  }
0x41: {  	_ =	shalt  }
0x42: {  	_ =	shalt  }
0x43: {  	_ =	shalt  }
0x44: {  	_ =	shalt  }
0x45: {  	_ =	shalt  }
0x46: {  	_ =	shalt  }
0x47: {  	_ =	shalt  }
0x48: {  	_ =	shalt  }
0x49: {  	_ =	shalt  }
0x4a: {  	_ =	shalt  }
0x4b: {  	_ =	shalt  }
0x4c: {  	_ =	shalt  }
0x4d: {  	_ =	shalt  }
0x4e: {  	_ =	shalt  }
0x4f: {  	_ =	shalt  }
0x50: {  	_ =	shalt  }
0x51: {  	_ =	shalt  }
0x52: {  	_ =	shalt  }
0x53: {  	_ =	shalt  }
0x54: {  	_ =	shalt  }
0x55: {  	_ =	shalt  }
0x56: {  	_ =	shalt  }
0x57: {  	_ =	shalt  }
0x58: {  	_ =	shalt  }
0x59: {  	_ =	shalt  }
0x5a: {  	_ =	shalt  }
0x5b: {  	_ =	shalt  }
0x5c: {  	_ =	shalt  }
0x5d: {  	_ =	shalt  }
0x5e: {  	_ =	shalt  }
0x5f: {  	_ =	shalt  }
0x60: {  	_ =	shalt  }
0x61: {  	_ =	shalt  }
0x62: {  	_ =	shalt  }
0x63: {  	_ =	shalt  }
0x64: {  	_ =	shalt  }
0x65: {  	_ =	shalt  }
0x66: {  	_ =	shalt  }
0x67: {  	_ =	shalt  }
0x68: {  	_ =	shalt  }
0x69: {  	_ =	shalt  }
0x6a: {  	_ =	shalt  }
0x6b: {  	_ =	shalt  }
0x6c: {  	_ =	shalt  }
0x6d: {  	_ =	shalt  }
0x6e: {  	_ =	shalt  }
0x6f: {  	_ =	shalt  }
0x70: {  	_ =	shalt  }
0x71: {  	_ =	shalt  }
0x72: {  	_ =	shalt  }
0x73: {  	_ =	shalt  }
0x74: {  	_ =	shalt  }
0x75: {  	_ =	shalt  }
0x76: {  	_ =	shalt  }
0x77: {  	_ =	shalt  }
0x78: {  	_ =	shalt  }
0x79: {  	_ =	shalt  }
0x7a: {  	_ =	shalt  }
0x7b: {  	_ =	shalt  }
0x7c: {  	_ =	shalt  }
0x7d: {  	_ =	shalt  }
0x7e: {  	_ =	shalt  }
0x7f: {  	_ =	shalt  }
0x80: {  	_ =	shalt  }
0x81: {  	_ =	shalt  }
0x82: {  	_ =	shalt  }
0x83: {  	_ =	shalt  }
0x84: {  	_ =	shalt  }
0x85: {  	_ =	shalt  }
0x86: {  	_ =	shalt  }
0x87: {  	_ =	shalt  }
.Lfunc_end0:
.L_simem_size_0:
called_computation_lowered:
.L_overlay_start_0:
0x88: {  	s2 =	sld [smem:$0x3FD9]  }
0x89: {  	s3 =	sld [smem:$0x3FFE];
	_ =	sdelay $0x1  }
0x8a: {  	s1 =	srdreg.scid  }
0x8b: {  	s0 =	sand.u32 $0x1, s1  }
0x8c: {  	s17 =	sshll.u32 s0, $0xA;
	s2 =	sadd.s32 s3, s2  }
0x8d: {  	s2 =	sadd.s32 s2, s17  }
0x8e: {  	[smem:$0x3FBB] =	sst s2  }
0x8f: {  	_ = 	snop  }
0x90: {  	(tm) =	ssettm $0x1  }
0x91: {  	s18 =	sld [smem:$0x3FFB];
	_ =	sdelay $0x3  }
0x92: {  	_ =	strace s18  }
0x93: {  	s2 =	sld [smem:$0x3FFC];
	_ =	sdelay $0x3  }
0x94: {  	_ =	strace s2  }
0x95: {  	s2 =	sld [smem:$0x3FFD];
	_ =	sdelay $0x3  }
0x96: {  	_ =	strace s2  }
0x97: {  	_ =	strace $0x8FFFFFFF  }
0x98: {  	s19 =	sld [smem:$0x3FDB];
	_ =	sdelay $0x1  }
0x99: {  	s20 =	simm.s32 $_scs_section_size  }
0x9a: {  	s4 =	simm.s32 $_size__tile_overlayer_lowered;
	s5 =	simm.s32 $_tile_overlayer_lowered  }
0x9b: {  	s6 =	simm.s32 $0x1BFF;
	s21 =	sshll.u32 s5, $0x1;
	s3 =	sadd.s32 s20, s19  }
0x9c: {  	s22 =	simm.s32 $0x0;
	s4 =	sshll.u32 s4, $0x1;
	s5 =	sadd.s32 s21, s3  }
0x9d: {  	[timem:s22], [sflag:s6] =	dma.local [hbm:s5], s4  }
0x9e: {  	_ =	swait.ge [sflag:s6], s4  }
0x9f: {  	s4 =	ssub.s32 $0x0, s4;
	[sflag:s6] =	ssyncset.done $0x0  }
0xa0: {  	[sflag:s6] =	ssyncadd.s32 s4;
	_ =	sdelay $0x1  }
0xa1: {  	s23 =	simm.s32 $0x1B8B  }
0xa2: {  	_ =	swait.ge [sflag:s23], $0x1  }
0xa3: {  	[sflag:s23] =	ssyncset.done $0x0  }
0xa4: {  	[sflag:s23] =	ssyncadd.s32 $0xFFFFFFFF  }
0xa5: {  	s4 =	sld [smem:$0x0]  }
0xa6: {  	s5 =	sand.u32 $0xFFFFFFFE, s1  }
0xa7: {  	p0 =	sne.s32 s1, s5  }
0xa8: {  	s5 =	sshll.u32 @p0 s5, $0xE  }
0xa9: {  	s5 =	sadd.s32 @p0 $0x11B8D, s5;
	s6 =	sshll.u32 @p0 s4, $0x11  }
0xaa: {  	s5 =	sor.u32 @p0 s6, s5  }
0xab: {  	[sflag:s5] =	ssyncadd.remote.s32 @p0 $0x1;
	_ =	sdelay $0x1  }
0xac: {  	s5 =	simm.s32 @p0 $0x1B8D  }
0xad: {  	_ =	swait.eq @p0 [sflag:s5], $0x1  }
0xae: {  	[sflag:s5] =	ssyncadd.s32 @p0 $0xFFFFFFFF  }
0xaf: {  	s6 =	sshll.u32 @!p0 s1, $0xE  }
0xb0: {  	s6 =	sor.u32 @!p0 $0x4000, s6;
	s5 =	simm.s32 @!p0 $0x1B8D  }
0xb1: {  	s4 =	sshll.u32 @!p0 s4, $0x11;
	s6 =	sadd.s32 @!p0 $0x11B8D, s6;
	_ =	swait.eq @!p0 [sflag:s5], $0x1  }
0xb2: {  	s4 =	sor.u32 @!p0 s4, s6;
	[sflag:s5] =	ssyncadd.s32 @!p0 $0xFFFFFFFF  }
0xb3: {  	s25 =	simm.s32 $0x1B8E;
	s24 =	sld [smem:$0x3FFE];
	[sflag:s4] =	ssyncadd.remote.s32 @!p0 $0x1  }
0xb4: {  	s26 =	simm.s32 $execute0_lowered;
	[smem:$0x3FD2] =	sst s25  }
0xb5: {  	s5 =	sshll.u32 s26, $0x1;
	_ =	strace $0x8000004F;
	[dreg:$0x1] =	wrdreg $0xFFFFFFFF  }
0xb6: {  	s28 =	simm.s32 $_size_execute0_lowered;
	s3 =	sadd.s32 s3, s5;
	[dreg:$0x0] =	wrdreg $0x0  }
0xb7: {  	s5 =	sshll.u32 s28, $0x1;
	[dreg:$0x2] =	wrdreg s3  }
0xb8: {  	[dreg:$0x3] =	wrdreg s5  }
0xb9: {  	[dreg:$0x4] =	wrdreg $0xC0  }
0xba: {  	_ =	task [dreg:s22], $0x5FFFF  }
0xbb: {  	[dreg:$0x1] =	wrdreg $0xFFFFFFFF  }
0xbc: {  	[dreg:$0x0] =	wrdreg $0x60  }
0xbd: {  	[dreg:$0x2] =	wrdreg s24  }
0xbe: {  	[dreg:$0x3] =	wrdreg $0x94000  }
0xbf: {  	[dreg:$0x4] =	wrdreg $0x9  }
0xc0: {  	_ =	task.clear_ibuf [dreg:s22], $0x5FFFF;
	_ =	strace $0x9000004F  }
0xc1: {  	s29 =	simm.s32 $0x9;
	_ =	strace $0x80000051  }
0xc2: {  	_ =	swait.ge [sflag:s29], $0x1  }
0xc3: {  	[sflag:s29] =	ssyncadd.s32 $0xFFFFFFFF  }
0xc4: {  	_ =	strace $0x90000051  }
0xc5: {  	_ =	sfence  }
0xc6: {  	s30 =	sld [smem:$0x0];
	_ =	sdelay $0x2  }
0xc7: {  	s31 =	sshll.u32 s1, $0xD;
	s1 =	sshrl.u32 s1, $0x2  }
0xc8: {  	s4 =	sand.u32 $0x4000, s31;
	s1 =	sadd.s32 s1, s30  }
0xc9: {  	s0 =	sor.u32 s4, s0;
	s1 =	sshll.u32 s1, $0x11  }
0xca: {  	s0 =	sor.u32 s1, s0  }
0xcb: {  	s0 =	sadd.s32 $0x8F2B, s0  }
0xcc: {  	[sflag:s0] =	ssyncadd.remote.s32 $0x1  }
0xcd: {  	_ =	sfence.sel $0xFFFF  }
0xce: {  	[dreg:$0x0] =	wrdreg $0xFFFFFFFF;
	(pc) =	sbr.abs _section_cstart, $3  }
0xcf: {  	[dreg:$0x1] =	wrdreg $0xFFFFFFFF  }
0xd0: {  	_ =	task.clear_ibuf [dreg:s22], $0x2FFFF;
	_ =	strace $0x9FFFFFFF  }
0xd1: {  	(tm) =	ssettm $0x7FFFFFFF  }
tec
execute0_lowered:
.L_overlay_start_1:
0x0: {  	(tag) =	ssettag $0x1  }
0x1: {  	s4 =	rddreg [dreg:$0x0]  }
0x2: {  	s1 =	rddreg [dreg:$0x1]  }
0x3: {  	s0 =	rddreg [dreg:$0x2];
	s2 =	simm.s32 $0x0  }
0x4: {  	s3 =	srdreg.scid;
	s15 =	simm.s32 $0x1400;
	s16 =	simm.s32 $0x5400  }
0x5: {  	s17 =	simm.s32 $0x1;
	s18 =	simm.s32 $0x3;
	s19 =	simm.s32 $0x100  }
0x6: {  	s20 =	simm.s32 $0x2;
	s21 =	simm.s32 $0x4;
	s22 =	simm.s32 $0x1380  }
0x7: {  	s23 =	simm.s32 $0x0;
	[smem:$0x7FF] =	sst s2;
	s7 =	sand.u32 $0x1, s3  }
0x8: {  	s8 =	sadd.s32 $0x7E3C00, s4;
	s3 =	stileid.u32;
	s10 =	sadd.s32 $0x7E1400, s4  }
0x9: {  	s5 =	sadd.s32 $0x12400, s4;
	s13 =	sadd.s32 $0x7E6400, s4;
	s12 =	smul.u32 $0x4F000, s3  }
0xa: {  	s6 =	sadd.s32 $0x39C00, s4;
	s14 =	sadd.s32 $0x926400, s4;
	s28 =	smul.u32 $0x2780, s3  }
0xb: {  	_ =	strace $0x80000050;
	s9 =	ssub.s32 $0x2, s7;
	s29 =	smul.u32 $0x280, s3  }
0xc: {  	p0 =	seq.s32 s7, $0x0;
	s30 =	smul.u32 $0x14000, s3;
	s31 =	sshll.u32 s3, $0x6  }
0xd: {  	s11 =	sshrl.u32 s9, $0x1;
	s6 =	smov.u32 @p0 s5;
	s10 =	smov.u32 @p0 s8  }
0xe: {  	s14 =	smov.u32 @p0 s13;
	s7 =	sor.u32 $0x1C05, s31;
	s13 =	simm.s32 $0x5  }
0xf: {  	s25 =	ssub.s32 s9, s11;
	s26 =	sshrl.u32 s12, $0x2;
	s5 =	sadd.s32 s6, s28  }
0x10: {  	s6 =	sadd.s32 s10, s29;
	s8 =	sadd.s32 s14, s30;
	s14 =	simm.s32 $0x80  }
0x11: {  	s12 =	sadd.s32 s26, s1;
	s4 =	smax.u32 s25, $0x1;
	s9 =	sadd.s32 $0x800, s8  }
0x12: {  	s10 =	sadd.s32 $0x13000, s8;
	s11 =	sadd.s32 $0x13800, s8;
	s12 =	sshrl.u32 s12, $0x3  }
.LBB2_1:
0x13: {  	[spmem:s12], [sflag:s7] =	dma.local [hbm:s5], $0x2780  }
0x14: {  	_ =	swait.ge [sflag:s13], $0x2780  }
0x15: {  	[sflag:s13] =	ssyncset.done $0x0  }
0x16: {  	[sflag:s13] =	ssyncadd.s32 $0xFFFFD880  }
0x17: {  	[tilespmem:s2], [sflag:$0x5] =	stream.linear.gather [hbm4b:s6+s2], $0x1400, $0x38;
	[tilespmem:$0x1D000] =	vst v63  }
0x18: {  	_ =	swait.ge [sflag:s13], $0x1400  }
0x19: {  	[sflag:s13] =	ssyncset.done $0x0  }
0x1a: {  	[sflag:s13] =	ssyncadd.s32 $0xFFFFEC00  }
0x1b: {  	[bflag:$0x0] =	sbarrier.arrive $0xFFFF  }
0x1c: {  	[tilespmem:s15], [sflag:$0x1] =	stream.indirect.gather [spmem:s1], $0x80, s2, s14, $0xb8;
	[tilespmem:$0x1D000] =	vst v63  }
0x1d: {  	_ = 	snop  }
0x1e: {  	[tilespmem:s16], [sflag:$0x2] =	stream.indirect.gather [spmem:s1], $0x80, s14, s14, $0xb8;
	[tilespmem:$0x1D000] =	vst v63  }
0x1f: {  	_ =	swait.ge [sflag:s17], $0x4000  }
0x20: {  	[sflag:s17] =	ssyncset.done $0x0  }
0x21: {  	[sflag:s17] =	ssyncadd.s32 $0xFFFFC000  }
0x22: {  	[hbm4b:s8+s2] =	stream.linear.scatter [tilespmem:s15], [sflag:$0x3], $0x4000, $0x38;
	[tilespmem:$0x1D000] =	vst v63  }
0x23: {  	_ =	swait.ge [sflag:s18], $0x4000  }
0x24: {  	[sflag:s18] =	ssyncset.done $0x0  }
0x25: {  	[sflag:s18] =	ssyncadd.s32 $0xFFFFC000  }
0x26: {  	[tilespmem:s15], [sflag:$0x1] =	stream.indirect.gather [spmem:s1], $0x80, s19, s14, $0xb8;
	[tilespmem:$0x1D000] =	vst v63  }
0x27: {  	_ =	swait.ge [sflag:s20], $0x4000  }
0x28: {  	[sflag:s20] =	ssyncset.done $0x0  }
0x29: {  	[sflag:s20] =	ssyncadd.s32 $0xFFFFC000  }
0x2a: {  	[hbm4b:s9+s2] =	stream.linear.scatter [tilespmem:s16], [sflag:$0x4], $0x4000, $0x38;
	[tilespmem:$0x1D000] =	vst v63  }
0x2b: {  	_ =	swait.ge [sflag:s21], $0x4000  }
0x2c: {  	[sflag:s21] =	ssyncset.done $0x0  }
0x2d: {  	s24 =	simm.s32 $0x180;
	[sflag:s21] =	ssyncadd.s32 $0xFFFFC000  }
0x2e: {  	[tilespmem:s16], [sflag:$0x2] =	stream.indirect.gather [spmem:s1], $0x80, s24, s14, $0xb8;
	[tilespmem:$0x1D000] =	vst v63  }
0x2f: {  	_ =	swait.ge [sflag:s17], $0x4000  }
0x30: {  	s25 =	sadd.s32 $0xFFFEE000, s8;
	[sflag:s17] =	ssyncset.done $0x0  }
0x31: {  	s30 =	sadd.s32 $0x13000, s25;
	[sflag:s17] =	ssyncadd.s32 $0xFFFFC000  }
0x32: {  	[hbm4b:s30+s2] =	stream.linear.scatter [tilespmem:s15], [sflag:$0x3], $0x4000, $0x38;
	[tilespmem:$0x1D000] =	vst v63  }
0x33: {  	_ =	swait.ge [sflag:s18], $0x4000  }
0x34: {  	[sflag:s18] =	ssyncset.done $0x0  }
0x35: {  	s31 =	simm.s32 $0x200;
	[sflag:s18] =	ssyncadd.s32 $0xFFFFC000  }
0x36: {  	[tilespmem:s15], [sflag:$0x1] =	stream.indirect.gather [spmem:s1], $0x80, s31, s14, $0xb8;
	[tilespmem:$0x1D000] =	vst v63  }
0x37: {  	_ =	swait.ge [sflag:s20], $0x4000  }
0x38: {  	s26 =	sadd.s32 $0x13800, s25;
	[sflag:s20] =	ssyncset.done $0x0  }
0x39: {  	s25 =	simm.s32 $0x300;
	s24 =	simm.s32 $0xFFFEF000;
	[sflag:s20] =	ssyncadd.s32 $0xFFFFC000  }
.LBB2_2:
0x3a: {  	[hbm4b:s26+s2] =	stream.linear.scatter [tilespmem:s16], [sflag:$0x4], $0x4000, $0x38;
	[tilespmem:$0x1D000] =	vst v63  }
0x3b: {  	s26 =	smov.u32 s24  }
0x3c: {  	p0 =	sne.s32 s24, $0xFFFFF000;
	s24 =	sadd.s32 $0x1000, s24;
	_ =	swait.ge [sflag:s21], $0x4000  }
0x3d: {  	[sflag:s21] =	ssyncset.done $0x0  }
0x3e: {  	s28 =	sadd.s32 $0xFFFFFF80, s25;
	[sflag:s21] =	ssyncadd.s32 $0xFFFFC000  }
0x3f: {  	[tilespmem:s16], [sflag:$0x2] =	stream.indirect.gather [spmem:s1], $0x80, s28, s14, $0xb8;
	[tilespmem:$0x1D000] =	vst v63  }
0x40: {  	_ =	swait.ge [sflag:s17], $0x4000  }
0x41: {  	s26 =	sadd.s32 s26, s8;
	[sflag:s17] =	ssyncset.done $0x0  }
0x42: {  	s28 =	sadd.s32 $0x13000, s26;
	[sflag:s17] =	ssyncadd.s32 $0xFFFFC000  }
0x43: {  	[hbm4b:s28+s2] =	stream.linear.scatter [tilespmem:s15], [sflag:$0x3], $0x4000, $0x38;
	[tilespmem:$0x1D000] =	vst v63  }
0x44: {  	_ =	swait.ge [sflag:s18], $0x4000  }
0x45: {  	[sflag:s18] =	ssyncset.done $0x0  }
.Ltmp0:
0x46: {  	[sflag:s18] =	ssyncadd.s32 $0xFFFFC000;
	(pc) =	sbr.rel @p0 .LBB2_2-.Ltmp0, $4  }
0x47: {  	[tilespmem:s15], [sflag:$0x1] =	stream.indirect.gather [spmem:s1], $0x80, s25, s14, $0xb8;
	[tilespmem:$0x1D000] =	vst v63  }
0x48: {  	_ =	swait.ge [sflag:s20], $0x4000  }
0x49: {  	[sflag:s20] =	ssyncset.done $0x0  }
0x4a: {  	s26 =	sadd.s32 $0x13800, s26;
	s25 =	sadd.s32 $0x100, s25;
	[sflag:s20] =	ssyncadd.s32 $0xFFFFC000  }
0x4b: {  	[hbm4b:s26+s2] =	stream.linear.scatter [tilespmem:s16], [sflag:$0x4], $0x4000, $0x38;
	[tilespmem:$0x1D000] =	vst v63  }
0x4c: {  	_ =	swait.ge [sflag:s21], $0x4000  }
0x4d: {  	[sflag:s21] =	ssyncset.done $0x0  }
0x4e: {  	[sflag:s21] =	ssyncadd.s32 $0xFFFFC000  }
0x4f: {  	[tilespmem:s16], [sflag:$0x2] =	stream.indirect.gather [spmem:s1], $0x80, s22, s14, $0xb8;
	[tilespmem:$0x1D000] =	vst v63  }
0x50: {  	_ =	swait.ge [sflag:s17], $0x4000  }
0x51: {  	[sflag:s17] =	ssyncset.done $0x0  }
0x52: {  	[sflag:s17] =	ssyncadd.s32 $0xFFFFC000  }
0x53: {  	[hbm4b:s10+s2] =	stream.linear.scatter [tilespmem:s15], [sflag:$0x3], $0x4000, $0x38;
	[tilespmem:$0x1D000] =	vst v63  }
0x54: {  	_ =	swait.ge [sflag:s20], $0x4000  }
0x55: {  	[sflag:s20] =	ssyncset.done $0x0  }
0x56: {  	s23 =	sadd.s32 $0x1, s23;
	[sflag:s20] =	ssyncadd.s32 $0xFFFFC000  }
0x57: {  	[hbm4b:s11+s2] =	stream.linear.scatter [tilespmem:s16], [sflag:$0x4], $0x4000, $0x38;
	[tilespmem:$0x1D000] =	vst v63  }
0x58: {  	p0 =	sne.s32 s23, s4;
	_ =	swait.ge [sflag:s18], $0x4000  }
.Ltmp1:
0x59: {  	[sflag:s18] =	ssyncset.done $0x0;
	(pc) =	sbr.rel @p0 .LBB2_1-.Ltmp1, $4  }
0x5a: {  	[sflag:s18] =	ssyncadd.s32 $0xFFFFC000  }
0x5b: {  	_ =	swait.ge [sflag:s21], $0x4000  }
0x5c: {  	[sflag:s21] =	ssyncset.done $0x0  }
0x5d: {  	[sflag:s21] =	ssyncadd.s32 $0xFFFFC000  }
0x5e: {  	_ =	sfence.sel $0x180000  }
0x5f: {  	[bflag:$0x0] =	sbarrier.arrive $0xFFFF  }
0x60: {  	p0 =	sne.s32 s3, $0x0;
	_ =	strace $0x90000050  }
0x61: {  	s0 =	sadd.s32 @!p0 $0x100000, s0;
	[bflag:$0x2] =	sbarrier.arrive $0xFFFF  }
0x62: {  	[sflag:s0] =	ssyncadd.tile.s32 @!p0 $0x1;
	_ =	shalt  }
.Lfunc_end2:
_tile_overlayer_lowered:
.L_overlay_start_2:
0x63: {  	(tag) =	ssettag $0x2  }
0x64: {  	s0 =	rddreg [dreg:$0x0];
	s2 =	stileid.u32  }
0x65: {  	s1 =	rddreg [dreg:$0x1];
	p0 =	sne.s32 s2, $0x0  }
0x66: {  	s3 =	rddreg [dreg:$0x2];
	[bflag:$0x3] =	sbarrier.arrive $0xFFFF;
	s2 =	simm.s32 @!p0 $0x1C05  }
0x67: {  	[timem:s3], [sflag:s2] =	dma.local @!p0 [hbm:s0], s1  }
0x68: {  	s0 =	simm.s32 @!p0 $0x5  }
0x69: {  	_ =	swait.ge @!p0 [sflag:s0], s1  }
0x6a: {  	s1 =	ssub.s32 @!p0 $0x0, s1;
	[sflag:s0] =	ssyncset.done @!p0 $0x0  }
0x6b: {  	[sflag:s0] =	ssyncadd.s32 @!p0 s1  }
0x6c: {  	[bflag:$0x3] =	sbarrier.arrive $0xFFFF  }
0x6d: {  	_ =	shalt  }

// kernel: kernel.17.cloned.1.call-start
scs
__scs_entry_jumppad:
0x0: {  	(pc) =	sbr.rel $0x88, $3  }
0x1: {  	(tag) =	ssettag $0x0;
	lr =	simm.s32 $0x1  }
0x2: {  	[smem:$0x3F94] =	sst lr;
	_ =	strace $0xD0000000  }
0x3: {  	_ = 	snop  }
0x4: {  	_ = 	snop  }
0x5: {  	_ = 	snop  }
0x6: {  	_ = 	snop  }
0x7: {  	_ = 	snop  }
__scs_overlays_trampoline_lowered:
0x8: {  	[smem:$0x3FA3] =	sst s0  }
0x9: {  	[smem:$0x3FA4] =	sst s1  }
0xa: {  	[smem:$0x3FA5] =	sst s2  }
0xb: {  	[smem:$0x3FA6] =	sst s3  }
0xc: {  	[smem:$0x3FA7] =	sst s4  }
0xd: {  	[smem:$0x3FA8] =	sst s5  }
0xe: {  	[smem:$0x3FA9] =	sst s6  }
0xf: {  	[smem:$0x3FAA] =	sst s7  }
0x10: {  	[smem:$0x3FAB] =	sst s8  }
0x11: {  	[smem:$0x3FAC] =	sst s9;
	s0 =	simm.s32 @!p0 $0x0  }
0x12: {  	s1 =	sld [smem:$0x3F92];
	s0 =	simm.s32 @p0 $0x1  }
0x13: {  	[smem:$0x3FAD] =	sst s0;
	s0 =	simm.s32 @!p1 $0x0  }
0x14: {  	s2 =	sld [smem:$0x3F91];
	s0 =	simm.s32 @p1 $0x1  }
0x15: {  	[smem:$0x3FAE] =	sst s0;
	s0 =	simm.s32 @!p2 $0x0  }
0x16: {  	s3 =	sld [smem:$0x3FDB];
	s0 =	simm.s32 @p2 $0x1  }
0x17: {  	s4 =	simm.s32 $0x1BF5;
	[smem:$0x3FB0] =	sst s0  }
0x18: {  	s0 =	sld [smem:$0x3F93];
	_ =	swait.ge [sflag:s4], $0x0  }
0x19: {  	s7 =	sld [smem:$0x3F94]  }
0x1a: {  	s8 =	sadd.s32 $0xFFFFE003, lr  }
0x1b: {  	s9 =	sadd.s32 $0xFFFFFEF7, lr;
	s5 =	simm.s32 $0xFFFFFFFF;
	p2 =	slt.u32 s8, $0xFFFFF086  }
0x1c: {  	p1 =	slt.u32 s9, $0xF7A;
	s5 =	simm.s32 @!p2 $0x0  }
0x1d: {  	s5 =	simm.s32 @p1 $0x1;
	p0 =	seq.s32 s7, s2  }
0x1e: {  	s7 =	smul.u32 @!p0 $0xF7A, s2;
	p2 =	seq.s32 @!p0 s5, $0x0  }
0x1f: {  	s9 =	smul.u32 $0xF7A, s1;
	s8 =	simm.s32 @!p0 $0x1BF5;
	p2 =	por !p2, p0  }
0x20: {  	[sflag:s8] =	ssyncset.s32 @!p0 $0xFFFFF086;
	s6 =	sadd.s32 @!p0 s3, s7;
	s7 =	simm.s32 @!p0 $0x108  }
0x21: {  	s3 =	sadd.s32 s3, s9;
	s6 =	sadd.s32 @!p0 $0x88, s6;
	s7 =	simm.s32 @p2 $0x1082  }
0x22: {  	[simem:s7], [sflag:s8] =	dma.local @!p0 [hbm:s6], $0xF7A  }
0x23: {  	s9 =	sor.u32 $0xD0000000, s2;
	s6 =	simm.s32 $0x108;
	_ =	swait.ge @!p0 [sflag:s8], $0x0  }
0x24: {  	s3 =	sadd.s32 $0x88, s3;
	s6 =	simm.s32 @!p1 $0x1082;
	[sflag:s4] =	ssyncset.s32 $0xFFFFF086  }
0x25: {  	[simem:s6], [sflag:s4] =	dma.local [hbm:s3], $0xF7A  }
0x26: {  	[smem:$0x3F94] =	sst s1;
	(tag) =	ssettag s2;
	_ =	strace s9  }
0x27: {  	s1 =	sld [smem:$0x3FA4]  }
0x28: {  	s2 =	sld [smem:$0x3FA5]  }
0x29: {  	s4 =	sld [smem:$0x3FA7]  }
0x2a: {  	p0 =	seq.s32 s5, $0x0;
	s5 =	sld [smem:$0x3FA8]  }
0x2b: {  	s6 =	sld [smem:$0x3FA9]  }
0x2c: {  	s7 =	sld [smem:$0x3FAA]  }
0x2d: {  	s3 =	simm.s32 $0x108;
	s8 =	sld [smem:$0x3FAB]  }
0x2e: {  	s3 =	simm.s32 @!p0 $0x1082;
	s9 =	sld [smem:$0x3FAC]  }
0x2f: {  	lr =	sadd.s32 s0, s3;
	s0 =	sld [smem:$0x3FA3]  }
0x30: {  	s3 =	sld [smem:$0x3FA6]  }
0x31: {  	[smem:$0x3FAF] =	sst s10  }
0x32: {  	s10 =	sld [smem:$0x3FAD];
	_ =	sdelay $0x3  }
0x33: {  	p0 =	seq.s32 s10, $0x1;
	s10 =	sld [smem:$0x3FAF];
	_ =	sdelay $0x3  }
0x34: {  	[smem:$0x3FAF] =	sst s10  }
0x35: {  	s10 =	sld [smem:$0x3FAE];
	_ =	sdelay $0x3  }
0x36: {  	p1 =	seq.s32 s10, $0x1;
	s10 =	sld [smem:$0x3FAF];
	_ =	sdelay $0x3  }
0x37: {  	[smem:$0x3FAF] =	sst s10  }
0x38: {  	s10 =	sld [smem:$0x3FB0]  }
0x39: {  	_ = 	snop;
	(pc) =	sbr.ind lr, $3  }
0x3a: {  	_ = 	snop  }
0x3b: {  	_ = 	snop  }
0x3c: {  	p2 =	seq.s32 s10, $0x1;
	s10 =	sld [smem:$0x3FAF]  }
0x3d: {  	_ =	shalt  }
0x3e: {  	_ =	shalt  }
0x3f: {  	_ =	shalt  }
0x40: {  	_ =	shalt  }
0x41: {  	_ =	shalt  }
0x42: {  	_ =	shalt  }
0x43: {  	_ =	shalt  }
0x44: {  	_ =	shalt  }
0x45: {  	_ =	shalt  }
0x46: {  	_ =	shalt  }
0x47: {  	_ =	shalt  }
0x48: {  	_ =	shalt  }
0x49: {  	_ =	shalt  }
0x4a: {  	_ =	shalt  }
0x4b: {  	_ =	shalt  }
0x4c: {  	_ =	shalt  }
0x4d: {  	_ =	shalt  }
0x4e: {  	_ =	shalt  }
0x4f: {  	_ =	shalt  }
0x50: {  	_ =	shalt  }
0x51: {  	_ =	shalt  }
0x52: {  	_ =	shalt  }
0x53: {  	_ =	shalt  }
0x54: {  	_ =	shalt  }
0x55: {  	_ =	shalt  }
0x56: {  	_ =	shalt  }
0x57: {  	_ =	shalt  }
0x58: {  	_ =	shalt  }
0x59: {  	_ =	shalt  }
0x5a: {  	_ =	shalt  }
0x5b: {  	_ =	shalt  }
0x5c: {  	_ =	shalt  }
0x5d: {  	_ =	shalt  }
0x5e: {  	_ =	shalt  }
0x5f: {  	_ =	shalt  }
0x60: {  	_ =	shalt  }
0x61: {  	_ =	shalt  }
0x62: {  	_ =	shalt  }
0x63: {  	_ =	shalt  }
0x64: {  	_ =	shalt  }
0x65: {  	_ =	shalt  }
0x66: {  	_ =	shalt  }
0x67: {  	_ =	shalt  }
0x68: {  	_ =	shalt  }
0x69: {  	_ =	shalt  }
0x6a: {  	_ =	shalt  }
0x6b: {  	_ =	shalt  }
0x6c: {  	_ =	shalt  }
0x6d: {  	_ =	shalt  }
0x6e: {  	_ =	shalt  }
0x6f: {  	_ =	shalt  }
0x70: {  	_ =	shalt  }
0x71: {  	_ =	shalt  }
0x72: {  	_ =	shalt  }
0x73: {  	_ =	shalt  }
0x74: {  	_ =	shalt  }
0x75: {  	_ =	shalt  }
0x76: {  	_ =	shalt  }
0x77: {  	_ =	shalt  }
0x78: {  	_ =	shalt  }
0x79: {  	_ =	shalt  }
0x7a: {  	_ =	shalt  }
0x7b: {  	_ =	shalt  }
0x7c: {  	_ =	shalt  }
0x7d: {  	_ =	shalt  }
0x7e: {  	_ =	shalt  }
0x7f: {  	_ =	shalt  }
0x80: {  	_ =	shalt  }
0x81: {  	_ =	shalt  }
0x82: {  	_ =	shalt  }
0x83: {  	_ =	shalt  }
0x84: {  	_ =	shalt  }
0x85: {  	_ =	shalt  }
0x86: {  	_ =	shalt  }
0x87: {  	_ =	shalt  }
.Lfunc_end0:
.L_simem_size_0:
called_computation.1_lowered:
.L_overlay_start_0:
0x88: {  	s2 =	sld [smem:$0x3FD9]  }
0x89: {  	s3 =	sld [smem:$0x3FFE];
	_ =	sdelay $0x1  }
0x8a: {  	s1 =	srdreg.scid  }
0x8b: {  	s0 =	sand.u32 $0x1, s1  }
0x8c: {  	s17 =	sshll.u32 s0, $0xA;
	s2 =	sadd.s32 s3, s2  }
0x8d: {  	s2 =	sadd.s32 s2, s17  }
0x8e: {  	[smem:$0x3FBB] =	sst s2  }
0x8f: {  	_ = 	snop  }
0x90: {  	(tm) =	ssettm $0x1  }
0x91: {  	s18 =	sld [smem:$0x3FFB];
	_ =	sdelay $0x3  }
0x92: {  	_ =	strace s18  }
0x93: {  	s2 =	sld [smem:$0x3FFC];
	_ =	sdelay $0x3  }
0x94: {  	_ =	strace s2  }
0x95: {  	s2 =	sld [smem:$0x3FFD];
	_ =	sdelay $0x3  }
0x96: {  	_ =	strace s2  }
0x97: {  	_ =	strace $0x8FFFFFFF  }
0x98: {  	s19 =	sld [smem:$0x3FDB];
	_ =	sdelay $0x1  }
0x99: {  	s20 =	simm.s32 $_scs_section_size  }
0x9a: {  	s4 =	simm.s32 $_size__tile_overlayer_lowered;
	s5 =	simm.s32 $_tile_overlayer_lowered  }
0x9b: {  	s6 =	simm.s32 $0x1BFF;
	s21 =	sshll.u32 s5, $0x1;
	s3 =	sadd.s32 s20, s19  }
0x9c: {  	s22 =	simm.s32 $0x0;
	s4 =	sshll.u32 s4, $0x1;
	s5 =	sadd.s32 s21, s3  }
0x9d: {  	[timem:s22], [sflag:s6] =	dma.local [hbm:s5], s4  }
0x9e: {  	_ =	swait.ge [sflag:s6], s4  }
0x9f: {  	s4 =	ssub.s32 $0x0, s4;
	[sflag:s6] =	ssyncset.done $0x0  }
0xa0: {  	[sflag:s6] =	ssyncadd.s32 s4;
	_ =	sdelay $0x1  }
0xa1: {  	s23 =	simm.s32 $0x1B8B  }
0xa2: {  	_ =	swait.ge [sflag:s23], $0x1  }
0xa3: {  	[sflag:s23] =	ssyncset.done $0x0  }
0xa4: {  	[sflag:s23] =	ssyncadd.s32 $0xFFFFFFFF  }
0xa5: {  	s4 =	sld [smem:$0x0]  }
0xa6: {  	s5 =	sand.u32 $0xFFFFFFFE, s1  }
0xa7: {  	p0 =	sne.s32 s1, s5  }
0xa8: {  	s5 =	sshll.u32 @p0 s5, $0xE  }
0xa9: {  	s5 =	sadd.s32 @p0 $0x11B8D, s5;
	s6 =	sshll.u32 @p0 s4, $0x11  }
0xaa: {  	s5 =	sor.u32 @p0 s6, s5  }
0xab: {  	[sflag:s5] =	ssyncadd.remote.s32 @p0 $0x1;
	_ =	sdelay $0x1  }
0xac: {  	s5 =	simm.s32 @p0 $0x1B8D  }
0xad: {  	_ =	swait.eq @p0 [sflag:s5], $0x1  }
0xae: {  	[sflag:s5] =	ssyncadd.s32 @p0 $0xFFFFFFFF  }
0xaf: {  	s6 =	sshll.u32 @!p0 s1, $0xE  }
0xb0: {  	s6 =	sor.u32 @!p0 $0x4000, s6;
	s5 =	simm.s32 @!p0 $0x1B8D  }
0xb1: {  	s4 =	sshll.u32 @!p0 s4, $0x11;
	s6 =	sadd.s32 @!p0 $0x11B8D, s6;
	_ =	swait.eq @!p0 [sflag:s5], $0x1  }
0xb2: {  	s4 =	sor.u32 @!p0 s4, s6;
	[sflag:s5] =	ssyncadd.s32 @!p0 $0xFFFFFFFF  }
0xb3: {  	s25 =	simm.s32 $0x1B8E;
	s24 =	sld [smem:$0x3FFE];
	[sflag:s4] =	ssyncadd.remote.s32 @!p0 $0x1  }
0xb4: {  	s26 =	simm.s32 $execute0_lowered;
	[smem:$0x3FD2] =	sst s25  }
0xb5: {  	s5 =	sshll.u32 s26, $0x1;
	_ =	strace $0x8000004C;
	[dreg:$0x1] =	wrdreg $0xFFFFFFFF  }
0xb6: {  	s28 =	simm.s32 $_size_execute0_lowered;
	s3 =	sadd.s32 s3, s5;
	[dreg:$0x0] =	wrdreg $0x0  }
0xb7: {  	s5 =	sshll.u32 s28, $0x1;
	[dreg:$0x2] =	wrdreg s3  }
0xb8: {  	[dreg:$0x3] =	wrdreg s5  }
0xb9: {  	[dreg:$0x4] =	wrdreg $0xC0  }
0xba: {  	_ =	task [dreg:s22], $0x5FFFF  }
0xbb: {  	[dreg:$0x1] =	wrdreg $0xFFFFFFFF  }
0xbc: {  	[dreg:$0x0] =	wrdreg $0x60  }
0xbd: {  	[dreg:$0x2] =	wrdreg s24  }
0xbe: {  	[dreg:$0x3] =	wrdreg $0x94000  }
0xbf: {  	[dreg:$0x4] =	wrdreg $0xA  }
0xc0: {  	_ =	task.clear_ibuf [dreg:s22], $0x5FFFF;
	_ =	strace $0x9000004C  }
0xc1: {  	s29 =	simm.s32 $0xA;
	_ =	strace $0x8000004E  }
0xc2: {  	_ =	swait.ge [sflag:s29], $0x1  }
0xc3: {  	[sflag:s29] =	ssyncadd.s32 $0xFFFFFFFF  }
0xc4: {  	_ =	strace $0x9000004E  }
0xc5: {  	_ =	sfence  }
0xc6: {  	s30 =	sld [smem:$0x0];
	_ =	sdelay $0x2  }
0xc7: {  	s31 =	sshll.u32 s1, $0xD;
	s1 =	sshrl.u32 s1, $0x2  }
0xc8: {  	s4 =	sand.u32 $0x4000, s31;
	s1 =	sadd.s32 s1, s30  }
0xc9: {  	s0 =	sor.u32 s4, s0;
	s1 =	sshll.u32 s1, $0x11  }
0xca: {  	s0 =	sor.u32 s1, s0  }
0xcb: {  	s0 =	sadd.s32 $0x8F2B, s0  }
0xcc: {  	[sflag:s0] =	ssyncadd.remote.s32 $0x1  }
0xcd: {  	_ =	sfence.sel $0xFFFF  }
0xce: {  	[dreg:$0x0] =	wrdreg $0xFFFFFFFF;
	(pc) =	sbr.abs _section_cstart, $3  }
0xcf: {  	[dreg:$0x1] =	wrdreg $0xFFFFFFFF  }
0xd0: {  	_ =	task.clear_ibuf [dreg:s22], $0x2FFFF;
	_ =	strace $0x9FFFFFFF  }
0xd1: {  	(tm) =	ssettm $0x7FFFFFFF  }
tec
execute0_lowered:
.L_overlay_start_1:
0x0: {  	(tag) =	ssettag $0x1  }
0x1: {  	s4 =	rddreg [dreg:$0x0]  }
0x2: {  	s1 =	rddreg [dreg:$0x1]  }
0x3: {  	s0 =	rddreg [dreg:$0x2];
	s2 =	simm.s32 $0x0  }
0x4: {  	s3 =	srdreg.scid;
	s15 =	simm.s32 $0x1400;
	s16 =	simm.s32 $0x5400  }
0x5: {  	s17 =	simm.s32 $0x1;
	s18 =	simm.s32 $0x3;
	s19 =	simm.s32 $0x100  }
0x6: {  	s20 =	simm.s32 $0x2;
	s21 =	simm.s32 $0x4;
	s22 =	simm.s32 $0x1380  }
0x7: {  	s23 =	simm.s32 $0x0;
	[smem:$0x7FF] =	sst s2;
	s5 =	sadd.s32 $0x12400, s4  }
0x8: {  	s6 =	sadd.s32 $0x39C00, s4;
	s7 =	sand.u32 $0x1, s3;
	s3 =	stileid.u32  }
0x9: {  	s8 =	sadd.s32 $0xFC00, s4;
	s13 =	sadd.s32 $0x561400, s4;
	s12 =	smul.u32 $0x4F000, s3  }
0xa: {  	s10 =	sadd.s32 $0xD400, s4;
	s14 =	sadd.s32 $0x6A1400, s4;
	s28 =	smul.u32 $0x2780, s3  }
0xb: {  	_ =	strace $0x8000004D;
	s9 =	ssub.s32 $0x2, s7;
	s29 =	smul.u32 $0x280, s3  }
0xc: {  	p0 =	seq.s32 s7, $0x0;
	s30 =	smul.u32 $0x14000, s3;
	s31 =	sshll.u32 s3, $0x6  }
0xd: {  	s11 =	sshrl.u32 s9, $0x1;
	s6 =	smov.u32 @p0 s5;
	s10 =	smov.u32 @p0 s8  }
0xe: {  	s14 =	smov.u32 @p0 s13;
	s7 =	sor.u32 $0x1C05, s31;
	s13 =	simm.s32 $0x5  }
0xf: {  	s25 =	ssub.s32 s9, s11;
	s26 =	sshrl.u32 s12, $0x2;
	s5 =	sadd.s32 s6, s28  }
0x10: {  	s6 =	sadd.s32 s10, s29;
	s8 =	sadd.s32 s14, s30;
	s14 =	simm.s32 $0x80  }
0x11: {  	s12 =	sadd.s32 s26, s1;
	s4 =	smax.u32 s25, $0x1;
	s9 =	sadd.s32 $0x800, s8  }
0x12: {  	s10 =	sadd.s32 $0x13000, s8;
	s11 =	sadd.s32 $0x13800, s8;
	s12 =	sshrl.u32 s12, $0x3  }
.LBB2_1:
0x13: {  	[spmem:s12], [sflag:s7] =	dma.local [hbm:s5], $0x2780  }
0x14: {  	_ =	swait.ge [sflag:s13], $0x2780  }
0x15: {  	[sflag:s13] =	ssyncset.done $0x0  }
0x16: {  	[sflag:s13] =	ssyncadd.s32 $0xFFFFD880  }
0x17: {  	[tilespmem:s2], [sflag:$0x5] =	stream.linear.gather [hbm4b:s6+s2], $0x1400, $0x38;
	[tilespmem:$0x1D000] =	vst v63  }
0x18: {  	_ =	swait.ge [sflag:s13], $0x1400  }
0x19: {  	[sflag:s13] =	ssyncset.done $0x0  }
0x1a: {  	[sflag:s13] =	ssyncadd.s32 $0xFFFFEC00  }
0x1b: {  	[bflag:$0x0] =	sbarrier.arrive $0xFFFF  }
0x1c: {  	[tilespmem:s15], [sflag:$0x1] =	stream.indirect.gather [spmem:s1], $0x80, s2, s14, $0xb8;
	[tilespmem:$0x1D000] =	vst v63  }
0x1d: {  	_ = 	snop  }
0x1e: {  	[tilespmem:s16], [sflag:$0x2] =	stream.indirect.gather [spmem:s1], $0x80, s14, s14, $0xb8;
	[tilespmem:$0x1D000] =	vst v63  }
0x1f: {  	_ =	swait.ge [sflag:s17], $0x4000  }
0x20: {  	[sflag:s17] =	ssyncset.done $0x0  }
0x21: {  	[sflag:s17] =	ssyncadd.s32 $0xFFFFC000  }
0x22: {  	[hbm4b:s8+s2] =	stream.linear.scatter [tilespmem:s15], [sflag:$0x3], $0x4000, $0x38;
	[tilespmem:$0x1D000] =	vst v63  }
0x23: {  	_ =	swait.ge [sflag:s18], $0x4000  }
0x24: {  	[sflag:s18] =	ssyncset.done $0x0  }
0x25: {  	[sflag:s18] =	ssyncadd.s32 $0xFFFFC000  }
0x26: {  	[tilespmem:s15], [sflag:$0x1] =	stream.indirect.gather [spmem:s1], $0x80, s19, s14, $0xb8;
	[tilespmem:$0x1D000] =	vst v63  }
0x27: {  	_ =	swait.ge [sflag:s20], $0x4000  }
0x28: {  	[sflag:s20] =	ssyncset.done $0x0  }
0x29: {  	[sflag:s20] =	ssyncadd.s32 $0xFFFFC000  }
0x2a: {  	[hbm4b:s9+s2] =	stream.linear.scatter [tilespmem:s16], [sflag:$0x4], $0x4000, $0x38;
	[tilespmem:$0x1D000] =	vst v63  }
0x2b: {  	_ =	swait.ge [sflag:s21], $0x4000  }
0x2c: {  	[sflag:s21] =	ssyncset.done $0x0  }
0x2d: {  	s24 =	simm.s32 $0x180;
	[sflag:s21] =	ssyncadd.s32 $0xFFFFC000  }
0x2e: {  	[tilespmem:s16], [sflag:$0x2] =	stream.indirect.gather [spmem:s1], $0x80, s24, s14, $0xb8;
	[tilespmem:$0x1D000] =	vst v63  }
0x2f: {  	_ =	swait.ge [sflag:s17], $0x4000  }
0x30: {  	s25 =	sadd.s32 $0xFFFEE000, s8;
	[sflag:s17] =	ssyncset.done $0x0  }
0x31: {  	s30 =	sadd.s32 $0x13000, s25;
	[sflag:s17] =	ssyncadd.s32 $0xFFFFC000  }
0x32: {  	[hbm4b:s30+s2] =	stream.linear.scatter [tilespmem:s15], [sflag:$0x3], $0x4000, $0x38;
	[tilespmem:$0x1D000] =	vst v63  }
0x33: {  	_ =	swait.ge [sflag:s18], $0x4000  }
0x34: {  	[sflag:s18] =	ssyncset.done $0x0  }
0x35: {  	s31 =	simm.s32 $0x200;
	[sflag:s18] =	ssyncadd.s32 $0xFFFFC000  }
0x36: {  	[tilespmem:s15], [sflag:$0x1] =	stream.indirect.gather [spmem:s1], $0x80, s31, s14, $0xb8;
	[tilespmem:$0x1D000] =	vst v63  }
0x37: {  	_ =	swait.ge [sflag:s20], $0x4000  }
0x38: {  	s26 =	sadd.s32 $0x13800, s25;
	[sflag:s20] =	ssyncset.done $0x0  }
0x39: {  	s25 =	simm.s32 $0x300;
	s24 =	simm.s32 $0xFFFEF000;
	[sflag:s20] =	ssyncadd.s32 $0xFFFFC000  }
.LBB2_2:
0x3a: {  	[hbm4b:s26+s2] =	stream.linear.scatter [tilespmem:s16], [sflag:$0x4], $0x4000, $0x38;
	[tilespmem:$0x1D000] =	vst v63  }
0x3b: {  	s26 =	smov.u32 s24  }
0x3c: {  	p0 =	sne.s32 s24, $0xFFFFF000;
	s24 =	sadd.s32 $0x1000, s24;
	_ =	swait.ge [sflag:s21], $0x4000  }
0x3d: {  	[sflag:s21] =	ssyncset.done $0x0  }
0x3e: {  	s28 =	sadd.s32 $0xFFFFFF80, s25;
	[sflag:s21] =	ssyncadd.s32 $0xFFFFC000  }
0x3f: {  	[tilespmem:s16], [sflag:$0x2] =	stream.indirect.gather [spmem:s1], $0x80, s28, s14, $0xb8;
	[tilespmem:$0x1D000] =	vst v63  }
0x40: {  	_ =	swait.ge [sflag:s17], $0x4000  }
0x41: {  	s26 =	sadd.s32 s26, s8;
	[sflag:s17] =	ssyncset.done $0x0  }
0x42: {  	s28 =	sadd.s32 $0x13000, s26;
	[sflag:s17] =	ssyncadd.s32 $0xFFFFC000  }
0x43: {  	[hbm4b:s28+s2] =	stream.linear.scatter [tilespmem:s15], [sflag:$0x3], $0x4000, $0x38;
	[tilespmem:$0x1D000] =	vst v63  }
0x44: {  	_ =	swait.ge [sflag:s18], $0x4000  }
0x45: {  	[sflag:s18] =	ssyncset.done $0x0  }
.Ltmp0:
0x46: {  	[sflag:s18] =	ssyncadd.s32 $0xFFFFC000;
	(pc) =	sbr.rel @p0 .LBB2_2-.Ltmp0, $4  }
0x47: {  	[tilespmem:s15], [sflag:$0x1] =	stream.indirect.gather [spmem:s1], $0x80, s25, s14, $0xb8;
	[tilespmem:$0x1D000] =	vst v63  }
0x48: {  	_ =	swait.ge [sflag:s20], $0x4000  }
0x49: {  	[sflag:s20] =	ssyncset.done $0x0  }
0x4a: {  	s26 =	sadd.s32 $0x13800, s26;
	s25 =	sadd.s32 $0x100, s25;
	[sflag:s20] =	ssyncadd.s32 $0xFFFFC000  }
0x4b: {  	[hbm4b:s26+s2] =	stream.linear.scatter [tilespmem:s16], [sflag:$0x4], $0x4000, $0x38;
	[tilespmem:$0x1D000] =	vst v63  }
0x4c: {  	_ =	swait.ge [sflag:s21], $0x4000  }
0x4d: {  	[sflag:s21] =	ssyncset.done $0x0  }
0x4e: {  	[sflag:s21] =	ssyncadd.s32 $0xFFFFC000  }
0x4f: {  	[tilespmem:s16], [sflag:$0x2] =	stream.indirect.gather [spmem:s1], $0x80, s22, s14, $0xb8;
	[tilespmem:$0x1D000] =	vst v63  }
0x50: {  	_ =	swait.ge [sflag:s17], $0x4000  }
0x51: {  	[sflag:s17] =	ssyncset.done $0x0  }
0x52: {  	[sflag:s17] =	ssyncadd.s32 $0xFFFFC000  }
0x53: {  	[hbm4b:s10+s2] =	stream.linear.scatter [tilespmem:s15], [sflag:$0x3], $0x4000, $0x38;
	[tilespmem:$0x1D000] =	vst v63  }
0x54: {  	_ =	swait.ge [sflag:s20], $0x4000  }
0x55: {  	[sflag:s20] =	ssyncset.done $0x0  }
0x56: {  	s23 =	sadd.s32 $0x1, s23;
	[sflag:s20] =	ssyncadd.s32 $0xFFFFC000  }
0x57: {  	[hbm4b:s11+s2] =	stream.linear.scatter [tilespmem:s16], [sflag:$0x4], $0x4000, $0x38;
	[tilespmem:$0x1D000] =	vst v63  }
0x58: {  	p0 =	sne.s32 s23, s4;
	_ =	swait.ge [sflag:s18], $0x4000  }
.Ltmp1:
0x59: {  	[sflag:s18] =	ssyncset.done $0x0;
	(pc) =	sbr.rel @p0 .LBB2_1-.Ltmp1, $4  }
0x5a: {  	[sflag:s18] =	ssyncadd.s32 $0xFFFFC000  }
0x5b: {  	_ =	swait.ge [sflag:s21], $0x4000  }
0x5c: {  	[sflag:s21] =	ssyncset.done $0x0  }
0x5d: {  	[sflag:s21] =	ssyncadd.s32 $0xFFFFC000  }
0x5e: {  	_ =	sfence.sel $0x180000  }
0x5f: {  	[bflag:$0x0] =	sbarrier.arrive $0xFFFF  }
0x60: {  	p0 =	sne.s32 s3, $0x0;
	_ =	strace $0x9000004D  }
0x61: {  	s0 =	sadd.s32 @!p0 $0x100000, s0;
	[bflag:$0x2] =	sbarrier.arrive $0xFFFF  }
0x62: {  	[sflag:s0] =	ssyncadd.tile.s32 @!p0 $0x1;
	_ =	shalt  }
.Lfunc_end2:
_tile_overlayer_lowered:
.L_overlay_start_2:
0x63: {  	(tag) =	ssettag $0x2  }
0x64: {  	s0 =	rddreg [dreg:$0x0];
	s2 =	stileid.u32  }
0x65: {  	s1 =	rddreg [dreg:$0x1];
	p0 =	sne.s32 s2, $0x0  }
0x66: {  	s3 =	rddreg [dreg:$0x2];
	[bflag:$0x3] =	sbarrier.arrive $0xFFFF;
	s2 =	simm.s32 @!p0 $0x1C05  }
0x67: {  	[timem:s3], [sflag:s2] =	dma.local @!p0 [hbm:s0], s1  }
0x68: {  	s0 =	simm.s32 @!p0 $0x5  }
0x69: {  	_ =	swait.ge @!p0 [sflag:s0], s1  }
0x6a: {  	s1 =	ssub.s32 @!p0 $0x0, s1;
	[sflag:s0] =	ssyncset.done @!p0 $0x0  }
0x6b: {  	[sflag:s0] =	ssyncadd.s32 @!p0 s1  }
0x6c: {  	[bflag:$0x3] =	sbarrier.arrive $0xFFFF  }
0x6d: {  	_ =	shalt  }

// kernel: kernel.20.cloned.1.call-start
scs
__scs_entry_jumppad:
0x0: {  	(pc) =	sbr.rel $0x88, $3  }
0x1: {  	(tag) =	ssettag $0x0;
	lr =	simm.s32 $0x1  }
0x2: {  	[smem:$0x3F94] =	sst lr;
	_ =	strace $0xD0000000  }
0x3: {  	_ = 	snop  }
0x4: {  	_ = 	snop  }
0x5: {  	_ = 	snop  }
0x6: {  	_ = 	snop  }
0x7: {  	_ = 	snop  }
__scs_overlays_trampoline_lowered:
0x8: {  	[smem:$0x3FA3] =	sst s0  }
0x9: {  	[smem:$0x3FA4] =	sst s1  }
0xa: {  	[smem:$0x3FA5] =	sst s2  }
0xb: {  	[smem:$0x3FA6] =	sst s3  }
0xc: {  	[smem:$0x3FA7] =	sst s4  }
0xd: {  	[smem:$0x3FA8] =	sst s5  }
0xe: {  	[smem:$0x3FA9] =	sst s6  }
0xf: {  	[smem:$0x3FAA] =	sst s7  }
0x10: {  	[smem:$0x3FAB] =	sst s8  }
0x11: {  	[smem:$0x3FAC] =	sst s9;
	s0 =	simm.s32 @!p0 $0x0  }
0x12: {  	s1 =	sld [smem:$0x3F92];
	s0 =	simm.s32 @p0 $0x1  }
0x13: {  	[smem:$0x3FAD] =	sst s0;
	s0 =	simm.s32 @!p1 $0x0  }
0x14: {  	s2 =	sld [smem:$0x3F91];
	s0 =	simm.s32 @p1 $0x1  }
0x15: {  	[smem:$0x3FAE] =	sst s0;
	s0 =	simm.s32 @!p2 $0x0  }
0x16: {  	s3 =	sld [smem:$0x3FDB];
	s0 =	simm.s32 @p2 $0x1  }
0x17: {  	s4 =	simm.s32 $0x1BF5;
	[smem:$0x3FB0] =	sst s0  }
0x18: {  	s0 =	sld [smem:$0x3F93];
	_ =	swait.ge [sflag:s4], $0x0  }
0x19: {  	s7 =	sld [smem:$0x3F94]  }
0x1a: {  	s8 =	sadd.s32 $0xFFFFE003, lr  }
0x1b: {  	s9 =	sadd.s32 $0xFFFFFEF7, lr;
	s5 =	simm.s32 $0xFFFFFFFF;
	p2 =	slt.u32 s8, $0xFFFFF086  }
0x1c: {  	p1 =	slt.u32 s9, $0xF7A;
	s5 =	simm.s32 @!p2 $0x0  }
0x1d: {  	s5 =	simm.s32 @p1 $0x1;
	p0 =	seq.s32 s7, s2  }
0x1e: {  	s7 =	smul.u32 @!p0 $0xF7A, s2;
	p2 =	seq.s32 @!p0 s5, $0x0  }
0x1f: {  	s9 =	smul.u32 $0xF7A, s1;
	s8 =	simm.s32 @!p0 $0x1BF5;
	p2 =	por !p2, p0  }
0x20: {  	[sflag:s8] =	ssyncset.s32 @!p0 $0xFFFFF086;
	s6 =	sadd.s32 @!p0 s3, s7;
	s7 =	simm.s32 @!p0 $0x108  }
0x21: {  	s3 =	sadd.s32 s3, s9;
	s6 =	sadd.s32 @!p0 $0x88, s6;
	s7 =	simm.s32 @p2 $0x1082  }
0x22: {  	[simem:s7], [sflag:s8] =	dma.local @!p0 [hbm:s6], $0xF7A  }
0x23: {  	s9 =	sor.u32 $0xD0000000, s2;
	s6 =	simm.s32 $0x108;
	_ =	swait.ge @!p0 [sflag:s8], $0x0  }
0x24: {  	s3 =	sadd.s32 $0x88, s3;
	s6 =	simm.s32 @!p1 $0x1082;
	[sflag:s4] =	ssyncset.s32 $0xFFFFF086  }
0x25: {  	[simem:s6], [sflag:s4] =	dma.local [hbm:s3], $0xF7A  }
0x26: {  	[smem:$0x3F94] =	sst s1;
	(tag) =	ssettag s2;
	_ =	strace s9  }
0x27: {  	s1 =	sld [smem:$0x3FA4]  }
0x28: {  	s2 =	sld [smem:$0x3FA5]  }
0x29: {  	s4 =	sld [smem:$0x3FA7]  }
0x2a: {  	p0 =	seq.s32 s5, $0x0;
	s5 =	sld [smem:$0x3FA8]  }
0x2b: {  	s6 =	sld [smem:$0x3FA9]  }
0x2c: {  	s7 =	sld [smem:$0x3FAA]  }
0x2d: {  	s3 =	simm.s32 $0x108;
	s8 =	sld [smem:$0x3FAB]  }
0x2e: {  	s3 =	simm.s32 @!p0 $0x1082;
	s9 =	sld [smem:$0x3FAC]  }
0x2f: {  	lr =	sadd.s32 s0, s3;
	s0 =	sld [smem:$0x3FA3]  }
0x30: {  	s3 =	sld [smem:$0x3FA6]  }
0x31: {  	[smem:$0x3FAF] =	sst s10  }
0x32: {  	s10 =	sld [smem:$0x3FAD];
	_ =	sdelay $0x3  }
0x33: {  	p0 =	seq.s32 s10, $0x1;
	s10 =	sld [smem:$0x3FAF];
	_ =	sdelay $0x3  }
0x34: {  	[smem:$0x3FAF] =	sst s10  }
0x35: {  	s10 =	sld [smem:$0x3FAE];
	_ =	sdelay $0x3  }
0x36: {  	p1 =	seq.s32 s10, $0x1;
	s10 =	sld [smem:$0x3FAF];
	_ =	sdelay $0x3  }
0x37: {  	[smem:$0x3FAF] =	sst s10  }
0x38: {  	s10 =	sld [smem:$0x3FB0]  }
0x39: {  	_ = 	snop;
	(pc) =	sbr.ind lr, $3  }
0x3a: {  	_ = 	snop  }
0x3b: {  	_ = 	snop  }
0x3c: {  	p2 =	seq.s32 s10, $0x1;
	s10 =	sld [smem:$0x3FAF]  }
0x3d: {  	_ =	shalt  }
0x3e: {  	_ =	shalt  }
0x3f: {  	_ =	shalt  }
0x40: {  	_ =	shalt  }
0x41: {  	_ =	shalt  }
0x42: {  	_ =	shalt  }
0x43: {  	_ =	shalt  }
0x44: {  	_ =	shalt  }
0x45: {  	_ =	shalt  }
0x46: {  	_ =	shalt  }
0x47: {  	_ =	shalt  }
0x48: {  	_ =	shalt  }
0x49: {  	_ =	shalt  }
0x4a: {  	_ =	shalt  }
0x4b: {  	_ =	shalt  }
0x4c: {  	_ =	shalt  }
0x4d: {  	_ =	shalt  }
0x4e: {  	_ =	shalt  }
0x4f: {  	_ =	shalt  }
0x50: {  	_ =	shalt  }
0x51: {  	_ =	shalt  }
0x52: {  	_ =	shalt  }
0x53: {  	_ =	shalt  }
0x54: {  	_ =	shalt  }
0x55: {  	_ =	shalt  }
0x56: {  	_ =	shalt  }
0x57: {  	_ =	shalt  }
0x58: {  	_ =	shalt  }
0x59: {  	_ =	shalt  }
0x5a: {  	_ =	shalt  }
0x5b: {  	_ =	shalt  }
0x5c: {  	_ =	shalt  }
0x5d: {  	_ =	shalt  }
0x5e: {  	_ =	shalt  }
0x5f: {  	_ =	shalt  }
0x60: {  	_ =	shalt  }
0x61: {  	_ =	shalt  }
0x62: {  	_ =	shalt  }
0x63: {  	_ =	shalt  }
0x64: {  	_ =	shalt  }
0x65: {  	_ =	shalt  }
0x66: {  	_ =	shalt  }
0x67: {  	_ =	shalt  }
0x68: {  	_ =	shalt  }
0x69: {  	_ =	shalt  }
0x6a: {  	_ =	shalt  }
0x6b: {  	_ =	shalt  }
0x6c: {  	_ =	shalt  }
0x6d: {  	_ =	shalt  }
0x6e: {  	_ =	shalt  }
0x6f: {  	_ =	shalt  }
0x70: {  	_ =	shalt  }
0x71: {  	_ =	shalt  }
0x72: {  	_ =	shalt  }
0x73: {  	_ =	shalt  }
0x74: {  	_ =	shalt  }
0x75: {  	_ =	shalt  }
0x76: {  	_ =	shalt  }
0x77: {  	_ =	shalt  }
0x78: {  	_ =	shalt  }
0x79: {  	_ =	shalt  }
0x7a: {  	_ =	shalt  }
0x7b: {  	_ =	shalt  }
0x7c: {  	_ =	shalt  }
0x7d: {  	_ =	shalt  }
0x7e: {  	_ =	shalt  }
0x7f: {  	_ =	shalt  }
0x80: {  	_ =	shalt  }
0x81: {  	_ =	shalt  }
0x82: {  	_ =	shalt  }
0x83: {  	_ =	shalt  }
0x84: {  	_ =	shalt  }
0x85: {  	_ =	shalt  }
0x86: {  	_ =	shalt  }
0x87: {  	_ =	shalt  }
.Lfunc_end0:
.L_simem_size_0:
called_computation.2_lowered:
.L_overlay_start_0:
0x88: {  	s2 =	sld [smem:$0x3FD9]  }
0x89: {  	s3 =	sld [smem:$0x3FFE];
	_ =	sdelay $0x1  }
0x8a: {  	s1 =	srdreg.scid  }
0x8b: {  	s0 =	sand.u32 $0x1, s1  }
0x8c: {  	s16 =	sshll.u32 s0, $0xA;
	s2 =	sadd.s32 s3, s2  }
0x8d: {  	s2 =	sadd.s32 s2, s16  }
0x8e: {  	[smem:$0x3FBB] =	sst s2  }
0x8f: {  	_ = 	snop  }
0x90: {  	(tm) =	ssettm $0x1  }
0x91: {  	s17 =	sld [smem:$0x3FFB];
	_ =	sdelay $0x3  }
0x92: {  	_ =	strace s17  }
0x93: {  	s2 =	sld [smem:$0x3FFC];
	_ =	sdelay $0x3  }
0x94: {  	_ =	strace s2  }
0x95: {  	s2 =	sld [smem:$0x3FFD];
	_ =	sdelay $0x3  }
0x96: {  	_ =	strace s2  }
0x97: {  	_ =	strace $0x8FFFFFFF  }
0x98: {  	s18 =	sld [smem:$0x3FDB];
	_ =	sdelay $0x1  }
0x99: {  	s19 =	simm.s32 $_scs_section_size  }
0x9a: {  	s4 =	simm.s32 $_size__tile_overlayer_lowered;
	s5 =	simm.s32 $_tile_overlayer_lowered  }
0x9b: {  	s22 =	simm.s32 $0x1BFF;
	s21 =	sshll.u32 s5, $0x1;
	s2 =	sadd.s32 s19, s18  }
0x9c: {  	s6 =	simm.s32 $0x0;
	s20 =	sshll.u32 s4, $0x1;
	s4 =	sadd.s32 s21, s2  }
0x9d: {  	[timem:s6], [sflag:s22] =	dma.local [hbm:s4], s20  }
0x9e: {  	_ =	swait.ge [sflag:s22], s20  }
0x9f: {  	s3 =	ssub.s32 $0x0, s20;
	[sflag:s22] =	ssyncset.done $0x0  }
0xa0: {  	[sflag:s22] =	ssyncadd.s32 s3;
	_ =	sdelay $0x1  }
0xa1: {  	s23 =	simm.s32 $0x1B8B  }
0xa2: {  	_ =	swait.ge [sflag:s23], $0x1  }
0xa3: {  	[sflag:s23] =	ssyncset.done $0x0  }
0xa4: {  	s25 =	simm.s32 $0x1B8E;
	s24 =	sld [smem:$0x3FFE];
	[sflag:s23] =	ssyncadd.s32 $0xFFFFFFFF  }
0xa5: {  	s26 =	simm.s32 $execute0_lowered;
	[smem:$0x3FD2] =	sst s25  }
0xa6: {  	s4 =	sshll.u32 s26, $0x1;
	_ =	strace $0x80000046;
	[dreg:$0x1] =	wrdreg $0xFFFFFFFF  }
0xa7: {  	s28 =	simm.s32 $_size_execute0_lowered;
	s2 =	sadd.s32 s2, s4;
	[dreg:$0x0] =	wrdreg $0x0  }
0xa8: {  	s4 =	sshll.u32 s28, $0x1;
	[dreg:$0x2] =	wrdreg s2  }
0xa9: {  	[dreg:$0x3] =	wrdreg s4  }
0xaa: {  	[dreg:$0x4] =	wrdreg $0xC0  }
0xab: {  	_ =	task [dreg:s6], $0x5FFFF  }
0xac: {  	[dreg:$0x1] =	wrdreg $0xFFFFFFFF  }
0xad: {  	[dreg:$0x0] =	wrdreg $0x60  }
0xae: {  	[dreg:$0x2] =	wrdreg s24  }
0xaf: {  	[dreg:$0x3] =	wrdreg $0x94000  }
0xb0: {  	[dreg:$0x4] =	wrdreg $0xB  }
0xb1: {  	_ =	task.clear_ibuf [dreg:s6], $0x5FFFF;
	_ =	strace $0x90000046  }
0xb2: {  	s29 =	simm.s32 $0xB;
	_ =	strace $0x80000048  }
0xb3: {  	_ =	swait.ge [sflag:s29], $0x1  }
0xb4: {  	[sflag:s29] =	ssyncadd.s32 $0xFFFFFFFF  }
0xb5: {  	_ =	strace $0x90000048  }
0xb6: {  	_ =	sfence  }
0xb7: {  	s30 =	sld [smem:$0x0];
	_ =	sdelay $0x2  }
0xb8: {  	s31 =	sshll.u32 s1, $0xD;
	s1 =	sshrl.u32 s1, $0x2  }
0xb9: {  	s3 =	sand.u32 $0x4000, s31;
	s1 =	sadd.s32 s1, s30  }
0xba: {  	s0 =	sor.u32 s3, s0;
	s1 =	sshll.u32 s1, $0x11  }
0xbb: {  	s0 =	sor.u32 s1, s0  }
0xbc: {  	s0 =	sadd.s32 $0x8F2B, s0  }
0xbd: {  	[sflag:s0] =	ssyncadd.remote.s32 $0x1  }
0xbe: {  	_ =	sfence.sel $0xFFFF  }
0xbf: {  	[dreg:$0x0] =	wrdreg $0xFFFFFFFF;
	(pc) =	sbr.abs _section_cstart, $3  }
0xc0: {  	[dreg:$0x1] =	wrdreg $0xFFFFFFFF  }
0xc1: {  	_ =	task.clear_ibuf [dreg:s6], $0x2FFFF;
	_ =	strace $0x9FFFFFFF  }
0xc2: {  	(tm) =	ssettm $0x7FFFFFFF  }
0xc3: {  	_ =	shalt  }
tec
execute0_lowered:
.L_overlay_start_1:
0x0: {  	(tag) =	ssettag $0x1  }
0x1: {  	s4 =	rddreg [dreg:$0x0]  }
0x2: {  	s1 =	rddreg [dreg:$0x1]  }
0x3: {  	s0 =	rddreg [dreg:$0x2];
	s2 =	simm.s32 $0x0  }
0x4: {  	s3 =	srdreg.scid;
	s15 =	simm.s32 $0x1400;
	s16 =	simm.s32 $0x5400  }
0x5: {  	s17 =	simm.s32 $0x1;
	s18 =	simm.s32 $0x3;
	s19 =	simm.s32 $0x100  }
0x6: {  	s20 =	simm.s32 $0x2;
	s21 =	simm.s32 $0x4;
	s22 =	simm.s32 $0x1380  }
0x7: {  	s23 =	simm.s32 $0x0;
	[smem:$0x7FF] =	sst s2;
	s5 =	sadd.s32 $0x12400, s4  }
0x8: {  	s6 =	sadd.s32 $0x39C00, s4;
	s7 =	sand.u32 $0x1, s3;
	s3 =	stileid.u32  }
0x9: {  	s8 =	sadd.s32 $0x8400, s4;
	s10 =	sadd.s32 $0x5C00, s4;
	s12 =	smul.u32 $0x4F000, s3  }
0xa: {  	s13 =	sadd.s32 $0x61400, s4;
	s14 =	sadd.s32 $0x1A1400, s4;
	s28 =	smul.u32 $0x2780, s3  }
0xb: {  	_ =	strace $0x80000047;
	s9 =	ssub.s32 $0x2, s7;
	s29 =	smul.u32 $0x280, s3  }
0xc: {  	p0 =	seq.s32 s7, $0x0;
	s30 =	smul.u32 $0x14000, s3;
	s31 =	sshll.u32 s3, $0x6  }
0xd: {  	s11 =	sshrl.u32 s9, $0x1;
	s6 =	smov.u32 @p0 s5;
	s10 =	smov.u32 @p0 s8  }
0xe: {  	s14 =	smov.u32 @p0 s13;
	s7 =	sor.u32 $0x1C05, s31;
	s13 =	simm.s32 $0x5  }
0xf: {  	s25 =	ssub.s32 s9, s11;
	s26 =	sshrl.u32 s12, $0x2;
	s5 =	sadd.s32 s6, s28  }
0x10: {  	s6 =	sadd.s32 s10, s29;
	s8 =	sadd.s32 s14, s30;
	s14 =	simm.s32 $0x80  }
0x11: {  	s12 =	sadd.s32 s26, s1;
	s4 =	smax.u32 s25, $0x1;
	s9 =	sadd.s32 $0x800, s8  }
0x12: {  	s10 =	sadd.s32 $0x13000, s8;
	s11 =	sadd.s32 $0x13800, s8;
	s12 =	sshrl.u32 s12, $0x3  }
.LBB2_1:
0x13: {  	[spmem:s12], [sflag:s7] =	dma.local [hbm:s5], $0x2780  }
0x14: {  	_ =	swait.ge [sflag:s13], $0x2780  }
0x15: {  	[sflag:s13] =	ssyncset.done $0x0  }
0x16: {  	[sflag:s13] =	ssyncadd.s32 $0xFFFFD880  }
0x17: {  	[tilespmem:s2], [sflag:$0x5] =	stream.linear.gather [hbm4b:s6+s2], $0x1400, $0x38;
	[tilespmem:$0x1D000] =	vst v63  }
0x18: {  	_ =	swait.ge [sflag:s13], $0x1400  }
0x19: {  	[sflag:s13] =	ssyncset.done $0x0  }
0x1a: {  	[sflag:s13] =	ssyncadd.s32 $0xFFFFEC00  }
0x1b: {  	[bflag:$0x0] =	sbarrier.arrive $0xFFFF  }
0x1c: {  	[tilespmem:s15], [sflag:$0x1] =	stream.indirect.gather [spmem:s1], $0x80, s2, s14, $0xb8;
	[tilespmem:$0x1D000] =	vst v63  }
0x1d: {  	_ = 	snop  }
0x1e: {  	[tilespmem:s16], [sflag:$0x2] =	stream.indirect.gather [spmem:s1], $0x80, s14, s14, $0xb8;
	[tilespmem:$0x1D000] =	vst v63  }
0x1f: {  	_ =	swait.ge [sflag:s17], $0x4000  }
0x20: {  	[sflag:s17] =	ssyncset.done $0x0  }
0x21: {  	[sflag:s17] =	ssyncadd.s32 $0xFFFFC000  }
0x22: {  	[hbm4b:s8+s2] =	stream.linear.scatter [tilespmem:s15], [sflag:$0x3], $0x4000, $0x38;
	[tilespmem:$0x1D000] =	vst v63  }
0x23: {  	_ =	swait.ge [sflag:s18], $0x4000  }
0x24: {  	[sflag:s18] =	ssyncset.done $0x0  }
0x25: {  	[sflag:s18] =	ssyncadd.s32 $0xFFFFC000  }
0x26: {  	[tilespmem:s15], [sflag:$0x1] =	stream.indirect.gather [spmem:s1], $0x80, s19, s14, $0xb8;
	[tilespmem:$0x1D000] =	vst v63  }
0x27: {  	_ =	swait.ge [sflag:s20], $0x4000  }
0x28: {  	[sflag:s20] =	ssyncset.done $0x0  }
0x29: {  	[sflag:s20] =	ssyncadd.s32 $0xFFFFC000  }
0x2a: {  	[hbm4b:s9+s2] =	stream.linear.scatter [tilespmem:s16], [sflag:$0x4], $0x4000, $0x38;
	[tilespmem:$0x1D000] =	vst v63  }
0x2b: {  	_ =	swait.ge [sflag:s21], $0x4000  }
0x2c: {  	[sflag:s21] =	ssyncset.done $0x0  }
0x2d: {  	s24 =	simm.s32 $0x180;
	[sflag:s21] =	ssyncadd.s32 $0xFFFFC000  }
0x2e: {  	[tilespmem:s16], [sflag:$0x2] =	stream.indirect.gather [spmem:s1], $0x80, s24, s14, $0xb8;
	[tilespmem:$0x1D000] =	vst v63  }
0x2f: {  	_ =	swait.ge [sflag:s17], $0x4000  }
0x30: {  	s25 =	sadd.s32 $0xFFFEE000, s8;
	[sflag:s17] =	ssyncset.done $0x0  }
0x31: {  	s30 =	sadd.s32 $0x13000, s25;
	[sflag:s17] =	ssyncadd.s32 $0xFFFFC000  }
0x32: {  	[hbm4b:s30+s2] =	stream.linear.scatter [tilespmem:s15], [sflag:$0x3], $0x4000, $0x38;
	[tilespmem:$0x1D000] =	vst v63  }
0x33: {  	_ =	swait.ge [sflag:s18], $0x4000  }
0x34: {  	[sflag:s18] =	ssyncset.done $0x0  }
0x35: {  	s31 =	simm.s32 $0x200;
	[sflag:s18] =	ssyncadd.s32 $0xFFFFC000  }
0x36: {  	[tilespmem:s15], [sflag:$0x1] =	stream.indirect.gather [spmem:s1], $0x80, s31, s14, $0xb8;
	[tilespmem:$0x1D000] =	vst v63  }
0x37: {  	_ =	swait.ge [sflag:s20], $0x4000  }
0x38: {  	s26 =	sadd.s32 $0x13800, s25;
	[sflag:s20] =	ssyncset.done $0x0  }
0x39: {  	s25 =	simm.s32 $0x300;
	s24 =	simm.s32 $0xFFFEF000;
	[sflag:s20] =	ssyncadd.s32 $0xFFFFC000  }
.LBB2_2:
0x3a: {  	[hbm4b:s26+s2] =	stream.linear.scatter [tilespmem:s16], [sflag:$0x4], $0x4000, $0x38;
	[tilespmem:$0x1D000] =	vst v63  }
0x3b: {  	s26 =	smov.u32 s24  }
0x3c: {  	p0 =	sne.s32 s24, $0xFFFFF000;
	s24 =	sadd.s32 $0x1000, s24;
	_ =	swait.ge [sflag:s21], $0x4000  }
0x3d: {  	[sflag:s21] =	ssyncset.done $0x0  }
0x3e: {  	s28 =	sadd.s32 $0xFFFFFF80, s25;
	[sflag:s21] =	ssyncadd.s32 $0xFFFFC000  }
0x3f: {  	[tilespmem:s16], [sflag:$0x2] =	stream.indirect.gather [spmem:s1], $0x80, s28, s14, $0xb8;
	[tilespmem:$0x1D000] =	vst v63  }
0x40: {  	_ =	swait.ge [sflag:s17], $0x4000  }
0x41: {  	s26 =	sadd.s32 s26, s8;
	[sflag:s17] =	ssyncset.done $0x0  }
0x42: {  	s28 =	sadd.s32 $0x13000, s26;
	[sflag:s17] =	ssyncadd.s32 $0xFFFFC000  }
0x43: {  	[hbm4b:s28+s2] =	stream.linear.scatter [tilespmem:s15], [sflag:$0x3], $0x4000, $0x38;
	[tilespmem:$0x1D000] =	vst v63  }
0x44: {  	_ =	swait.ge [sflag:s18], $0x4000  }
0x45: {  	[sflag:s18] =	ssyncset.done $0x0  }
.Ltmp0:
0x46: {  	[sflag:s18] =	ssyncadd.s32 $0xFFFFC000;
	(pc) =	sbr.rel @p0 .LBB2_2-.Ltmp0, $4  }
0x47: {  	[tilespmem:s15], [sflag:$0x1] =	stream.indirect.gather [spmem:s1], $0x80, s25, s14, $0xb8;
	[tilespmem:$0x1D000] =	vst v63  }
0x48: {  	_ =	swait.ge [sflag:s20], $0x4000  }
0x49: {  	[sflag:s20] =	ssyncset.done $0x0  }
0x4a: {  	s26 =	sadd.s32 $0x13800, s26;
	s25 =	sadd.s32 $0x100, s25;
	[sflag:s20] =	ssyncadd.s32 $0xFFFFC000  }
0x4b: {  	[hbm4b:s26+s2] =	stream.linear.scatter [tilespmem:s16], [sflag:$0x4], $0x4000, $0x38;
	[tilespmem:$0x1D000] =	vst v63  }
0x4c: {  	_ =	swait.ge [sflag:s21], $0x4000  }
0x4d: {  	[sflag:s21] =	ssyncset.done $0x0  }
0x4e: {  	[sflag:s21] =	ssyncadd.s32 $0xFFFFC000  }
0x4f: {  	[tilespmem:s16], [sflag:$0x2] =	stream.indirect.gather [spmem:s1], $0x80, s22, s14, $0xb8;
	[tilespmem:$0x1D000] =	vst v63  }
0x50: {  	_ =	swait.ge [sflag:s17], $0x4000  }
0x51: {  	[sflag:s17] =	ssyncset.done $0x0  }
0x52: {  	[sflag:s17] =	ssyncadd.s32 $0xFFFFC000  }
0x53: {  	[hbm4b:s10+s2] =	stream.linear.scatter [tilespmem:s15], [sflag:$0x3], $0x4000, $0x38;
	[tilespmem:$0x1D000] =	vst v63  }
0x54: {  	_ =	swait.ge [sflag:s20], $0x4000  }
0x55: {  	[sflag:s20] =	ssyncset.done $0x0  }
0x56: {  	s23 =	sadd.s32 $0x1, s23;
	[sflag:s20] =	ssyncadd.s32 $0xFFFFC000  }
0x57: {  	[hbm4b:s11+s2] =	stream.linear.scatter [tilespmem:s16], [sflag:$0x4], $0x4000, $0x38;
	[tilespmem:$0x1D000] =	vst v63  }
0x58: {  	p0 =	sne.s32 s23, s4;
	_ =	swait.ge [sflag:s18], $0x4000  }
.Ltmp1:
0x59: {  	[sflag:s18] =	ssyncset.done $0x0;
	(pc) =	sbr.rel @p0 .LBB2_1-.Ltmp1, $4  }
0x5a: {  	[sflag:s18] =	ssyncadd.s32 $0xFFFFC000  }
0x5b: {  	_ =	swait.ge [sflag:s21], $0x4000  }
0x5c: {  	[sflag:s21] =	ssyncset.done $0x0  }
0x5d: {  	[sflag:s21] =	ssyncadd.s32 $0xFFFFC000  }
0x5e: {  	_ =	sfence.sel $0x180000  }
0x5f: {  	[bflag:$0x0] =	sbarrier.arrive $0xFFFF  }
0x60: {  	p0 =	sne.s32 s3, $0x0;
	_ =	strace $0x90000047  }
0x61: {  	s0 =	sadd.s32 @!p0 $0x100000, s0;
	[bflag:$0x2] =	sbarrier.arrive $0xFFFF  }
0x62: {  	[sflag:s0] =	ssyncadd.tile.s32 @!p0 $0x1;
	_ =	shalt  }
.Lfunc_end2:
_tile_overlayer_lowered:
.L_overlay_start_2:
0x63: {  	(tag) =	ssettag $0x2  }
0x64: {  	s0 =	rddreg [dreg:$0x0];
	s2 =	stileid.u32  }
0x65: {  	s1 =	rddreg [dreg:$0x1];
	p0 =	sne.s32 s2, $0x0  }
0x66: {  	s3 =	rddreg [dreg:$0x2];
	[bflag:$0x3] =	sbarrier.arrive $0xFFFF;
	s2 =	simm.s32 @!p0 $0x1C05  }
0x67: {  	[timem:s3], [sflag:s2] =	dma.local @!p0 [hbm:s0], s1  }
0x68: {  	s0 =	simm.s32 @!p0 $0x5  }
0x69: {  	_ =	swait.ge @!p0 [sflag:s0], s1  }
0x6a: {  	s1 =	ssub.s32 @!p0 $0x0, s1;
	[sflag:s0] =	ssyncset.done @!p0 $0x0  }
0x6b: {  	[sflag:s0] =	ssyncadd.s32 @!p0 s1  }
0x6c: {  	[bflag:$0x3] =	sbarrier.arrive $0xFFFF  }
0x6d: {  	_ =	shalt  }

// kernel: kernel.23.cloned.1.call-start
scs
__scs_entry_jumppad:
0x0: {  	(pc) =	sbr.rel $0x88, $3  }
0x1: {  	(tag) =	ssettag $0x0;
	lr =	simm.s32 $0x1  }
0x2: {  	[smem:$0x3F94] =	sst lr;
	_ =	strace $0xD0000000  }
0x3: {  	_ = 	snop  }
0x4: {  	_ = 	snop  }
0x5: {  	_ = 	snop  }
0x6: {  	_ = 	snop  }
0x7: {  	_ = 	snop  }
__scs_overlays_trampoline_lowered:
0x8: {  	[smem:$0x3FA3] =	sst s0  }
0x9: {  	[smem:$0x3FA4] =	sst s1  }
0xa: {  	[smem:$0x3FA5] =	sst s2  }
0xb: {  	[smem:$0x3FA6] =	sst s3  }
0xc: {  	[smem:$0x3FA7] =	sst s4  }
0xd: {  	[smem:$0x3FA8] =	sst s5  }
0xe: {  	[smem:$0x3FA9] =	sst s6  }
0xf: {  	[smem:$0x3FAA] =	sst s7  }
0x10: {  	[smem:$0x3FAB] =	sst s8  }
0x11: {  	[smem:$0x3FAC] =	sst s9;
	s0 =	simm.s32 @!p0 $0x0  }
0x12: {  	s1 =	sld [smem:$0x3F92];
	s0 =	simm.s32 @p0 $0x1  }
0x13: {  	[smem:$0x3FAD] =	sst s0;
	s0 =	simm.s32 @!p1 $0x0  }
0x14: {  	s2 =	sld [smem:$0x3F91];
	s0 =	simm.s32 @p1 $0x1  }
0x15: {  	[smem:$0x3FAE] =	sst s0;
	s0 =	simm.s32 @!p2 $0x0  }
0x16: {  	s3 =	sld [smem:$0x3FDB];
	s0 =	simm.s32 @p2 $0x1  }
0x17: {  	s4 =	simm.s32 $0x1BF5;
	[smem:$0x3FB0] =	sst s0  }
0x18: {  	s0 =	sld [smem:$0x3F93];
	_ =	swait.ge [sflag:s4], $0x0  }
0x19: {  	s7 =	sld [smem:$0x3F94]  }
0x1a: {  	s8 =	sadd.s32 $0xFFFFE003, lr  }
0x1b: {  	s9 =	sadd.s32 $0xFFFFFEF7, lr;
	s5 =	simm.s32 $0xFFFFFFFF;
	p2 =	slt.u32 s8, $0xFFFFF086  }
0x1c: {  	p1 =	slt.u32 s9, $0xF7A;
	s5 =	simm.s32 @!p2 $0x0  }
0x1d: {  	s5 =	simm.s32 @p1 $0x1;
	p0 =	seq.s32 s7, s2  }
0x1e: {  	s7 =	smul.u32 @!p0 $0xF7A, s2;
	p2 =	seq.s32 @!p0 s5, $0x0  }
0x1f: {  	s9 =	smul.u32 $0xF7A, s1;
	s8 =	simm.s32 @!p0 $0x1BF5;
	p2 =	por !p2, p0  }
0x20: {  	[sflag:s8] =	ssyncset.s32 @!p0 $0xFFFFF086;
	s6 =	sadd.s32 @!p0 s3, s7;
	s7 =	simm.s32 @!p0 $0x108  }
0x21: {  	s3 =	sadd.s32 s3, s9;
	s6 =	sadd.s32 @!p0 $0x88, s6;
	s7 =	simm.s32 @p2 $0x1082  }
0x22: {  	[simem:s7], [sflag:s8] =	dma.local @!p0 [hbm:s6], $0xF7A  }
0x23: {  	s9 =	sor.u32 $0xD0000000, s2;
	s6 =	simm.s32 $0x108;
	_ =	swait.ge @!p0 [sflag:s8], $0x0  }
0x24: {  	s3 =	sadd.s32 $0x88, s3;
	s6 =	simm.s32 @!p1 $0x1082;
	[sflag:s4] =	ssyncset.s32 $0xFFFFF086  }
0x25: {  	[simem:s6], [sflag:s4] =	dma.local [hbm:s3], $0xF7A  }
0x26: {  	[smem:$0x3F94] =	sst s1;
	(tag) =	ssettag s2;
	_ =	strace s9  }
0x27: {  	s1 =	sld [smem:$0x3FA4]  }
0x28: {  	s2 =	sld [smem:$0x3FA5]  }
0x29: {  	s4 =	sld [smem:$0x3FA7]  }
0x2a: {  	p0 =	seq.s32 s5, $0x0;
	s5 =	sld [smem:$0x3FA8]  }
0x2b: {  	s6 =	sld [smem:$0x3FA9]  }
0x2c: {  	s7 =	sld [smem:$0x3FAA]  }
0x2d: {  	s3 =	simm.s32 $0x108;
	s8 =	sld [smem:$0x3FAB]  }
0x2e: {  	s3 =	simm.s32 @!p0 $0x1082;
	s9 =	sld [smem:$0x3FAC]  }
0x2f: {  	lr =	sadd.s32 s0, s3;
	s0 =	sld [smem:$0x3FA3]  }
0x30: {  	s3 =	sld [smem:$0x3FA6]  }
0x31: {  	[smem:$0x3FAF] =	sst s10  }
0x32: {  	s10 =	sld [smem:$0x3FAD];
	_ =	sdelay $0x3  }
0x33: {  	p0 =	seq.s32 s10, $0x1;
	s10 =	sld [smem:$0x3FAF];
	_ =	sdelay $0x3  }
0x34: {  	[smem:$0x3FAF] =	sst s10  }
0x35: {  	s10 =	sld [smem:$0x3FAE];
	_ =	sdelay $0x3  }
0x36: {  	p1 =	seq.s32 s10, $0x1;
	s10 =	sld [smem:$0x3FAF];
	_ =	sdelay $0x3  }
0x37: {  	[smem:$0x3FAF] =	sst s10  }
0x38: {  	s10 =	sld [smem:$0x3FB0]  }
0x39: {  	_ = 	snop;
	(pc) =	sbr.ind lr, $3  }
0x3a: {  	_ = 	snop  }
0x3b: {  	_ = 	snop  }
0x3c: {  	p2 =	seq.s32 s10, $0x1;
	s10 =	sld [smem:$0x3FAF]  }
0x3d: {  	_ =	shalt  }
0x3e: {  	_ =	shalt  }
0x3f: {  	_ =	shalt  }
0x40: {  	_ =	shalt  }
0x41: {  	_ =	shalt  }
0x42: {  	_ =	shalt  }
0x43: {  	_ =	shalt  }
0x44: {  	_ =	shalt  }
0x45: {  	_ =	shalt  }
0x46: {  	_ =	shalt  }
0x47: {  	_ =	shalt  }
0x48: {  	_ =	shalt  }
0x49: {  	_ =	shalt  }
0x4a: {  	_ =	shalt  }
0x4b: {  	_ =	shalt  }
0x4c: {  	_ =	shalt  }
0x4d: {  	_ =	shalt  }
0x4e: {  	_ =	shalt  }
0x4f: {  	_ =	shalt  }
0x50: {  	_ =	shalt  }
0x51: {  	_ =	shalt  }
0x52: {  	_ =	shalt  }
0x53: {  	_ =	shalt  }
0x54: {  	_ =	shalt  }
0x55: {  	_ =	shalt  }
0x56: {  	_ =	shalt  }
0x57: {  	_ =	shalt  }
0x58: {  	_ =	shalt  }
0x59: {  	_ =	shalt  }
0x5a: {  	_ =	shalt  }
0x5b: {  	_ =	shalt  }
0x5c: {  	_ =	shalt  }
0x5d: {  	_ =	shalt  }
0x5e: {  	_ =	shalt  }
0x5f: {  	_ =	shalt  }
0x60: {  	_ =	shalt  }
0x61: {  	_ =	shalt  }
0x62: {  	_ =	shalt  }
0x63: {  	_ =	shalt  }
0x64: {  	_ =	shalt  }
0x65: {  	_ =	shalt  }
0x66: {  	_ =	shalt  }
0x67: {  	_ =	shalt  }
0x68: {  	_ =	shalt  }
0x69: {  	_ =	shalt  }
0x6a: {  	_ =	shalt  }
0x6b: {  	_ =	shalt  }
0x6c: {  	_ =	shalt  }
0x6d: {  	_ =	shalt  }
0x6e: {  	_ =	shalt  }
0x6f: {  	_ =	shalt  }
0x70: {  	_ =	shalt  }
0x71: {  	_ =	shalt  }
0x72: {  	_ =	shalt  }
0x73: {  	_ =	shalt  }
0x74: {  	_ =	shalt  }
0x75: {  	_ =	shalt  }
0x76: {  	_ =	shalt  }
0x77: {  	_ =	shalt  }
0x78: {  	_ =	shalt  }
0x79: {  	_ =	shalt  }
0x7a: {  	_ =	shalt  }
0x7b: {  	_ =	shalt  }
0x7c: {  	_ =	shalt  }
0x7d: {  	_ =	shalt  }
0x7e: {  	_ =	shalt  }
0x7f: {  	_ =	shalt  }
0x80: {  	_ =	shalt  }
0x81: {  	_ =	shalt  }
0x82: {  	_ =	shalt  }
0x83: {  	_ =	shalt  }
0x84: {  	_ =	shalt  }
0x85: {  	_ =	shalt  }
0x86: {  	_ =	shalt  }
0x87: {  	_ =	shalt  }
.Lfunc_end0:
.L_simem_size_0:
called_computation.3_lowered:
.L_overlay_start_0:
0x88: {  	s2 =	sld [smem:$0x3FD9]  }
0x89: {  	s3 =	sld [smem:$0x3FFE];
	_ =	sdelay $0x1  }
0x8a: {  	s1 =	srdreg.scid  }
0x8b: {  	s0 =	sand.u32 $0x1, s1  }
0x8c: {  	s17 =	sshll.u32 s0, $0xA;
	s2 =	sadd.s32 s3, s2  }
0x8d: {  	s2 =	sadd.s32 s2, s17  }
0x8e: {  	[smem:$0x3FBB] =	sst s2  }
0x8f: {  	_ = 	snop  }
0x90: {  	s18 =	sld [smem:$0x3FD0];
	(tm) =	ssettm $0x1  }
0x91: {  	s19 =	sld [smem:$0x3FFB];
	_ =	sdelay $0x3  }
0x92: {  	_ =	strace s19  }
0x93: {  	s2 =	sld [smem:$0x3FFC];
	_ =	sdelay $0x3  }
0x94: {  	_ =	strace s2  }
0x95: {  	s2 =	sld [smem:$0x3FFD];
	_ =	sdelay $0x3  }
0x96: {  	_ =	strace s2  }
0x97: {  	_ =	strace $0x8FFFFFFF  }
0x98: {  	s20 =	sld [smem:$0x3FDB];
	_ =	sdelay $0x1  }
0x99: {  	s4 =	simm.s32 $_scs_section_size  }
0x9a: {  	s5 =	simm.s32 $_size__tile_overlayer_lowered;
	s6 =	simm.s32 $_tile_overlayer_lowered  }
0x9b: {  	s7 =	simm.s32 $0x1BFF;
	s21 =	sshll.u32 s6, $0x1;
	s4 =	sadd.s32 s4, s20  }
0x9c: {  	s22 =	simm.s32 $0x0;
	s5 =	sshll.u32 s5, $0x1;
	s6 =	sadd.s32 s21, s4  }
0x9d: {  	[timem:s22], [sflag:s7] =	dma.local [hbm:s6], s5  }
0x9e: {  	_ =	swait.ge [sflag:s7], s5  }
0x9f: {  	s5 =	ssub.s32 $0x0, s5;
	[sflag:s7] =	ssyncset.done $0x0  }
0xa0: {  	[sflag:s7] =	ssyncadd.s32 s5;
	_ =	sdelay $0x1  }
0xa1: {  	s23 =	simm.s32 $0x1B8B  }
0xa2: {  	_ =	swait.ge [sflag:s23], $0x1  }
0xa3: {  	[sflag:s23] =	ssyncset.done $0x0  }
0xa4: {  	[sflag:s23] =	ssyncadd.s32 $0xFFFFFFFF  }
0xa5: {  	s5 =	sld [smem:$0x0]  }
0xa6: {  	s6 =	sand.u32 $0xFFFFFFFE, s1  }
0xa7: {  	p0 =	sne.s32 s1, s6  }
0xa8: {  	s6 =	sshll.u32 @p0 s6, $0xE  }
0xa9: {  	s6 =	sadd.s32 @p0 $0x11B8D, s6;
	s7 =	sshll.u32 @p0 s5, $0x11  }
0xaa: {  	s6 =	sor.u32 @p0 s7, s6  }
0xab: {  	[sflag:s6] =	ssyncadd.remote.s32 @p0 $0x1;
	_ =	sdelay $0x1  }
0xac: {  	s6 =	simm.s32 @p0 $0x1B8D  }
0xad: {  	_ =	swait.eq @p0 [sflag:s6], $0x1  }
0xae: {  	[sflag:s6] =	ssyncadd.s32 @p0 $0xFFFFFFFF  }
0xaf: {  	s7 =	sshll.u32 @!p0 s1, $0xE  }
0xb0: {  	s7 =	sor.u32 @!p0 $0x4000, s7;
	s6 =	simm.s32 @!p0 $0x1B8D  }
0xb1: {  	s5 =	sshll.u32 @!p0 s5, $0x11;
	s7 =	sadd.s32 @!p0 $0x11B8D, s7;
	_ =	swait.eq @!p0 [sflag:s6], $0x1  }
0xb2: {  	s5 =	sor.u32 @!p0 s5, s7;
	[sflag:s6] =	ssyncadd.s32 @!p0 $0xFFFFFFFF  }
0xb3: {  	s25 =	simm.s32 $0x1B8E;
	s24 =	sld [smem:$0x3FFE];
	[sflag:s5] =	ssyncadd.remote.s32 @!p0 $0x1  }
0xb4: {  	s26 =	simm.s32 $execute0_lowered;
	[smem:$0x3FD2] =	sst s25  }
0xb5: {  	s6 =	sshll.u32 s26, $0x1;
	_ =	strace $0x80000049;
	[dreg:$0x1] =	wrdreg $0xFFFFFFFF  }
0xb6: {  	s28 =	simm.s32 $_size_execute0_lowered;
	s4 =	sadd.s32 s4, s6;
	[dreg:$0x0] =	wrdreg $0x0  }
0xb7: {  	s6 =	sshll.u32 s28, $0x1;
	[dreg:$0x2] =	wrdreg s4  }
0xb8: {  	[dreg:$0x3] =	wrdreg s6  }
0xb9: {  	[dreg:$0x4] =	wrdreg $0xC0  }
0xba: {  	_ =	task [dreg:s22], $0x5FFFF  }
0xbb: {  	[dreg:$0x1] =	wrdreg $0xFFFFFFFF  }
0xbc: {  	[dreg:$0x0] =	wrdreg $0x60  }
0xbd: {  	[dreg:$0x2] =	wrdreg s24  }
0xbe: {  	[dreg:$0x3] =	wrdreg s18  }
0xbf: {  	[dreg:$0x4] =	wrdreg $0x94000  }
0xc0: {  	[dreg:$0x5] =	wrdreg $0xC  }
0xc1: {  	_ =	task.clear_ibuf [dreg:s22], $0x6FFFF;
	_ =	strace $0x90000049  }
0xc2: {  	s29 =	simm.s32 $0xC;
	_ =	strace $0x8000004B  }
0xc3: {  	_ =	swait.ge [sflag:s29], $0x1  }
0xc4: {  	[sflag:s29] =	ssyncadd.s32 $0xFFFFFFFF  }
0xc5: {  	_ =	strace $0x9000004B  }
0xc6: {  	_ =	sfence  }
0xc7: {  	s30 =	sld [smem:$0x0];
	_ =	sdelay $0x2  }
0xc8: {  	s31 =	sshll.u32 s1, $0xD;
	s1 =	sshrl.u32 s1, $0x2  }
0xc9: {  	s4 =	sand.u32 $0x4000, s31;
	s1 =	sadd.s32 s1, s30  }
0xca: {  	s0 =	sor.u32 s4, s0;
	s1 =	sshll.u32 s1, $0x11  }
0xcb: {  	s0 =	sor.u32 s1, s0  }
0xcc: {  	s0 =	sadd.s32 $0x8F2B, s0  }
0xcd: {  	[sflag:s0] =	ssyncadd.remote.s32 $0x1  }
0xce: {  	_ =	sfence.sel $0xFFFF  }
0xcf: {  	[dreg:$0x0] =	wrdreg $0xFFFFFFFF;
	(pc) =	sbr.abs _section_cstart, $3  }
0xd0: {  	[dreg:$0x1] =	wrdreg $0xFFFFFFFF  }
0xd1: {  	_ =	task.clear_ibuf [dreg:s22], $0x2FFFF;
	_ =	strace $0x9FFFFFFF  }
0xd2: {  	(tm) =	ssettm $0x7FFFFFFF  }
0xd3: {  	_ =	shalt  }
tec
execute0_lowered:
.L_overlay_start_1:
0x0: {  	(tag) =	ssettag $0x1  }
0x1: {  	s4 =	rddreg [dreg:$0x0]  }
0x2: {  	s6 =	rddreg [dreg:$0x1]  }
0x3: {  	s1 =	rddreg [dreg:$0x2]  }
0x4: {  	s0 =	rddreg [dreg:$0x3]  }
0x5: {  	s2 =	simm.s32 $0x0;
	s3 =	srdreg.scid;
	s15 =	simm.s32 $0x1400  }
0x6: {  	s16 =	simm.s32 $0x5400;
	s17 =	simm.s32 $0x1;
	s18 =	simm.s32 $0x3  }
0x7: {  	s19 =	simm.s32 $0x100;
	s20 =	simm.s32 $0x2;
	s21 =	simm.s32 $0x4  }
0x8: {  	s22 =	simm.s32 $0x1380;
	s23 =	simm.s32 $0x0;
	[smem:$0x7FF] =	sst s2  }
0x9: {  	s5 =	sadd.s32 $0x12400, s4;
	s7 =	sand.u32 $0x1, s3;
	s3 =	stileid.u32  }
0xa: {  	s8 =	sadd.s32 $0x39C00, s4;
	s13 =	sadd.s32 $0x2E1400, s4;
	s12 =	smul.u32 $0x4F000, s3  }
0xb: {  	s10 =	sadd.s32 $0xAC00, s4;
	s14 =	sadd.s32 $0x421400, s4;
	s28 =	smul.u32 $0x2780, s3  }
0xc: {  	_ =	strace $0x8000004A;
	s9 =	ssub.s32 $0x2, s7;
	s29 =	smul.u32 $0x280, s3  }
0xd: {  	p0 =	seq.s32 s7, $0x0;
	s30 =	smul.u32 $0x14000, s3;
	s31 =	sshll.u32 s3, $0x6  }
0xe: {  	s11 =	sshrl.u32 s9, $0x1;
	s8 =	smov.u32 @p0 s5;
	s6 =	smov.u32 @p0 s10  }
0xf: {  	s14 =	smov.u32 @p0 s13;
	s7 =	sor.u32 $0x1C05, s31;
	s13 =	simm.s32 $0x5  }
0x10: {  	s25 =	ssub.s32 s9, s11;
	s26 =	sshrl.u32 s12, $0x2;
	s5 =	sadd.s32 s8, s28  }
0x11: {  	s6 =	sadd.s32 s6, s29;
	s8 =	sadd.s32 s14, s30;
	s14 =	simm.s32 $0x80  }
0x12: {  	s12 =	sadd.s32 s26, s1;
	s4 =	smax.u32 s25, $0x1;
	s9 =	sadd.s32 $0x800, s8  }
0x13: {  	s10 =	sadd.s32 $0x13000, s8;
	s11 =	sadd.s32 $0x13800, s8;
	s12 =	sshrl.u32 s12, $0x3  }
.LBB2_1:
0x14: {  	[spmem:s12], [sflag:s7] =	dma.local [hbm:s5], $0x2780  }
0x15: {  	_ =	swait.ge [sflag:s13], $0x2780  }
0x16: {  	[sflag:s13] =	ssyncset.done $0x0  }
0x17: {  	[sflag:s13] =	ssyncadd.s32 $0xFFFFD880  }
0x18: {  	[tilespmem:s2], [sflag:$0x5] =	stream.linear.gather [hbm4b:s6+s2], $0x1400, $0x38;
	[tilespmem:$0x1D000] =	vst v63  }
0x19: {  	_ =	swait.ge [sflag:s13], $0x1400  }
0x1a: {  	[sflag:s13] =	ssyncset.done $0x0  }
0x1b: {  	[sflag:s13] =	ssyncadd.s32 $0xFFFFEC00  }
0x1c: {  	[bflag:$0x0] =	sbarrier.arrive $0xFFFF  }
0x1d: {  	[tilespmem:s15], [sflag:$0x1] =	stream.indirect.gather [spmem:s1], $0x80, s2, s14, $0xb8;
	[tilespmem:$0x1D000] =	vst v63  }
0x1e: {  	_ = 	snop  }
0x1f: {  	[tilespmem:s16], [sflag:$0x2] =	stream.indirect.gather [spmem:s1], $0x80, s14, s14, $0xb8;
	[tilespmem:$0x1D000] =	vst v63  }
0x20: {  	_ =	swait.ge [sflag:s17], $0x4000  }
0x21: {  	[sflag:s17] =	ssyncset.done $0x0  }
0x22: {  	[sflag:s17] =	ssyncadd.s32 $0xFFFFC000  }
0x23: {  	[hbm4b:s8+s2] =	stream.linear.scatter [tilespmem:s15], [sflag:$0x3], $0x4000, $0x38;
	[tilespmem:$0x1D000] =	vst v63  }
0x24: {  	_ =	swait.ge [sflag:s18], $0x4000  }
0x25: {  	[sflag:s18] =	ssyncset.done $0x0  }
0x26: {  	[sflag:s18] =	ssyncadd.s32 $0xFFFFC000  }
0x27: {  	[tilespmem:s15], [sflag:$0x1] =	stream.indirect.gather [spmem:s1], $0x80, s19, s14, $0xb8;
	[tilespmem:$0x1D000] =	vst v63  }
0x28: {  	_ =	swait.ge [sflag:s20], $0x4000  }
0x29: {  	[sflag:s20] =	ssyncset.done $0x0  }
0x2a: {  	[sflag:s20] =	ssyncadd.s32 $0xFFFFC000  }
0x2b: {  	[hbm4b:s9+s2] =	stream.linear.scatter [tilespmem:s16], [sflag:$0x4], $0x4000, $0x38;
	[tilespmem:$0x1D000] =	vst v63  }
0x2c: {  	_ =	swait.ge [sflag:s21], $0x4000  }
0x2d: {  	[sflag:s21] =	ssyncset.done $0x0  }
0x2e: {  	s24 =	simm.s32 $0x180;
	[sflag:s21] =	ssyncadd.s32 $0xFFFFC000  }
0x2f: {  	[tilespmem:s16], [sflag:$0x2] =	stream.indirect.gather [spmem:s1], $0x80, s24, s14, $0xb8;
	[tilespmem:$0x1D000] =	vst v63  }
0x30: {  	_ =	swait.ge [sflag:s17], $0x4000  }
0x31: {  	s25 =	sadd.s32 $0xFFFEE000, s8;
	[sflag:s17] =	ssyncset.done $0x0  }
0x32: {  	s30 =	sadd.s32 $0x13000, s25;
	[sflag:s17] =	ssyncadd.s32 $0xFFFFC000  }
0x33: {  	[hbm4b:s30+s2] =	stream.linear.scatter [tilespmem:s15], [sflag:$0x3], $0x4000, $0x38;
	[tilespmem:$0x1D000] =	vst v63  }
0x34: {  	_ =	swait.ge [sflag:s18], $0x4000  }
0x35: {  	[sflag:s18] =	ssyncset.done $0x0  }
0x36: {  	s31 =	simm.s32 $0x200;
	[sflag:s18] =	ssyncadd.s32 $0xFFFFC000  }
0x37: {  	[tilespmem:s15], [sflag:$0x1] =	stream.indirect.gather [spmem:s1], $0x80, s31, s14, $0xb8;
	[tilespmem:$0x1D000] =	vst v63  }
0x38: {  	_ =	swait.ge [sflag:s20], $0x4000  }
0x39: {  	s26 =	sadd.s32 $0x13800, s25;
	[sflag:s20] =	ssyncset.done $0x0  }
0x3a: {  	s25 =	simm.s32 $0x300;
	s24 =	simm.s32 $0xFFFEF000;
	[sflag:s20] =	ssyncadd.s32 $0xFFFFC000  }
.LBB2_2:
0x3b: {  	[hbm4b:s26+s2] =	stream.linear.scatter [tilespmem:s16], [sflag:$0x4], $0x4000, $0x38;
	[tilespmem:$0x1D000] =	vst v63  }
0x3c: {  	s26 =	smov.u32 s24  }
0x3d: {  	p0 =	sne.s32 s24, $0xFFFFF000;
	s24 =	sadd.s32 $0x1000, s24;
	_ =	swait.ge [sflag:s21], $0x4000  }
0x3e: {  	[sflag:s21] =	ssyncset.done $0x0  }
0x3f: {  	s28 =	sadd.s32 $0xFFFFFF80, s25;
	[sflag:s21] =	ssyncadd.s32 $0xFFFFC000  }
0x40: {  	[tilespmem:s16], [sflag:$0x2] =	stream.indirect.gather [spmem:s1], $0x80, s28, s14, $0xb8;
	[tilespmem:$0x1D000] =	vst v63  }
0x41: {  	_ =	swait.ge [sflag:s17], $0x4000  }
0x42: {  	s26 =	sadd.s32 s26, s8;
	[sflag:s17] =	ssyncset.done $0x0  }
0x43: {  	s28 =	sadd.s32 $0x13000, s26;
	[sflag:s17] =	ssyncadd.s32 $0xFFFFC000  }
0x44: {  	[hbm4b:s28+s2] =	stream.linear.scatter [tilespmem:s15], [sflag:$0x3], $0x4000, $0x38;
	[tilespmem:$0x1D000] =	vst v63  }
0x45: {  	_ =	swait.ge [sflag:s18], $0x4000  }
0x46: {  	[sflag:s18] =	ssyncset.done $0x0  }
.Ltmp0:
0x47: {  	[sflag:s18] =	ssyncadd.s32 $0xFFFFC000;
	(pc) =	sbr.rel @p0 .LBB2_2-.Ltmp0, $4  }
0x48: {  	[tilespmem:s15], [sflag:$0x1] =	stream.indirect.gather [spmem:s1], $0x80, s25, s14, $0xb8;
	[tilespmem:$0x1D000] =	vst v63  }
0x49: {  	_ =	swait.ge [sflag:s20], $0x4000  }
0x4a: {  	[sflag:s20] =	ssyncset.done $0x0  }
0x4b: {  	s26 =	sadd.s32 $0x13800, s26;
	s25 =	sadd.s32 $0x100, s25;
	[sflag:s20] =	ssyncadd.s32 $0xFFFFC000  }
0x4c: {  	[hbm4b:s26+s2] =	stream.linear.scatter [tilespmem:s16], [sflag:$0x4], $0x4000, $0x38;
	[tilespmem:$0x1D000] =	vst v63  }
0x4d: {  	_ =	swait.ge [sflag:s21], $0x4000  }
0x4e: {  	[sflag:s21] =	ssyncset.done $0x0  }
0x4f: {  	[sflag:s21] =	ssyncadd.s32 $0xFFFFC000  }
0x50: {  	[tilespmem:s16], [sflag:$0x2] =	stream.indirect.gather [spmem:s1], $0x80, s22, s14, $0xb8;
	[tilespmem:$0x1D000] =	vst v63  }
0x51: {  	_ =	swait.ge [sflag:s17], $0x4000  }
0x52: {  	[sflag:s17] =	ssyncset.done $0x0  }
0x53: {  	[sflag:s17] =	ssyncadd.s32 $0xFFFFC000  }
0x54: {  	[hbm4b:s10+s2] =	stream.linear.scatter [tilespmem:s15], [sflag:$0x3], $0x4000, $0x38;
	[tilespmem:$0x1D000] =	vst v63  }
0x55: {  	_ =	swait.ge [sflag:s20], $0x4000  }
0x56: {  	[sflag:s20] =	ssyncset.done $0x0  }
0x57: {  	s23 =	sadd.s32 $0x1, s23;
	[sflag:s20] =	ssyncadd.s32 $0xFFFFC000  }
0x58: {  	[hbm4b:s11+s2] =	stream.linear.scatter [tilespmem:s16], [sflag:$0x4], $0x4000, $0x38;
	[tilespmem:$0x1D000] =	vst v63  }
0x59: {  	p0 =	sne.s32 s23, s4;
	_ =	swait.ge [sflag:s18], $0x4000  }
.Ltmp1:
0x5a: {  	[sflag:s18] =	ssyncset.done $0x0;
	(pc) =	sbr.rel @p0 .LBB2_1-.Ltmp1, $4  }
0x5b: {  	[sflag:s18] =	ssyncadd.s32 $0xFFFFC000  }
0x5c: {  	_ =	swait.ge [sflag:s21], $0x4000  }
0x5d: {  	[sflag:s21] =	ssyncset.done $0x0  }
0x5e: {  	[sflag:s21] =	ssyncadd.s32 $0xFFFFC000  }
0x5f: {  	_ =	sfence.sel $0x180000  }
0x60: {  	[bflag:$0x0] =	sbarrier.arrive $0xFFFF  }
0x61: {  	p0 =	sne.s32 s3, $0x0;
	_ =	strace $0x9000004A  }
0x62: {  	s0 =	sadd.s32 @!p0 $0x100000, s0;
	[bflag:$0x2] =	sbarrier.arrive $0xFFFF  }
0x63: {  	[sflag:s0] =	ssyncadd.tile.s32 @!p0 $0x1;
	_ =	shalt  }
.Lfunc_end2:
_tile_overlayer_lowered:
.L_overlay_start_2:
0x64: {  	(tag) =	ssettag $0x2  }
0x65: {  	s0 =	rddreg [dreg:$0x0];
	s2 =	stileid.u32  }
0x66: {  	s1 =	rddreg [dreg:$0x1];
	p0 =	sne.s32 s2, $0x0  }
0x67: {  	s3 =	rddreg [dreg:$0x2];
	[bflag:$0x3] =	sbarrier.arrive $0xFFFF;
	s2 =	simm.s32 @!p0 $0x1C05  }
0x68: {  	[timem:s3], [sflag:s2] =	dma.local @!p0 [hbm:s0], s1  }
0x69: {  	s0 =	simm.s32 @!p0 $0x5  }
0x6a: {  	_ =	swait.ge @!p0 [sflag:s0], s1  }
0x6b: {  	s1 =	ssub.s32 @!p0 $0x0, s1;
	[sflag:s0] =	ssyncset.done @!p0 $0x0  }
0x6c: {  	[sflag:s0] =	ssyncadd.s32 @!p0 s1  }
0x6d: {  	[bflag:$0x3] =	sbarrier.arrive $0xFFFF  }
0x6e: {  	_ =	shalt  }

// kernel: kernel.26.cloned.1.call-start
scs
__scs_entry_jumppad:
0x0: {  	(pc) =	sbr.rel $0x88, $3  }
0x1: {  	(tag) =	ssettag $0x0;
	lr =	simm.s32 $0x1  }
0x2: {  	[smem:$0x3F94] =	sst lr;
	_ =	strace $0xD0000000  }
0x3: {  	_ = 	snop  }
0x4: {  	_ = 	snop  }
0x5: {  	_ = 	snop  }
0x6: {  	_ = 	snop  }
0x7: {  	_ = 	snop  }
__scs_overlays_trampoline_lowered:
0x8: {  	[smem:$0x3FA3] =	sst s0  }
0x9: {  	[smem:$0x3FA4] =	sst s1  }
0xa: {  	[smem:$0x3FA5] =	sst s2  }
0xb: {  	[smem:$0x3FA6] =	sst s3  }
0xc: {  	[smem:$0x3FA7] =	sst s4  }
0xd: {  	[smem:$0x3FA8] =	sst s5  }
0xe: {  	[smem:$0x3FA9] =	sst s6  }
0xf: {  	[smem:$0x3FAA] =	sst s7  }
0x10: {  	[smem:$0x3FAB] =	sst s8  }
0x11: {  	[smem:$0x3FAC] =	sst s9;
	s0 =	simm.s32 @!p0 $0x0  }
0x12: {  	s1 =	sld [smem:$0x3F92];
	s0 =	simm.s32 @p0 $0x1  }
0x13: {  	[smem:$0x3FAD] =	sst s0;
	s0 =	simm.s32 @!p1 $0x0  }
0x14: {  	s2 =	sld [smem:$0x3F91];
	s0 =	simm.s32 @p1 $0x1  }
0x15: {  	[smem:$0x3FAE] =	sst s0;
	s0 =	simm.s32 @!p2 $0x0  }
0x16: {  	s3 =	sld [smem:$0x3FDB];
	s0 =	simm.s32 @p2 $0x1  }
0x17: {  	s4 =	simm.s32 $0x1BF5;
	[smem:$0x3FB0] =	sst s0  }
0x18: {  	s0 =	sld [smem:$0x3F93];
	_ =	swait.ge [sflag:s4], $0x0  }
0x19: {  	s7 =	sld [smem:$0x3F94]  }
0x1a: {  	s8 =	sadd.s32 $0xFFFFE003, lr  }
0x1b: {  	s9 =	sadd.s32 $0xFFFFFEF7, lr;
	s5 =	simm.s32 $0xFFFFFFFF;
	p2 =	slt.u32 s8, $0xFFFFF086  }
0x1c: {  	p1 =	slt.u32 s9, $0xF7A;
	s5 =	simm.s32 @!p2 $0x0  }
0x1d: {  	s5 =	simm.s32 @p1 $0x1;
	p0 =	seq.s32 s7, s2  }
0x1e: {  	s7 =	smul.u32 @!p0 $0xF7A, s2;
	p2 =	seq.s32 @!p0 s5, $0x0  }
0x1f: {  	s9 =	smul.u32 $0xF7A, s1;
	s8 =	simm.s32 @!p0 $0x1BF5;
	p2 =	por !p2, p0  }
0x20: {  	[sflag:s8] =	ssyncset.s32 @!p0 $0xFFFFF086;
	s6 =	sadd.s32 @!p0 s3, s7;
	s7 =	simm.s32 @!p0 $0x108  }
0x21: {  	s3 =	sadd.s32 s3, s9;
	s6 =	sadd.s32 @!p0 $0x88, s6;
	s7 =	simm.s32 @p2 $0x1082  }
0x22: {  	[simem:s7], [sflag:s8] =	dma.local @!p0 [hbm:s6], $0xF7A  }
0x23: {  	s9 =	sor.u32 $0xD0000000, s2;
	s6 =	simm.s32 $0x108;
	_ =	swait.ge @!p0 [sflag:s8], $0x0  }
0x24: {  	s3 =	sadd.s32 $0x88, s3;
	s6 =	simm.s32 @!p1 $0x1082;
	[sflag:s4] =	ssyncset.s32 $0xFFFFF086  }
0x25: {  	[simem:s6], [sflag:s4] =	dma.local [hbm:s3], $0xF7A  }
0x26: {  	[smem:$0x3F94] =	sst s1;
	(tag) =	ssettag s2;
	_ =	strace s9  }
0x27: {  	s1 =	sld [smem:$0x3FA4]  }
0x28: {  	s2 =	sld [smem:$0x3FA5]  }
0x29: {  	s4 =	sld [smem:$0x3FA7]  }
0x2a: {  	p0 =	seq.s32 s5, $0x0;
	s5 =	sld [smem:$0x3FA8]  }
0x2b: {  	s6 =	sld [smem:$0x3FA9]  }
0x2c: {  	s7 =	sld [smem:$0x3FAA]  }
0x2d: {  	s3 =	simm.s32 $0x108;
	s8 =	sld [smem:$0x3FAB]  }
0x2e: {  	s3 =	simm.s32 @!p0 $0x1082;
	s9 =	sld [smem:$0x3FAC]  }
0x2f: {  	lr =	sadd.s32 s0, s3;
	s0 =	sld [smem:$0x3FA3]  }
0x30: {  	s3 =	sld [smem:$0x3FA6]  }
0x31: {  	[smem:$0x3FAF] =	sst s10  }
0x32: {  	s10 =	sld [smem:$0x3FAD];
	_ =	sdelay $0x3  }
0x33: {  	p0 =	seq.s32 s10, $0x1;
	s10 =	sld [smem:$0x3FAF];
	_ =	sdelay $0x3  }
0x34: {  	[smem:$0x3FAF] =	sst s10  }
0x35: {  	s10 =	sld [smem:$0x3FAE];
	_ =	sdelay $0x3  }
0x36: {  	p1 =	seq.s32 s10, $0x1;
	s10 =	sld [smem:$0x3FAF];
	_ =	sdelay $0x3  }
0x37: {  	[smem:$0x3FAF] =	sst s10  }
0x38: {  	s10 =	sld [smem:$0x3FB0]  }
0x39: {  	_ = 	snop;
	(pc) =	sbr.ind lr, $3  }
0x3a: {  	_ = 	snop  }
0x3b: {  	_ = 	snop  }
0x3c: {  	p2 =	seq.s32 s10, $0x1;
	s10 =	sld [smem:$0x3FAF]  }
0x3d: {  	_ =	shalt  }
0x3e: {  	_ =	shalt  }
0x3f: {  	_ =	shalt  }
0x40: {  	_ =	shalt  }
0x41: {  	_ =	shalt  }
0x42: {  	_ =	shalt  }
0x43: {  	_ =	shalt  }
0x44: {  	_ =	shalt  }
0x45: {  	_ =	shalt  }
0x46: {  	_ =	shalt  }
0x47: {  	_ =	shalt  }
0x48: {  	_ =	shalt  }
0x49: {  	_ =	shalt  }
0x4a: {  	_ =	shalt  }
0x4b: {  	_ =	shalt  }
0x4c: {  	_ =	shalt  }
0x4d: {  	_ =	shalt  }
0x4e: {  	_ =	shalt  }
0x4f: {  	_ =	shalt  }
0x50: {  	_ =	shalt  }
0x51: {  	_ =	shalt  }
0x52: {  	_ =	shalt  }
0x53: {  	_ =	shalt  }
0x54: {  	_ =	shalt  }
0x55: {  	_ =	shalt  }
0x56: {  	_ =	shalt  }
0x57: {  	_ =	shalt  }
0x58: {  	_ =	shalt  }
0x59: {  	_ =	shalt  }
0x5a: {  	_ =	shalt  }
0x5b: {  	_ =	shalt  }
0x5c: {  	_ =	shalt  }
0x5d: {  	_ =	shalt  }
0x5e: {  	_ =	shalt  }
0x5f: {  	_ =	shalt  }
0x60: {  	_ =	shalt  }
0x61: {  	_ =	shalt  }
0x62: {  	_ =	shalt  }
0x63: {  	_ =	shalt  }
0x64: {  	_ =	shalt  }
0x65: {  	_ =	shalt  }
0x66: {  	_ =	shalt  }
0x67: {  	_ =	shalt  }
0x68: {  	_ =	shalt  }
0x69: {  	_ =	shalt  }
0x6a: {  	_ =	shalt  }
0x6b: {  	_ =	shalt  }
0x6c: {  	_ =	shalt  }
0x6d: {  	_ =	shalt  }
0x6e: {  	_ =	shalt  }
0x6f: {  	_ =	shalt  }
0x70: {  	_ =	shalt  }
0x71: {  	_ =	shalt  }
0x72: {  	_ =	shalt  }
0x73: {  	_ =	shalt  }
0x74: {  	_ =	shalt  }
0x75: {  	_ =	shalt  }
0x76: {  	_ =	shalt  }
0x77: {  	_ =	shalt  }
0x78: {  	_ =	shalt  }
0x79: {  	_ =	shalt  }
0x7a: {  	_ =	shalt  }
0x7b: {  	_ =	shalt  }
0x7c: {  	_ =	shalt  }
0x7d: {  	_ =	shalt  }
0x7e: {  	_ =	shalt  }
0x7f: {  	_ =	shalt  }
0x80: {  	_ =	shalt  }
0x81: {  	_ =	shalt  }
0x82: {  	_ =	shalt  }
0x83: {  	_ =	shalt  }
0x84: {  	_ =	shalt  }
0x85: {  	_ =	shalt  }
0x86: {  	_ =	shalt  }
0x87: {  	_ =	shalt  }
.Lfunc_end0:
.L_simem_size_0:
called_computation.4_lowered:
.L_overlay_start_0:
0x88: {  	s2 =	sld [smem:$0x3FD9]  }
0x89: {  	s3 =	sld [smem:$0x3FFE];
	_ =	sdelay $0x1  }
0x8a: {  	s1 =	srdreg.scid  }
0x8b: {  	s0 =	sand.u32 $0x1, s1  }
0x8c: {  	s17 =	sshll.u32 s0, $0xA;
	s2 =	sadd.s32 s3, s2  }
0x8d: {  	s2 =	sadd.s32 s2, s17  }
0x8e: {  	[smem:$0x3FBB] =	sst s2  }
0x8f: {  	_ = 	snop  }
0x90: {  	s18 =	sld [smem:$0x3FD0];
	(tm) =	ssettm $0x1  }
0x91: {  	s19 =	sld [smem:$0x3FFB];
	_ =	sdelay $0x3  }
0x92: {  	_ =	strace s19  }
0x93: {  	s2 =	sld [smem:$0x3FFC];
	_ =	sdelay $0x3  }
0x94: {  	_ =	strace s2  }
0x95: {  	s2 =	sld [smem:$0x3FFD];
	_ =	sdelay $0x3  }
0x96: {  	_ =	strace s2  }
0x97: {  	_ =	strace $0x8FFFFFFF  }
0x98: {  	s20 =	sld [smem:$0x3FDB];
	_ =	sdelay $0x1  }
0x99: {  	s4 =	simm.s32 $_scs_section_size  }
0x9a: {  	s5 =	simm.s32 $_size__tile_overlayer_lowered;
	s6 =	simm.s32 $_tile_overlayer_lowered  }
0x9b: {  	s7 =	simm.s32 $0x1BFF;
	s21 =	sshll.u32 s6, $0x1;
	s4 =	sadd.s32 s4, s20  }
0x9c: {  	s22 =	simm.s32 $0x0;
	s5 =	sshll.u32 s5, $0x1;
	s6 =	sadd.s32 s21, s4  }
0x9d: {  	[timem:s22], [sflag:s7] =	dma.local [hbm:s6], s5  }
0x9e: {  	_ =	swait.ge [sflag:s7], s5  }
0x9f: {  	s5 =	ssub.s32 $0x0, s5;
	[sflag:s7] =	ssyncset.done $0x0  }
0xa0: {  	[sflag:s7] =	ssyncadd.s32 s5;
	_ =	sdelay $0x1  }
0xa1: {  	s23 =	simm.s32 $0x1B8B  }
0xa2: {  	_ =	swait.ge [sflag:s23], $0x1  }
0xa3: {  	[sflag:s23] =	ssyncset.done $0x0  }
0xa4: {  	[sflag:s23] =	ssyncadd.s32 $0xFFFFFFFF  }
0xa5: {  	s5 =	sld [smem:$0x0]  }
0xa6: {  	s6 =	sand.u32 $0xFFFFFFFE, s1  }
0xa7: {  	p0 =	sne.s32 s1, s6  }
0xa8: {  	s6 =	sshll.u32 @p0 s6, $0xE  }
0xa9: {  	s6 =	sadd.s32 @p0 $0x11B8D, s6;
	s7 =	sshll.u32 @p0 s5, $0x11  }
0xaa: {  	s6 =	sor.u32 @p0 s7, s6  }
0xab: {  	[sflag:s6] =	ssyncadd.remote.s32 @p0 $0x1;
	_ =	sdelay $0x1  }
0xac: {  	s6 =	simm.s32 @p0 $0x1B8D  }
0xad: {  	_ =	swait.eq @p0 [sflag:s6], $0x1  }
0xae: {  	[sflag:s6] =	ssyncadd.s32 @p0 $0xFFFFFFFF  }
0xaf: {  	s7 =	sshll.u32 @!p0 s1, $0xE  }
0xb0: {  	s7 =	sor.u32 @!p0 $0x4000, s7;
	s6 =	simm.s32 @!p0 $0x1B8D  }
0xb1: {  	s5 =	sshll.u32 @!p0 s5, $0x11;
	s7 =	sadd.s32 @!p0 $0x11B8D, s7;
	_ =	swait.eq @!p0 [sflag:s6], $0x1  }
0xb2: {  	s5 =	sor.u32 @!p0 s5, s7;
	[sflag:s6] =	ssyncadd.s32 @!p0 $0xFFFFFFFF  }
0xb3: {  	s25 =	simm.s32 $0x1B8E;
	s24 =	sld [smem:$0x3FFE];
	[sflag:s5] =	ssyncadd.remote.s32 @!p0 $0x1  }
0xb4: {  	s26 =	simm.s32 $execute0_lowered;
	[smem:$0x3FD2] =	sst s25  }
0xb5: {  	s6 =	sshll.u32 s26, $0x1;
	_ =	strace $0x80000055;
	[dreg:$0x1] =	wrdreg $0xFFFFFFFF  }
0xb6: {  	s28 =	simm.s32 $_size_execute0_lowered;
	s4 =	sadd.s32 s4, s6;
	[dreg:$0x0] =	wrdreg $0x0  }
0xb7: {  	s6 =	sshll.u32 s28, $0x1;
	[dreg:$0x2] =	wrdreg s4  }
0xb8: {  	[dreg:$0x3] =	wrdreg s6  }
0xb9: {  	[dreg:$0x4] =	wrdreg $0xC0  }
0xba: {  	_ =	task [dreg:s22], $0x5FFFF  }
0xbb: {  	[dreg:$0x1] =	wrdreg $0xFFFFFFFF  }
0xbc: {  	[dreg:$0x0] =	wrdreg $0x60  }
0xbd: {  	[dreg:$0x2] =	wrdreg s24  }
0xbe: {  	[dreg:$0x3] =	wrdreg s18  }
0xbf: {  	[dreg:$0x4] =	wrdreg $0x8C000  }
0xc0: {  	[dreg:$0x5] =	wrdreg $0x9  }
0xc1: {  	_ =	task.clear_ibuf [dreg:s22], $0x6FFFF;
	_ =	strace $0x90000055  }
0xc2: {  	s29 =	simm.s32 $0x9;
	_ =	strace $0x80000057  }
0xc3: {  	_ =	swait.ge [sflag:s29], $0x1  }
0xc4: {  	[sflag:s29] =	ssyncadd.s32 $0xFFFFFFFF  }
0xc5: {  	_ =	strace $0x90000057  }
0xc6: {  	_ =	sfence  }
0xc7: {  	s30 =	sld [smem:$0x0];
	_ =	sdelay $0x2  }
0xc8: {  	s31 =	sshll.u32 s1, $0xD;
	s1 =	sshrl.u32 s1, $0x2  }
0xc9: {  	s4 =	sand.u32 $0x4000, s31;
	s1 =	sadd.s32 s1, s30  }
0xca: {  	s0 =	sor.u32 s4, s0;
	s1 =	sshll.u32 s1, $0x11  }
0xcb: {  	s0 =	sor.u32 s1, s0  }
0xcc: {  	s0 =	sadd.s32 $0x8F2B, s0  }
0xcd: {  	[sflag:s0] =	ssyncadd.remote.s32 $0x1  }
0xce: {  	_ =	sfence.sel $0xFFFF  }
0xcf: {  	[dreg:$0x0] =	wrdreg $0xFFFFFFFF;
	(pc) =	sbr.abs _section_cstart, $3  }
0xd0: {  	[dreg:$0x1] =	wrdreg $0xFFFFFFFF  }
0xd1: {  	_ =	task.clear_ibuf [dreg:s22], $0x2FFFF;
	_ =	strace $0x9FFFFFFF  }
0xd2: {  	(tm) =	ssettm $0x7FFFFFFF  }
0xd3: {  	_ =	shalt  }
tec
execute0_lowered:
.L_overlay_start_1:
0x0: {  	(tag) =	ssettag $0x1  }
0x1: {  	s0 =	rddreg [dreg:$0x0]  }
0x2: {  	s1 =	rddreg [dreg:$0x1]  }
0x3: {  	s2 =	rddreg [dreg:$0x2];
	s3 =	simm.s32 $0x0  }
0x4: {  	s15 =	stileid.u32;
	s4 =	srdreg.scid;
	s28 =	simm.s32 $0x4  }
0x5: {  	s29 =	simm.s32 $0x900;
	s30 =	simm.s32 $0x980;
	s31 =	simm.s32 $0x0  }
0x6: {  	[smem:$0x7FF] =	sst s3;
	s5 =	smul.u32 $0x2780, s15;
	s6 =	sand.u32 $0x1, s4  }
0x7: {  	s16 =	sadd.s32 $0x5C00, s0;
	s17 =	sadd.s32 $0x2E1400, s0;
	s9 =	smul.u32 $0x4F000, s15  }
0x8: {  	s20 =	sadd.s32 $0x6400, s0;
	_ =	strace $0x80000056;
	s4 =	smul.u32 $0x27800, s6  }
0x9: {  	s7 =	sshll.u32 s6, $0x4;
	s13 =	ssub.s32 $0x2, s6;
	s6 =	smul.u32 $0xA0000, s6  }
0xa: {  	s7 =	sor.u32 s15, s7;
	s8 =	sadd.s32 s5, s0;
	s11 =	sshrl.u32 s13, $0x1  }
0xb: {  	s14 =	sshrl.u32 s9, $0x2;
	s4 =	sadd.s32 s5, s4;
	s12 =	smul.u32 $0xC00, s7  }
0xc: {  	s7 =	smul.u32 $0xA000, s7;
	s11 =	ssub.s32 s13, s11;
	s19 =	sadd.s32 $0xBA8C00, s8  }
0xd: {  	s24 =	sadd.s32 s6, s16;
	s6 =	sadd.s32 s6, s17;
	s10 =	sadd.s32 s4, s0  }
0xe: {  	[dreg:$0x6] =	wrdreg s19;
	s0 =	sadd.s32 $0x2E1C00, s0;
	s11 =	smax.u32 s11, $0x1  }
0xf: {  	s19 =	smul.u32 $0xA000, s15;
	s5 =	sshrl.u32 s12, $0x3;
	s18 =	sadd.s32 s16, s7  }
0x10: {  	s21 =	sadd.s32 s17, s7;
	s10 =	sadd.s32 $0xC1F400, s10;
	s12 =	sadd.s32 s7, s20  }
0x11: {  	s22 =	sor.u32 $0x800, s7;
	s23 =	sadd.s32 $0x9000, s7;
	[dreg:$0x4] =	wrdreg s18  }
0x12: {  	s4 =	sadd.s32 s1, s5;
	s1 =	sadd.s32 s14, s2;
	[dreg:$0x7] =	wrdreg s21  }
0x13: {  	s13 =	sadd.s32 s22, s20;
	s14 =	sadd.s32 s7, s0;
	s15 =	sadd.s32 s22, s0  }
0x14: {  	s16 =	sadd.s32 s23, s20;
	s25 =	sadd.s32 s19, s24;
	s17 =	sadd.s32 s23, s0  }
0x15: {  	s26 =	sadd.s32 s19, s6;
	s20 =	simm.s32 $0x5;
	s21 =	simm.s32 $0xC00  }
0x16: {  	s22 =	simm.s32 $0x4C00;
	s23 =	simm.s32 $0x1;
	s24 =	simm.s32 $0x80  }
0x17: {  	[dreg:$0x5] =	wrdreg s1;
	s9 =	sadd.s32 $0x3000, s4;
	s18 =	sadd.s32 $0x2000, s25  }
0x18: {  	s19 =	sadd.s32 $0x2000, s26;
	s25 =	simm.s32 $0x3;
	s26 =	simm.s32 $0x2  }
.LBB2_1:
0x19: {  	[tilespmem:s3], [sflag:$0x5] =	stream.linear.gather [hbm4b:s4+s3], $0xA00, $0x38;
	[tilespmem:$0x1C800] =	vst v63  }
0x1a: {  	_ =	swait.ge [sflag:s20], $0xA00  }
0x1b: {  	[sflag:s20] =	ssyncset.done $0x0  }
0x1c: {  	s6 =	stileid.u32;
	s0 =	rddreg [dreg:$0x4];
	[sflag:s20] =	ssyncadd.s32 $0xFFFFF600  }
0x1d: {  	[tilespmem:s21], [sflag:$0x1] =	stream.linear.gather [hbm4b:s0+s3], $0x4000, $0x38;
	[tilespmem:$0x1C800] =	vst v63  }
0x1e: {  	s1 =	rddreg [dreg:$0x5];
	s0 =	sshll.u32 s6, $0x6  }
0x1f: {  	s5 =	rddreg [dreg:$0x6];
	s1 =	sshrl.u32 s1, $0x3;
	s0 =	sor.u32 $0x1C05, s0  }
0x20: {  	[spmem:s1], [sflag:s0] =	dma.local [hbm:s5], $0x2780  }
0x21: {  	_ =	swait.ge [sflag:s20], $0x2780  }
0x22: {  	[sflag:s20] =	ssyncset.done $0x0  }
0x23: {  	[sflag:s20] =	ssyncadd.s32 $0xFFFFD880  }
0x24: {  	[bflag:$0x0] =	sbarrier.arrive $0xFFFF  }
0x25: {  	[tilespmem:s22], [sflag:$0x2] =	stream.linear.gather [hbm4b:s12+s3], $0x4000, $0x38;
	[tilespmem:$0x1C800] =	vst v63  }
0x26: {  	_ =	swait.ge [sflag:s23], $0x4000  }
0x27: {  	[sflag:s23] =	ssyncset.done $0x0  }
0x28: {  	[sflag:s23] =	ssyncadd.s32 $0xFFFFC000  }
0x29: {  	[spmem:s2] =	stream.indirect.scatter.add.f32 [tilespmem:s21], [sflag:$0x3], $0x80, s3, s24, $0xb8;
	[tilespmem:$0x1C800] =	vst v63  }
0x2a: {  	_ =	swait.ge [sflag:s25], $0x4000  }
0x2b: {  	[sflag:s25] =	ssyncset.done $0x0  }
0x2c: {  	[sflag:s25] =	ssyncadd.s32 $0xFFFFC000  }
0x2d: {  	[tilespmem:s21], [sflag:$0x1] =	stream.linear.gather [hbm4b:s13+s3], $0x4000, $0x38;
	[tilespmem:$0x1C800] =	vst v63  }
0x2e: {  	_ =	swait.ge [sflag:s26], $0x4000  }
0x2f: {  	[sflag:s26] =	ssyncset.done $0x0  }
0x30: {  	[sflag:s26] =	ssyncadd.s32 $0xFFFFC000  }
0x31: {  	[spmem:s2] =	stream.indirect.scatter.add.f32 [tilespmem:s22], [sflag:$0x4], $0x80, s24, s24, $0xb8;
	[tilespmem:$0x1C800] =	vst v63  }
0x32: {  	_ =	swait.ge [sflag:s28], $0x4000  }
0x33: {  	[sflag:s28] =	ssyncset.done $0x0  }
0x34: {  	s7 =	sadd.s32 $0xFFFFF800, s18;
	[sflag:s28] =	ssyncadd.s32 $0xFFFFC000  }
0x35: {  	[tilespmem:s22], [sflag:$0x2] =	stream.linear.gather [hbm4b:s7+s3], $0x4000, $0x38;
	[tilespmem:$0x1C800] =	vst v63  }
0x36: {  	_ =	swait.ge [sflag:s23], $0x4000  }
0x37: {  	[sflag:s23] =	ssyncset.done $0x0  }
0x38: {  	s8 =	simm.s32 $0x100;
	[sflag:s23] =	ssyncadd.s32 $0xFFFFC000  }
0x39: {  	[spmem:s2] =	stream.indirect.scatter.add.f32 [tilespmem:s21], [sflag:$0x3], $0x80, s8, s24, $0xb8;
	[tilespmem:$0x1C800] =	vst v63  }
0x3a: {  	_ =	swait.ge [sflag:s25], $0x4000  }
0x3b: {  	[sflag:s25] =	ssyncset.done $0x0  }
0x3c: {  	[sflag:s25] =	ssyncadd.s32 $0xFFFFC000  }
0x3d: {  	[tilespmem:s21], [sflag:$0x1] =	stream.linear.gather [hbm4b:s18+s3], $0x4000, $0x38;
	[tilespmem:$0x1C800] =	vst v63  }
0x3e: {  	_ =	swait.ge [sflag:s26], $0x4000  }
0x3f: {  	s6 =	sadd.s32 $0x1000, s18;
	[sflag:s26] =	ssyncset.done $0x0  }
0x40: {  	s5 =	simm.s32 $0x400;
	s7 =	simm.s32 $0x180;
	[sflag:s26] =	ssyncadd.s32 $0xFFFFC000  }
.LBB2_2:
0x41: {  	[spmem:s2] =	stream.indirect.scatter.add.f32 [tilespmem:s22], [sflag:$0x4], $0x80, s7, s24, $0xb8;
	[tilespmem:$0x1C800] =	vst v63  }
0x42: {  	s7 =	smov.u32 s5  }
0x43: {  	p0 =	sne.s32 s5, $0x1C00;
	s5 =	sadd.s32 $0x400, s5;
	_ =	swait.ge [sflag:s28], $0x4000  }
0x44: {  	[sflag:s28] =	ssyncset.done $0x0  }
0x45: {  	s8 =	sadd.s32 $0xFFFFF800, s6;
	[sflag:s28] =	ssyncadd.s32 $0xFFFFC000  }
0x46: {  	[tilespmem:s22], [sflag:$0x2] =	stream.linear.gather [hbm4b:s8+s3], $0x4000, $0x38;
	[tilespmem:$0x1C800] =	vst v63  }
0x47: {  	_ =	swait.ge [sflag:s23], $0x4000  }
0x48: {  	s7 =	sshra.s32 s7, $0x2;
	[sflag:s23] =	ssyncset.done $0x0  }
0x49: {  	s8 =	sadd.s32 $0x100, s7;
	[sflag:s23] =	ssyncadd.s32 $0xFFFFC000  }
0x4a: {  	[spmem:s2] =	stream.indirect.scatter.add.f32 [tilespmem:s21], [sflag:$0x3], $0x80, s8, s24, $0xb8;
	[tilespmem:$0x1C800] =	vst v63  }
0x4b: {  	_ =	swait.ge [sflag:s25], $0x4000  }
0x4c: {  	[sflag:s25] =	ssyncset.done $0x0  }
.Ltmp0:
0x4d: {  	[sflag:s25] =	ssyncadd.s32 $0xFFFFC000;
	(pc) =	sbr.rel @p0 .LBB2_2-.Ltmp0, $4  }
0x4e: {  	[tilespmem:s21], [sflag:$0x1] =	stream.linear.gather [hbm4b:s6+s3], $0x4000, $0x38;
	[tilespmem:$0x1C800] =	vst v63  }
0x4f: {  	_ =	swait.ge [sflag:s26], $0x4000  }
0x50: {  	[sflag:s26] =	ssyncset.done $0x0  }
0x51: {  	s7 =	sadd.s32 $0x180, s7;
	s6 =	sadd.s32 $0x1000, s6;
	[sflag:s26] =	ssyncadd.s32 $0xFFFFC000  }
0x52: {  	[spmem:s2] =	stream.indirect.scatter.add.f32 [tilespmem:s22], [sflag:$0x4], $0x80, s7, s24, $0xb8;
	[tilespmem:$0x1C800] =	vst v63  }
0x53: {  	_ =	swait.ge [sflag:s28], $0x4000  }
0x54: {  	[sflag:s28] =	ssyncset.done $0x0  }
0x55: {  	s5 =	simm.s32 $0x0;
	[sflag:s28] =	ssyncadd.s32 $0xFFFFC000  }
0x56: {  	[tilespmem:s22], [sflag:$0x2] =	stream.linear.gather [hbm4b:s16+s5], $0x4000, $0x38;
	[tilespmem:$0x1C800] =	vst v63  }
0x57: {  	_ =	swait.ge [sflag:s23], $0x4000  }
0x58: {  	[sflag:s23] =	ssyncset.done $0x0  }
0x59: {  	[sflag:s23] =	ssyncadd.s32 $0xFFFFC000  }
0x5a: {  	[spmem:s2] =	stream.indirect.scatter.add.f32 [tilespmem:s21], [sflag:$0x3], $0x80, s29, s24, $0xb8;
	[tilespmem:$0x1C800] =	vst v63  }
0x5b: {  	_ =	swait.ge [sflag:s25], $0x4000  }
0x5c: {  	[sflag:s25] =	ssyncset.done $0x0  }
0x5d: {  	s6 =	rddreg [dreg:$0x7];
	[sflag:s25] =	ssyncadd.s32 $0xFFFFC000  }
0x5e: {  	[tilespmem:s21], [sflag:$0x1] =	stream.linear.gather [hbm4b:s6+s5], $0x4000, $0x38;
	[tilespmem:$0x1C800] =	vst v63  }
0x5f: {  	_ =	swait.ge [sflag:s26], $0x4000  }
0x60: {  	[sflag:s26] =	ssyncset.done $0x0  }
0x61: {  	[sflag:s26] =	ssyncadd.s32 $0xFFFFC000  }
0x62: {  	[spmem:s2] =	stream.indirect.scatter.add.f32 [tilespmem:s22], [sflag:$0x4], $0x80, s30, s24, $0xb8;
	[tilespmem:$0x1C800] =	vst v63  }
0x63: {  	_ =	swait.ge [sflag:s28], $0x4000  }
0x64: {  	[sflag:s28] =	ssyncset.done $0x0  }
0x65: {  	[sflag:s28] =	ssyncadd.s32 $0xFFFFC000  }
0x66: {  	[tilespmem:s5], [sflag:$0x5] =	stream.linear.gather [hbm4b:s9+s5], $0xA00, $0x38;
	[tilespmem:$0x1C800] =	vst v63  }
0x67: {  	_ =	swait.ge [sflag:s20], $0xA00  }
0x68: {  	[sflag:s20] =	ssyncset.done $0x0  }
0x69: {  	[sflag:s20] =	ssyncadd.s32 $0xFFFFF600  }
0x6a: {  	[tilespmem:s22], [sflag:$0x2] =	stream.linear.gather [hbm4b:s14+s5], $0x4000, $0x38;
	[tilespmem:$0x1C800] =	vst v63  }
0x6b: {  	_ =	swait.ge [sflag:s23], $0x4000  }
0x6c: {  	[sflag:s23] =	ssyncset.done $0x0  }
0x6d: {  	[sflag:s23] =	ssyncadd.s32 $0xFFFFC000  }
0x6e: {  	[spmem:s2] =	stream.indirect.scatter.add.f32 [tilespmem:s21], [sflag:$0x3], $0x80, s5, s24, $0xb8;
	[tilespmem:$0x1C800] =	vst v63  }
0x6f: {  	_ =	swait.ge [sflag:s25], $0x4000  }
0x70: {  	[sflag:s25] =	ssyncset.done $0x0  }
0x71: {  	[sflag:s25] =	ssyncadd.s32 $0xFFFFC000  }
0x72: {  	[tilespmem:s21], [sflag:$0x1] =	stream.linear.gather [hbm4b:s15+s5], $0x4000, $0x38;
	[tilespmem:$0x1C800] =	vst v63  }
0x73: {  	_ =	swait.ge [sflag:s26], $0x4000  }
0x74: {  	[sflag:s26] =	ssyncset.done $0x0  }
0x75: {  	[sflag:s26] =	ssyncadd.s32 $0xFFFFC000  }
0x76: {  	[spmem:s2] =	stream.indirect.scatter.add.f32 [tilespmem:s22], [sflag:$0x4], $0x80, s24, s24, $0xb8;
	[tilespmem:$0x1C800] =	vst v63  }
0x77: {  	_ =	swait.ge [sflag:s28], $0x4000  }
0x78: {  	[sflag:s28] =	ssyncset.done $0x0  }
0x79: {  	s7 =	sadd.s32 $0xFFFFF800, s19;
	[sflag:s28] =	ssyncadd.s32 $0xFFFFC000  }
0x7a: {  	[tilespmem:s22], [sflag:$0x2] =	stream.linear.gather [hbm4b:s7+s3], $0x4000, $0x38;
	[tilespmem:$0x1C800] =	vst v63  }
0x7b: {  	_ =	swait.ge [sflag:s23], $0x4000  }
0x7c: {  	[sflag:s23] =	ssyncset.done $0x0  }
0x7d: {  	s8 =	simm.s32 $0x100;
	[sflag:s23] =	ssyncadd.s32 $0xFFFFC000  }
0x7e: {  	[spmem:s2] =	stream.indirect.scatter.add.f32 [tilespmem:s21], [sflag:$0x3], $0x80, s8, s24, $0xb8;
	[tilespmem:$0x1C800] =	vst v63  }
0x7f: {  	_ =	swait.ge [sflag:s25], $0x4000  }
0x80: {  	[sflag:s25] =	ssyncset.done $0x0  }
0x81: {  	[sflag:s25] =	ssyncadd.s32 $0xFFFFC000  }
0x82: {  	[tilespmem:s21], [sflag:$0x1] =	stream.linear.gather [hbm4b:s19+s3], $0x4000, $0x38;
	[tilespmem:$0x1C800] =	vst v63  }
0x83: {  	_ =	swait.ge [sflag:s26], $0x4000  }
0x84: {  	s6 =	sadd.s32 $0x1000, s19;
	[sflag:s26] =	ssyncset.done $0x0  }
0x85: {  	s5 =	simm.s32 $0x400;
	s7 =	simm.s32 $0x180;
	[sflag:s26] =	ssyncadd.s32 $0xFFFFC000  }
.LBB2_4:
0x86: {  	[spmem:s2] =	stream.indirect.scatter.add.f32 [tilespmem:s22], [sflag:$0x4], $0x80, s7, s24, $0xb8;
	[tilespmem:$0x1C800] =	vst v63  }
0x87: {  	s7 =	smov.u32 s5  }
0x88: {  	p0 =	sne.s32 s5, $0x1C00;
	s5 =	sadd.s32 $0x400, s5;
	_ =	swait.ge [sflag:s28], $0x4000  }
0x89: {  	[sflag:s28] =	ssyncset.done $0x0  }
0x8a: {  	s8 =	sadd.s32 $0xFFFFF800, s6;
	[sflag:s28] =	ssyncadd.s32 $0xFFFFC000  }
0x8b: {  	[tilespmem:s22], [sflag:$0x2] =	stream.linear.gather [hbm4b:s8+s3], $0x4000, $0x38;
	[tilespmem:$0x1C800] =	vst v63  }
0x8c: {  	_ =	swait.ge [sflag:s23], $0x4000  }
0x8d: {  	s7 =	sshra.s32 s7, $0x2;
	[sflag:s23] =	ssyncset.done $0x0  }
0x8e: {  	s8 =	sadd.s32 $0x100, s7;
	[sflag:s23] =	ssyncadd.s32 $0xFFFFC000  }
0x8f: {  	[spmem:s2] =	stream.indirect.scatter.add.f32 [tilespmem:s21], [sflag:$0x3], $0x80, s8, s24, $0xb8;
	[tilespmem:$0x1C800] =	vst v63  }
0x90: {  	_ =	swait.ge [sflag:s25], $0x4000  }
0x91: {  	[sflag:s25] =	ssyncset.done $0x0  }
.Ltmp1:
0x92: {  	[sflag:s25] =	ssyncadd.s32 $0xFFFFC000;
	(pc) =	sbr.rel @p0 .LBB2_4-.Ltmp1, $4  }
0x93: {  	[tilespmem:s21], [sflag:$0x1] =	stream.linear.gather [hbm4b:s6+s3], $0x4000, $0x38;
	[tilespmem:$0x1C800] =	vst v63  }
0x94: {  	_ =	swait.ge [sflag:s26], $0x4000  }
0x95: {  	[sflag:s26] =	ssyncset.done $0x0  }
0x96: {  	s7 =	sadd.s32 $0x180, s7;
	s6 =	sadd.s32 $0x1000, s6;
	[sflag:s26] =	ssyncadd.s32 $0xFFFFC000  }
0x97: {  	[spmem:s2] =	stream.indirect.scatter.add.f32 [tilespmem:s22], [sflag:$0x4], $0x80, s7, s24, $0xb8;
	[tilespmem:$0x1C800] =	vst v63  }
0x98: {  	_ =	swait.ge [sflag:s28], $0x4000  }
0x99: {  	[sflag:s28] =	ssyncset.done $0x0  }
0x9a: {  	[sflag:s28] =	ssyncadd.s32 $0xFFFFC000  }
0x9b: {  	[tilespmem:s22], [sflag:$0x2] =	stream.linear.gather [hbm4b:s17+s3], $0x4000, $0x38;
	[tilespmem:$0x1C800] =	vst v63  }
0x9c: {  	_ =	swait.ge [sflag:s23], $0x4000  }
0x9d: {  	[sflag:s23] =	ssyncset.done $0x0  }
0x9e: {  	[sflag:s23] =	ssyncadd.s32 $0xFFFFC000  }
0x9f: {  	[spmem:s2] =	stream.indirect.scatter.add.f32 [tilespmem:s21], [sflag:$0x3], $0x80, s29, s24, $0xb8;
	[tilespmem:$0x1C800] =	vst v63  }
0xa0: {  	_ =	swait.ge [sflag:s25], $0x4000  }
0xa1: {  	[sflag:s25] =	ssyncset.done $0x0  }
0xa2: {  	[sflag:s25] =	ssyncadd.s32 $0xFFFFC000  }
0xa3: {  	_ =	swait.ge [sflag:s26], $0x4000  }
0xa4: {  	[sflag:s26] =	ssyncset.done $0x0  }
0xa5: {  	[sflag:s26] =	ssyncadd.s32 $0xFFFFC000  }
0xa6: {  	[spmem:s2] =	stream.indirect.scatter.add.f32 [tilespmem:s22], [sflag:$0x4], $0x80, s30, s24, $0xb8;
	[tilespmem:$0x1C800] =	vst v63  }
0xa7: {  	_ =	swait.ge [sflag:s28], $0x4000  }
0xa8: {  	s31 =	sadd.s32 $0x1, s31;
	[sflag:s28] =	ssyncset.done $0x0  }
0xa9: {  	p0 =	sne.s32 s31, s11;
	[sflag:s28] =	ssyncadd.s32 $0xFFFFC000  }
.Ltmp2:
0xaa: {  	[bflag:$0x0] =	sbarrier.arrive $0xFFFF;
	(pc) =	sbr.rel @p0 .LBB2_1-.Ltmp2, $4  }
0xab: {  	[hbm:s10], [sflag:s0] =	dma.local [spmem:s1], $0x2780  }
0xac: {  	_ =	swait.ge [sflag:s20], $0x2780  }
0xad: {  	[sflag:s20] =	ssyncset.done $0x0  }
0xae: {  	[sflag:s20] =	ssyncadd.s32 $0xFFFFD880  }
0xaf: {  	_ =	sfence.sel $0x180000  }
0xb0: {  	[bflag:$0x0] =	sbarrier.arrive $0xFFFF  }
0xb1: {  	_ =	strace $0x90000056  }
0xb2: {  	s0 =	stileid.u32;
	[bflag:$0x2] =	sbarrier.arrive $0xFFFF  }
0xb3: {  	p0 =	sne.s32 s0, $0x0;
	s0 =	rddreg [dreg:$0x3]  }
0xb4: {  	s0 =	sadd.s32 @!p0 $0x100000, s0  }
0xb5: {  	[sflag:s0] =	ssyncadd.tile.s32 @!p0 $0x1;
	_ =	shalt  }
.Lfunc_end2:
_tile_overlayer_lowered:
.L_overlay_start_2:
0xb6: {  	(tag) =	ssettag $0x2  }
0xb7: {  	s0 =	rddreg [dreg:$0x0];
	s2 =	stileid.u32  }
0xb8: {  	s1 =	rddreg [dreg:$0x1];
	p0 =	sne.s32 s2, $0x0  }
0xb9: {  	s3 =	rddreg [dreg:$0x2];
	[bflag:$0x3] =	sbarrier.arrive $0xFFFF;
	s2 =	simm.s32 @!p0 $0x1C05  }
0xba: {  	[timem:s3], [sflag:s2] =	dma.local @!p0 [hbm:s0], s1  }
0xbb: {  	s0 =	simm.s32 @!p0 $0x5  }
0xbc: {  	_ =	swait.ge @!p0 [sflag:s0], s1  }
0xbd: {  	s1 =	ssub.s32 @!p0 $0x0, s1;
	[sflag:s0] =	ssyncset.done @!p0 $0x0  }
0xbe: {  	[sflag:s0] =	ssyncadd.s32 @!p0 s1  }
0xbf: {  	[bflag:$0x3] =	sbarrier.arrive $0xFFFF  }
0xc0: {  	_ =	shalt  }

// kernel: kernel.29.cloned.1.call-start
scs
__scs_entry_jumppad:
0x0: {  	(pc) =	sbr.rel $0x88, $3  }
0x1: {  	(tag) =	ssettag $0x0;
	lr =	simm.s32 $0x1  }
0x2: {  	[smem:$0x3F94] =	sst lr;
	_ =	strace $0xD0000000  }
0x3: {  	_ = 	snop  }
0x4: {  	_ = 	snop  }
0x5: {  	_ = 	snop  }
0x6: {  	_ = 	snop  }
0x7: {  	_ = 	snop  }
__scs_overlays_trampoline_lowered:
0x8: {  	[smem:$0x3FA3] =	sst s0  }
0x9: {  	[smem:$0x3FA4] =	sst s1  }
0xa: {  	[smem:$0x3FA5] =	sst s2  }
0xb: {  	[smem:$0x3FA6] =	sst s3  }
0xc: {  	[smem:$0x3FA7] =	sst s4  }
0xd: {  	[smem:$0x3FA8] =	sst s5  }
0xe: {  	[smem:$0x3FA9] =	sst s6  }
0xf: {  	[smem:$0x3FAA] =	sst s7  }
0x10: {  	[smem:$0x3FAB] =	sst s8  }
0x11: {  	[smem:$0x3FAC] =	sst s9;
	s0 =	simm.s32 @!p0 $0x0  }
0x12: {  	s1 =	sld [smem:$0x3F92];
	s0 =	simm.s32 @p0 $0x1  }
0x13: {  	[smem:$0x3FAD] =	sst s0;
	s0 =	simm.s32 @!p1 $0x0  }
0x14: {  	s2 =	sld [smem:$0x3F91];
	s0 =	simm.s32 @p1 $0x1  }
0x15: {  	[smem:$0x3FAE] =	sst s0;
	s0 =	simm.s32 @!p2 $0x0  }
0x16: {  	s3 =	sld [smem:$0x3FDB];
	s0 =	simm.s32 @p2 $0x1  }
0x17: {  	s4 =	simm.s32 $0x1BF5;
	[smem:$0x3FB0] =	sst s0  }
0x18: {  	s0 =	sld [smem:$0x3F93];
	_ =	swait.ge [sflag:s4], $0x0  }
0x19: {  	s7 =	sld [smem:$0x3F94]  }
0x1a: {  	s8 =	sadd.s32 $0xFFFFE003, lr  }
0x1b: {  	s9 =	sadd.s32 $0xFFFFFEF7, lr;
	s5 =	simm.s32 $0xFFFFFFFF;
	p2 =	slt.u32 s8, $0xFFFFF086  }
0x1c: {  	p1 =	slt.u32 s9, $0xF7A;
	s5 =	simm.s32 @!p2 $0x0  }
0x1d: {  	s5 =	simm.s32 @p1 $0x1;
	p0 =	seq.s32 s7, s2  }
0x1e: {  	s7 =	smul.u32 @!p0 $0xF7A, s2;
	p2 =	seq.s32 @!p0 s5, $0x0  }
0x1f: {  	s9 =	smul.u32 $0xF7A, s1;
	s8 =	simm.s32 @!p0 $0x1BF5;
	p2 =	por !p2, p0  }
0x20: {  	[sflag:s8] =	ssyncset.s32 @!p0 $0xFFFFF086;
	s6 =	sadd.s32 @!p0 s3, s7;
	s7 =	simm.s32 @!p0 $0x108  }
0x21: {  	s3 =	sadd.s32 s3, s9;
	s6 =	sadd.s32 @!p0 $0x88, s6;
	s7 =	simm.s32 @p2 $0x1082  }
0x22: {  	[simem:s7], [sflag:s8] =	dma.local @!p0 [hbm:s6], $0xF7A  }
0x23: {  	s9 =	sor.u32 $0xD0000000, s2;
	s6 =	simm.s32 $0x108;
	_ =	swait.ge @!p0 [sflag:s8], $0x0  }
0x24: {  	s3 =	sadd.s32 $0x88, s3;
	s6 =	simm.s32 @!p1 $0x1082;
	[sflag:s4] =	ssyncset.s32 $0xFFFFF086  }
0x25: {  	[simem:s6], [sflag:s4] =	dma.local [hbm:s3], $0xF7A  }
0x26: {  	[smem:$0x3F94] =	sst s1;
	(tag) =	ssettag s2;
	_ =	strace s9  }
0x27: {  	s1 =	sld [smem:$0x3FA4]  }
0x28: {  	s2 =	sld [smem:$0x3FA5]  }
0x29: {  	s4 =	sld [smem:$0x3FA7]  }
0x2a: {  	p0 =	seq.s32 s5, $0x0;
	s5 =	sld [smem:$0x3FA8]  }
0x2b: {  	s6 =	sld [smem:$0x3FA9]  }
0x2c: {  	s7 =	sld [smem:$0x3FAA]  }
0x2d: {  	s3 =	simm.s32 $0x108;
	s8 =	sld [smem:$0x3FAB]  }
0x2e: {  	s3 =	simm.s32 @!p0 $0x1082;
	s9 =	sld [smem:$0x3FAC]  }
0x2f: {  	lr =	sadd.s32 s0, s3;
	s0 =	sld [smem:$0x3FA3]  }
0x30: {  	s3 =	sld [smem:$0x3FA6]  }
0x31: {  	[smem:$0x3FAF] =	sst s10  }
0x32: {  	s10 =	sld [smem:$0x3FAD];
	_ =	sdelay $0x3  }
0x33: {  	p0 =	seq.s32 s10, $0x1;
	s10 =	sld [smem:$0x3FAF];
	_ =	sdelay $0x3  }
0x34: {  	[smem:$0x3FAF] =	sst s10  }
0x35: {  	s10 =	sld [smem:$0x3FAE];
	_ =	sdelay $0x3  }
0x36: {  	p1 =	seq.s32 s10, $0x1;
	s10 =	sld [smem:$0x3FAF];
	_ =	sdelay $0x3  }
0x37: {  	[smem:$0x3FAF] =	sst s10  }
0x38: {  	s10 =	sld [smem:$0x3FB0]  }
0x39: {  	_ = 	snop;
	(pc) =	sbr.ind lr, $3  }
0x3a: {  	_ = 	snop  }
0x3b: {  	_ = 	snop  }
0x3c: {  	p2 =	seq.s32 s10, $0x1;
	s10 =	sld [smem:$0x3FAF]  }
0x3d: {  	_ =	shalt  }
0x3e: {  	_ =	shalt  }
0x3f: {  	_ =	shalt  }
0x40: {  	_ =	shalt  }
0x41: {  	_ =	shalt  }
0x42: {  	_ =	shalt  }
0x43: {  	_ =	shalt  }
0x44: {  	_ =	shalt  }
0x45: {  	_ =	shalt  }
0x46: {  	_ =	shalt  }
0x47: {  	_ =	shalt  }
0x48: {  	_ =	shalt  }
0x49: {  	_ =	shalt  }
0x4a: {  	_ =	shalt  }
0x4b: {  	_ =	shalt  }
0x4c: {  	_ =	shalt  }
0x4d: {  	_ =	shalt  }
0x4e: {  	_ =	shalt  }
0x4f: {  	_ =	shalt  }
0x50: {  	_ =	shalt  }
0x51: {  	_ =	shalt  }
0x52: {  	_ =	shalt  }
0x53: {  	_ =	shalt  }
0x54: {  	_ =	shalt  }
0x55: {  	_ =	shalt  }
0x56: {  	_ =	shalt  }
0x57: {  	_ =	shalt  }
0x58: {  	_ =	shalt  }
0x59: {  	_ =	shalt  }
0x5a: {  	_ =	shalt  }
0x5b: {  	_ =	shalt  }
0x5c: {  	_ =	shalt  }
0x5d: {  	_ =	shalt  }
0x5e: {  	_ =	shalt  }
0x5f: {  	_ =	shalt  }
0x60: {  	_ =	shalt  }
0x61: {  	_ =	shalt  }
0x62: {  	_ =	shalt  }
0x63: {  	_ =	shalt  }
0x64: {  	_ =	shalt  }
0x65: {  	_ =	shalt  }
0x66: {  	_ =	shalt  }
0x67: {  	_ =	shalt  }
0x68: {  	_ =	shalt  }
0x69: {  	_ =	shalt  }
0x6a: {  	_ =	shalt  }
0x6b: {  	_ =	shalt  }
0x6c: {  	_ =	shalt  }
0x6d: {  	_ =	shalt  }
0x6e: {  	_ =	shalt  }
0x6f: {  	_ =	shalt  }
0x70: {  	_ =	shalt  }
0x71: {  	_ =	shalt  }
0x72: {  	_ =	shalt  }
0x73: {  	_ =	shalt  }
0x74: {  	_ =	shalt  }
0x75: {  	_ =	shalt  }
0x76: {  	_ =	shalt  }
0x77: {  	_ =	shalt  }
0x78: {  	_ =	shalt  }
0x79: {  	_ =	shalt  }
0x7a: {  	_ =	shalt  }
0x7b: {  	_ =	shalt  }
0x7c: {  	_ =	shalt  }
0x7d: {  	_ =	shalt  }
0x7e: {  	_ =	shalt  }
0x7f: {  	_ =	shalt  }
0x80: {  	_ =	shalt  }
0x81: {  	_ =	shalt  }
0x82: {  	_ =	shalt  }
0x83: {  	_ =	shalt  }
0x84: {  	_ =	shalt  }
0x85: {  	_ =	shalt  }
0x86: {  	_ =	shalt  }
0x87: {  	_ =	shalt  }
.Lfunc_end0:
.L_simem_size_0:
called_computation.5_lowered:
.L_overlay_start_0:
0x88: {  	s2 =	sld [smem:$0x3FD9]  }
0x89: {  	s3 =	sld [smem:$0x3FFE];
	_ =	sdelay $0x1  }
0x8a: {  	s1 =	srdreg.scid  }
0x8b: {  	s0 =	sand.u32 $0x1, s1  }
0x8c: {  	s17 =	sshll.u32 s0, $0xA;
	s2 =	sadd.s32 s3, s2  }
0x8d: {  	s2 =	sadd.s32 s2, s17  }
0x8e: {  	[smem:$0x3FBB] =	sst s2  }
0x8f: {  	_ = 	snop  }
0x90: {  	(tm) =	ssettm $0x1  }
0x91: {  	s18 =	sld [smem:$0x3FFB];
	_ =	sdelay $0x3  }
0x92: {  	_ =	strace s18  }
0x93: {  	s2 =	sld [smem:$0x3FFC];
	_ =	sdelay $0x3  }
0x94: {  	_ =	strace s2  }
0x95: {  	s2 =	sld [smem:$0x3FFD];
	_ =	sdelay $0x3  }
0x96: {  	_ =	strace s2  }
0x97: {  	_ =	strace $0x8FFFFFFF  }
0x98: {  	s19 =	sld [smem:$0x3FDB];
	_ =	sdelay $0x1  }
0x99: {  	s20 =	simm.s32 $_scs_section_size  }
0x9a: {  	s4 =	simm.s32 $_size__tile_overlayer_lowered;
	s5 =	simm.s32 $_tile_overlayer_lowered  }
0x9b: {  	s6 =	simm.s32 $0x1BFF;
	s21 =	sshll.u32 s5, $0x1;
	s3 =	sadd.s32 s20, s19  }
0x9c: {  	s22 =	simm.s32 $0x0;
	s4 =	sshll.u32 s4, $0x1;
	s5 =	sadd.s32 s21, s3  }
0x9d: {  	[timem:s22], [sflag:s6] =	dma.local [hbm:s5], s4  }
0x9e: {  	_ =	swait.ge [sflag:s6], s4  }
0x9f: {  	s4 =	ssub.s32 $0x0, s4;
	[sflag:s6] =	ssyncset.done $0x0  }
0xa0: {  	[sflag:s6] =	ssyncadd.s32 s4;
	_ =	sdelay $0x1  }
0xa1: {  	s23 =	simm.s32 $0x1B8B  }
0xa2: {  	_ =	swait.ge [sflag:s23], $0x1  }
0xa3: {  	[sflag:s23] =	ssyncset.done $0x0  }
0xa4: {  	[sflag:s23] =	ssyncadd.s32 $0xFFFFFFFF  }
0xa5: {  	s4 =	sld [smem:$0x0]  }
0xa6: {  	s5 =	sand.u32 $0xFFFFFFFE, s1  }
0xa7: {  	p0 =	sne.s32 s1, s5  }
0xa8: {  	s5 =	sshll.u32 @p0 s5, $0xE  }
0xa9: {  	s5 =	sadd.s32 @p0 $0x11B8D, s5;
	s6 =	sshll.u32 @p0 s4, $0x11  }
0xaa: {  	s5 =	sor.u32 @p0 s6, s5  }
0xab: {  	[sflag:s5] =	ssyncadd.remote.s32 @p0 $0x1;
	_ =	sdelay $0x1  }
0xac: {  	s5 =	simm.s32 @p0 $0x1B8D  }
0xad: {  	_ =	swait.eq @p0 [sflag:s5], $0x1  }
0xae: {  	[sflag:s5] =	ssyncadd.s32 @p0 $0xFFFFFFFF  }
0xaf: {  	s6 =	sshll.u32 @!p0 s1, $0xE  }
0xb0: {  	s6 =	sor.u32 @!p0 $0x4000, s6;
	s5 =	simm.s32 @!p0 $0x1B8D  }
0xb1: {  	s4 =	sshll.u32 @!p0 s4, $0x11;
	s6 =	sadd.s32 @!p0 $0x11B8D, s6;
	_ =	swait.eq @!p0 [sflag:s5], $0x1  }
0xb2: {  	s4 =	sor.u32 @!p0 s4, s6;
	[sflag:s5] =	ssyncadd.s32 @!p0 $0xFFFFFFFF  }
0xb3: {  	s25 =	simm.s32 $0x1B8E;
	s24 =	sld [smem:$0x3FFE];
	[sflag:s4] =	ssyncadd.remote.s32 @!p0 $0x1  }
0xb4: {  	s26 =	simm.s32 $execute0_lowered;
	[smem:$0x3FD2] =	sst s25  }
0xb5: {  	s5 =	sshll.u32 s26, $0x1;
	_ =	strace $0x80000052;
	[dreg:$0x1] =	wrdreg $0xFFFFFFFF  }
0xb6: {  	s28 =	simm.s32 $_size_execute0_lowered;
	s3 =	sadd.s32 s3, s5;
	[dreg:$0x0] =	wrdreg $0x0  }
0xb7: {  	s5 =	sshll.u32 s28, $0x1;
	[dreg:$0x2] =	wrdreg s3  }
0xb8: {  	[dreg:$0x3] =	wrdreg s5  }
0xb9: {  	[dreg:$0x4] =	wrdreg $0xC0  }
0xba: {  	_ =	task [dreg:s22], $0x5FFFF  }
0xbb: {  	[dreg:$0x1] =	wrdreg $0xFFFFFFFF  }
0xbc: {  	[dreg:$0x0] =	wrdreg $0x60  }
0xbd: {  	[dreg:$0x2] =	wrdreg s24  }
0xbe: {  	[dreg:$0x3] =	wrdreg $0x8C000  }
0xbf: {  	[dreg:$0x4] =	wrdreg $0xB  }
0xc0: {  	_ =	task.clear_ibuf [dreg:s22], $0x5FFFF;
	_ =	strace $0x90000052  }
0xc1: {  	s29 =	simm.s32 $0xB;
	_ =	strace $0x80000054  }
0xc2: {  	_ =	swait.ge [sflag:s29], $0x1  }
0xc3: {  	[sflag:s29] =	ssyncadd.s32 $0xFFFFFFFF  }
0xc4: {  	_ =	strace $0x90000054  }
0xc5: {  	_ =	sfence  }
0xc6: {  	s30 =	sld [smem:$0x0];
	_ =	sdelay $0x2  }
0xc7: {  	s31 =	sshll.u32 s1, $0xD;
	s1 =	sshrl.u32 s1, $0x2  }
0xc8: {  	s4 =	sand.u32 $0x4000, s31;
	s1 =	sadd.s32 s1, s30  }
0xc9: {  	s0 =	sor.u32 s4, s0;
	s1 =	sshll.u32 s1, $0x11  }
0xca: {  	s0 =	sor.u32 s1, s0  }
0xcb: {  	s0 =	sadd.s32 $0x8F2B, s0  }
0xcc: {  	[sflag:s0] =	ssyncadd.remote.s32 $0x1  }
0xcd: {  	_ =	sfence.sel $0xFFFF  }
0xce: {  	[dreg:$0x0] =	wrdreg $0xFFFFFFFF;
	(pc) =	sbr.abs _section_cstart, $3  }
0xcf: {  	[dreg:$0x1] =	wrdreg $0xFFFFFFFF  }
0xd0: {  	_ =	task.clear_ibuf [dreg:s22], $0x2FFFF;
	_ =	strace $0x9FFFFFFF  }
0xd1: {  	(tm) =	ssettm $0x7FFFFFFF  }
tec
execute0_lowered:
.L_overlay_start_1:
0x0: {  	(tag) =	ssettag $0x1  }
0x1: {  	s0 =	srdreg.scid;
	s1 =	rddreg [dreg:$0x0]  }
0x2: {  	s2 =	rddreg [dreg:$0x1];
	s15 =	stileid.u32  }
0x3: {  	s3 =	simm.s32 $0x0;
	s28 =	simm.s32 $0x4;
	s29 =	simm.s32 $0x900  }
0x4: {  	s30 =	simm.s32 $0x980;
	s31 =	simm.s32 $0x0;
	s6 =	smul.u32 $0x2780, s15  }
0x5: {  	s0 =	sand.u32 $0x1, s0;
	s16 =	sadd.s32 $0xCEEC00, s1;
	s9 =	smul.u32 $0x4F000, s15  }
0x6: {  	[smem:$0x7FF] =	sst s3;
	s17 =	sadd.s32 $0xA68C00, s1;
	s25 =	smul.u32 $0xA000, s15  }
0x7: {  	s18 =	sadd.s32 $0xCEF400, s1;
	s4 =	sshll.u32 s0, $0x4;
	s7 =	smul.u32 $0x27800, s0  }
0x8: {  	_ =	strace $0x80000053;
	s19 =	ssub.s32 $0x2, s0;
	s0 =	smul.u32 $0xA0000, s0  }
0x9: {  	s4 =	sor.u32 s15, s4;
	s8 =	sadd.s32 s6, s1;
	s10 =	sshrl.u32 s19, $0x1  }
0xa: {  	s21 =	sshrl.u32 s9, $0x2;
	s5 =	smul.u32 $0xC00, s4;
	s6 =	sadd.s32 s6, s7  }
0xb: {  	s4 =	smul.u32 $0xA000, s4;
	s11 =	ssub.s32 s19, s10;
	s7 =	sadd.s32 s21, s2  }
0xc: {  	s23 =	sadd.s32 $0xBA8C00, s8;
	s26 =	sadd.s32 s0, s16;
	s0 =	sadd.s32 s0, s17  }
0xd: {  	s21 =	simm.s32 $0xC00;
	s6 =	sadd.s32 s6, s1;
	[dreg:$0x5] =	wrdreg s7  }
0xe: {  	[dreg:$0x6] =	wrdreg s23;
	s11 =	smax.u32 s11, $0x1;
	s0 =	sadd.s32 s25, s0  }
0xf: {  	s23 =	simm.s32 $0x1;
	s5 =	sshrl.u32 s5, $0x3;
	s22 =	sadd.s32 s16, s4  }
0x10: {  	s8 =	sadd.s32 s17, s4;
	s10 =	sadd.s32 $0xBD0400, s6;
	s12 =	sadd.s32 s4, s18  }
0x11: {  	s24 =	sor.u32 $0x800, s4;
	s19 =	sadd.s32 $0x2000, s0;
	s5 =	sadd.s32 s5, s1  }
0x12: {  	[dreg:$0x4] =	wrdreg s22;
	s1 =	sadd.s32 $0xA69400, s1;
	s22 =	simm.s32 $0x4C00  }
0x13: {  	s13 =	sadd.s32 s24, s18;
	s20 =	sadd.s32 $0xCE8C00, s5;
	s9 =	sadd.s32 $0xCEBC00, s5  }
0x14: {  	s14 =	sadd.s32 s4, s1;
	s15 =	sadd.s32 s24, s1;
	s4 =	sadd.s32 $0x9000, s4  }
0x15: {  	s5 =	sadd.s32 s25, s26;
	s24 =	simm.s32 $0x80;
	s25 =	simm.s32 $0x3  }
0x16: {  	s26 =	simm.s32 $0x2;
	[dreg:$0x3] =	wrdreg s20;
	s16 =	sadd.s32 s4, s18  }
0x17: {  	s17 =	sadd.s32 s4, s1;
	s18 =	sadd.s32 $0x2000, s5;
	s20 =	simm.s32 $0x5  }
.LBB2_1:
0x18: {  	s0 =	rddreg [dreg:$0x3]  }
0x19: {  	[tilespmem:s3], [sflag:$0x5] =	stream.linear.gather [hbm4b:s0+s3], $0xA00, $0x38;
	[tilespmem:$0x1C800] =	vst v63  }
0x1a: {  	_ =	swait.ge [sflag:s20], $0xA00  }
0x1b: {  	s5 =	stileid.u32;
	[sflag:s20] =	ssyncset.done $0x0;
	s4 =	rddreg [dreg:$0x4]  }
0x1c: {  	s0 =	sshll.u32 s5, $0x6;
	s1 =	rddreg [dreg:$0x5];
	[sflag:s20] =	ssyncadd.s32 $0xFFFFF600  }
0x1d: {  	[tilespmem:s21], [sflag:$0x1] =	stream.linear.gather [hbm4b:s4+s3], $0x4000, $0x38;
	[tilespmem:$0x1C800] =	vst v63  }
0x1e: {  	s0 =	sor.u32 $0x1C05, s0;
	s1 =	sshrl.u32 s1, $0x3;
	s4 =	rddreg [dreg:$0x6]  }
0x1f: {  	[spmem:s1], [sflag:s0] =	dma.local [hbm:s4], $0x2780  }
0x20: {  	_ =	swait.ge [sflag:s20], $0x2780  }
0x21: {  	[sflag:s20] =	ssyncset.done $0x0  }
0x22: {  	[sflag:s20] =	ssyncadd.s32 $0xFFFFD880  }
0x23: {  	[bflag:$0x0] =	sbarrier.arrive $0xFFFF  }
0x24: {  	[tilespmem:s22], [sflag:$0x2] =	stream.linear.gather [hbm4b:s12+s3], $0x4000, $0x38;
	[tilespmem:$0x1C800] =	vst v63  }
0x25: {  	_ =	swait.ge [sflag:s23], $0x4000  }
0x26: {  	[sflag:s23] =	ssyncset.done $0x0  }
0x27: {  	[sflag:s23] =	ssyncadd.s32 $0xFFFFC000  }
0x28: {  	[spmem:s2] =	stream.indirect.scatter.add.f32 [tilespmem:s21], [sflag:$0x3], $0x80, s3, s24, $0xb8;
	[tilespmem:$0x1C800] =	vst v63  }
0x29: {  	_ =	swait.ge [sflag:s25], $0x4000  }
0x2a: {  	[sflag:s25] =	ssyncset.done $0x0  }
0x2b: {  	[sflag:s25] =	ssyncadd.s32 $0xFFFFC000  }
0x2c: {  	[tilespmem:s21], [sflag:$0x1] =	stream.linear.gather [hbm4b:s13+s3], $0x4000, $0x38;
	[tilespmem:$0x1C800] =	vst v63  }
0x2d: {  	_ =	swait.ge [sflag:s26], $0x4000  }
0x2e: {  	[sflag:s26] =	ssyncset.done $0x0  }
0x2f: {  	[sflag:s26] =	ssyncadd.s32 $0xFFFFC000  }
0x30: {  	[spmem:s2] =	stream.indirect.scatter.add.f32 [tilespmem:s22], [sflag:$0x4], $0x80, s24, s24, $0xb8;
	[tilespmem:$0x1C800] =	vst v63  }
0x31: {  	_ =	swait.ge [sflag:s28], $0x4000  }
0x32: {  	[sflag:s28] =	ssyncset.done $0x0  }
0x33: {  	s6 =	sadd.s32 $0xFFFFF800, s18;
	[sflag:s28] =	ssyncadd.s32 $0xFFFFC000  }
0x34: {  	[tilespmem:s22], [sflag:$0x2] =	stream.linear.gather [hbm4b:s6+s3], $0x4000, $0x38;
	[tilespmem:$0x1C800] =	vst v63  }
0x35: {  	_ =	swait.ge [sflag:s23], $0x4000  }
0x36: {  	[sflag:s23] =	ssyncset.done $0x0  }
0x37: {  	s7 =	simm.s32 $0x100;
	[sflag:s23] =	ssyncadd.s32 $0xFFFFC000  }
0x38: {  	[spmem:s2] =	stream.indirect.scatter.add.f32 [tilespmem:s21], [sflag:$0x3], $0x80, s7, s24, $0xb8;
	[tilespmem:$0x1C800] =	vst v63  }
0x39: {  	_ =	swait.ge [sflag:s25], $0x4000  }
0x3a: {  	[sflag:s25] =	ssyncset.done $0x0  }
0x3b: {  	[sflag:s25] =	ssyncadd.s32 $0xFFFFC000  }
0x3c: {  	[tilespmem:s21], [sflag:$0x1] =	stream.linear.gather [hbm4b:s18+s3], $0x4000, $0x38;
	[tilespmem:$0x1C800] =	vst v63  }
0x3d: {  	_ =	swait.ge [sflag:s26], $0x4000  }
0x3e: {  	s5 =	sadd.s32 $0x1000, s18;
	[sflag:s26] =	ssyncset.done $0x0  }
0x3f: {  	s4 =	simm.s32 $0x400;
	s6 =	simm.s32 $0x180;
	[sflag:s26] =	ssyncadd.s32 $0xFFFFC000  }
.LBB2_2:
0x40: {  	[spmem:s2] =	stream.indirect.scatter.add.f32 [tilespmem:s22], [sflag:$0x4], $0x80, s6, s24, $0xb8;
	[tilespmem:$0x1C800] =	vst v63  }
0x41: {  	s6 =	smov.u32 s4  }
0x42: {  	p0 =	sne.s32 s4, $0x1C00;
	s4 =	sadd.s32 $0x400, s4;
	_ =	swait.ge [sflag:s28], $0x4000  }
0x43: {  	[sflag:s28] =	ssyncset.done $0x0  }
0x44: {  	s7 =	sadd.s32 $0xFFFFF800, s5;
	[sflag:s28] =	ssyncadd.s32 $0xFFFFC000  }
0x45: {  	[tilespmem:s22], [sflag:$0x2] =	stream.linear.gather [hbm4b:s7+s3], $0x4000, $0x38;
	[tilespmem:$0x1C800] =	vst v63  }
0x46: {  	_ =	swait.ge [sflag:s23], $0x4000  }
0x47: {  	s6 =	sshra.s32 s6, $0x2;
	[sflag:s23] =	ssyncset.done $0x0  }
0x48: {  	s7 =	sadd.s32 $0x100, s6;
	[sflag:s23] =	ssyncadd.s32 $0xFFFFC000  }
0x49: {  	[spmem:s2] =	stream.indirect.scatter.add.f32 [tilespmem:s21], [sflag:$0x3], $0x80, s7, s24, $0xb8;
	[tilespmem:$0x1C800] =	vst v63  }
0x4a: {  	_ =	swait.ge [sflag:s25], $0x4000  }
0x4b: {  	[sflag:s25] =	ssyncset.done $0x0  }
.Ltmp0:
0x4c: {  	[sflag:s25] =	ssyncadd.s32 $0xFFFFC000;
	(pc) =	sbr.rel @p0 .LBB2_2-.Ltmp0, $4  }
0x4d: {  	[tilespmem:s21], [sflag:$0x1] =	stream.linear.gather [hbm4b:s5+s3], $0x4000, $0x38;
	[tilespmem:$0x1C800] =	vst v63  }
0x4e: {  	_ =	swait.ge [sflag:s26], $0x4000  }
0x4f: {  	[sflag:s26] =	ssyncset.done $0x0  }
0x50: {  	s6 =	sadd.s32 $0x180, s6;
	s5 =	sadd.s32 $0x1000, s5;
	[sflag:s26] =	ssyncadd.s32 $0xFFFFC000  }
0x51: {  	[spmem:s2] =	stream.indirect.scatter.add.f32 [tilespmem:s22], [sflag:$0x4], $0x80, s6, s24, $0xb8;
	[tilespmem:$0x1C800] =	vst v63  }
0x52: {  	_ =	swait.ge [sflag:s28], $0x4000  }
0x53: {  	[sflag:s28] =	ssyncset.done $0x0  }
0x54: {  	s4 =	simm.s32 $0x0;
	[sflag:s28] =	ssyncadd.s32 $0xFFFFC000  }
0x55: {  	[tilespmem:s22], [sflag:$0x2] =	stream.linear.gather [hbm4b:s16+s4], $0x4000, $0x38;
	[tilespmem:$0x1C800] =	vst v63  }
0x56: {  	_ =	swait.ge [sflag:s23], $0x4000  }
0x57: {  	[sflag:s23] =	ssyncset.done $0x0  }
0x58: {  	[sflag:s23] =	ssyncadd.s32 $0xFFFFC000  }
0x59: {  	[spmem:s2] =	stream.indirect.scatter.add.f32 [tilespmem:s21], [sflag:$0x3], $0x80, s29, s24, $0xb8;
	[tilespmem:$0x1C800] =	vst v63  }
0x5a: {  	_ =	swait.ge [sflag:s25], $0x4000  }
0x5b: {  	[sflag:s25] =	ssyncset.done $0x0  }
0x5c: {  	[sflag:s25] =	ssyncadd.s32 $0xFFFFC000  }
0x5d: {  	[tilespmem:s21], [sflag:$0x1] =	stream.linear.gather [hbm4b:s8+s4], $0x4000, $0x38;
	[tilespmem:$0x1C800] =	vst v63  }
0x5e: {  	_ =	swait.ge [sflag:s26], $0x4000  }
0x5f: {  	[sflag:s26] =	ssyncset.done $0x0  }
0x60: {  	[sflag:s26] =	ssyncadd.s32 $0xFFFFC000  }
0x61: {  	[spmem:s2] =	stream.indirect.scatter.add.f32 [tilespmem:s22], [sflag:$0x4], $0x80, s30, s24, $0xb8;
	[tilespmem:$0x1C800] =	vst v63  }
0x62: {  	_ =	swait.ge [sflag:s28], $0x4000  }
0x63: {  	[sflag:s28] =	ssyncset.done $0x0  }
0x64: {  	[sflag:s28] =	ssyncadd.s32 $0xFFFFC000  }
0x65: {  	[tilespmem:s4], [sflag:$0x5] =	stream.linear.gather [hbm4b:s9+s4], $0xA00, $0x38;
	[tilespmem:$0x1C800] =	vst v63  }
0x66: {  	_ =	swait.ge [sflag:s20], $0xA00  }
0x67: {  	[sflag:s20] =	ssyncset.done $0x0  }
0x68: {  	[sflag:s20] =	ssyncadd.s32 $0xFFFFF600  }
0x69: {  	[tilespmem:s22], [sflag:$0x2] =	stream.linear.gather [hbm4b:s14+s4], $0x4000, $0x38;
	[tilespmem:$0x1C800] =	vst v63  }
0x6a: {  	_ =	swait.ge [sflag:s23], $0x4000  }
0x6b: {  	[sflag:s23] =	ssyncset.done $0x0  }
0x6c: {  	[sflag:s23] =	ssyncadd.s32 $0xFFFFC000  }
0x6d: {  	[spmem:s2] =	stream.indirect.scatter.add.f32 [tilespmem:s21], [sflag:$0x3], $0x80, s4, s24, $0xb8;
	[tilespmem:$0x1C800] =	vst v63  }
0x6e: {  	_ =	swait.ge [sflag:s25], $0x4000  }
0x6f: {  	[sflag:s25] =	ssyncset.done $0x0  }
0x70: {  	[sflag:s25] =	ssyncadd.s32 $0xFFFFC000  }
0x71: {  	[tilespmem:s21], [sflag:$0x1] =	stream.linear.gather [hbm4b:s15+s4], $0x4000, $0x38;
	[tilespmem:$0x1C800] =	vst v63  }
0x72: {  	_ =	swait.ge [sflag:s26], $0x4000  }
0x73: {  	[sflag:s26] =	ssyncset.done $0x0  }
0x74: {  	[sflag:s26] =	ssyncadd.s32 $0xFFFFC000  }
0x75: {  	[spmem:s2] =	stream.indirect.scatter.add.f32 [tilespmem:s22], [sflag:$0x4], $0x80, s24, s24, $0xb8;
	[tilespmem:$0x1C800] =	vst v63  }
0x76: {  	_ =	swait.ge [sflag:s28], $0x4000  }
0x77: {  	[sflag:s28] =	ssyncset.done $0x0  }
0x78: {  	s6 =	sadd.s32 $0xFFFFF800, s19;
	[sflag:s28] =	ssyncadd.s32 $0xFFFFC000  }
0x79: {  	[tilespmem:s22], [sflag:$0x2] =	stream.linear.gather [hbm4b:s6+s3], $0x4000, $0x38;
	[tilespmem:$0x1C800] =	vst v63  }
0x7a: {  	_ =	swait.ge [sflag:s23], $0x4000  }
0x7b: {  	[sflag:s23] =	ssyncset.done $0x0  }
0x7c: {  	s7 =	simm.s32 $0x100;
	[sflag:s23] =	ssyncadd.s32 $0xFFFFC000  }
0x7d: {  	[spmem:s2] =	stream.indirect.scatter.add.f32 [tilespmem:s21], [sflag:$0x3], $0x80, s7, s24, $0xb8;
	[tilespmem:$0x1C800] =	vst v63  }
0x7e: {  	_ =	swait.ge [sflag:s25], $0x4000  }
0x7f: {  	[sflag:s25] =	ssyncset.done $0x0  }
0x80: {  	[sflag:s25] =	ssyncadd.s32 $0xFFFFC000  }
0x81: {  	[tilespmem:s21], [sflag:$0x1] =	stream.linear.gather [hbm4b:s19+s3], $0x4000, $0x38;
	[tilespmem:$0x1C800] =	vst v63  }
0x82: {  	_ =	swait.ge [sflag:s26], $0x4000  }
0x83: {  	s5 =	sadd.s32 $0x1000, s19;
	[sflag:s26] =	ssyncset.done $0x0  }
0x84: {  	s4 =	simm.s32 $0x400;
	s6 =	simm.s32 $0x180;
	[sflag:s26] =	ssyncadd.s32 $0xFFFFC000  }
.LBB2_4:
0x85: {  	[spmem:s2] =	stream.indirect.scatter.add.f32 [tilespmem:s22], [sflag:$0x4], $0x80, s6, s24, $0xb8;
	[tilespmem:$0x1C800] =	vst v63  }
0x86: {  	s6 =	smov.u32 s4  }
0x87: {  	p0 =	sne.s32 s4, $0x1C00;
	s4 =	sadd.s32 $0x400, s4;
	_ =	swait.ge [sflag:s28], $0x4000  }
0x88: {  	[sflag:s28] =	ssyncset.done $0x0  }
0x89: {  	s7 =	sadd.s32 $0xFFFFF800, s5;
	[sflag:s28] =	ssyncadd.s32 $0xFFFFC000  }
0x8a: {  	[tilespmem:s22], [sflag:$0x2] =	stream.linear.gather [hbm4b:s7+s3], $0x4000, $0x38;
	[tilespmem:$0x1C800] =	vst v63  }
0x8b: {  	_ =	swait.ge [sflag:s23], $0x4000  }
0x8c: {  	s6 =	sshra.s32 s6, $0x2;
	[sflag:s23] =	ssyncset.done $0x0  }
0x8d: {  	s7 =	sadd.s32 $0x100, s6;
	[sflag:s23] =	ssyncadd.s32 $0xFFFFC000  }
0x8e: {  	[spmem:s2] =	stream.indirect.scatter.add.f32 [tilespmem:s21], [sflag:$0x3], $0x80, s7, s24, $0xb8;
	[tilespmem:$0x1C800] =	vst v63  }
0x8f: {  	_ =	swait.ge [sflag:s25], $0x4000  }
0x90: {  	[sflag:s25] =	ssyncset.done $0x0  }
.Ltmp1:
0x91: {  	[sflag:s25] =	ssyncadd.s32 $0xFFFFC000;
	(pc) =	sbr.rel @p0 .LBB2_4-.Ltmp1, $4  }
0x92: {  	[tilespmem:s21], [sflag:$0x1] =	stream.linear.gather [hbm4b:s5+s3], $0x4000, $0x38;
	[tilespmem:$0x1C800] =	vst v63  }
0x93: {  	_ =	swait.ge [sflag:s26], $0x4000  }
0x94: {  	[sflag:s26] =	ssyncset.done $0x0  }
0x95: {  	s6 =	sadd.s32 $0x180, s6;
	s5 =	sadd.s32 $0x1000, s5;
	[sflag:s26] =	ssyncadd.s32 $0xFFFFC000  }
0x96: {  	[spmem:s2] =	stream.indirect.scatter.add.f32 [tilespmem:s22], [sflag:$0x4], $0x80, s6, s24, $0xb8;
	[tilespmem:$0x1C800] =	vst v63  }
0x97: {  	_ =	swait.ge [sflag:s28], $0x4000  }
0x98: {  	[sflag:s28] =	ssyncset.done $0x0  }
0x99: {  	[sflag:s28] =	ssyncadd.s32 $0xFFFFC000  }
0x9a: {  	[tilespmem:s22], [sflag:$0x2] =	stream.linear.gather [hbm4b:s17+s3], $0x4000, $0x38;
	[tilespmem:$0x1C800] =	vst v63  }
0x9b: {  	_ =	swait.ge [sflag:s23], $0x4000  }
0x9c: {  	[sflag:s23] =	ssyncset.done $0x0  }
0x9d: {  	[sflag:s23] =	ssyncadd.s32 $0xFFFFC000  }
0x9e: {  	[spmem:s2] =	stream.indirect.scatter.add.f32 [tilespmem:s21], [sflag:$0x3], $0x80, s29, s24, $0xb8;
	[tilespmem:$0x1C800] =	vst v63  }
0x9f: {  	_ =	swait.ge [sflag:s25], $0x4000  }
0xa0: {  	[sflag:s25] =	ssyncset.done $0x0  }
0xa1: {  	[sflag:s25] =	ssyncadd.s32 $0xFFFFC000  }
0xa2: {  	_ =	swait.ge [sflag:s26], $0x4000  }
0xa3: {  	[sflag:s26] =	ssyncset.done $0x0  }
0xa4: {  	[sflag:s26] =	ssyncadd.s32 $0xFFFFC000  }
0xa5: {  	[spmem:s2] =	stream.indirect.scatter.add.f32 [tilespmem:s22], [sflag:$0x4], $0x80, s30, s24, $0xb8;
	[tilespmem:$0x1C800] =	vst v63  }
0xa6: {  	_ =	swait.ge [sflag:s28], $0x4000  }
0xa7: {  	s31 =	sadd.s32 $0x1, s31;
	[sflag:s28] =	ssyncset.done $0x0  }
0xa8: {  	p0 =	sne.s32 s31, s11;
	[sflag:s28] =	ssyncadd.s32 $0xFFFFC000  }
.Ltmp2:
0xa9: {  	[bflag:$0x0] =	sbarrier.arrive $0xFFFF;
	(pc) =	sbr.rel @p0 .LBB2_1-.Ltmp2, $4  }
0xaa: {  	[hbm:s10], [sflag:s0] =	dma.local [spmem:s1], $0x2780  }
0xab: {  	_ =	swait.ge [sflag:s20], $0x2780  }
0xac: {  	[sflag:s20] =	ssyncset.done $0x0  }
0xad: {  	[sflag:s20] =	ssyncadd.s32 $0xFFFFD880  }
0xae: {  	_ =	sfence.sel $0x180000  }
0xaf: {  	[bflag:$0x0] =	sbarrier.arrive $0xFFFF  }
0xb0: {  	_ =	strace $0x90000053  }
0xb1: {  	s0 =	stileid.u32;
	[bflag:$0x2] =	sbarrier.arrive $0xFFFF  }
0xb2: {  	p0 =	sne.s32 s0, $0x0;
	s0 =	rddreg [dreg:$0x2]  }
0xb3: {  	s0 =	sadd.s32 @!p0 $0x100000, s0  }
0xb4: {  	[sflag:s0] =	ssyncadd.tile.s32 @!p0 $0x1;
	_ =	shalt  }
.Lfunc_end2:
_tile_overlayer_lowered:
.L_overlay_start_2:
0xb5: {  	(tag) =	ssettag $0x2  }
0xb6: {  	s0 =	rddreg [dreg:$0x0];
	s2 =	stileid.u32  }
0xb7: {  	s1 =	rddreg [dreg:$0x1];
	p0 =	sne.s32 s2, $0x0  }
0xb8: {  	s3 =	rddreg [dreg:$0x2];
	[bflag:$0x3] =	sbarrier.arrive $0xFFFF;
	s2 =	simm.s32 @!p0 $0x1C05  }
0xb9: {  	[timem:s3], [sflag:s2] =	dma.local @!p0 [hbm:s0], s1  }
0xba: {  	s0 =	simm.s32 @!p0 $0x5  }
0xbb: {  	_ =	swait.ge @!p0 [sflag:s0], s1  }
0xbc: {  	s1 =	ssub.s32 @!p0 $0x0, s1;
	[sflag:s0] =	ssyncset.done @!p0 $0x0  }
0xbd: {  	[sflag:s0] =	ssyncadd.s32 @!p0 s1  }
0xbe: {  	[bflag:$0x3] =	sbarrier.arrive $0xFFFF  }
0xbf: {  	_ =	shalt  }

</sc_bundles>
